<compile_context>
chip_gen: v7x
topology: tpu7x:2x2x1
jax: 0.10.2.dev20260603
libtpu: 0.0.44.dev20260713+nightly
codegen_flags: <defaults>
</compile_context>

<pallas_src>
import functools

import jax
import jax.numpy as jnp
from jax import lax
from jax.experimental import pallas as pl
from jax.experimental.pallas import tpu as pltpu
from jax.experimental.pallas import tpu_sc as plsc

N = 10000
D = 128
E = 320000
NW = 32
EPW = E // NW
EPW_PAD = 10240
PAD_PER_W = EPW_PAD - EPW
EEB = 4

CHUNK = 32
NCHUNK = EPW_PAD // CHUNK
BLK = 32
NG = CHUNK // 16
NBUF = 3

CHUNK2 = 128
NCHUNK2 = EPW_PAD // CHUNK2
BLK2 = 16
NG2 = CHUNK2 // 16



def _tc1_body(x_ref, w1_ref, a1s_ref, a1d_ref, h_ref, avt_ref):
    h = jnp.dot(x_ref[...], w1_ref[...], preferred_element_type=jnp.float32)
    h_ref[...] = h
    avt_ref[0, :] = jnp.dot(h, a1s_ref[...], preferred_element_type=jnp.float32)
    avt_ref[1, :] = jnp.dot(h, a1d_ref[...], preferred_element_type=jnp.float32)


def _tc2_body(p_ref, den_ref, w2_ref, a2s_ref, a2d_ref, tab_ref):
    i = pl.program_id(0)
    den = den_ref[i, :] + den_ref[10 + i, :] + 1e-16
    h1 = (p_ref[0] + p_ref[1]) / den[:, None]
    h1e = jnp.where(h1 > 0.0, h1, jnp.exp(h1) - 1.0)
    h2 = jnp.dot(h1e, w2_ref[...], preferred_element_type=jnp.float32)[:, 0]
    tab_ref[i, :] = h2
    tab_ref[10 + i, :] = h2 * a2s_ref[0]
    tab_ref[20 + i, :] = h2 * a2d_ref[0]



_MESH = plsc.VectorSubcoreMesh(core_axis_name="c", subcore_axis_name="s")


@functools.partial(
    pl.kernel,
    out_type=[
        jax.ShapeDtypeStruct((2 * N, D), jnp.float32),
        jax.ShapeDtypeStruct((2 * N,), jnp.float32),
    ],
    mesh=_MESH,
    compiler_params=pltpu.CompilerParams(needs_layout_passes=False),
    scratch_types=[
        pltpu.VMEM((N,), jnp.float32),
        pltpu.VMEM((N,), jnp.float32),
        pltpu.VMEM((2 * BLK, CHUNK), jnp.int32),
        pltpu.VMEM((2 * BLK, CHUNK), jnp.int32),
        pltpu.VMEM((EEB, CHUNK), jnp.float32),
        pltpu.VMEM((NBUF, CHUNK, D), jnp.float32),
        pltpu.VMEM((640,), jnp.float32),
        pltpu.VMEM_SHARED((N, D), jnp.float32),
        pltpu.VMEM_SHARED((N,), jnp.float32),
        pltpu.SemaphoreType.DMA,
        pltpu.SemaphoreType.DMA,
        pltpu.SemaphoreType.DMA,
    ],
)
def _sc1(h_hbm, avt_hbm, srcp_hbm, dstp_hbm, out_hbm, den_hbm,
         as_t, ad_t, src_v, dst_v, ee_v, rows_v, zed_v, acc_sh, den_sh,
         sem_g, sem_s, sem_d):
    cid = lax.axis_index("c")
    sid = lax.axis_index("s")
    w = sid * 2 + cid
    z16 = jnp.zeros((16,), jnp.float32)

    for k in range(40):
        zed_v[pl.ds(k * 16, 16)] = z16

    def _zrow(r, carry):
        for g in range(8):
            rows_v[0, r, pl.ds(g * 16, 16)] = z16
        return carry

    lax.fori_loop(0, CHUNK, _zrow, 0)

    d0 = sid * 624

    def _zacc(j, carry):
        o = pl.multiple_of(d0 + j * CHUNK, 16)
        pltpu.sync_copy(rows_v.at[0], acc_sh.at[pl.ds(o, CHUNK)])
        return carry

    lax.fori_loop(0, 20, _zacc, 0)

    @pl.when(sid < 15)
    def _():
        pltpu.sync_copy(zed_v.at[pl.ds(0, 624)], den_sh.at[pl.ds(d0, 624)])

    @pl.when(sid == 15)
    def _():
        pltpu.sync_copy(zed_v, den_sh.at[pl.ds(15 * 624, 640)])

    pltpu.sync_copy(avt_hbm.at[pl.ds(0, N)], as_t)
    pltpu.sync_copy(avt_hbm.at[pl.ds(N, N)], ad_t)
    w0 = pl.multiple_of(w * NCHUNK, BLK)
    pltpu.sync_copy(srcp_hbm.at[pl.ds(w0, BLK)], src_v.at[pl.ds(0, BLK)])
    pltpu.sync_copy(dstp_hbm.at[pl.ds(w0, BLK)], dst_v.at[pl.ds(0, BLK)])
    plsc.subcore_barrier()

    pltpu.async_copy(h_hbm.at[src_v.at[0]], rows_v.at[0], sem_g)
    pltpu.async_copy(h_hbm.at[src_v.at[1]], rows_v.at[1], sem_g)

    def _chunk(c, carry):
        buf = lax.rem(c, NBUF)
        blkrow = lax.rem(lax.div(c, BLK), 2) * BLK + lax.rem(c, BLK)
        erow = lax.rem(c, EEB)

        @pl.when(c >= EEB)
        def _():
            pltpu.make_async_copy(
                ee_v.at[erow], den_sh.at[dst_v.at[blkrow]], sem_d).wait()

        for g in range(NG):
            sv = src_v[blkrow, pl.ds(g * 16, 16)]
            dv = dst_v[blkrow, pl.ds(g * 16, 16)]
            a_s = plsc.load_gather(as_t, [sv])
            a_d = plsc.load_gather(ad_t, [dv])
            e = a_s + a_d
            e = jnp.where(e < 0.0, e * 0.2, e)
            ee = jnp.exp(e)
            valid = (c * CHUNK + g * 16 + lax.iota(jnp.int32, 16)) < EPW
            ee_v[erow, pl.ds(g * 16, 16)] = jnp.where(valid, ee, 0.0)
        pltpu.async_copy(ee_v.at[erow], den_sh.at[dst_v.at[blkrow]],
                         sem_d, add=True)

        pltpu.make_async_copy(h_hbm.at[src_v.at[blkrow]], rows_v.at[buf],
                              sem_g).wait()
        erow16 = jnp.broadcast_to(erow, (16,))

        @plsc.parallel_loop(0, CHUNK, unroll=8)
        def _scale(r):
            s = plsc.load_gather(ee_v, [erow16, jnp.broadcast_to(r, (16,))])
            for g in range(8):
                rows_v[buf, r, pl.ds(g * 16, 16)] = (
                    rows_v[buf, r, pl.ds(g * 16, 16)] * s)

        pltpu.async_copy(rows_v.at[buf], acc_sh.at[dst_v.at[blkrow]],
                         sem_s, add=True)

        @pl.when(c >= 1)
        def _():
            pltpu.make_async_copy(
                rows_v.at[lax.rem(c + 2, NBUF)],
                acc_sh.at[dst_v.at[blkrow]], sem_s).wait()

        @pl.when(jnp.logical_and(lax.rem(c + 2, BLK) == 0, c + 2 < NCHUNK))
        def _():
            q = c + 2
            half = pl.multiple_of(lax.rem(lax.div(q, BLK), 2) * BLK, BLK)
            r0 = pl.multiple_of(w * NCHUNK + q, BLK)
            pltpu.sync_copy(srcp_hbm.at[pl.ds(r0, BLK)],
                            src_v.at[pl.ds(half, BLK)])
            pltpu.sync_copy(dstp_hbm.at[pl.ds(r0, BLK)],
                            dst_v.at[pl.ds(half, BLK)])

        @pl.when(c + 2 < NCHUNK)
        def _():
            q = c + 2
            nrow = lax.rem(lax.div(q, BLK), 2) * BLK + lax.rem(q, BLK)
            pltpu.async_copy(h_hbm.at[src_v.at[nrow]],
                             rows_v.at[lax.rem(q, NBUF)], sem_g)

        return carry

    lax.fori_loop(0, NCHUNK, _chunk, 0)

    pltpu.make_async_copy(rows_v.at[0], acc_sh.at[dst_v.at[0]],
                          sem_s).wait()
    for k in range(EEB):
        pltpu.make_async_copy(ee_v.at[k], den_sh.at[dst_v.at[0]],
                              sem_d).wait()
    plsc.subcore_barrier()

    @pl.when(sid < 15)
    def _():
        pltpu.sync_copy(acc_sh.at[pl.ds(d0, 624)],
                        out_hbm.at[pl.ds(cid * N + d0, 624)])
        pltpu.sync_copy(den_sh.at[pl.ds(d0, 624)], zed_v.at[pl.ds(0, 624)])
        pltpu.sync_copy(zed_v.at[pl.ds(0, 624)],
                        den_hbm.at[pl.ds(cid * N + d0, 624)])

    @pl.when(sid == 15)
    def _():
        pltpu.sync_copy(acc_sh.at[pl.ds(15 * 624, 640)],
                        out_hbm.at[pl.ds(cid * N + 15 * 624, 640)])
        pltpu.sync_copy(den_sh.at[pl.ds(15 * 624, 640)], zed_v)
        pltpu.sync_copy(zed_v,
                        den_hbm.at[pl.ds(cid * N + 15 * 624, 640)])



@functools.partial(
    pl.kernel,
    out_type=jax.ShapeDtypeStruct((N,), jnp.float32),
    mesh=_MESH,
    compiler_params=pltpu.CompilerParams(needs_layout_passes=False),
    scratch_types=[
        pltpu.VMEM((N,), jnp.float32),
        pltpu.VMEM((N,), jnp.float32),
        pltpu.VMEM((N,), jnp.float32),
        pltpu.VMEM((2 * BLK2, CHUNK2), jnp.int32),
        pltpu.VMEM((2 * BLK2, CHUNK2), jnp.int32),
        pltpu.VMEM((EEB, CHUNK2), jnp.float32),
        pltpu.VMEM((EEB, CHUNK2), jnp.float32),
        pltpu.VMEM((640,), jnp.float32),
        pltpu.VMEM((640,), jnp.float32),
        pltpu.VMEM((640,), jnp.float32),
        pltpu.VMEM_SHARED((N,), jnp.float32),
        pltpu.VMEM_SHARED((N,), jnp.float32),
        pltpu.SemaphoreType.DMA,
        pltpu.SemaphoreType.DMA,
    ],
)
def _sc2(tab_hbm, srcp_hbm, dstp_hbm, out_hbm,
         h2_t, as2_t, ad2_t, src_v, dst_v, ee_v, val_v,
         num_b, den_b, out_b, num_sh, den_sh, sem_n, sem_d):
    cid = lax.axis_index("c")
    sid = lax.axis_index("s")
    NC2 = 2 * NCHUNK2

    @pl.when(cid == 0)
    def _core0():
        z16 = jnp.zeros((16,), jnp.float32)
        for k in range(40):
            out_b[pl.ds(k * 16, 16)] = z16
        d0 = sid * 624

        @pl.when(sid < 15)
        def _():
            pltpu.sync_copy(out_b.at[pl.ds(0, 624)], num_sh.at[pl.ds(d0, 624)])
            pltpu.sync_copy(out_b.at[pl.ds(0, 624)], den_sh.at[pl.ds(d0, 624)])

        @pl.when(sid == 15)
        def _():
            pltpu.sync_copy(out_b, num_sh.at[pl.ds(15 * 624, 640)])
            pltpu.sync_copy(out_b, den_sh.at[pl.ds(15 * 624, 640)])

        pltpu.sync_copy(tab_hbm.at[pl.ds(0, N)], h2_t)
        pltpu.sync_copy(tab_hbm.at[pl.ds(N, N)], as2_t)
        pltpu.sync_copy(tab_hbm.at[pl.ds(2 * N, N)], ad2_t)
        s0 = pl.multiple_of(sid * NC2, BLK2)
        pltpu.sync_copy(srcp_hbm.at[pl.ds(s0, BLK2)], src_v.at[pl.ds(0, BLK2)])
        pltpu.sync_copy(dstp_hbm.at[pl.ds(s0, BLK2)], dst_v.at[pl.ds(0, BLK2)])
        plsc.subcore_barrier()

        def _chunk(c, carry):
            blkrow = lax.rem(lax.div(c, BLK2), 2) * BLK2 + lax.rem(c, BLK2)
            erow = lax.rem(c, EEB)
            cw = lax.rem(c, NCHUNK2)

            @pl.when(c >= EEB)
            def _():
                pltpu.make_async_copy(
                    val_v.at[erow], num_sh.at[dst_v.at[blkrow]], sem_n).wait()
                pltpu.make_async_copy(
                    ee_v.at[erow], den_sh.at[dst_v.at[blkrow]], sem_d).wait()

            @plsc.parallel_loop(0, NG2, unroll=4)
            def _grp(g):
                o = pl.multiple_of(g * 16, 16)
                sv = src_v[blkrow, pl.ds(o, 16)]
                dv = dst_v[blkrow, pl.ds(o, 16)]
                hs = plsc.load_gather(h2_t, [sv])
                a_s = plsc.load_gather(as2_t, [sv])
                a_d = plsc.load_gather(ad2_t, [dv])
                e = a_s + a_d
                e = jnp.where(e < 0.0, e * 0.2, e)
                ee = jnp.exp(e)
                valid = (cw * CHUNK2 + o + lax.iota(jnp.int32, 16)) < EPW
                ee = jnp.where(valid, ee, 0.0)
                ee_v[erow, pl.ds(o, 16)] = ee
                val_v[erow, pl.ds(o, 16)] = ee * hs
            pltpu.async_copy(val_v.at[erow], num_sh.at[dst_v.at[blkrow]],
                             sem_n, add=True)
            pltpu.async_copy(ee_v.at[erow], den_sh.at[dst_v.at[blkrow]],
                             sem_d, add=True)

            @pl.when(jnp.logical_and(lax.rem(c + 1, BLK2) == 0, c + 1 < NC2))
            def _():
                q = c + 1
                half = pl.multiple_of(
                    lax.rem(lax.div(q, BLK2), 2) * BLK2, BLK2)
                r0 = pl.multiple_of(sid * NC2 + q, BLK2)
                pltpu.sync_copy(srcp_hbm.at[pl.ds(r0, BLK2)],
                                src_v.at[pl.ds(half, BLK2)])
                pltpu.sync_copy(dstp_hbm.at[pl.ds(r0, BLK2)],
                                dst_v.at[pl.ds(half, BLK2)])

            return carry

        lax.fori_loop(0, NC2, _chunk, 0)
        for k in range(EEB):
            pltpu.make_async_copy(val_v.at[k], num_sh.at[dst_v.at[0]],
                                  sem_n).wait()
            pltpu.make_async_copy(ee_v.at[k], den_sh.at[dst_v.at[0]],
                                  sem_d).wait()
        plsc.subcore_barrier()

        @pl.when(sid < 15)
        def _():
            pltpu.sync_copy(num_sh.at[pl.ds(d0, 624)], num_b.at[pl.ds(0, 624)])
            pltpu.sync_copy(den_sh.at[pl.ds(d0, 624)], den_b.at[pl.ds(0, 624)])

        @pl.when(sid == 15)
        def _():
            pltpu.sync_copy(num_sh.at[pl.ds(15 * 624, 640)], num_b)
            pltpu.sync_copy(den_sh.at[pl.ds(15 * 624, 640)], den_b)

        for k in range(40):
            sl = pl.ds(k * 16, 16)
            out_b[sl] = num_b[sl] / (den_b[sl] + 1e-16)

        @pl.when(sid < 15)
        def _():
            pltpu.sync_copy(out_b.at[pl.ds(0, 624)], out_hbm.at[pl.ds(d0, 624)])

        @pl.when(sid == 15)
        def _():
            pltpu.sync_copy(out_b, out_hbm.at[pl.ds(15 * 624, 640)])



def kernel(x, edge_index, W1, a1_src, a1_dst, W2, a2_src, a2_dst):
    src = edge_index[0].astype(jnp.int32)
    dst = edge_index[1].astype(jnp.int32)
    pad = jnp.broadcast_to(
        (jnp.arange(PAD_PER_W, dtype=jnp.int32) * 37) % N, (NW, PAD_PER_W))
    srcp = jnp.concatenate([src.reshape(NW, EPW), pad], axis=1)
    srcp = srcp.reshape(NW * NCHUNK, CHUNK)
    dstp = jnp.concatenate([dst.reshape(NW, EPW), pad], axis=1)
    dstp = dstp.reshape(NW * NCHUNK, CHUNK)

    h, avt = pl.pallas_call(
        _tc1_body,
        out_shape=[
            jax.ShapeDtypeStruct((N, D), jnp.float32),
            jax.ShapeDtypeStruct((2, N), jnp.float32),
        ],
    )(x, W1, a1_src, a1_dst)

    part, dens = _sc1(h, avt.reshape(2 * N), srcp, dstp)

    RB = 1000
    tab = pl.pallas_call(
        _tc2_body,
        grid=(N // RB,),
        in_specs=[
            pl.BlockSpec((2, RB, D), lambda i: (0, i, 0)),
            pl.BlockSpec((20, RB), lambda i: (0, 0)),
            pl.BlockSpec((D, 1), lambda i: (0, 0)),
            pl.BlockSpec(memory_space=pltpu.SMEM),
            pl.BlockSpec(memory_space=pltpu.SMEM),
        ],
        out_specs=pl.BlockSpec((30, RB), lambda i: (0, 0)),
        out_shape=jax.ShapeDtypeStruct((30, RB), jnp.float32),
    )(part.reshape(2, N, D), dens.reshape(20, RB), W2, a2_src, a2_dst)

    out2 = _sc2(tab.reshape(3 * N),
                srcp.reshape(NW * NCHUNK2, CHUNK2),
                dstp.reshape(NW * NCHUNK2, CHUNK2))
    return out2.reshape(1, N)

# --- scband reference (transcript-rebuilt; emitter-appended) ---
"""Pipeline reference for scband-gatpolicy-54477365182719 (READ-ONLY COPY).

The authoritative reference and input builder live on the scoring server;
editing this copy changes nothing except your own understanding.
"""

import jax, jax.numpy as jnp
import numpy as np

N_NODES = 10000
OB_DIM = 128
HIDDEN = 128
AC_DIM = 1
N_EDGES = 320000


def gat_layer(x, edge_index, W, a_src, a_dst):
    src = edge_index[0]
    dst = edge_index[1]
    h = x @ W  # [N, out]
    alpha_src = (h * a_src).sum(axis=-1)  # [N]
    alpha_dst = (h * a_dst).sum(axis=-1)  # [N]
    e = alpha_src[src] + alpha_dst[dst]  # [E] gather
    e = jax.nn.leaky_relu(e, negative_slope=0.2)
    n = x.shape[0]
    e_max = jax.lax.stop_gradient(jax.ops.segment_max(e, dst, num_segments=n))
    e_exp = jnp.exp(e - e_max[dst])
    denom = jax.ops.segment_sum(e_exp, dst, num_segments=n)
    alpha = e_exp / (denom[dst] + 1e-16)
    out = jax.ops.segment_sum(h[src] * alpha[:, None], dst, num_segments=n)
    return out


def setup_inputs(seed: int = 0) -> dict:
    key = jax.random.key(seed)
    k1, k2, k3, k4, k5, k6, k7, k8 = jax.random.split(key, 8)
    x = jax.random.normal(k1, (N_NODES, OB_DIM), dtype=jnp.float32)
    edge_index = jax.random.randint(k2, (2, N_EDGES), 0, N_NODES, dtype=jnp.int64 if jax.config.jax_enable_x64 else jnp.int32)
    s1 = 1.0 / np.sqrt(OB_DIM)
    s2 = 1.0 / np.sqrt(HIDDEN)
    W1 = jax.random.normal(k3, (OB_DIM, HIDDEN), dtype=jnp.float32) * s1
    a1_src = jax.random.normal(k4, (HIDDEN,), dtype=jnp.float32) * s2
    a1_dst = jax.random.normal(k5, (HIDDEN,), dtype=jnp.float32) * s2
    W2 = jax.random.normal(k6, (HIDDEN, AC_DIM), dtype=jnp.float32) * s2
    a2_src = jax.random.normal(k7, (AC_DIM,), dtype=jnp.float32)
    a2_dst = jax.random.normal(k8, (AC_DIM,), dtype=jnp.float32)
    return {"x": x, "edge_index": edge_index, "W1": W1, "a1_src": a1_src, "a1_dst": a1_dst, "W2": W2, "a2_src": a2_src, "a2_dst": a2_dst}


def reference(x, edge_index, W1, a1_src, a1_dst, W2, a2_src, a2_dst):
    # GAT forward: layer1 (ob_dim -> hidden) + ELU, layer2 (hidden -> ac_dim)
    h = gat_layer(x, edge_index, W1, a1_src, a1_dst)
    h = jax.nn.elu(h)
    out = gat_layer(h, edge_index, W2, a2_src, a2_dst)
    # logits = network(x, edge_index).view(batch_size, -1); batch_size = 1
    logits = out.reshape(1, -1)  # Categorical logits over n_nodes*ac_dim
    return logits

if __name__ == "__main__":
    import jax
    _d = setup_inputs()
    print(jax.jit(kernel)(*tuple(_d.values())))

</pallas_src>

<mosaic_0001>
#map = affine_map<(d0, d1) -> (0)>
#map1 = affine_map<(d0, d1) -> (0, 0)>
module attributes {stable_mosaic.version = 14 : i64} {
  func.func @_sc2(%arg0: i32, %arg1: i32, %arg2: memref<30000xf32, #tpu.memory_space<hbm>>, %arg3: memref<2560x128xi32, #tpu.memory_space<hbm>>, %arg4: memref<2560x128xi32, #tpu.memory_space<hbm>>, %arg5: memref<10000xf32, #tpu.memory_space<hbm>>, %arg6: memref<10000xf32, #tpu.memory_space<vmem>>, %arg7: memref<10000xf32, #tpu.memory_space<vmem>>, %arg8: memref<10000xf32, #tpu.memory_space<vmem>>, %arg9: memref<32x128xi32, #tpu.memory_space<vmem>>, %arg10: memref<32x128xi32, #tpu.memory_space<vmem>>, %arg11: memref<4x128xf32, #tpu.memory_space<vmem>>, %arg12: memref<4x128xf32, #tpu.memory_space<vmem>>, %arg13: memref<640xf32, #tpu.memory_space<vmem>>, %arg14: memref<640xf32, #tpu.memory_space<vmem>>, %arg15: memref<640xf32, #tpu.memory_space<vmem>>, %arg16: memref<10000xf32, #tpu.memory_space<vmem_shared>>, %arg17: memref<10000xf32, #tpu.memory_space<vmem_shared>>, %arg18: memref<!tpu.dma_semaphore, #tpu.memory_space<semaphore_mem>>, %arg19: memref<!tpu.dma_semaphore, #tpu.memory_space<semaphore_mem>>) attributes {dimension_semantics = [#tpu.dimension_semantics<core_parallel>, #tpu.dimension_semantics<subcore_parallel>], iteration_bounds = array<i64: 2, 16>, scalar_prefetch = 0 : i64, scratch_operands = 14 : i64, tpu.core_type = #tpu.core_type<sc_vector_subcore>, window_params = [{transform_indices = #map}, {transform_indices = #map1}, {transform_indices = #map1}, {transform_indices = #map}]} {
    %eq3A = arith.constant 0 : i32
    %eq3A_0 = arith.cmpi eq, %arg0, %eq3A : i32
    %convert_element_type3A = arith.extui %eq3A_0 : i1 to i32
    %cond3A = arith.constant 0 : i32
    %cond3A_1 = arith.cmpi ne, %convert_element_type3A, %cond3A : i32
    scf.if %cond3A_1 {
      %broadcast_in_dim3A = arith.constant 0.000000e+00 : f32
      %broadcast_in_dim3A_2 = vector.broadcast %broadcast_in_dim3A : f32 to vector<16xf32>
      %swap3A = arith.constant 0 : index
      %swap3A_3 = tpu.vector_load %arg15[%swap3A] {strides = array<i32>} : memref<640xf32, #tpu.memory_space<vmem>>, vector<16xf32>,
      tpu.vector_store %arg15[%swap3A], %broadcast_in_dim3A_2 {strides = array<i32>} : memref<640xf32, #tpu.memory_space<vmem>>, vector<16xf32>,
      %swap3A_4 = arith.constant 16 : index
      %swap3A_5 = tpu.vector_load %arg15[%swap3A_4] {strides = array<i32>} : memref<640xf32, #tpu.memory_space<vmem>>, vector<16xf32>,
      tpu.vector_store %arg15[%swap3A_4], %broadcast_in_dim3A_2 {strides = array<i32>} : memref<640xf32, #tpu.memory_space<vmem>>, vector<16xf32>,
      %swap3A_6 = arith.constant 32 : index
      %swap3A_7 = tpu.vector_load %arg15[%swap3A_6] {strides = array<i32>} : memref<640xf32, #tpu.memory_space<vmem>>, vector<16xf32>,
      tpu.vector_store %arg15[%swap3A_6], %broadcast_in_dim3A_2 {strides = array<i32>} : memref<640xf32, #tpu.memory_space<vmem>>, vector<16xf32>,
      %swap3A_8 = arith.constant 48 : index
      %swap3A_9 = tpu.vector_load %arg15[%swap3A_8] {strides = array<i32>} : memref<640xf32, #tpu.memory_space<vmem>>, vector<16xf32>,
      tpu.vector_store %arg15[%swap3A_8], %broadcast_in_dim3A_2 {strides = array<i32>} : memref<640xf32, #tpu.memory_space<vmem>>, vector<16xf32>,
      %swap3A_10 = arith.constant 64 : index
      %swap3A_11 = tpu.vector_load %arg15[%swap3A_10] {strides = array<i32>} : memref<640xf32, #tpu.memory_space<vmem>>, vector<16xf32>,
      tpu.vector_store %arg15[%swap3A_10], %broadcast_in_dim3A_2 {strides = array<i32>} : memref<640xf32, #tpu.memory_space<vmem>>, vector<16xf32>,
      %swap3A_12 = arith.constant 80 : index
      %swap3A_13 = tpu.vector_load %arg15[%swap3A_12] {strides = array<i32>} : memref<640xf32, #tpu.memory_space<vmem>>, vector<16xf32>,
      tpu.vector_store %arg15[%swap3A_12], %broadcast_in_dim3A_2 {strides = array<i32>} : memref<640xf32, #tpu.memory_space<vmem>>, vector<16xf32>,
      %swap3A_14 = arith.constant 96 : index
      %swap3A_15 = tpu.vector_load %arg15[%swap3A_14] {strides = array<i32>} : memref<640xf32, #tpu.memory_space<vmem>>, vector<16xf32>,
      tpu.vector_store %arg15[%swap3A_14], %broadcast_in_dim3A_2 {strides = array<i32>} : memref<640xf32, #tpu.memory_space<vmem>>, vector<16xf32>,
      %swap3A_16 = arith.constant 112 : index
      %swap3A_17 = tpu.vector_load %arg15[%swap3A_16] {strides = array<i32>} : memref<640xf32, #tpu.memory_space<vmem>>, vector<16xf32>,
      tpu.vector_store %arg15[%swap3A_16], %broadcast_in_dim3A_2 {strides = array<i32>} : memref<640xf32, #tpu.memory_space<vmem>>, vector<16xf32>,
      %swap3A_18 = arith.constant 128 : index
      %swap3A_19 = tpu.vector_load %arg15[%swap3A_18] {strides = array<i32>} : memref<640xf32, #tpu.memory_space<vmem>>, vector<16xf32>,
      tpu.vector_store %arg15[%swap3A_18], %broadcast_in_dim3A_2 {strides = array<i32>} : memref<640xf32, #tpu.memory_space<vmem>>, vector<16xf32>,
      %swap3A_20 = arith.constant 144 : index
      %swap3A_21 = tpu.vector_load %arg15[%swap3A_20] {strides = array<i32>} : memref<640xf32, #tpu.memory_space<vmem>>, vector<16xf32>,
      tpu.vector_store %arg15[%swap3A_20], %broadcast_in_dim3A_2 {strides = array<i32>} : memref<640xf32, #tpu.memory_space<vmem>>, vector<16xf32>,
      %swap3A_22 = arith.constant 160 : index
      %swap3A_23 = tpu.vector_load %arg15[%swap3A_22] {strides = array<i32>} : memref<640xf32, #tpu.memory_space<vmem>>, vector<16xf32>,
      tpu.vector_store %arg15[%swap3A_22], %broadcast_in_dim3A_2 {strides = array<i32>} : memref<640xf32, #tpu.memory_space<vmem>>, vector<16xf32>,
      %swap3A_24 = arith.constant 176 : index
      %swap3A_25 = tpu.vector_load %arg15[%swap3A_24] {strides = array<i32>} : memref<640xf32, #tpu.memory_space<vmem>>, vector<16xf32>,
      tpu.vector_store %arg15[%swap3A_24], %broadcast_in_dim3A_2 {strides = array<i32>} : memref<640xf32, #tpu.memory_space<vmem>>, vector<16xf32>,
      %swap3A_26 = arith.constant 192 : index
      %swap3A_27 = tpu.vector_load %arg15[%swap3A_26] {strides = array<i32>} : memref<640xf32, #tpu.memory_space<vmem>>, vector<16xf32>,
      tpu.vector_store %arg15[%swap3A_26], %broadcast_in_dim3A_2 {strides = array<i32>} : memref<640xf32, #tpu.memory_space<vmem>>, vector<16xf32>,
      %swap3A_28 = arith.constant 208 : index
      %swap3A_29 = tpu.vector_load %arg15[%swap3A_28] {strides = array<i32>} : memref<640xf32, #tpu.memory_space<vmem>>, vector<16xf32>,
      tpu.vector_store %arg15[%swap3A_28], %broadcast_in_dim3A_2 {strides = array<i32>} : memref<640xf32, #tpu.memory_space<vmem>>, vector<16xf32>,
      %swap3A_30 = arith.constant 224 : index
      %swap3A_31 = tpu.vector_load %arg15[%swap3A_30] {strides = array<i32>} : memref<640xf32, #tpu.memory_space<vmem>>, vector<16xf32>,
      tpu.vector_store %arg15[%swap3A_30], %broadcast_in_dim3A_2 {strides = array<i32>} : memref<640xf32, #tpu.memory_space<vmem>>, vector<16xf32>,
      %swap3A_32 = arith.constant 240 : index
      %swap3A_33 = tpu.vector_load %arg15[%swap3A_32] {strides = array<i32>} : memref<640xf32, #tpu.memory_space<vmem>>, vector<16xf32>,
      tpu.vector_store %arg15[%swap3A_32], %broadcast_in_dim3A_2 {strides = array<i32>} : memref<640xf32, #tpu.memory_space<vmem>>, vector<16xf32>,
      %swap3A_34 = arith.constant 256 : index
      %swap3A_35 = tpu.vector_load %arg15[%swap3A_34] {strides = array<i32>} : memref<640xf32, #tpu.memory_space<vmem>>, vector<16xf32>,
      tpu.vector_store %arg15[%swap3A_34], %broadcast_in_dim3A_2 {strides = array<i32>} : memref<640xf32, #tpu.memory_space<vmem>>, vector<16xf32>,
      %swap3A_36 = arith.constant 272 : index
      %swap3A_37 = tpu.vector_load %arg15[%swap3A_36] {strides = array<i32>} : memref<640xf32, #tpu.memory_space<vmem>>, vector<16xf32>,
      tpu.vector_store %arg15[%swap3A_36], %broadcast_in_dim3A_2 {strides = array<i32>} : memref<640xf32, #tpu.memory_space<vmem>>, vector<16xf32>,
      %swap3A_38 = arith.constant 288 : index
      %swap3A_39 = tpu.vector_load %arg15[%swap3A_38] {strides = array<i32>} : memref<640xf32, #tpu.memory_space<vmem>>, vector<16xf32>,
      tpu.vector_store %arg15[%swap3A_38], %broadcast_in_dim3A_2 {strides = array<i32>} : memref<640xf32, #tpu.memory_space<vmem>>, vector<16xf32>,
      %swap3A_40 = arith.constant 304 : index
      %swap3A_41 = tpu.vector_load %arg15[%swap3A_40] {strides = array<i32>} : memref<640xf32, #tpu.memory_space<vmem>>, vector<16xf32>,
      tpu.vector_store %arg15[%swap3A_40], %broadcast_in_dim3A_2 {strides = array<i32>} : memref<640xf32, #tpu.memory_space<vmem>>, vector<16xf32>,
      %swap3A_42 = arith.constant 320 : index
      %swap3A_43 = tpu.vector_load %arg15[%swap3A_42] {strides = array<i32>} : memref<640xf32, #tpu.memory_space<vmem>>, vector<16xf32>,
      tpu.vector_store %arg15[%swap3A_42], %broadcast_in_dim3A_2 {strides = array<i32>} : memref<640xf32, #tpu.memory_space<vmem>>, vector<16xf32>,
      %swap3A_44 = arith.constant 336 : index
      %swap3A_45 = tpu.vector_load %arg15[%swap3A_44] {strides = array<i32>} : memref<640xf32, #tpu.memory_space<vmem>>, vector<16xf32>,
      tpu.vector_store %arg15[%swap3A_44], %broadcast_in_dim3A_2 {strides = array<i32>} : memref<640xf32, #tpu.memory_space<vmem>>, vector<16xf32>,
      %swap3A_46 = arith.constant 352 : index
      %swap3A_47 = tpu.vector_load %arg15[%swap3A_46] {strides = array<i32>} : memref<640xf32, #tpu.memory_space<vmem>>, vector<16xf32>,
      tpu.vector_store %arg15[%swap3A_46], %broadcast_in_dim3A_2 {strides = array<i32>} : memref<640xf32, #tpu.memory_space<vmem>>, vector<16xf32>,
      %swap3A_48 = arith.constant 368 : index
      %swap3A_49 = tpu.vector_load %arg15[%swap3A_48] {strides = array<i32>} : memref<640xf32, #tpu.memory_space<vmem>>, vector<16xf32>,
      tpu.vector_store %arg15[%swap3A_48], %broadcast_in_dim3A_2 {strides = array<i32>} : memref<640xf32, #tpu.memory_space<vmem>>, vector<16xf32>,
      %swap3A_50 = arith.constant 384 : index
      %swap3A_51 = tpu.vector_load %arg15[%swap3A_50] {strides = array<i32>} : memref<640xf32, #tpu.memory_space<vmem>>, vector<16xf32>,
      tpu.vector_store %arg15[%swap3A_50], %broadcast_in_dim3A_2 {strides = array<i32>} : memref<640xf32, #tpu.memory_space<vmem>>, vector<16xf32>,
      %swap3A_52 = arith.constant 400 : index
      %swap3A_53 = tpu.vector_load %arg15[%swap3A_52] {strides = array<i32>} : memref<640xf32, #tpu.memory_space<vmem>>, vector<16xf32>,
      tpu.vector_store %arg15[%swap3A_52], %broadcast_in_dim3A_2 {strides = array<i32>} : memref<640xf32, #tpu.memory_space<vmem>>, vector<16xf32>,
      %swap3A_54 = arith.constant 416 : index
      %swap3A_55 = tpu.vector_load %arg15[%swap3A_54] {strides = array<i32>} : memref<640xf32, #tpu.memory_space<vmem>>, vector<16xf32>,
      tpu.vector_store %arg15[%swap3A_54], %broadcast_in_dim3A_2 {strides = array<i32>} : memref<640xf32, #tpu.memory_space<vmem>>, vector<16xf32>,
      %swap3A_56 = arith.constant 432 : index
      %swap3A_57 = tpu.vector_load %arg15[%swap3A_56] {strides = array<i32>} : memref<640xf32, #tpu.memory_space<vmem>>, vector<16xf32>,
      tpu.vector_store %arg15[%swap3A_56], %broadcast_in_dim3A_2 {strides = array<i32>} : memref<640xf32, #tpu.memory_space<vmem>>, vector<16xf32>,
      %swap3A_58 = arith.constant 448 : index
      %swap3A_59 = tpu.vector_load %arg15[%swap3A_58] {strides = array<i32>} : memref<640xf32, #tpu.memory_space<vmem>>, vector<16xf32>,
      tpu.vector_store %arg15[%swap3A_58], %broadcast_in_dim3A_2 {strides = array<i32>} : memref<640xf32, #tpu.memory_space<vmem>>, vector<16xf32>,
      %swap3A_60 = arith.constant 464 : index
      %swap3A_61 = tpu.vector_load %arg15[%swap3A_60] {strides = array<i32>} : memref<640xf32, #tpu.memory_space<vmem>>, vector<16xf32>,
      tpu.vector_store %arg15[%swap3A_60], %broadcast_in_dim3A_2 {strides = array<i32>} : memref<640xf32, #tpu.memory_space<vmem>>, vector<16xf32>,
      %swap3A_62 = arith.constant 480 : index
      %swap3A_63 = tpu.vector_load %arg15[%swap3A_62] {strides = array<i32>} : memref<640xf32, #tpu.memory_space<vmem>>, vector<16xf32>,
      tpu.vector_store %arg15[%swap3A_62], %broadcast_in_dim3A_2 {strides = array<i32>} : memref<640xf32, #tpu.memory_space<vmem>>, vector<16xf32>,
      %swap3A_64 = arith.constant 496 : index
      %swap3A_65 = tpu.vector_load %arg15[%swap3A_64] {strides = array<i32>} : memref<640xf32, #tpu.memory_space<vmem>>, vector<16xf32>,
      tpu.vector_store %arg15[%swap3A_64], %broadcast_in_dim3A_2 {strides = array<i32>} : memref<640xf32, #tpu.memory_space<vmem>>, vector<16xf32>,
      %swap3A_66 = arith.constant 512 : index
      %swap3A_67 = tpu.vector_load %arg15[%swap3A_66] {strides = array<i32>} : memref<640xf32, #tpu.memory_space<vmem>>, vector<16xf32>,
      tpu.vector_store %arg15[%swap3A_66], %broadcast_in_dim3A_2 {strides = array<i32>} : memref<640xf32, #tpu.memory_space<vmem>>, vector<16xf32>,
      %swap3A_68 = arith.constant 528 : index
      %swap3A_69 = tpu.vector_load %arg15[%swap3A_68] {strides = array<i32>} : memref<640xf32, #tpu.memory_space<vmem>>, vector<16xf32>,
      tpu.vector_store %arg15[%swap3A_68], %broadcast_in_dim3A_2 {strides = array<i32>} : memref<640xf32, #tpu.memory_space<vmem>>, vector<16xf32>,
      %swap3A_70 = arith.constant 544 : index
      %swap3A_71 = tpu.vector_load %arg15[%swap3A_70] {strides = array<i32>} : memref<640xf32, #tpu.memory_space<vmem>>, vector<16xf32>,
      tpu.vector_store %arg15[%swap3A_70], %broadcast_in_dim3A_2 {strides = array<i32>} : memref<640xf32, #tpu.memory_space<vmem>>, vector<16xf32>,
      %swap3A_72 = arith.constant 560 : index
      %swap3A_73 = tpu.vector_load %arg15[%swap3A_72] {strides = array<i32>} : memref<640xf32, #tpu.memory_space<vmem>>, vector<16xf32>,
      tpu.vector_store %arg15[%swap3A_72], %broadcast_in_dim3A_2 {strides = array<i32>} : memref<640xf32, #tpu.memory_space<vmem>>, vector<16xf32>,
      %swap3A_74 = arith.constant 576 : index
      %swap3A_75 = tpu.vector_load %arg15[%swap3A_74] {strides = array<i32>} : memref<640xf32, #tpu.memory_space<vmem>>, vector<16xf32>,
      tpu.vector_store %arg15[%swap3A_74], %broadcast_in_dim3A_2 {strides = array<i32>} : memref<640xf32, #tpu.memory_space<vmem>>, vector<16xf32>,
      %swap3A_76 = arith.constant 592 : index
      %swap3A_77 = tpu.vector_load %arg15[%swap3A_76] {strides = array<i32>} : memref<640xf32, #tpu.memory_space<vmem>>, vector<16xf32>,
      tpu.vector_store %arg15[%swap3A_76], %broadcast_in_dim3A_2 {strides = array<i32>} : memref<640xf32, #tpu.memory_space<vmem>>, vector<16xf32>,
      %swap3A_78 = arith.constant 608 : index
      %swap3A_79 = tpu.vector_load %arg15[%swap3A_78] {strides = array<i32>} : memref<640xf32, #tpu.memory_space<vmem>>, vector<16xf32>,
      tpu.vector_store %arg15[%swap3A_78], %broadcast_in_dim3A_2 {strides = array<i32>} : memref<640xf32, #tpu.memory_space<vmem>>, vector<16xf32>,
      %swap3A_80 = arith.constant 624 : index
      %swap3A_81 = tpu.vector_load %arg15[%swap3A_80] {strides = array<i32>} : memref<640xf32, #tpu.memory_space<vmem>>, vector<16xf32>,
      tpu.vector_store %arg15[%swap3A_80], %broadcast_in_dim3A_2 {strides = array<i32>} : memref<640xf32, #tpu.memory_space<vmem>>, vector<16xf32>,
      %mul3A = arith.constant 624 : i32
      %mul3A_82 = arith.muli %arg1, %mul3A : i32
      %lt3A = arith.constant 15 : i32
      %lt3A_83 = arith.cmpi slt, %arg1, %lt3A : i32
      %convert_element_type3A_84 = arith.extui %lt3A_83 : i1 to i32
      %cond3A_85 = arith.constant 0 : i32
      %cond3A_86 = arith.cmpi ne, %convert_element_type3A_84, %cond3A_85 : i32
      scf.if %cond3A_86 {
        "tpu.region"() ({
          %run_scoped3A = tpu.sem_alloc : memref<!tpu.dma_semaphore, #tpu.memory_space<semaphore_mem>>
          %dma_start3A = arith.constant 0 : i32
          %dma_start3A_596 = tpu.memref_slice %arg15[%dma_start3A] : memref<640xf32, #tpu.memory_space<vmem>> -> memref<624xf32, #tpu.memory_space<vmem>>
          %dma_start3A_597 = tpu.memref_slice %arg16[%mul3A_82] : memref<10000xf32, #tpu.memory_space<vmem_shared>> -> memref<624xf32, #tpu.memory_space<vmem_shared>>
          %dma_start3A_598 = tpu.memref_slice %arg16[%mul3A_82] : memref<10000xf32, #tpu.memory_space<vmem_shared>> -> memref<624xf32, #tpu.memory_space<vmem_shared>>
          %dma_start3A_599 = arith.constant 0 : i32
          %dma_start3A_600 = tpu.memref_slice %arg15[%dma_start3A_599] : memref<640xf32, #tpu.memory_space<vmem>> -> memref<624xf32, #tpu.memory_space<vmem>>
          tpu.enqueue_dma source(%dma_start3A_600 : memref<624xf32, #tpu.memory_space<vmem>>) target(%dma_start3A_598 : memref<624xf32, #tpu.memory_space<vmem_shared>>) target_semaphore(%run_scoped3A : memref<!tpu.dma_semaphore, #tpu.memory_space<semaphore_mem>>)
          %dma_wait3A_601 = arith.constant 0 : i32
          %dma_wait3A_602 = tpu.memref_slice %arg15[%dma_wait3A_601] : memref<640xf32, #tpu.memory_space<vmem>> -> memref<624xf32, #tpu.memory_space<vmem>>
          %dma_wait3A_603 = tpu.memref_slice %arg16[%mul3A_82] : memref<10000xf32, #tpu.memory_space<vmem_shared>> -> memref<624xf32, #tpu.memory_space<vmem_shared>>
          %dma_wait3A_604 = tpu.memref_slice %arg16[%mul3A_82] : memref<10000xf32, #tpu.memory_space<vmem_shared>> -> memref<624xf32, #tpu.memory_space<vmem_shared>>
          %dma_wait3A_605 = arith.constant 0 : i32
          %dma_wait3A_606 = tpu.memref_slice %arg15[%dma_wait3A_605] : memref<640xf32, #tpu.memory_space<vmem>> -> memref<624xf32, #tpu.memory_space<vmem>>
          tpu.wait_dma2 semaphore(%run_scoped3A : memref<!tpu.dma_semaphore, #tpu.memory_space<semaphore_mem>>) src(%dma_wait3A_606 : memref<624xf32, #tpu.memory_space<vmem>>) dst(%dma_wait3A_604 : memref<624xf32, #tpu.memory_space<vmem_shared>>)
          tpu.yield
        }) : () -> ()
        "tpu.region"() ({
          %run_scoped3A = tpu.sem_alloc : memref<!tpu.dma_semaphore, #tpu.memory_space<semaphore_mem>>
          %dma_start3A = arith.constant 0 : i32
          %dma_start3A_596 = tpu.memref_slice %arg15[%dma_start3A] : memref<640xf32, #tpu.memory_space<vmem>> -> memref<624xf32, #tpu.memory_space<vmem>>
          %dma_start3A_597 = tpu.memref_slice %arg17[%mul3A_82] : memref<10000xf32, #tpu.memory_space<vmem_shared>> -> memref<624xf32, #tpu.memory_space<vmem_shared>>
          %dma_start3A_598 = tpu.memref_slice %arg17[%mul3A_82] : memref<10000xf32, #tpu.memory_space<vmem_shared>> -> memref<624xf32, #tpu.memory_space<vmem_shared>>
          %dma_start3A_599 = arith.constant 0 : i32
          %dma_start3A_600 = tpu.memref_slice %arg15[%dma_start3A_599] : memref<640xf32, #tpu.memory_space<vmem>> -> memref<624xf32, #tpu.memory_space<vmem>>
          tpu.enqueue_dma source(%dma_start3A_600 : memref<624xf32, #tpu.memory_space<vmem>>) target(%dma_start3A_598 : memref<624xf32, #tpu.memory_space<vmem_shared>>) target_semaphore(%run_scoped3A : memref<!tpu.dma_semaphore, #tpu.memory_space<semaphore_mem>>)
          %dma_wait3A_601 = arith.constant 0 : i32
          %dma_wait3A_602 = tpu.memref_slice %arg15[%dma_wait3A_601] : memref<640xf32, #tpu.memory_space<vmem>> -> memref<624xf32, #tpu.memory_space<vmem>>
          %dma_wait3A_603 = tpu.memref_slice %arg17[%mul3A_82] : memref<10000xf32, #tpu.memory_space<vmem_shared>> -> memref<624xf32, #tpu.memory_space<vmem_shared>>
          %dma_wait3A_604 = tpu.memref_slice %arg17[%mul3A_82] : memref<10000xf32, #tpu.memory_space<vmem_shared>> -> memref<624xf32, #tpu.memory_space<vmem_shared>>
          %dma_wait3A_605 = arith.constant 0 : i32
          %dma_wait3A_606 = tpu.memref_slice %arg15[%dma_wait3A_605] : memref<640xf32, #tpu.memory_space<vmem>> -> memref<624xf32, #tpu.memory_space<vmem>>
          tpu.wait_dma2 semaphore(%run_scoped3A : memref<!tpu.dma_semaphore, #tpu.memory_space<semaphore_mem>>) src(%dma_wait3A_606 : memref<624xf32, #tpu.memory_space<vmem>>) dst(%dma_wait3A_604 : memref<624xf32, #tpu.memory_space<vmem_shared>>)
          tpu.yield
        }) : () -> ()
      } else {
      }
      %eq3A_87 = arith.constant 15 : i32
      %eq3A_88 = arith.cmpi eq, %arg1, %eq3A_87 : i32
      %convert_element_type3A_89 = arith.extui %eq3A_88 : i1 to i32
      %cond3A_90 = arith.constant 0 : i32
      %cond3A_91 = arith.cmpi ne, %convert_element_type3A_89, %cond3A_90 : i32
      scf.if %cond3A_91 {
        "tpu.region"() ({
          %run_scoped3A = tpu.sem_alloc : memref<!tpu.dma_semaphore, #tpu.memory_space<semaphore_mem>>
          %dma_start3A = arith.constant 9360 : i32
          %dma_start3A_596 = tpu.memref_slice %arg16[%dma_start3A] : memref<10000xf32, #tpu.memory_space<vmem_shared>> -> memref<640xf32, #tpu.memory_space<vmem_shared>>
          %dma_start3A_597 = arith.constant 9360 : i32
          %dma_start3A_598 = tpu.memref_slice %arg16[%dma_start3A_597] : memref<10000xf32, #tpu.memory_space<vmem_shared>> -> memref<640xf32, #tpu.memory_space<vmem_shared>>
          tpu.enqueue_dma source(%arg15 : memref<640xf32, #tpu.memory_space<vmem>>) target(%dma_start3A_598 : memref<640xf32, #tpu.memory_space<vmem_shared>>) target_semaphore(%run_scoped3A : memref<!tpu.dma_semaphore, #tpu.memory_space<semaphore_mem>>)
          %dma_wait3A_599 = arith.constant 9360 : i32
          %dma_wait3A_600 = tpu.memref_slice %arg16[%dma_wait3A_599] : memref<10000xf32, #tpu.memory_space<vmem_shared>> -> memref<640xf32, #tpu.memory_space<vmem_shared>>
          %dma_wait3A_601 = arith.constant 9360 : i32
          %dma_wait3A_602 = tpu.memref_slice %arg16[%dma_wait3A_601] : memref<10000xf32, #tpu.memory_space<vmem_shared>> -> memref<640xf32, #tpu.memory_space<vmem_shared>>
          tpu.wait_dma2 semaphore(%run_scoped3A : memref<!tpu.dma_semaphore, #tpu.memory_space<semaphore_mem>>) src(%arg15 : memref<640xf32, #tpu.memory_space<vmem>>) dst(%dma_wait3A_602 : memref<640xf32, #tpu.memory_space<vmem_shared>>)
          tpu.yield
        }) : () -> ()
        "tpu.region"() ({
          %run_scoped3A = tpu.sem_alloc : memref<!tpu.dma_semaphore, #tpu.memory_space<semaphore_mem>>
          %dma_start3A = arith.constant 9360 : i32
          %dma_start3A_596 = tpu.memref_slice %arg17[%dma_start3A] : memref<10000xf32, #tpu.memory_space<vmem_shared>> -> memref<640xf32, #tpu.memory_space<vmem_shared>>
          %dma_start3A_597 = arith.constant 9360 : i32
          %dma_start3A_598 = tpu.memref_slice %arg17[%dma_start3A_597] : memref<10000xf32, #tpu.memory_space<vmem_shared>> -> memref<640xf32, #tpu.memory_space<vmem_shared>>
          tpu.enqueue_dma source(%arg15 : memref<640xf32, #tpu.memory_space<vmem>>) target(%dma_start3A_598 : memref<640xf32, #tpu.memory_space<vmem_shared>>) target_semaphore(%run_scoped3A : memref<!tpu.dma_semaphore, #tpu.memory_space<semaphore_mem>>)
          %dma_wait3A_599 = arith.constant 9360 : i32
          %dma_wait3A_600 = tpu.memref_slice %arg17[%dma_wait3A_599] : memref<10000xf32, #tpu.memory_space<vmem_shared>> -> memref<640xf32, #tpu.memory_space<vmem_shared>>
          %dma_wait3A_601 = arith.constant 9360 : i32
          %dma_wait3A_602 = tpu.memref_slice %arg17[%dma_wait3A_601] : memref<10000xf32, #tpu.memory_space<vmem_shared>> -> memref<640xf32, #tpu.memory_space<vmem_shared>>
          tpu.wait_dma2 semaphore(%run_scoped3A : memref<!tpu.dma_semaphore, #tpu.memory_space<semaphore_mem>>) src(%arg15 : memref<640xf32, #tpu.memory_space<vmem>>) dst(%dma_wait3A_602 : memref<640xf32, #tpu.memory_space<vmem_shared>>)
          tpu.yield
        }) : () -> ()
      } else {
      }
      "tpu.region"() ({
        %run_scoped3A = tpu.sem_alloc : memref<!tpu.dma_semaphore, #tpu.memory_space<semaphore_mem>>
        %dma_start3A = arith.constant 0 : i32
        %dma_start3A_596 = tpu.memref_slice %arg2[%dma_start3A] : memref<30000xf32, #tpu.memory_space<hbm>> -> memref<10000xf32, #tpu.memory_space<hbm>>
        %dma_start3A_597 = arith.constant 0 : i32
        %dma_start3A_598 = tpu.memref_slice %arg2[%dma_start3A_597] : memref<30000xf32, #tpu.memory_space<hbm>> -> memref<10000xf32, #tpu.memory_space<hbm>>
        tpu.enqueue_dma source(%dma_start3A_598 : memref<10000xf32, #tpu.memory_space<hbm>>) target(%arg6 : memref<10000xf32, #tpu.memory_space<vmem>>) target_semaphore(%run_scoped3A : memref<!tpu.dma_semaphore, #tpu.memory_space<semaphore_mem>>)
        %dma_wait3A_599 = arith.constant 0 : i32
        %dma_wait3A_600 = tpu.memref_slice %arg2[%dma_wait3A_599] : memref<30000xf32, #tpu.memory_space<hbm>> -> memref<10000xf32, #tpu.memory_space<hbm>>
        %dma_wait3A_601 = arith.constant 0 : i32
        %dma_wait3A_602 = tpu.memref_slice %arg2[%dma_wait3A_601] : memref<30000xf32, #tpu.memory_space<hbm>> -> memref<10000xf32, #tpu.memory_space<hbm>>
        tpu.wait_dma2 semaphore(%run_scoped3A : memref<!tpu.dma_semaphore, #tpu.memory_space<semaphore_mem>>) src(%dma_wait3A_602 : memref<10000xf32, #tpu.memory_space<hbm>>) dst(%arg6 : memref<10000xf32, #tpu.memory_space<vmem>>)
        tpu.yield
      }) : () -> ()
      "tpu.region"() ({
        %run_scoped3A = tpu.sem_alloc : memref<!tpu.dma_semaphore, #tpu.memory_space<semaphore_mem>>
        %dma_start3A = arith.constant 10000 : i32
        %dma_start3A_596 = tpu.memref_slice %arg2[%dma_start3A] : memref<30000xf32, #tpu.memory_space<hbm>> -> memref<10000xf32, #tpu.memory_space<hbm>>
        %dma_start3A_597 = arith.constant 10000 : i32
        %dma_start3A_598 = tpu.memref_slice %arg2[%dma_start3A_597] : memref<30000xf32, #tpu.memory_space<hbm>> -> memref<10000xf32, #tpu.memory_space<hbm>>
        tpu.enqueue_dma source(%dma_start3A_598 : memref<10000xf32, #tpu.memory_space<hbm>>) target(%arg7 : memref<10000xf32, #tpu.memory_space<vmem>>) target_semaphore(%run_scoped3A : memref<!tpu.dma_semaphore, #tpu.memory_space<semaphore_mem>>)
        %dma_wait3A_599 = arith.constant 10000 : i32
        %dma_wait3A_600 = tpu.memref_slice %arg2[%dma_wait3A_599] : memref<30000xf32, #tpu.memory_space<hbm>> -> memref<10000xf32, #tpu.memory_space<hbm>>
        %dma_wait3A_601 = arith.constant 10000 : i32
        %dma_wait3A_602 = tpu.memref_slice %arg2[%dma_wait3A_601] : memref<30000xf32, #tpu.memory_space<hbm>> -> memref<10000xf32, #tpu.memory_space<hbm>>
        tpu.wait_dma2 semaphore(%run_scoped3A : memref<!tpu.dma_semaphore, #tpu.memory_space<semaphore_mem>>) src(%dma_wait3A_602 : memref<10000xf32, #tpu.memory_space<hbm>>) dst(%arg7 : memref<10000xf32, #tpu.memory_space<vmem>>)
        tpu.yield
      }) : () -> ()
      "tpu.region"() ({
        %run_scoped3A = tpu.sem_alloc : memref<!tpu.dma_semaphore, #tpu.memory_space<semaphore_mem>>
        %dma_start3A = arith.constant 20000 : i32
        %dma_start3A_596 = tpu.memref_slice %arg2[%dma_start3A] : memref<30000xf32, #tpu.memory_space<hbm>> -> memref<10000xf32, #tpu.memory_space<hbm>>
        %dma_start3A_597 = arith.constant 20000 : i32
        %dma_start3A_598 = tpu.memref_slice %arg2[%dma_start3A_597] : memref<30000xf32, #tpu.memory_space<hbm>> -> memref<10000xf32, #tpu.memory_space<hbm>>
        tpu.enqueue_dma source(%dma_start3A_598 : memref<10000xf32, #tpu.memory_space<hbm>>) target(%arg8 : memref<10000xf32, #tpu.memory_space<vmem>>) target_semaphore(%run_scoped3A : memref<!tpu.dma_semaphore, #tpu.memory_space<semaphore_mem>>)
        %dma_wait3A_599 = arith.constant 20000 : i32
        %dma_wait3A_600 = tpu.memref_slice %arg2[%dma_wait3A_599] : memref<30000xf32, #tpu.memory_space<hbm>> -> memref<10000xf32, #tpu.memory_space<hbm>>
        %dma_wait3A_601 = arith.constant 20000 : i32
        %dma_wait3A_602 = tpu.memref_slice %arg2[%dma_wait3A_601] : memref<30000xf32, #tpu.memory_space<hbm>> -> memref<10000xf32, #tpu.memory_space<hbm>>
        tpu.wait_dma2 semaphore(%run_scoped3A : memref<!tpu.dma_semaphore, #tpu.memory_space<semaphore_mem>>) src(%dma_wait3A_602 : memref<10000xf32, #tpu.memory_space<hbm>>) dst(%arg8 : memref<10000xf32, #tpu.memory_space<vmem>>)
        tpu.yield
      }) : () -> ()
      %mul3A_92 = arith.constant 160 : i32
      %mul3A_93 = arith.muli %arg1, %mul3A_92 : i32
      %multiple_of3A = tpu.assume_multiple %mul3A_93, 16 : i32
      "tpu.region"() ({
        %run_scoped3A = tpu.sem_alloc : memref<!tpu.dma_semaphore, #tpu.memory_space<semaphore_mem>>
        %dma_start3A = arith.constant 0 : i32
        %dma_start3A_596 = arith.constant 0 : i32
        %dma_start3A_597 = tpu.memref_slice %arg9[%dma_start3A, %dma_start3A_596] : memref<32x128xi32, #tpu.memory_space<vmem>> -> memref<16x128xi32, #tpu.memory_space<vmem>>
        %dma_start3A_598 = arith.constant 0 : i32
        %dma_start3A_599 = tpu.memref_slice %arg3[%multiple_of3A, %dma_start3A_598] : memref<2560x128xi32, #tpu.memory_space<hbm>> -> memref<16x128xi32, #tpu.memory_space<hbm>>
        %dma_start3A_600 = arith.constant 0 : i32
        %dma_start3A_601 = arith.constant 0 : i32
        %dma_start3A_602 = tpu.memref_slice %arg9[%dma_start3A_600, %dma_start3A_601] : memref<32x128xi32, #tpu.memory_space<vmem>> -> memref<16x128xi32, #tpu.memory_space<vmem>>
        %dma_start3A_603 = arith.constant 0 : i32
        %dma_start3A_604 = tpu.memref_slice %arg3[%multiple_of3A, %dma_start3A_603] : memref<2560x128xi32, #tpu.memory_space<hbm>> -> memref<16x128xi32, #tpu.memory_space<hbm>>
        tpu.enqueue_dma source(%dma_start3A_604 : memref<16x128xi32, #tpu.memory_space<hbm>>) target(%dma_start3A_602 : memref<16x128xi32, #tpu.memory_space<vmem>>) target_semaphore(%run_scoped3A : memref<!tpu.dma_semaphore, #tpu.memory_space<semaphore_mem>>)
        %dma_wait3A_605 = arith.constant 0 : i32
        %dma_wait3A_606 = arith.constant 0 : i32
        %dma_wait3A_607 = tpu.memref_slice %arg9[%dma_wait3A_605, %dma_wait3A_606] : memref<32x128xi32, #tpu.memory_space<vmem>> -> memref<16x128xi32, #tpu.memory_space<vmem>>
        %dma_wait3A_608 = arith.constant 0 : i32
        %dma_wait3A_609 = tpu.memref_slice %arg3[%multiple_of3A, %dma_wait3A_608] : memref<2560x128xi32, #tpu.memory_space<hbm>> -> memref<16x128xi32, #tpu.memory_space<hbm>>
        %dma_wait3A_610 = arith.constant 0 : i32
        %dma_wait3A_611 = arith.constant 0 : i32
        %dma_wait3A_612 = tpu.memref_slice %arg9[%dma_wait3A_610, %dma_wait3A_611] : memref<32x128xi32, #tpu.memory_space<vmem>> -> memref<16x128xi32, #tpu.memory_space<vmem>>
        %dma_wait3A_613 = arith.constant 0 : i32
        %dma_wait3A_614 = tpu.memref_slice %arg3[%multiple_of3A, %dma_wait3A_613] : memref<2560x128xi32, #tpu.memory_space<hbm>> -> memref<16x128xi32, #tpu.memory_space<hbm>>
        tpu.wait_dma2 semaphore(%run_scoped3A : memref<!tpu.dma_semaphore, #tpu.memory_space<semaphore_mem>>) src(%dma_wait3A_614 : memref<16x128xi32, #tpu.memory_space<hbm>>) dst(%dma_wait3A_612 : memref<16x128xi32, #tpu.memory_space<vmem>>)
        tpu.yield
      }) : () -> ()
      "tpu.region"() ({
        %run_scoped3A = tpu.sem_alloc : memref<!tpu.dma_semaphore, #tpu.memory_space<semaphore_mem>>
        %dma_start3A = arith.constant 0 : i32
        %dma_start3A_596 = arith.constant 0 : i32
        %dma_start3A_597 = tpu.memref_slice %arg10[%dma_start3A, %dma_start3A_596] : memref<32x128xi32, #tpu.memory_space<vmem>> -> memref<16x128xi32, #tpu.memory_space<vmem>>
        %dma_start3A_598 = arith.constant 0 : i32
        %dma_start3A_599 = tpu.memref_slice %arg4[%multiple_of3A, %dma_start3A_598] : memref<2560x128xi32, #tpu.memory_space<hbm>> -> memref<16x128xi32, #tpu.memory_space<hbm>>
        %dma_start3A_600 = arith.constant 0 : i32
        %dma_start3A_601 = arith.constant 0 : i32
        %dma_start3A_602 = tpu.memref_slice %arg10[%dma_start3A_600, %dma_start3A_601] : memref<32x128xi32, #tpu.memory_space<vmem>> -> memref<16x128xi32, #tpu.memory_space<vmem>>
        %dma_start3A_603 = arith.constant 0 : i32
        %dma_start3A_604 = tpu.memref_slice %arg4[%multiple_of3A, %dma_start3A_603] : memref<2560x128xi32, #tpu.memory_space<hbm>> -> memref<16x128xi32, #tpu.memory_space<hbm>>
        tpu.enqueue_dma source(%dma_start3A_604 : memref<16x128xi32, #tpu.memory_space<hbm>>) target(%dma_start3A_602 : memref<16x128xi32, #tpu.memory_space<vmem>>) target_semaphore(%run_scoped3A : memref<!tpu.dma_semaphore, #tpu.memory_space<semaphore_mem>>)
        %dma_wait3A_605 = arith.constant 0 : i32
        %dma_wait3A_606 = arith.constant 0 : i32
        %dma_wait3A_607 = tpu.memref_slice %arg10[%dma_wait3A_605, %dma_wait3A_606] : memref<32x128xi32, #tpu.memory_space<vmem>> -> memref<16x128xi32, #tpu.memory_space<vmem>>
        %dma_wait3A_608 = arith.constant 0 : i32
        %dma_wait3A_609 = tpu.memref_slice %arg4[%multiple_of3A, %dma_wait3A_608] : memref<2560x128xi32, #tpu.memory_space<hbm>> -> memref<16x128xi32, #tpu.memory_space<hbm>>
        %dma_wait3A_610 = arith.constant 0 : i32
        %dma_wait3A_611 = arith.constant 0 : i32
        %dma_wait3A_612 = tpu.memref_slice %arg10[%dma_wait3A_610, %dma_wait3A_611] : memref<32x128xi32, #tpu.memory_space<vmem>> -> memref<16x128xi32, #tpu.memory_space<vmem>>
        %dma_wait3A_613 = arith.constant 0 : i32
        %dma_wait3A_614 = tpu.memref_slice %arg4[%multiple_of3A, %dma_wait3A_613] : memref<2560x128xi32, #tpu.memory_space<hbm>> -> memref<16x128xi32, #tpu.memory_space<hbm>>
        tpu.wait_dma2 semaphore(%run_scoped3A : memref<!tpu.dma_semaphore, #tpu.memory_space<semaphore_mem>>) src(%dma_wait3A_614 : memref<16x128xi32, #tpu.memory_space<hbm>>) dst(%dma_wait3A_612 : memref<16x128xi32, #tpu.memory_space<vmem>>)
        tpu.yield
      }) : () -> ()
      %barrier3A = arith.constant 0 : index
      tpu.barrier barrier_id(%barrier3A)
      %scan3A = arith.constant 0 : i32
      %scan3A_94 = arith.constant 0 : i32
      %scan3A_95 = arith.constant 160 : i32
      %scan3A_96 = arith.addi %scan3A_94, %scan3A_95 : i32
      %scan3A_97 = arith.constant 1 : i32
      scf.for %scan3A_596 = %scan3A_94 to %scan3A_96 step %scan3A_97  : i32 {
        %div3A_597 = arith.constant 16 : i32
        %div3A_598 = arith.divsi %scan3A_596, %div3A_597 : i32
        %rem3A = arith.constant 2 : i32
        %rem3A_599 = arith.remsi %div3A_598, %rem3A : i32
        %mul3A_600 = arith.constant 16 : i32
        %mul3A_601 = arith.muli %rem3A_599, %mul3A_600 : i32
        %rem3A_602 = arith.constant 16 : i32
        %rem3A_603 = arith.remsi %scan3A_596, %rem3A_602 : i32
        %add3A_604 = arith.addi %mul3A_601, %rem3A_603 : i32
        %rem3A_605 = arith.constant 4 : i32
        %rem3A_606 = arith.remsi %scan3A_596, %rem3A_605 : i32
        %rem3A_607 = arith.constant 80 : i32
        %rem3A_608 = arith.remsi %scan3A_596, %rem3A_607 : i32
        %ge3A = arith.constant 4 : i32
        %ge3A_609 = arith.cmpi sge, %scan3A_596, %ge3A : i32
        %convert_element_type3A_610 = arith.extui %ge3A_609 : i1 to i32
        %cond3A_611 = arith.constant 0 : i32
        %cond3A_612 = arith.cmpi ne, %convert_element_type3A_610, %cond3A_611 : i32
        scf.if %cond3A_612 {
          %dma_wait3A_643 = arith.constant 0 : i32
          %dma_wait3A_644 = tpu.memref_slice %arg12[%rem3A_606, %dma_wait3A_643] : memref<4x128xf32, #tpu.memory_space<vmem>> -> memref<1x128xf32, #tpu.memory_space<vmem>>
          %dma_wait3A_645 = tpu.memref_squeeze %dma_wait3A_644 : memref<1x128xf32, #tpu.memory_space<vmem>> -> memref<128xf32, #tpu.memory_space<vmem>>
          %dma_wait3A_646 = arith.constant 0 : i32
          %dma_wait3A_647 = tpu.memref_slice %arg10[%add3A_604, %dma_wait3A_646] : memref<32x128xi32, #tpu.memory_space<vmem>> -> memref<1x128xi32, #tpu.memory_space<vmem>>
          %dma_wait3A_648 = tpu.memref_squeeze %dma_wait3A_647 : memref<1x128xi32, #tpu.memory_space<vmem>> -> memref<128xi32, #tpu.memory_space<vmem>>
          %dma_wait3A_649 = arith.constant 0 : i32
          %dma_wait3A_650 = tpu.memref_slice %arg16[%dma_wait3A_649] : memref<10000xf32, #tpu.memory_space<vmem_shared>> -> memref<10000xf32, #tpu.memory_space<vmem_shared>>
          tpu.wait_indirect_dma semaphore(%arg18 : memref<!tpu.dma_semaphore, #tpu.memory_space<semaphore_mem>>) src(%dma_wait3A_645 : memref<128xf32, #tpu.memory_space<vmem>>) dst(%dma_wait3A_650 : memref<10000xf32, #tpu.memory_space<vmem_shared>>)
          %dma_wait3A_651 = arith.constant 0 : i32
          %dma_wait3A_652 = tpu.memref_slice %arg11[%rem3A_606, %dma_wait3A_651] : memref<4x128xf32, #tpu.memory_space<vmem>> -> memref<1x128xf32, #tpu.memory_space<vmem>>
          %dma_wait3A_653 = tpu.memref_squeeze %dma_wait3A_652 : memref<1x128xf32, #tpu.memory_space<vmem>> -> memref<128xf32, #tpu.memory_space<vmem>>
          %dma_wait3A_654 = arith.constant 0 : i32
          %dma_wait3A_655 = tpu.memref_slice %arg10[%add3A_604, %dma_wait3A_654] : memref<32x128xi32, #tpu.memory_space<vmem>> -> memref<1x128xi32, #tpu.memory_space<vmem>>
          %dma_wait3A_656 = tpu.memref_squeeze %dma_wait3A_655 : memref<1x128xi32, #tpu.memory_space<vmem>> -> memref<128xi32, #tpu.memory_space<vmem>>
          %dma_wait3A_657 = arith.constant 0 : i32
          %dma_wait3A_658 = tpu.memref_slice %arg17[%dma_wait3A_657] : memref<10000xf32, #tpu.memory_space<vmem_shared>> -> memref<10000xf32, #tpu.memory_space<vmem_shared>>
          tpu.wait_indirect_dma semaphore(%arg19 : memref<!tpu.dma_semaphore, #tpu.memory_space<semaphore_mem>>) src(%dma_wait3A_653 : memref<128xf32, #tpu.memory_space<vmem>>) dst(%dma_wait3A_658 : memref<10000xf32, #tpu.memory_space<vmem_shared>>)
        } else {
        }
        %parallel_loop3A = arith.constant 0 : i32
        %parallel_loop3A_613 = arith.constant 8 : i32
        %parallel_loop3A_614 = arith.constant 1 : i32
        scf.for %parallel_loop3A_643 = %parallel_loop3A to %parallel_loop3A_613 step %parallel_loop3A_614  : i32 {
          %parallel_loop3A_644 = arith.constant 16 : i32
          %parallel_loop3A_645 = arith.muli %parallel_loop3A_643, %parallel_loop3A_644 : i32
          %parallel_loop3A_646 = tpu.assume_multiple %parallel_loop3A_645, 16 : i32
          %parallel_loop3A_647 = arith.index_cast %add3A_604 : i32 to index
          %parallel_loop3A_648 = arith.index_cast %parallel_loop3A_646 : i32 to index
          %parallel_loop3A_649 = tpu.vector_load %arg9[%parallel_loop3A_647, %parallel_loop3A_648] {strides = array<i32>} : memref<32x128xi32, #tpu.memory_space<vmem>>, vector<16xi32>,
          %parallel_loop3A_650 = arith.index_cast %add3A_604 : i32 to index
          %parallel_loop3A_651 = arith.index_cast %parallel_loop3A_646 : i32 to index
          %parallel_loop3A_652 = tpu.vector_load %arg10[%parallel_loop3A_650, %parallel_loop3A_651] {strides = array<i32>} : memref<32x128xi32, #tpu.memory_space<vmem>>, vector<16xi32>,
          %parallel_loop3A_653 = tpu.vector_load_idx %arg6[%parallel_loop3A_649] : memref<10000xf32, #tpu.memory_space<vmem>>[vector<16xi32>], vector<16xf32>,
          %parallel_loop3A_654 = tpu.vector_load_idx %arg7[%parallel_loop3A_649] : memref<10000xf32, #tpu.memory_space<vmem>>[vector<16xi32>], vector<16xf32>,
          %parallel_loop3A_655 = tpu.vector_load_idx %arg8[%parallel_loop3A_652] : memref<10000xf32, #tpu.memory_space<vmem>>[vector<16xi32>], vector<16xf32>,
          %parallel_loop3A_656 = arith.addf %parallel_loop3A_654, %parallel_loop3A_655 : vector<16xf32>
          %parallel_loop3A_657 = arith.constant 0.000000e+00 : f32
          %parallel_loop3A_658 = vector.broadcast %parallel_loop3A_657 : f32 to vector<16xf32>
          %parallel_loop3A_659 = arith.cmpf olt, %parallel_loop3A_656, %parallel_loop3A_658 : vector<16xf32>
          %parallel_loop3A_660 = arith.constant 2.000000e-01 : f32
          %parallel_loop3A_661 = vector.broadcast %parallel_loop3A_660 : f32 to vector<16xf32>
          %parallel_loop3A_662 = arith.mulf %parallel_loop3A_656, %parallel_loop3A_661 : vector<16xf32>
          %parallel_loop3A_663 = arith.select %parallel_loop3A_659, %parallel_loop3A_662, %parallel_loop3A_656 : vector<16xi1>, vector<16xf32>
          %parallel_loop3A_664 = math.exp %parallel_loop3A_663 : vector<16xf32>
          %parallel_loop3A_665 = arith.constant 128 : i32
          %parallel_loop3A_666 = arith.muli %rem3A_608, %parallel_loop3A_665 : i32
          %parallel_loop3A_667 = arith.addi %parallel_loop3A_666, %parallel_loop3A_646 : i32
          %parallel_loop3A_668 = tpu.iota {dimensions = array<i32: 0>} : vector<16xi32>
          %parallel_loop3A_669 = vector.broadcast %parallel_loop3A_667 : i32 to vector<16xi32>
          %parallel_loop3A_670 = arith.addi %parallel_loop3A_669, %parallel_loop3A_668 : vector<16xi32>
          %parallel_loop3A_671 = arith.constant 10000 : i32
          %parallel_loop3A_672 = vector.broadcast %parallel_loop3A_671 : i32 to vector<16xi32>
          %parallel_loop3A_673 = arith.cmpi slt, %parallel_loop3A_670, %parallel_loop3A_672 : vector<16xi32>
          %parallel_loop3A_674 = arith.constant 0.000000e+00 : f32
          %parallel_loop3A_675 = vector.broadcast %parallel_loop3A_674 : f32 to vector<16xf32>
          %parallel_loop3A_676 = arith.select %parallel_loop3A_673, %parallel_loop3A_664, %parallel_loop3A_675 : vector<16xi1>, vector<16xf32>
          %parallel_loop3A_677 = arith.index_cast %rem3A_606 : i32 to index
          %parallel_loop3A_678 = arith.index_cast %parallel_loop3A_646 : i32 to index
          %parallel_loop3A_679 = tpu.vector_load %arg11[%parallel_loop3A_677, %parallel_loop3A_678] {strides = array<i32>} : memref<4x128xf32, #tpu.memory_space<vmem>>, vector<16xf32>,
          tpu.vector_store %arg11[%parallel_loop3A_677, %parallel_loop3A_678], %parallel_loop3A_676 {strides = array<i32>} : memref<4x128xf32, #tpu.memory_space<vmem>>, vector<16xf32>,
          %parallel_loop3A_680 = arith.mulf %parallel_loop3A_676, %parallel_loop3A_653 : vector<16xf32>
          %parallel_loop3A_681 = arith.index_cast %rem3A_606 : i32 to index
          %parallel_loop3A_682 = arith.index_cast %parallel_loop3A_646 : i32 to index
          %parallel_loop3A_683 = tpu.vector_load %arg12[%parallel_loop3A_681, %parallel_loop3A_682] {strides = array<i32>} : memref<4x128xf32, #tpu.memory_space<vmem>>, vector<16xf32>,
          tpu.vector_store %arg12[%parallel_loop3A_681, %parallel_loop3A_682], %parallel_loop3A_680 {strides = array<i32>} : memref<4x128xf32, #tpu.memory_space<vmem>>, vector<16xf32>,
        } {sc.loop_unroll_factor = 4 : i64, sc.parallel_access}
        %dma_start3A = arith.constant 0 : i32
        %dma_start3A_615 = tpu.memref_slice %arg12[%rem3A_606, %dma_start3A] : memref<4x128xf32, #tpu.memory_space<vmem>> -> memref<1x128xf32, #tpu.memory_space<vmem>>
        %dma_start3A_616 = tpu.memref_squeeze %dma_start3A_615 : memref<1x128xf32, #tpu.memory_space<vmem>> -> memref<128xf32, #tpu.memory_space<vmem>>
        %dma_start3A_617 = arith.constant 0 : i32
        %dma_start3A_618 = tpu.memref_slice %arg10[%add3A_604, %dma_start3A_617] : memref<32x128xi32, #tpu.memory_space<vmem>> -> memref<1x128xi32, #tpu.memory_space<vmem>>
        %dma_start3A_619 = tpu.memref_squeeze %dma_start3A_618 : memref<1x128xi32, #tpu.memory_space<vmem>> -> memref<128xi32, #tpu.memory_space<vmem>>
        %dma_start3A_620 = arith.constant 0 : i32
        %dma_start3A_621 = tpu.memref_slice %arg16[%dma_start3A_620] : memref<10000xf32, #tpu.memory_space<vmem_shared>> -> memref<10000xf32, #tpu.memory_space<vmem_shared>>
        tpu.enqueue_indirect_dma source(%dma_start3A_616 : memref<128xf32, #tpu.memory_space<vmem>>) target(%dma_start3A_621 : memref<10000xf32, #tpu.memory_space<vmem_shared>>) offsets(%dma_start3A_619 : memref<128xi32, #tpu.memory_space<vmem>>) semaphore(%arg18 : memref<!tpu.dma_semaphore, #tpu.memory_space<semaphore_mem>>) {add = true}
        %dma_start3A_622 = arith.constant 0 : i32
        %dma_start3A_623 = tpu.memref_slice %arg11[%rem3A_606, %dma_start3A_622] : memref<4x128xf32, #tpu.memory_space<vmem>> -> memref<1x128xf32, #tpu.memory_space<vmem>>
        %dma_start3A_624 = tpu.memref_squeeze %dma_start3A_623 : memref<1x128xf32, #tpu.memory_space<vmem>> -> memref<128xf32, #tpu.memory_space<vmem>>
        %dma_start3A_625 = arith.constant 0 : i32
        %dma_start3A_626 = tpu.memref_slice %arg10[%add3A_604, %dma_start3A_625] : memref<32x128xi32, #tpu.memory_space<vmem>> -> memref<1x128xi32, #tpu.memory_space<vmem>>
        %dma_start3A_627 = tpu.memref_squeeze %dma_start3A_626 : memref<1x128xi32, #tpu.memory_space<vmem>> -> memref<128xi32, #tpu.memory_space<vmem>>
        %dma_start3A_628 = arith.constant 0 : i32
        %dma_start3A_629 = tpu.memref_slice %arg17[%dma_start3A_628] : memref<10000xf32, #tpu.memory_space<vmem_shared>> -> memref<10000xf32, #tpu.memory_space<vmem_shared>>
        tpu.enqueue_indirect_dma source(%dma_start3A_624 : memref<128xf32, #tpu.memory_space<vmem>>) target(%dma_start3A_629 : memref<10000xf32, #tpu.memory_space<vmem_shared>>) offsets(%dma_start3A_627 : memref<128xi32, #tpu.memory_space<vmem>>) semaphore(%arg19 : memref<!tpu.dma_semaphore, #tpu.memory_space<semaphore_mem>>) {add = true}
        %add3A_630 = arith.constant 1 : i32
        %add3A_631 = arith.addi %scan3A_596, %add3A_630 : i32
        %rem3A_632 = arith.constant 16 : i32
        %rem3A_633 = arith.remsi %add3A_631, %rem3A_632 : i32
        %eq3A_634 = arith.constant 0 : i32
        %eq3A_635 = arith.cmpi eq, %rem3A_633, %eq3A_634 : i32
        %add3A_636 = arith.constant 1 : i32
        %add3A_637 = arith.addi %scan3A_596, %add3A_636 : i32
        %lt3A_638 = arith.constant 160 : i32
        %lt3A_639 = arith.cmpi slt, %add3A_637, %lt3A_638 : i32
        %and3A = arith.andi %eq3A_635, %lt3A_639 : i1
        %convert_element_type3A_640 = arith.extui %and3A : i1 to i32
        %cond3A_641 = arith.constant 0 : i32
        %cond3A_642 = arith.cmpi ne, %convert_element_type3A_640, %cond3A_641 : i32
        scf.if %cond3A_642 {
          %add3A_643 = arith.constant 1 : i32
          %add3A_644 = arith.addi %scan3A_596, %add3A_643 : i32
          %div3A_645 = arith.constant 16 : i32
          %div3A_646 = arith.divsi %add3A_644, %div3A_645 : i32
          %rem3A_647 = arith.constant 2 : i32
          %rem3A_648 = arith.remsi %div3A_646, %rem3A_647 : i32
          %mul3A_649 = arith.constant 16 : i32
          %mul3A_650 = arith.muli %rem3A_648, %mul3A_649 : i32
          %multiple_of3A_651 = tpu.assume_multiple %mul3A_650, 16 : i32
          %mul3A_652 = arith.constant 160 : i32
          %mul3A_653 = arith.muli %arg1, %mul3A_652 : i32
          %add3A_654 = arith.addi %mul3A_653, %add3A_644 : i32
          %multiple_of3A_655 = tpu.assume_multiple %add3A_654, 16 : i32
          "tpu.region"() ({
            %run_scoped3A = tpu.sem_alloc : memref<!tpu.dma_semaphore, #tpu.memory_space<semaphore_mem>>
            %dma_start3A_656 = arith.constant 0 : i32
            %dma_start3A_657 = tpu.memref_slice %arg9[%multiple_of3A_651, %dma_start3A_656] : memref<32x128xi32, #tpu.memory_space<vmem>> -> memref<16x128xi32, #tpu.memory_space<vmem>>
            %dma_start3A_658 = arith.constant 0 : i32
            %dma_start3A_659 = tpu.memref_slice %arg3[%multiple_of3A_655, %dma_start3A_658] : memref<2560x128xi32, #tpu.memory_space<hbm>> -> memref<16x128xi32, #tpu.memory_space<hbm>>
            %dma_start3A_660 = arith.constant 0 : i32
            %dma_start3A_661 = tpu.memref_slice %arg9[%multiple_of3A_651, %dma_start3A_660] : memref<32x128xi32, #tpu.memory_space<vmem>> -> memref<16x128xi32, #tpu.memory_space<vmem>>
            %dma_start3A_662 = arith.constant 0 : i32
            %dma_start3A_663 = tpu.memref_slice %arg3[%multiple_of3A_655, %dma_start3A_662] : memref<2560x128xi32, #tpu.memory_space<hbm>> -> memref<16x128xi32, #tpu.memory_space<hbm>>
            tpu.enqueue_dma source(%dma_start3A_663 : memref<16x128xi32, #tpu.memory_space<hbm>>) target(%dma_start3A_661 : memref<16x128xi32, #tpu.memory_space<vmem>>) target_semaphore(%run_scoped3A : memref<!tpu.dma_semaphore, #tpu.memory_space<semaphore_mem>>)
            %dma_wait3A_664 = arith.constant 0 : i32
            %dma_wait3A_665 = tpu.memref_slice %arg9[%multiple_of3A_651, %dma_wait3A_664] : memref<32x128xi32, #tpu.memory_space<vmem>> -> memref<16x128xi32, #tpu.memory_space<vmem>>
            %dma_wait3A_666 = arith.constant 0 : i32
            %dma_wait3A_667 = tpu.memref_slice %arg3[%multiple_of3A_655, %dma_wait3A_666] : memref<2560x128xi32, #tpu.memory_space<hbm>> -> memref<16x128xi32, #tpu.memory_space<hbm>>
            %dma_wait3A_668 = arith.constant 0 : i32
            %dma_wait3A_669 = tpu.memref_slice %arg9[%multiple_of3A_651, %dma_wait3A_668] : memref<32x128xi32, #tpu.memory_space<vmem>> -> memref<16x128xi32, #tpu.memory_space<vmem>>
            %dma_wait3A_670 = arith.constant 0 : i32
            %dma_wait3A_671 = tpu.memref_slice %arg3[%multiple_of3A_655, %dma_wait3A_670] : memref<2560x128xi32, #tpu.memory_space<hbm>> -> memref<16x128xi32, #tpu.memory_space<hbm>>
            tpu.wait_dma2 semaphore(%run_scoped3A : memref<!tpu.dma_semaphore, #tpu.memory_space<semaphore_mem>>) src(%dma_wait3A_671 : memref<16x128xi32, #tpu.memory_space<hbm>>) dst(%dma_wait3A_669 : memref<16x128xi32, #tpu.memory_space<vmem>>)
            tpu.yield
          }) : () -> ()
          "tpu.region"() ({
            %run_scoped3A = tpu.sem_alloc : memref<!tpu.dma_semaphore, #tpu.memory_space<semaphore_mem>>
            %dma_start3A_656 = arith.constant 0 : i32
            %dma_start3A_657 = tpu.memref_slice %arg10[%multiple_of3A_651, %dma_start3A_656] : memref<32x128xi32, #tpu.memory_space<vmem>> -> memref<16x128xi32, #tpu.memory_space<vmem>>
            %dma_start3A_658 = arith.constant 0 : i32
            %dma_start3A_659 = tpu.memref_slice %arg4[%multiple_of3A_655, %dma_start3A_658] : memref<2560x128xi32, #tpu.memory_space<hbm>> -> memref<16x128xi32, #tpu.memory_space<hbm>>
            %dma_start3A_660 = arith.constant 0 : i32
            %dma_start3A_661 = tpu.memref_slice %arg10[%multiple_of3A_651, %dma_start3A_660] : memref<32x128xi32, #tpu.memory_space<vmem>> -> memref<16x128xi32, #tpu.memory_space<vmem>>
            %dma_start3A_662 = arith.constant 0 : i32
            %dma_start3A_663 = tpu.memref_slice %arg4[%multiple_of3A_655, %dma_start3A_662] : memref<2560x128xi32, #tpu.memory_space<hbm>> -> memref<16x128xi32, #tpu.memory_space<hbm>>
            tpu.enqueue_dma source(%dma_start3A_663 : memref<16x128xi32, #tpu.memory_space<hbm>>) target(%dma_start3A_661 : memref<16x128xi32, #tpu.memory_space<vmem>>) target_semaphore(%run_scoped3A : memref<!tpu.dma_semaphore, #tpu.memory_space<semaphore_mem>>)
            %dma_wait3A_664 = arith.constant 0 : i32
            %dma_wait3A_665 = tpu.memref_slice %arg10[%multiple_of3A_651, %dma_wait3A_664] : memref<32x128xi32, #tpu.memory_space<vmem>> -> memref<16x128xi32, #tpu.memory_space<vmem>>
            %dma_wait3A_666 = arith.constant 0 : i32
            %dma_wait3A_667 = tpu.memref_slice %arg4[%multiple_of3A_655, %dma_wait3A_666] : memref<2560x128xi32, #tpu.memory_space<hbm>> -> memref<16x128xi32, #tpu.memory_space<hbm>>
            %dma_wait3A_668 = arith.constant 0 : i32
            %dma_wait3A_669 = tpu.memref_slice %arg10[%multiple_of3A_651, %dma_wait3A_668] : memref<32x128xi32, #tpu.memory_space<vmem>> -> memref<16x128xi32, #tpu.memory_space<vmem>>
            %dma_wait3A_670 = arith.constant 0 : i32
            %dma_wait3A_671 = tpu.memref_slice %arg4[%multiple_of3A_655, %dma_wait3A_670] : memref<2560x128xi32, #tpu.memory_space<hbm>> -> memref<16x128xi32, #tpu.memory_space<hbm>>
            tpu.wait_dma2 semaphore(%run_scoped3A : memref<!tpu.dma_semaphore, #tpu.memory_space<semaphore_mem>>) src(%dma_wait3A_671 : memref<16x128xi32, #tpu.memory_space<hbm>>) dst(%dma_wait3A_669 : memref<16x128xi32, #tpu.memory_space<vmem>>)
            tpu.yield
          }) : () -> ()
        } else {
        }
      }
      %scan3A_98 = arith.constant 160 : i32
      %dma_wait3A = arith.constant 0 : i32
      %dma_wait3A_99 = arith.constant 0 : i32
      %dma_wait3A_100 = arith.constant 0 : i32
      %dma_wait3A_101 = tpu.memref_slice %arg12[%dma_wait3A, %dma_wait3A_100] : memref<4x128xf32, #tpu.memory_space<vmem>> -> memref<1x128xf32, #tpu.memory_space<vmem>>
      %dma_wait3A_102 = tpu.memref_squeeze %dma_wait3A_101 : memref<1x128xf32, #tpu.memory_space<vmem>> -> memref<128xf32, #tpu.memory_space<vmem>>
      %dma_wait3A_103 = arith.constant 0 : i32
      %dma_wait3A_104 = tpu.memref_slice %arg10[%dma_wait3A_99, %dma_wait3A_103] : memref<32x128xi32, #tpu.memory_space<vmem>> -> memref<1x128xi32, #tpu.memory_space<vmem>>
      %dma_wait3A_105 = tpu.memref_squeeze %dma_wait3A_104 : memref<1x128xi32, #tpu.memory_space<vmem>> -> memref<128xi32, #tpu.memory_space<vmem>>
      %dma_wait3A_106 = arith.constant 0 : i32
      %dma_wait3A_107 = tpu.memref_slice %arg16[%dma_wait3A_106] : memref<10000xf32, #tpu.memory_space<vmem_shared>> -> memref<10000xf32, #tpu.memory_space<vmem_shared>>
      tpu.wait_indirect_dma semaphore(%arg18 : memref<!tpu.dma_semaphore, #tpu.memory_space<semaphore_mem>>) src(%dma_wait3A_102 : memref<128xf32, #tpu.memory_space<vmem>>) dst(%dma_wait3A_107 : memref<10000xf32, #tpu.memory_space<vmem_shared>>)
      %dma_wait3A_108 = arith.constant 0 : i32
      %dma_wait3A_109 = arith.constant 0 : i32
      %dma_wait3A_110 = arith.constant 0 : i32
      %dma_wait3A_111 = tpu.memref_slice %arg11[%dma_wait3A_108, %dma_wait3A_110] : memref<4x128xf32, #tpu.memory_space<vmem>> -> memref<1x128xf32, #tpu.memory_space<vmem>>
      %dma_wait3A_112 = tpu.memref_squeeze %dma_wait3A_111 : memref<1x128xf32, #tpu.memory_space<vmem>> -> memref<128xf32, #tpu.memory_space<vmem>>
      %dma_wait3A_113 = arith.constant 0 : i32
      %dma_wait3A_114 = tpu.memref_slice %arg10[%dma_wait3A_109, %dma_wait3A_113] : memref<32x128xi32, #tpu.memory_space<vmem>> -> memref<1x128xi32, #tpu.memory_space<vmem>>
      %dma_wait3A_115 = tpu.memref_squeeze %dma_wait3A_114 : memref<1x128xi32, #tpu.memory_space<vmem>> -> memref<128xi32, #tpu.memory_space<vmem>>
      %dma_wait3A_116 = arith.constant 0 : i32
      %dma_wait3A_117 = tpu.memref_slice %arg17[%dma_wait3A_116] : memref<10000xf32, #tpu.memory_space<vmem_shared>> -> memref<10000xf32, #tpu.memory_space<vmem_shared>>
      tpu.wait_indirect_dma semaphore(%arg19 : memref<!tpu.dma_semaphore, #tpu.memory_space<semaphore_mem>>) src(%dma_wait3A_112 : memref<128xf32, #tpu.memory_space<vmem>>) dst(%dma_wait3A_117 : memref<10000xf32, #tpu.memory_space<vmem_shared>>)
      %dma_wait3A_118 = arith.constant 1 : i32
      %dma_wait3A_119 = arith.constant 0 : i32
      %dma_wait3A_120 = arith.constant 0 : i32
      %dma_wait3A_121 = tpu.memref_slice %arg12[%dma_wait3A_118, %dma_wait3A_120] : memref<4x128xf32, #tpu.memory_space<vmem>> -> memref<1x128xf32, #tpu.memory_space<vmem>>
      %dma_wait3A_122 = tpu.memref_squeeze %dma_wait3A_121 : memref<1x128xf32, #tpu.memory_space<vmem>> -> memref<128xf32, #tpu.memory_space<vmem>>
      %dma_wait3A_123 = arith.constant 0 : i32
      %dma_wait3A_124 = tpu.memref_slice %arg10[%dma_wait3A_119, %dma_wait3A_123] : memref<32x128xi32, #tpu.memory_space<vmem>> -> memref<1x128xi32, #tpu.memory_space<vmem>>
      %dma_wait3A_125 = tpu.memref_squeeze %dma_wait3A_124 : memref<1x128xi32, #tpu.memory_space<vmem>> -> memref<128xi32, #tpu.memory_space<vmem>>
      %dma_wait3A_126 = arith.constant 0 : i32
      %dma_wait3A_127 = tpu.memref_slice %arg16[%dma_wait3A_126] : memref<10000xf32, #tpu.memory_space<vmem_shared>> -> memref<10000xf32, #tpu.memory_space<vmem_shared>>
      tpu.wait_indirect_dma semaphore(%arg18 : memref<!tpu.dma_semaphore, #tpu.memory_space<semaphore_mem>>) src(%dma_wait3A_122 : memref<128xf32, #tpu.memory_space<vmem>>) dst(%dma_wait3A_127 : memref<10000xf32, #tpu.memory_space<vmem_shared>>)
      %dma_wait3A_128 = arith.constant 1 : i32
      %dma_wait3A_129 = arith.constant 0 : i32
      %dma_wait3A_130 = arith.constant 0 : i32
      %dma_wait3A_131 = tpu.memref_slice %arg11[%dma_wait3A_128, %dma_wait3A_130] : memref<4x128xf32, #tpu.memory_space<vmem>> -> memref<1x128xf32, #tpu.memory_space<vmem>>
      %dma_wait3A_132 = tpu.memref_squeeze %dma_wait3A_131 : memref<1x128xf32, #tpu.memory_space<vmem>> -> memref<128xf32, #tpu.memory_space<vmem>>
      %dma_wait3A_133 = arith.constant 0 : i32
      %dma_wait3A_134 = tpu.memref_slice %arg10[%dma_wait3A_129, %dma_wait3A_133] : memref<32x128xi32, #tpu.memory_space<vmem>> -> memref<1x128xi32, #tpu.memory_space<vmem>>
      %dma_wait3A_135 = tpu.memref_squeeze %dma_wait3A_134 : memref<1x128xi32, #tpu.memory_space<vmem>> -> memref<128xi32, #tpu.memory_space<vmem>>
      %dma_wait3A_136 = arith.constant 0 : i32
      %dma_wait3A_137 = tpu.memref_slice %arg17[%dma_wait3A_136] : memref<10000xf32, #tpu.memory_space<vmem_shared>> -> memref<10000xf32, #tpu.memory_space<vmem_shared>>
      tpu.wait_indirect_dma semaphore(%arg19 : memref<!tpu.dma_semaphore, #tpu.memory_space<semaphore_mem>>) src(%dma_wait3A_132 : memref<128xf32, #tpu.memory_space<vmem>>) dst(%dma_wait3A_137 : memref<10000xf32, #tpu.memory_space<vmem_shared>>)
      %dma_wait3A_138 = arith.constant 2 : i32
      %dma_wait3A_139 = arith.constant 0 : i32
      %dma_wait3A_140 = arith.constant 0 : i32
      %dma_wait3A_141 = tpu.memref_slice %arg12[%dma_wait3A_138, %dma_wait3A_140] : memref<4x128xf32, #tpu.memory_space<vmem>> -> memref<1x128xf32, #tpu.memory_space<vmem>>
      %dma_wait3A_142 = tpu.memref_squeeze %dma_wait3A_141 : memref<1x128xf32, #tpu.memory_space<vmem>> -> memref<128xf32, #tpu.memory_space<vmem>>
      %dma_wait3A_143 = arith.constant 0 : i32
      %dma_wait3A_144 = tpu.memref_slice %arg10[%dma_wait3A_139, %dma_wait3A_143] : memref<32x128xi32, #tpu.memory_space<vmem>> -> memref<1x128xi32, #tpu.memory_space<vmem>>
      %dma_wait3A_145 = tpu.memref_squeeze %dma_wait3A_144 : memref<1x128xi32, #tpu.memory_space<vmem>> -> memref<128xi32, #tpu.memory_space<vmem>>
      %dma_wait3A_146 = arith.constant 0 : i32
      %dma_wait3A_147 = tpu.memref_slice %arg16[%dma_wait3A_146] : memref<10000xf32, #tpu.memory_space<vmem_shared>> -> memref<10000xf32, #tpu.memory_space<vmem_shared>>
      tpu.wait_indirect_dma semaphore(%arg18 : memref<!tpu.dma_semaphore, #tpu.memory_space<semaphore_mem>>) src(%dma_wait3A_142 : memref<128xf32, #tpu.memory_space<vmem>>) dst(%dma_wait3A_147 : memref<10000xf32, #tpu.memory_space<vmem_shared>>)
      %dma_wait3A_148 = arith.constant 2 : i32
      %dma_wait3A_149 = arith.constant 0 : i32
      %dma_wait3A_150 = arith.constant 0 : i32
      %dma_wait3A_151 = tpu.memref_slice %arg11[%dma_wait3A_148, %dma_wait3A_150] : memref<4x128xf32, #tpu.memory_space<vmem>> -> memref<1x128xf32, #tpu.memory_space<vmem>>
      %dma_wait3A_152 = tpu.memref_squeeze %dma_wait3A_151 : memref<1x128xf32, #tpu.memory_space<vmem>> -> memref<128xf32, #tpu.memory_space<vmem>>
      %dma_wait3A_153 = arith.constant 0 : i32
      %dma_wait3A_154 = tpu.memref_slice %arg10[%dma_wait3A_149, %dma_wait3A_153] : memref<32x128xi32, #tpu.memory_space<vmem>> -> memref<1x128xi32, #tpu.memory_space<vmem>>
      %dma_wait3A_155 = tpu.memref_squeeze %dma_wait3A_154 : memref<1x128xi32, #tpu.memory_space<vmem>> -> memref<128xi32, #tpu.memory_space<vmem>>
      %dma_wait3A_156 = arith.constant 0 : i32
      %dma_wait3A_157 = tpu.memref_slice %arg17[%dma_wait3A_156] : memref<10000xf32, #tpu.memory_space<vmem_shared>> -> memref<10000xf32, #tpu.memory_space<vmem_shared>>
      tpu.wait_indirect_dma semaphore(%arg19 : memref<!tpu.dma_semaphore, #tpu.memory_space<semaphore_mem>>) src(%dma_wait3A_152 : memref<128xf32, #tpu.memory_space<vmem>>) dst(%dma_wait3A_157 : memref<10000xf32, #tpu.memory_space<vmem_shared>>)
      %dma_wait3A_158 = arith.constant 3 : i32
      %dma_wait3A_159 = arith.constant 0 : i32
      %dma_wait3A_160 = arith.constant 0 : i32
      %dma_wait3A_161 = tpu.memref_slice %arg12[%dma_wait3A_158, %dma_wait3A_160] : memref<4x128xf32, #tpu.memory_space<vmem>> -> memref<1x128xf32, #tpu.memory_space<vmem>>
      %dma_wait3A_162 = tpu.memref_squeeze %dma_wait3A_161 : memref<1x128xf32, #tpu.memory_space<vmem>> -> memref<128xf32, #tpu.memory_space<vmem>>
      %dma_wait3A_163 = arith.constant 0 : i32
      %dma_wait3A_164 = tpu.memref_slice %arg10[%dma_wait3A_159, %dma_wait3A_163] : memref<32x128xi32, #tpu.memory_space<vmem>> -> memref<1x128xi32, #tpu.memory_space<vmem>>
      %dma_wait3A_165 = tpu.memref_squeeze %dma_wait3A_164 : memref<1x128xi32, #tpu.memory_space<vmem>> -> memref<128xi32, #tpu.memory_space<vmem>>
      %dma_wait3A_166 = arith.constant 0 : i32
      %dma_wait3A_167 = tpu.memref_slice %arg16[%dma_wait3A_166] : memref<10000xf32, #tpu.memory_space<vmem_shared>> -> memref<10000xf32, #tpu.memory_space<vmem_shared>>
      tpu.wait_indirect_dma semaphore(%arg18 : memref<!tpu.dma_semaphore, #tpu.memory_space<semaphore_mem>>) src(%dma_wait3A_162 : memref<128xf32, #tpu.memory_space<vmem>>) dst(%dma_wait3A_167 : memref<10000xf32, #tpu.memory_space<vmem_shared>>)
      %dma_wait3A_168 = arith.constant 3 : i32
      %dma_wait3A_169 = arith.constant 0 : i32
      %dma_wait3A_170 = arith.constant 0 : i32
      %dma_wait3A_171 = tpu.memref_slice %arg11[%dma_wait3A_168, %dma_wait3A_170] : memref<4x128xf32, #tpu.memory_space<vmem>> -> memref<1x128xf32, #tpu.memory_space<vmem>>
      %dma_wait3A_172 = tpu.memref_squeeze %dma_wait3A_171 : memref<1x128xf32, #tpu.memory_space<vmem>> -> memref<128xf32, #tpu.memory_space<vmem>>
      %dma_wait3A_173 = arith.constant 0 : i32
      %dma_wait3A_174 = tpu.memref_slice %arg10[%dma_wait3A_169, %dma_wait3A_173] : memref<32x128xi32, #tpu.memory_space<vmem>> -> memref<1x128xi32, #tpu.memory_space<vmem>>
      %dma_wait3A_175 = tpu.memref_squeeze %dma_wait3A_174 : memref<1x128xi32, #tpu.memory_space<vmem>> -> memref<128xi32, #tpu.memory_space<vmem>>
      %dma_wait3A_176 = arith.constant 0 : i32
      %dma_wait3A_177 = tpu.memref_slice %arg17[%dma_wait3A_176] : memref<10000xf32, #tpu.memory_space<vmem_shared>> -> memref<10000xf32, #tpu.memory_space<vmem_shared>>
      tpu.wait_indirect_dma semaphore(%arg19 : memref<!tpu.dma_semaphore, #tpu.memory_space<semaphore_mem>>) src(%dma_wait3A_172 : memref<128xf32, #tpu.memory_space<vmem>>) dst(%dma_wait3A_177 : memref<10000xf32, #tpu.memory_space<vmem_shared>>)
      %barrier3A_178 = arith.constant 0 : index
      tpu.barrier barrier_id(%barrier3A_178)
      %lt3A_179 = arith.constant 15 : i32
      %lt3A_180 = arith.cmpi slt, %arg1, %lt3A_179 : i32
      %convert_element_type3A_181 = arith.extui %lt3A_180 : i1 to i32
      %cond3A_182 = arith.constant 0 : i32
      %cond3A_183 = arith.cmpi ne, %convert_element_type3A_181, %cond3A_182 : i32
      scf.if %cond3A_183 {
        "tpu.region"() ({
          %run_scoped3A = tpu.sem_alloc : memref<!tpu.dma_semaphore, #tpu.memory_space<semaphore_mem>>
          %dma_start3A = arith.constant 0 : i32
          %dma_start3A_596 = tpu.memref_slice %arg13[%dma_start3A] : memref<640xf32, #tpu.memory_space<vmem>> -> memref<624xf32, #tpu.memory_space<vmem>>
          %dma_start3A_597 = tpu.memref_slice %arg16[%mul3A_82] : memref<10000xf32, #tpu.memory_space<vmem_shared>> -> memref<624xf32, #tpu.memory_space<vmem_shared>>
          %dma_start3A_598 = arith.constant 0 : i32
          %dma_start3A_599 = tpu.memref_slice %arg13[%dma_start3A_598] : memref<640xf32, #tpu.memory_space<vmem>> -> memref<624xf32, #tpu.memory_space<vmem>>
          %dma_start3A_600 = tpu.memref_slice %arg16[%mul3A_82] : memref<10000xf32, #tpu.memory_space<vmem_shared>> -> memref<624xf32, #tpu.memory_space<vmem_shared>>
          tpu.enqueue_dma source(%dma_start3A_600 : memref<624xf32, #tpu.memory_space<vmem_shared>>) target(%dma_start3A_599 : memref<624xf32, #tpu.memory_space<vmem>>) target_semaphore(%run_scoped3A : memref<!tpu.dma_semaphore, #tpu.memory_space<semaphore_mem>>)
          %dma_wait3A_601 = arith.constant 0 : i32
          %dma_wait3A_602 = tpu.memref_slice %arg13[%dma_wait3A_601] : memref<640xf32, #tpu.memory_space<vmem>> -> memref<624xf32, #tpu.memory_space<vmem>>
          %dma_wait3A_603 = tpu.memref_slice %arg16[%mul3A_82] : memref<10000xf32, #tpu.memory_space<vmem_shared>> -> memref<624xf32, #tpu.memory_space<vmem_shared>>
          %dma_wait3A_604 = arith.constant 0 : i32
          %dma_wait3A_605 = tpu.memref_slice %arg13[%dma_wait3A_604] : memref<640xf32, #tpu.memory_space<vmem>> -> memref<624xf32, #tpu.memory_space<vmem>>
          %dma_wait3A_606 = tpu.memref_slice %arg16[%mul3A_82] : memref<10000xf32, #tpu.memory_space<vmem_shared>> -> memref<624xf32, #tpu.memory_space<vmem_shared>>
          tpu.wait_dma2 semaphore(%run_scoped3A : memref<!tpu.dma_semaphore, #tpu.memory_space<semaphore_mem>>) src(%dma_wait3A_606 : memref<624xf32, #tpu.memory_space<vmem_shared>>) dst(%dma_wait3A_605 : memref<624xf32, #tpu.memory_space<vmem>>)
          tpu.yield
        }) : () -> ()
        "tpu.region"() ({
          %run_scoped3A = tpu.sem_alloc : memref<!tpu.dma_semaphore, #tpu.memory_space<semaphore_mem>>
          %dma_start3A = arith.constant 0 : i32
          %dma_start3A_596 = tpu.memref_slice %arg14[%dma_start3A] : memref<640xf32, #tpu.memory_space<vmem>> -> memref<624xf32, #tpu.memory_space<vmem>>
          %dma_start3A_597 = tpu.memref_slice %arg17[%mul3A_82] : memref<10000xf32, #tpu.memory_space<vmem_shared>> -> memref<624xf32, #tpu.memory_space<vmem_shared>>
          %dma_start3A_598 = arith.constant 0 : i32
          %dma_start3A_599 = tpu.memref_slice %arg14[%dma_start3A_598] : memref<640xf32, #tpu.memory_space<vmem>> -> memref<624xf32, #tpu.memory_space<vmem>>
          %dma_start3A_600 = tpu.memref_slice %arg17[%mul3A_82] : memref<10000xf32, #tpu.memory_space<vmem_shared>> -> memref<624xf32, #tpu.memory_space<vmem_shared>>
          tpu.enqueue_dma source(%dma_start3A_600 : memref<624xf32, #tpu.memory_space<vmem_shared>>) target(%dma_start3A_599 : memref<624xf32, #tpu.memory_space<vmem>>) target_semaphore(%run_scoped3A : memref<!tpu.dma_semaphore, #tpu.memory_space<semaphore_mem>>)
          %dma_wait3A_601 = arith.constant 0 : i32
          %dma_wait3A_602 = tpu.memref_slice %arg14[%dma_wait3A_601] : memref<640xf32, #tpu.memory_space<vmem>> -> memref<624xf32, #tpu.memory_space<vmem>>
          %dma_wait3A_603 = tpu.memref_slice %arg17[%mul3A_82] : memref<10000xf32, #tpu.memory_space<vmem_shared>> -> memref<624xf32, #tpu.memory_space<vmem_shared>>
          %dma_wait3A_604 = arith.constant 0 : i32
          %dma_wait3A_605 = tpu.memref_slice %arg14[%dma_wait3A_604] : memref<640xf32, #tpu.memory_space<vmem>> -> memref<624xf32, #tpu.memory_space<vmem>>
          %dma_wait3A_606 = tpu.memref_slice %arg17[%mul3A_82] : memref<10000xf32, #tpu.memory_space<vmem_shared>> -> memref<624xf32, #tpu.memory_space<vmem_shared>>
          tpu.wait_dma2 semaphore(%run_scoped3A : memref<!tpu.dma_semaphore, #tpu.memory_space<semaphore_mem>>) src(%dma_wait3A_606 : memref<624xf32, #tpu.memory_space<vmem_shared>>) dst(%dma_wait3A_605 : memref<624xf32, #tpu.memory_space<vmem>>)
          tpu.yield
        }) : () -> ()
      } else {
      }
      %eq3A_184 = arith.constant 15 : i32
      %eq3A_185 = arith.cmpi eq, %arg1, %eq3A_184 : i32
      %convert_element_type3A_186 = arith.extui %eq3A_185 : i1 to i32
      %cond3A_187 = arith.constant 0 : i32
      %cond3A_188 = arith.cmpi ne, %convert_element_type3A_186, %cond3A_187 : i32
      scf.if %cond3A_188 {
        "tpu.region"() ({
          %run_scoped3A = tpu.sem_alloc : memref<!tpu.dma_semaphore, #tpu.memory_space<semaphore_mem>>
          %dma_start3A = arith.constant 9360 : i32
          %dma_start3A_596 = tpu.memref_slice %arg16[%dma_start3A] : memref<10000xf32, #tpu.memory_space<vmem_shared>> -> memref<640xf32, #tpu.memory_space<vmem_shared>>
          %dma_start3A_597 = arith.constant 9360 : i32
          %dma_start3A_598 = tpu.memref_slice %arg16[%dma_start3A_597] : memref<10000xf32, #tpu.memory_space<vmem_shared>> -> memref<640xf32, #tpu.memory_space<vmem_shared>>
          tpu.enqueue_dma source(%dma_start3A_598 : memref<640xf32, #tpu.memory_space<vmem_shared>>) target(%arg13 : memref<640xf32, #tpu.memory_space<vmem>>) target_semaphore(%run_scoped3A : memref<!tpu.dma_semaphore, #tpu.memory_space<semaphore_mem>>)
          %dma_wait3A_599 = arith.constant 9360 : i32
          %dma_wait3A_600 = tpu.memref_slice %arg16[%dma_wait3A_599] : memref<10000xf32, #tpu.memory_space<vmem_shared>> -> memref<640xf32, #tpu.memory_space<vmem_shared>>
          %dma_wait3A_601 = arith.constant 9360 : i32
          %dma_wait3A_602 = tpu.memref_slice %arg16[%dma_wait3A_601] : memref<10000xf32, #tpu.memory_space<vmem_shared>> -> memref<640xf32, #tpu.memory_space<vmem_shared>>
          tpu.wait_dma2 semaphore(%run_scoped3A : memref<!tpu.dma_semaphore, #tpu.memory_space<semaphore_mem>>) src(%dma_wait3A_602 : memref<640xf32, #tpu.memory_space<vmem_shared>>) dst(%arg13 : memref<640xf32, #tpu.memory_space<vmem>>)
          tpu.yield
        }) : () -> ()
        "tpu.region"() ({
          %run_scoped3A = tpu.sem_alloc : memref<!tpu.dma_semaphore, #tpu.memory_space<semaphore_mem>>
          %dma_start3A = arith.constant 9360 : i32
          %dma_start3A_596 = tpu.memref_slice %arg17[%dma_start3A] : memref<10000xf32, #tpu.memory_space<vmem_shared>> -> memref<640xf32, #tpu.memory_space<vmem_shared>>
          %dma_start3A_597 = arith.constant 9360 : i32
          %dma_start3A_598 = tpu.memref_slice %arg17[%dma_start3A_597] : memref<10000xf32, #tpu.memory_space<vmem_shared>> -> memref<640xf32, #tpu.memory_space<vmem_shared>>
          tpu.enqueue_dma source(%dma_start3A_598 : memref<640xf32, #tpu.memory_space<vmem_shared>>) target(%arg14 : memref<640xf32, #tpu.memory_space<vmem>>) target_semaphore(%run_scoped3A : memref<!tpu.dma_semaphore, #tpu.memory_space<semaphore_mem>>)
          %dma_wait3A_599 = arith.constant 9360 : i32
          %dma_wait3A_600 = tpu.memref_slice %arg17[%dma_wait3A_599] : memref<10000xf32, #tpu.memory_space<vmem_shared>> -> memref<640xf32, #tpu.memory_space<vmem_shared>>
          %dma_wait3A_601 = arith.constant 9360 : i32
          %dma_wait3A_602 = tpu.memref_slice %arg17[%dma_wait3A_601] : memref<10000xf32, #tpu.memory_space<vmem_shared>> -> memref<640xf32, #tpu.memory_space<vmem_shared>>
          tpu.wait_dma2 semaphore(%run_scoped3A : memref<!tpu.dma_semaphore, #tpu.memory_space<semaphore_mem>>) src(%dma_wait3A_602 : memref<640xf32, #tpu.memory_space<vmem_shared>>) dst(%arg14 : memref<640xf32, #tpu.memory_space<vmem>>)
          tpu.yield
        }) : () -> ()
      } else {
      }
      %get3A = arith.constant 0 : index
      %get3A_189 = tpu.vector_load %arg13[%get3A] {strides = array<i32>} : memref<640xf32, #tpu.memory_space<vmem>>, vector<16xf32>,
      %get3A_190 = arith.constant 0 : index
      %get3A_191 = tpu.vector_load %arg14[%get3A_190] {strides = array<i32>} : memref<640xf32, #tpu.memory_space<vmem>>, vector<16xf32>,
      %add3A = arith.constant 1.000000e-16 : f32
      %add3A_192 = vector.broadcast %add3A : f32 to vector<16xf32>
      %add3A_193 = arith.addf %get3A_191, %add3A_192 : vector<16xf32>
      %div3A = arith.divf %get3A_189, %add3A_193 : vector<16xf32>
      %swap3A_194 = arith.constant 0 : index
      %swap3A_195 = tpu.vector_load %arg15[%swap3A_194] {strides = array<i32>} : memref<640xf32, #tpu.memory_space<vmem>>, vector<16xf32>,
      tpu.vector_store %arg15[%swap3A_194], %div3A {strides = array<i32>} : memref<640xf32, #tpu.memory_space<vmem>>, vector<16xf32>,
      %get3A_196 = arith.constant 16 : index
      %get3A_197 = tpu.vector_load %arg13[%get3A_196] {strides = array<i32>} : memref<640xf32, #tpu.memory_space<vmem>>, vector<16xf32>,
      %get3A_198 = arith.constant 16 : index
      %get3A_199 = tpu.vector_load %arg14[%get3A_198] {strides = array<i32>} : memref<640xf32, #tpu.memory_space<vmem>>, vector<16xf32>,
      %add3A_200 = arith.constant 1.000000e-16 : f32
      %add3A_201 = vector.broadcast %add3A_200 : f32 to vector<16xf32>
      %add3A_202 = arith.addf %get3A_199, %add3A_201 : vector<16xf32>
      %div3A_203 = arith.divf %get3A_197, %add3A_202 : vector<16xf32>
      %swap3A_204 = arith.constant 16 : index
      %swap3A_205 = tpu.vector_load %arg15[%swap3A_204] {strides = array<i32>} : memref<640xf32, #tpu.memory_space<vmem>>, vector<16xf32>,
      tpu.vector_store %arg15[%swap3A_204], %div3A_203 {strides = array<i32>} : memref<640xf32, #tpu.memory_space<vmem>>, vector<16xf32>,
      %get3A_206 = arith.constant 32 : index
      %get3A_207 = tpu.vector_load %arg13[%get3A_206] {strides = array<i32>} : memref<640xf32, #tpu.memory_space<vmem>>, vector<16xf32>,
      %get3A_208 = arith.constant 32 : index
      %get3A_209 = tpu.vector_load %arg14[%get3A_208] {strides = array<i32>} : memref<640xf32, #tpu.memory_space<vmem>>, vector<16xf32>,
      %add3A_210 = arith.constant 1.000000e-16 : f32
      %add3A_211 = vector.broadcast %add3A_210 : f32 to vector<16xf32>
      %add3A_212 = arith.addf %get3A_209, %add3A_211 : vector<16xf32>
      %div3A_213 = arith.divf %get3A_207, %add3A_212 : vector<16xf32>
      %swap3A_214 = arith.constant 32 : index
      %swap3A_215 = tpu.vector_load %arg15[%swap3A_214] {strides = array<i32>} : memref<640xf32, #tpu.memory_space<vmem>>, vector<16xf32>,
      tpu.vector_store %arg15[%swap3A_214], %div3A_213 {strides = array<i32>} : memref<640xf32, #tpu.memory_space<vmem>>, vector<16xf32>,
      %get3A_216 = arith.constant 48 : index
      %get3A_217 = tpu.vector_load %arg13[%get3A_216] {strides = array<i32>} : memref<640xf32, #tpu.memory_space<vmem>>, vector<16xf32>,
      %get3A_218 = arith.constant 48 : index
      %get3A_219 = tpu.vector_load %arg14[%get3A_218] {strides = array<i32>} : memref<640xf32, #tpu.memory_space<vmem>>, vector<16xf32>,
      %add3A_220 = arith.constant 1.000000e-16 : f32
      %add3A_221 = vector.broadcast %add3A_220 : f32 to vector<16xf32>
      %add3A_222 = arith.addf %get3A_219, %add3A_221 : vector<16xf32>
      %div3A_223 = arith.divf %get3A_217, %add3A_222 : vector<16xf32>
      %swap3A_224 = arith.constant 48 : index
      %swap3A_225 = tpu.vector_load %arg15[%swap3A_224] {strides = array<i32>} : memref<640xf32, #tpu.memory_space<vmem>>, vector<16xf32>,
      tpu.vector_store %arg15[%swap3A_224], %div3A_223 {strides = array<i32>} : memref<640xf32, #tpu.memory_space<vmem>>, vector<16xf32>,
      %get3A_226 = arith.constant 64 : index
      %get3A_227 = tpu.vector_load %arg13[%get3A_226] {strides = array<i32>} : memref<640xf32, #tpu.memory_space<vmem>>, vector<16xf32>,
      %get3A_228 = arith.constant 64 : index
      %get3A_229 = tpu.vector_load %arg14[%get3A_228] {strides = array<i32>} : memref<640xf32, #tpu.memory_space<vmem>>, vector<16xf32>,
      %add3A_230 = arith.constant 1.000000e-16 : f32
      %add3A_231 = vector.broadcast %add3A_230 : f32 to vector<16xf32>
      %add3A_232 = arith.addf %get3A_229, %add3A_231 : vector<16xf32>
      %div3A_233 = arith.divf %get3A_227, %add3A_232 : vector<16xf32>
      %swap3A_234 = arith.constant 64 : index
      %swap3A_235 = tpu.vector_load %arg15[%swap3A_234] {strides = array<i32>} : memref<640xf32, #tpu.memory_space<vmem>>, vector<16xf32>,
      tpu.vector_store %arg15[%swap3A_234], %div3A_233 {strides = array<i32>} : memref<640xf32, #tpu.memory_space<vmem>>, vector<16xf32>,
      %get3A_236 = arith.constant 80 : index
      %get3A_237 = tpu.vector_load %arg13[%get3A_236] {strides = array<i32>} : memref<640xf32, #tpu.memory_space<vmem>>, vector<16xf32>,
      %get3A_238 = arith.constant 80 : index
      %get3A_239 = tpu.vector_load %arg14[%get3A_238] {strides = array<i32>} : memref<640xf32, #tpu.memory_space<vmem>>, vector<16xf32>,
      %add3A_240 = arith.constant 1.000000e-16 : f32
      %add3A_241 = vector.broadcast %add3A_240 : f32 to vector<16xf32>
      %add3A_242 = arith.addf %get3A_239, %add3A_241 : vector<16xf32>
      %div3A_243 = arith.divf %get3A_237, %add3A_242 : vector<16xf32>
      %swap3A_244 = arith.constant 80 : index
      %swap3A_245 = tpu.vector_load %arg15[%swap3A_244] {strides = array<i32>} : memref<640xf32, #tpu.memory_space<vmem>>, vector<16xf32>,
      tpu.vector_store %arg15[%swap3A_244], %div3A_243 {strides = array<i32>} : memref<640xf32, #tpu.memory_space<vmem>>, vector<16xf32>,
      %get3A_246 = arith.constant 96 : index
      %get3A_247 = tpu.vector_load %arg13[%get3A_246] {strides = array<i32>} : memref<640xf32, #tpu.memory_space<vmem>>, vector<16xf32>,
      %get3A_248 = arith.constant 96 : index
      %get3A_249 = tpu.vector_load %arg14[%get3A_248] {strides = array<i32>} : memref<640xf32, #tpu.memory_space<vmem>>, vector<16xf32>,
      %add3A_250 = arith.constant 1.000000e-16 : f32
      %add3A_251 = vector.broadcast %add3A_250 : f32 to vector<16xf32>
      %add3A_252 = arith.addf %get3A_249, %add3A_251 : vector<16xf32>
      %div3A_253 = arith.divf %get3A_247, %add3A_252 : vector<16xf32>
      %swap3A_254 = arith.constant 96 : index
      %swap3A_255 = tpu.vector_load %arg15[%swap3A_254] {strides = array<i32>} : memref<640xf32, #tpu.memory_space<vmem>>, vector<16xf32>,
      tpu.vector_store %arg15[%swap3A_254], %div3A_253 {strides = array<i32>} : memref<640xf32, #tpu.memory_space<vmem>>, vector<16xf32>,
      %get3A_256 = arith.constant 112 : index
      %get3A_257 = tpu.vector_load %arg13[%get3A_256] {strides = array<i32>} : memref<640xf32, #tpu.memory_space<vmem>>, vector<16xf32>,
      %get3A_258 = arith.constant 112 : index
      %get3A_259 = tpu.vector_load %arg14[%get3A_258] {strides = array<i32>} : memref<640xf32, #tpu.memory_space<vmem>>, vector<16xf32>,
      %add3A_260 = arith.constant 1.000000e-16 : f32
      %add3A_261 = vector.broadcast %add3A_260 : f32 to vector<16xf32>
      %add3A_262 = arith.addf %get3A_259, %add3A_261 : vector<16xf32>
      %div3A_263 = arith.divf %get3A_257, %add3A_262 : vector<16xf32>
      %swap3A_264 = arith.constant 112 : index
      %swap3A_265 = tpu.vector_load %arg15[%swap3A_264] {strides = array<i32>} : memref<640xf32, #tpu.memory_space<vmem>>, vector<16xf32>,
      tpu.vector_store %arg15[%swap3A_264], %div3A_263 {strides = array<i32>} : memref<640xf32, #tpu.memory_space<vmem>>, vector<16xf32>,
      %get3A_266 = arith.constant 128 : index
      %get3A_267 = tpu.vector_load %arg13[%get3A_266] {strides = array<i32>} : memref<640xf32, #tpu.memory_space<vmem>>, vector<16xf32>,
      %get3A_268 = arith.constant 128 : index
      %get3A_269 = tpu.vector_load %arg14[%get3A_268] {strides = array<i32>} : memref<640xf32, #tpu.memory_space<vmem>>, vector<16xf32>,
      %add3A_270 = arith.constant 1.000000e-16 : f32
      %add3A_271 = vector.broadcast %add3A_270 : f32 to vector<16xf32>
      %add3A_272 = arith.addf %get3A_269, %add3A_271 : vector<16xf32>
      %div3A_273 = arith.divf %get3A_267, %add3A_272 : vector<16xf32>
      %swap3A_274 = arith.constant 128 : index
      %swap3A_275 = tpu.vector_load %arg15[%swap3A_274] {strides = array<i32>} : memref<640xf32, #tpu.memory_space<vmem>>, vector<16xf32>,
      tpu.vector_store %arg15[%swap3A_274], %div3A_273 {strides = array<i32>} : memref<640xf32, #tpu.memory_space<vmem>>, vector<16xf32>,
      %get3A_276 = arith.constant 144 : index
      %get3A_277 = tpu.vector_load %arg13[%get3A_276] {strides = array<i32>} : memref<640xf32, #tpu.memory_space<vmem>>, vector<16xf32>,
      %get3A_278 = arith.constant 144 : index
      %get3A_279 = tpu.vector_load %arg14[%get3A_278] {strides = array<i32>} : memref<640xf32, #tpu.memory_space<vmem>>, vector<16xf32>,
      %add3A_280 = arith.constant 1.000000e-16 : f32
      %add3A_281 = vector.broadcast %add3A_280 : f32 to vector<16xf32>
      %add3A_282 = arith.addf %get3A_279, %add3A_281 : vector<16xf32>
      %div3A_283 = arith.divf %get3A_277, %add3A_282 : vector<16xf32>
      %swap3A_284 = arith.constant 144 : index
      %swap3A_285 = tpu.vector_load %arg15[%swap3A_284] {strides = array<i32>} : memref<640xf32, #tpu.memory_space<vmem>>, vector<16xf32>,
      tpu.vector_store %arg15[%swap3A_284], %div3A_283 {strides = array<i32>} : memref<640xf32, #tpu.memory_space<vmem>>, vector<16xf32>,
      %get3A_286 = arith.constant 160 : index
      %get3A_287 = tpu.vector_load %arg13[%get3A_286] {strides = array<i32>} : memref<640xf32, #tpu.memory_space<vmem>>, vector<16xf32>,
      %get3A_288 = arith.constant 160 : index
      %get3A_289 = tpu.vector_load %arg14[%get3A_288] {strides = array<i32>} : memref<640xf32, #tpu.memory_space<vmem>>, vector<16xf32>,
      %add3A_290 = arith.constant 1.000000e-16 : f32
      %add3A_291 = vector.broadcast %add3A_290 : f32 to vector<16xf32>
      %add3A_292 = arith.addf %get3A_289, %add3A_291 : vector<16xf32>
      %div3A_293 = arith.divf %get3A_287, %add3A_292 : vector<16xf32>
      %swap3A_294 = arith.constant 160 : index
      %swap3A_295 = tpu.vector_load %arg15[%swap3A_294] {strides = array<i32>} : memref<640xf32, #tpu.memory_space<vmem>>, vector<16xf32>,
      tpu.vector_store %arg15[%swap3A_294], %div3A_293 {strides = array<i32>} : memref<640xf32, #tpu.memory_space<vmem>>, vector<16xf32>,
      %get3A_296 = arith.constant 176 : index
      %get3A_297 = tpu.vector_load %arg13[%get3A_296] {strides = array<i32>} : memref<640xf32, #tpu.memory_space<vmem>>, vector<16xf32>,
      %get3A_298 = arith.constant 176 : index
      %get3A_299 = tpu.vector_load %arg14[%get3A_298] {strides = array<i32>} : memref<640xf32, #tpu.memory_space<vmem>>, vector<16xf32>,
      %add3A_300 = arith.constant 1.000000e-16 : f32
      %add3A_301 = vector.broadcast %add3A_300 : f32 to vector<16xf32>
      %add3A_302 = arith.addf %get3A_299, %add3A_301 : vector<16xf32>
      %div3A_303 = arith.divf %get3A_297, %add3A_302 : vector<16xf32>
      %swap3A_304 = arith.constant 176 : index
      %swap3A_305 = tpu.vector_load %arg15[%swap3A_304] {strides = array<i32>} : memref<640xf32, #tpu.memory_space<vmem>>, vector<16xf32>,
      tpu.vector_store %arg15[%swap3A_304], %div3A_303 {strides = array<i32>} : memref<640xf32, #tpu.memory_space<vmem>>, vector<16xf32>,
      %get3A_306 = arith.constant 192 : index
      %get3A_307 = tpu.vector_load %arg13[%get3A_306] {strides = array<i32>} : memref<640xf32, #tpu.memory_space<vmem>>, vector<16xf32>,
      %get3A_308 = arith.constant 192 : index
      %get3A_309 = tpu.vector_load %arg14[%get3A_308] {strides = array<i32>} : memref<640xf32, #tpu.memory_space<vmem>>, vector<16xf32>,
      %add3A_310 = arith.constant 1.000000e-16 : f32
      %add3A_311 = vector.broadcast %add3A_310 : f32 to vector<16xf32>
      %add3A_312 = arith.addf %get3A_309, %add3A_311 : vector<16xf32>
      %div3A_313 = arith.divf %get3A_307, %add3A_312 : vector<16xf32>
      %swap3A_314 = arith.constant 192 : index
      %swap3A_315 = tpu.vector_load %arg15[%swap3A_314] {strides = array<i32>} : memref<640xf32, #tpu.memory_space<vmem>>, vector<16xf32>,
      tpu.vector_store %arg15[%swap3A_314], %div3A_313 {strides = array<i32>} : memref<640xf32, #tpu.memory_space<vmem>>, vector<16xf32>,
      %get3A_316 = arith.constant 208 : index
      %get3A_317 = tpu.vector_load %arg13[%get3A_316] {strides = array<i32>} : memref<640xf32, #tpu.memory_space<vmem>>, vector<16xf32>,
      %get3A_318 = arith.constant 208 : index
      %get3A_319 = tpu.vector_load %arg14[%get3A_318] {strides = array<i32>} : memref<640xf32, #tpu.memory_space<vmem>>, vector<16xf32>,
      %add3A_320 = arith.constant 1.000000e-16 : f32
      %add3A_321 = vector.broadcast %add3A_320 : f32 to vector<16xf32>
      %add3A_322 = arith.addf %get3A_319, %add3A_321 : vector<16xf32>
      %div3A_323 = arith.divf %get3A_317, %add3A_322 : vector<16xf32>
      %swap3A_324 = arith.constant 208 : index
      %swap3A_325 = tpu.vector_load %arg15[%swap3A_324] {strides = array<i32>} : memref<640xf32, #tpu.memory_space<vmem>>, vector<16xf32>,
      tpu.vector_store %arg15[%swap3A_324], %div3A_323 {strides = array<i32>} : memref<640xf32, #tpu.memory_space<vmem>>, vector<16xf32>,
      %get3A_326 = arith.constant 224 : index
      %get3A_327 = tpu.vector_load %arg13[%get3A_326] {strides = array<i32>} : memref<640xf32, #tpu.memory_space<vmem>>, vector<16xf32>,
      %get3A_328 = arith.constant 224 : index
      %get3A_329 = tpu.vector_load %arg14[%get3A_328] {strides = array<i32>} : memref<640xf32, #tpu.memory_space<vmem>>, vector<16xf32>,
      %add3A_330 = arith.constant 1.000000e-16 : f32
      %add3A_331 = vector.broadcast %add3A_330 : f32 to vector<16xf32>
      %add3A_332 = arith.addf %get3A_329, %add3A_331 : vector<16xf32>
      %div3A_333 = arith.divf %get3A_327, %add3A_332 : vector<16xf32>
      %swap3A_334 = arith.constant 224 : index
      %swap3A_335 = tpu.vector_load %arg15[%swap3A_334] {strides = array<i32>} : memref<640xf32, #tpu.memory_space<vmem>>, vector<16xf32>,
      tpu.vector_store %arg15[%swap3A_334], %div3A_333 {strides = array<i32>} : memref<640xf32, #tpu.memory_space<vmem>>, vector<16xf32>,
      %get3A_336 = arith.constant 240 : index
      %get3A_337 = tpu.vector_load %arg13[%get3A_336] {strides = array<i32>} : memref<640xf32, #tpu.memory_space<vmem>>, vector<16xf32>,
      %get3A_338 = arith.constant 240 : index
      %get3A_339 = tpu.vector_load %arg14[%get3A_338] {strides = array<i32>} : memref<640xf32, #tpu.memory_space<vmem>>, vector<16xf32>,
      %add3A_340 = arith.constant 1.000000e-16 : f32
      %add3A_341 = vector.broadcast %add3A_340 : f32 to vector<16xf32>
      %add3A_342 = arith.addf %get3A_339, %add3A_341 : vector<16xf32>
      %div3A_343 = arith.divf %get3A_337, %add3A_342 : vector<16xf32>
      %swap3A_344 = arith.constant 240 : index
      %swap3A_345 = tpu.vector_load %arg15[%swap3A_344] {strides = array<i32>} : memref<640xf32, #tpu.memory_space<vmem>>, vector<16xf32>,
      tpu.vector_store %arg15[%swap3A_344], %div3A_343 {strides = array<i32>} : memref<640xf32, #tpu.memory_space<vmem>>, vector<16xf32>,
      %get3A_346 = arith.constant 256 : index
      %get3A_347 = tpu.vector_load %arg13[%get3A_346] {strides = array<i32>} : memref<640xf32, #tpu.memory_space<vmem>>, vector<16xf32>,
      %get3A_348 = arith.constant 256 : index
      %get3A_349 = tpu.vector_load %arg14[%get3A_348] {strides = array<i32>} : memref<640xf32, #tpu.memory_space<vmem>>, vector<16xf32>,
      %add3A_350 = arith.constant 1.000000e-16 : f32
      %add3A_351 = vector.broadcast %add3A_350 : f32 to vector<16xf32>
      %add3A_352 = arith.addf %get3A_349, %add3A_351 : vector<16xf32>
      %div3A_353 = arith.divf %get3A_347, %add3A_352 : vector<16xf32>
      %swap3A_354 = arith.constant 256 : index
      %swap3A_355 = tpu.vector_load %arg15[%swap3A_354] {strides = array<i32>} : memref<640xf32, #tpu.memory_space<vmem>>, vector<16xf32>,
      tpu.vector_store %arg15[%swap3A_354], %div3A_353 {strides = array<i32>} : memref<640xf32, #tpu.memory_space<vmem>>, vector<16xf32>,
      %get3A_356 = arith.constant 272 : index
      %get3A_357 = tpu.vector_load %arg13[%get3A_356] {strides = array<i32>} : memref<640xf32, #tpu.memory_space<vmem>>, vector<16xf32>,
      %get3A_358 = arith.constant 272 : index
      %get3A_359 = tpu.vector_load %arg14[%get3A_358] {strides = array<i32>} : memref<640xf32, #tpu.memory_space<vmem>>, vector<16xf32>,
      %add3A_360 = arith.constant 1.000000e-16 : f32
      %add3A_361 = vector.broadcast %add3A_360 : f32 to vector<16xf32>
      %add3A_362 = arith.addf %get3A_359, %add3A_361 : vector<16xf32>
      %div3A_363 = arith.divf %get3A_357, %add3A_362 : vector<16xf32>
      %swap3A_364 = arith.constant 272 : index
      %swap3A_365 = tpu.vector_load %arg15[%swap3A_364] {strides = array<i32>} : memref<640xf32, #tpu.memory_space<vmem>>, vector<16xf32>,
      tpu.vector_store %arg15[%swap3A_364], %div3A_363 {strides = array<i32>} : memref<640xf32, #tpu.memory_space<vmem>>, vector<16xf32>,
      %get3A_366 = arith.constant 288 : index
      %get3A_367 = tpu.vector_load %arg13[%get3A_366] {strides = array<i32>} : memref<640xf32, #tpu.memory_space<vmem>>, vector<16xf32>,
      %get3A_368 = arith.constant 288 : index
      %get3A_369 = tpu.vector_load %arg14[%get3A_368] {strides = array<i32>} : memref<640xf32, #tpu.memory_space<vmem>>, vector<16xf32>,
      %add3A_370 = arith.constant 1.000000e-16 : f32
      %add3A_371 = vector.broadcast %add3A_370 : f32 to vector<16xf32>
      %add3A_372 = arith.addf %get3A_369, %add3A_371 : vector<16xf32>
      %div3A_373 = arith.divf %get3A_367, %add3A_372 : vector<16xf32>
      %swap3A_374 = arith.constant 288 : index
      %swap3A_375 = tpu.vector_load %arg15[%swap3A_374] {strides = array<i32>} : memref<640xf32, #tpu.memory_space<vmem>>, vector<16xf32>,
      tpu.vector_store %arg15[%swap3A_374], %div3A_373 {strides = array<i32>} : memref<640xf32, #tpu.memory_space<vmem>>, vector<16xf32>,
      %get3A_376 = arith.constant 304 : index
      %get3A_377 = tpu.vector_load %arg13[%get3A_376] {strides = array<i32>} : memref<640xf32, #tpu.memory_space<vmem>>, vector<16xf32>,
      %get3A_378 = arith.constant 304 : index
      %get3A_379 = tpu.vector_load %arg14[%get3A_378] {strides = array<i32>} : memref<640xf32, #tpu.memory_space<vmem>>, vector<16xf32>,
      %add3A_380 = arith.constant 1.000000e-16 : f32
      %add3A_381 = vector.broadcast %add3A_380 : f32 to vector<16xf32>
      %add3A_382 = arith.addf %get3A_379, %add3A_381 : vector<16xf32>
      %div3A_383 = arith.divf %get3A_377, %add3A_382 : vector<16xf32>
      %swap3A_384 = arith.constant 304 : index
      %swap3A_385 = tpu.vector_load %arg15[%swap3A_384] {strides = array<i32>} : memref<640xf32, #tpu.memory_space<vmem>>, vector<16xf32>,
      tpu.vector_store %arg15[%swap3A_384], %div3A_383 {strides = array<i32>} : memref<640xf32, #tpu.memory_space<vmem>>, vector<16xf32>,
      %get3A_386 = arith.constant 320 : index
      %get3A_387 = tpu.vector_load %arg13[%get3A_386] {strides = array<i32>} : memref<640xf32, #tpu.memory_space<vmem>>, vector<16xf32>,
      %get3A_388 = arith.constant 320 : index
      %get3A_389 = tpu.vector_load %arg14[%get3A_388] {strides = array<i32>} : memref<640xf32, #tpu.memory_space<vmem>>, vector<16xf32>,
      %add3A_390 = arith.constant 1.000000e-16 : f32
      %add3A_391 = vector.broadcast %add3A_390 : f32 to vector<16xf32>
      %add3A_392 = arith.addf %get3A_389, %add3A_391 : vector<16xf32>
      %div3A_393 = arith.divf %get3A_387, %add3A_392 : vector<16xf32>
      %swap3A_394 = arith.constant 320 : index
      %swap3A_395 = tpu.vector_load %arg15[%swap3A_394] {strides = array<i32>} : memref<640xf32, #tpu.memory_space<vmem>>, vector<16xf32>,
      tpu.vector_store %arg15[%swap3A_394], %div3A_393 {strides = array<i32>} : memref<640xf32, #tpu.memory_space<vmem>>, vector<16xf32>,
      %get3A_396 = arith.constant 336 : index
      %get3A_397 = tpu.vector_load %arg13[%get3A_396] {strides = array<i32>} : memref<640xf32, #tpu.memory_space<vmem>>, vector<16xf32>,
      %get3A_398 = arith.constant 336 : index
      %get3A_399 = tpu.vector_load %arg14[%get3A_398] {strides = array<i32>} : memref<640xf32, #tpu.memory_space<vmem>>, vector<16xf32>,
      %add3A_400 = arith.constant 1.000000e-16 : f32
      %add3A_401 = vector.broadcast %add3A_400 : f32 to vector<16xf32>
      %add3A_402 = arith.addf %get3A_399, %add3A_401 : vector<16xf32>
      %div3A_403 = arith.divf %get3A_397, %add3A_402 : vector<16xf32>
      %swap3A_404 = arith.constant 336 : index
      %swap3A_405 = tpu.vector_load %arg15[%swap3A_404] {strides = array<i32>} : memref<640xf32, #tpu.memory_space<vmem>>, vector<16xf32>,
      tpu.vector_store %arg15[%swap3A_404], %div3A_403 {strides = array<i32>} : memref<640xf32, #tpu.memory_space<vmem>>, vector<16xf32>,
      %get3A_406 = arith.constant 352 : index
      %get3A_407 = tpu.vector_load %arg13[%get3A_406] {strides = array<i32>} : memref<640xf32, #tpu.memory_space<vmem>>, vector<16xf32>,
      %get3A_408 = arith.constant 352 : index
      %get3A_409 = tpu.vector_load %arg14[%get3A_408] {strides = array<i32>} : memref<640xf32, #tpu.memory_space<vmem>>, vector<16xf32>,
      %add3A_410 = arith.constant 1.000000e-16 : f32
      %add3A_411 = vector.broadcast %add3A_410 : f32 to vector<16xf32>
      %add3A_412 = arith.addf %get3A_409, %add3A_411 : vector<16xf32>
      %div3A_413 = arith.divf %get3A_407, %add3A_412 : vector<16xf32>
      %swap3A_414 = arith.constant 352 : index
      %swap3A_415 = tpu.vector_load %arg15[%swap3A_414] {strides = array<i32>} : memref<640xf32, #tpu.memory_space<vmem>>, vector<16xf32>,
      tpu.vector_store %arg15[%swap3A_414], %div3A_413 {strides = array<i32>} : memref<640xf32, #tpu.memory_space<vmem>>, vector<16xf32>,
      %get3A_416 = arith.constant 368 : index
      %get3A_417 = tpu.vector_load %arg13[%get3A_416] {strides = array<i32>} : memref<640xf32, #tpu.memory_space<vmem>>, vector<16xf32>,
      %get3A_418 = arith.constant 368 : index
      %get3A_419 = tpu.vector_load %arg14[%get3A_418] {strides = array<i32>} : memref<640xf32, #tpu.memory_space<vmem>>, vector<16xf32>,
      %add3A_420 = arith.constant 1.000000e-16 : f32
      %add3A_421 = vector.broadcast %add3A_420 : f32 to vector<16xf32>
      %add3A_422 = arith.addf %get3A_419, %add3A_421 : vector<16xf32>
      %div3A_423 = arith.divf %get3A_417, %add3A_422 : vector<16xf32>
      %swap3A_424 = arith.constant 368 : index
      %swap3A_425 = tpu.vector_load %arg15[%swap3A_424] {strides = array<i32>} : memref<640xf32, #tpu.memory_space<vmem>>, vector<16xf32>,
      tpu.vector_store %arg15[%swap3A_424], %div3A_423 {strides = array<i32>} : memref<640xf32, #tpu.memory_space<vmem>>, vector<16xf32>,
      %get3A_426 = arith.constant 384 : index
      %get3A_427 = tpu.vector_load %arg13[%get3A_426] {strides = array<i32>} : memref<640xf32, #tpu.memory_space<vmem>>, vector<16xf32>,
      %get3A_428 = arith.constant 384 : index
      %get3A_429 = tpu.vector_load %arg14[%get3A_428] {strides = array<i32>} : memref<640xf32, #tpu.memory_space<vmem>>, vector<16xf32>,
      %add3A_430 = arith.constant 1.000000e-16 : f32
      %add3A_431 = vector.broadcast %add3A_430 : f32 to vector<16xf32>
      %add3A_432 = arith.addf %get3A_429, %add3A_431 : vector<16xf32>
      %div3A_433 = arith.divf %get3A_427, %add3A_432 : vector<16xf32>
      %swap3A_434 = arith.constant 384 : index
      %swap3A_435 = tpu.vector_load %arg15[%swap3A_434] {strides = array<i32>} : memref<640xf32, #tpu.memory_space<vmem>>, vector<16xf32>,
      tpu.vector_store %arg15[%swap3A_434], %div3A_433 {strides = array<i32>} : memref<640xf32, #tpu.memory_space<vmem>>, vector<16xf32>,
      %get3A_436 = arith.constant 400 : index
      %get3A_437 = tpu.vector_load %arg13[%get3A_436] {strides = array<i32>} : memref<640xf32, #tpu.memory_space<vmem>>, vector<16xf32>,
      %get3A_438 = arith.constant 400 : index
      %get3A_439 = tpu.vector_load %arg14[%get3A_438] {strides = array<i32>} : memref<640xf32, #tpu.memory_space<vmem>>, vector<16xf32>,
      %add3A_440 = arith.constant 1.000000e-16 : f32
      %add3A_441 = vector.broadcast %add3A_440 : f32 to vector<16xf32>
      %add3A_442 = arith.addf %get3A_439, %add3A_441 : vector<16xf32>
      %div3A_443 = arith.divf %get3A_437, %add3A_442 : vector<16xf32>
      %swap3A_444 = arith.constant 400 : index
      %swap3A_445 = tpu.vector_load %arg15[%swap3A_444] {strides = array<i32>} : memref<640xf32, #tpu.memory_space<vmem>>, vector<16xf32>,
      tpu.vector_store %arg15[%swap3A_444], %div3A_443 {strides = array<i32>} : memref<640xf32, #tpu.memory_space<vmem>>, vector<16xf32>,
      %get3A_446 = arith.constant 416 : index
      %get3A_447 = tpu.vector_load %arg13[%get3A_446] {strides = array<i32>} : memref<640xf32, #tpu.memory_space<vmem>>, vector<16xf32>,
      %get3A_448 = arith.constant 416 : index
      %get3A_449 = tpu.vector_load %arg14[%get3A_448] {strides = array<i32>} : memref<640xf32, #tpu.memory_space<vmem>>, vector<16xf32>,
      %add3A_450 = arith.constant 1.000000e-16 : f32
      %add3A_451 = vector.broadcast %add3A_450 : f32 to vector<16xf32>
      %add3A_452 = arith.addf %get3A_449, %add3A_451 : vector<16xf32>
      %div3A_453 = arith.divf %get3A_447, %add3A_452 : vector<16xf32>
      %swap3A_454 = arith.constant 416 : index
      %swap3A_455 = tpu.vector_load %arg15[%swap3A_454] {strides = array<i32>} : memref<640xf32, #tpu.memory_space<vmem>>, vector<16xf32>,
      tpu.vector_store %arg15[%swap3A_454], %div3A_453 {strides = array<i32>} : memref<640xf32, #tpu.memory_space<vmem>>, vector<16xf32>,
      %get3A_456 = arith.constant 432 : index
      %get3A_457 = tpu.vector_load %arg13[%get3A_456] {strides = array<i32>} : memref<640xf32, #tpu.memory_space<vmem>>, vector<16xf32>,
      %get3A_458 = arith.constant 432 : index
      %get3A_459 = tpu.vector_load %arg14[%get3A_458] {strides = array<i32>} : memref<640xf32, #tpu.memory_space<vmem>>, vector<16xf32>,
      %add3A_460 = arith.constant 1.000000e-16 : f32
      %add3A_461 = vector.broadcast %add3A_460 : f32 to vector<16xf32>
      %add3A_462 = arith.addf %get3A_459, %add3A_461 : vector<16xf32>
      %div3A_463 = arith.divf %get3A_457, %add3A_462 : vector<16xf32>
      %swap3A_464 = arith.constant 432 : index
      %swap3A_465 = tpu.vector_load %arg15[%swap3A_464] {strides = array<i32>} : memref<640xf32, #tpu.memory_space<vmem>>, vector<16xf32>,
      tpu.vector_store %arg15[%swap3A_464], %div3A_463 {strides = array<i32>} : memref<640xf32, #tpu.memory_space<vmem>>, vector<16xf32>,
      %get3A_466 = arith.constant 448 : index
      %get3A_467 = tpu.vector_load %arg13[%get3A_466] {strides = array<i32>} : memref<640xf32, #tpu.memory_space<vmem>>, vector<16xf32>,
      %get3A_468 = arith.constant 448 : index
      %get3A_469 = tpu.vector_load %arg14[%get3A_468] {strides = array<i32>} : memref<640xf32, #tpu.memory_space<vmem>>, vector<16xf32>,
      %add3A_470 = arith.constant 1.000000e-16 : f32
      %add3A_471 = vector.broadcast %add3A_470 : f32 to vector<16xf32>
      %add3A_472 = arith.addf %get3A_469, %add3A_471 : vector<16xf32>
      %div3A_473 = arith.divf %get3A_467, %add3A_472 : vector<16xf32>
      %swap3A_474 = arith.constant 448 : index
      %swap3A_475 = tpu.vector_load %arg15[%swap3A_474] {strides = array<i32>} : memref<640xf32, #tpu.memory_space<vmem>>, vector<16xf32>,
      tpu.vector_store %arg15[%swap3A_474], %div3A_473 {strides = array<i32>} : memref<640xf32, #tpu.memory_space<vmem>>, vector<16xf32>,
      %get3A_476 = arith.constant 464 : index
      %get3A_477 = tpu.vector_load %arg13[%get3A_476] {strides = array<i32>} : memref<640xf32, #tpu.memory_space<vmem>>, vector<16xf32>,
      %get3A_478 = arith.constant 464 : index
      %get3A_479 = tpu.vector_load %arg14[%get3A_478] {strides = array<i32>} : memref<640xf32, #tpu.memory_space<vmem>>, vector<16xf32>,
      %add3A_480 = arith.constant 1.000000e-16 : f32
      %add3A_481 = vector.broadcast %add3A_480 : f32 to vector<16xf32>
      %add3A_482 = arith.addf %get3A_479, %add3A_481 : vector<16xf32>
      %div3A_483 = arith.divf %get3A_477, %add3A_482 : vector<16xf32>
      %swap3A_484 = arith.constant 464 : index
      %swap3A_485 = tpu.vector_load %arg15[%swap3A_484] {strides = array<i32>} : memref<640xf32, #tpu.memory_space<vmem>>, vector<16xf32>,
      tpu.vector_store %arg15[%swap3A_484], %div3A_483 {strides = array<i32>} : memref<640xf32, #tpu.memory_space<vmem>>, vector<16xf32>,
      %get3A_486 = arith.constant 480 : index
      %get3A_487 = tpu.vector_load %arg13[%get3A_486] {strides = array<i32>} : memref<640xf32, #tpu.memory_space<vmem>>, vector<16xf32>,
      %get3A_488 = arith.constant 480 : index
      %get3A_489 = tpu.vector_load %arg14[%get3A_488] {strides = array<i32>} : memref<640xf32, #tpu.memory_space<vmem>>, vector<16xf32>,
      %add3A_490 = arith.constant 1.000000e-16 : f32
      %add3A_491 = vector.broadcast %add3A_490 : f32 to vector<16xf32>
      %add3A_492 = arith.addf %get3A_489, %add3A_491 : vector<16xf32>
      %div3A_493 = arith.divf %get3A_487, %add3A_492 : vector<16xf32>
      %swap3A_494 = arith.constant 480 : index
      %swap3A_495 = tpu.vector_load %arg15[%swap3A_494] {strides = array<i32>} : memref<640xf32, #tpu.memory_space<vmem>>, vector<16xf32>,
      tpu.vector_store %arg15[%swap3A_494], %div3A_493 {strides = array<i32>} : memref<640xf32, #tpu.memory_space<vmem>>, vector<16xf32>,
      %get3A_496 = arith.constant 496 : index
      %get3A_497 = tpu.vector_load %arg13[%get3A_496] {strides = array<i32>} : memref<640xf32, #tpu.memory_space<vmem>>, vector<16xf32>,
      %get3A_498 = arith.constant 496 : index
      %get3A_499 = tpu.vector_load %arg14[%get3A_498] {strides = array<i32>} : memref<640xf32, #tpu.memory_space<vmem>>, vector<16xf32>,
      %add3A_500 = arith.constant 1.000000e-16 : f32
      %add3A_501 = vector.broadcast %add3A_500 : f32 to vector<16xf32>
      %add3A_502 = arith.addf %get3A_499, %add3A_501 : vector<16xf32>
      %div3A_503 = arith.divf %get3A_497, %add3A_502 : vector<16xf32>
      %swap3A_504 = arith.constant 496 : index
      %swap3A_505 = tpu.vector_load %arg15[%swap3A_504] {strides = array<i32>} : memref<640xf32, #tpu.memory_space<vmem>>, vector<16xf32>,
      tpu.vector_store %arg15[%swap3A_504], %div3A_503 {strides = array<i32>} : memref<640xf32, #tpu.memory_space<vmem>>, vector<16xf32>,
      %get3A_506 = arith.constant 512 : index
      %get3A_507 = tpu.vector_load %arg13[%get3A_506] {strides = array<i32>} : memref<640xf32, #tpu.memory_space<vmem>>, vector<16xf32>,
      %get3A_508 = arith.constant 512 : index
      %get3A_509 = tpu.vector_load %arg14[%get3A_508] {strides = array<i32>} : memref<640xf32, #tpu.memory_space<vmem>>, vector<16xf32>,
      %add3A_510 = arith.constant 1.000000e-16 : f32
      %add3A_511 = vector.broadcast %add3A_510 : f32 to vector<16xf32>
      %add3A_512 = arith.addf %get3A_509, %add3A_511 : vector<16xf32>
      %div3A_513 = arith.divf %get3A_507, %add3A_512 : vector<16xf32>
      %swap3A_514 = arith.constant 512 : index
      %swap3A_515 = tpu.vector_load %arg15[%swap3A_514] {strides = array<i32>} : memref<640xf32, #tpu.memory_space<vmem>>, vector<16xf32>,
      tpu.vector_store %arg15[%swap3A_514], %div3A_513 {strides = array<i32>} : memref<640xf32, #tpu.memory_space<vmem>>, vector<16xf32>,
      %get3A_516 = arith.constant 528 : index
      %get3A_517 = tpu.vector_load %arg13[%get3A_516] {strides = array<i32>} : memref<640xf32, #tpu.memory_space<vmem>>, vector<16xf32>,
      %get3A_518 = arith.constant 528 : index
      %get3A_519 = tpu.vector_load %arg14[%get3A_518] {strides = array<i32>} : memref<640xf32, #tpu.memory_space<vmem>>, vector<16xf32>,
      %add3A_520 = arith.constant 1.000000e-16 : f32
      %add3A_521 = vector.broadcast %add3A_520 : f32 to vector<16xf32>
      %add3A_522 = arith.addf %get3A_519, %add3A_521 : vector<16xf32>
      %div3A_523 = arith.divf %get3A_517, %add3A_522 : vector<16xf32>
      %swap3A_524 = arith.constant 528 : index
      %swap3A_525 = tpu.vector_load %arg15[%swap3A_524] {strides = array<i32>} : memref<640xf32, #tpu.memory_space<vmem>>, vector<16xf32>,
      tpu.vector_store %arg15[%swap3A_524], %div3A_523 {strides = array<i32>} : memref<640xf32, #tpu.memory_space<vmem>>, vector<16xf32>,
      %get3A_526 = arith.constant 544 : index
      %get3A_527 = tpu.vector_load %arg13[%get3A_526] {strides = array<i32>} : memref<640xf32, #tpu.memory_space<vmem>>, vector<16xf32>,
      %get3A_528 = arith.constant 544 : index
      %get3A_529 = tpu.vector_load %arg14[%get3A_528] {strides = array<i32>} : memref<640xf32, #tpu.memory_space<vmem>>, vector<16xf32>,
      %add3A_530 = arith.constant 1.000000e-16 : f32
      %add3A_531 = vector.broadcast %add3A_530 : f32 to vector<16xf32>
      %add3A_532 = arith.addf %get3A_529, %add3A_531 : vector<16xf32>
      %div3A_533 = arith.divf %get3A_527, %add3A_532 : vector<16xf32>
      %swap3A_534 = arith.constant 544 : index
      %swap3A_535 = tpu.vector_load %arg15[%swap3A_534] {strides = array<i32>} : memref<640xf32, #tpu.memory_space<vmem>>, vector<16xf32>,
      tpu.vector_store %arg15[%swap3A_534], %div3A_533 {strides = array<i32>} : memref<640xf32, #tpu.memory_space<vmem>>, vector<16xf32>,
      %get3A_536 = arith.constant 560 : index
      %get3A_537 = tpu.vector_load %arg13[%get3A_536] {strides = array<i32>} : memref<640xf32, #tpu.memory_space<vmem>>, vector<16xf32>,
      %get3A_538 = arith.constant 560 : index
      %get3A_539 = tpu.vector_load %arg14[%get3A_538] {strides = array<i32>} : memref<640xf32, #tpu.memory_space<vmem>>, vector<16xf32>,
      %add3A_540 = arith.constant 1.000000e-16 : f32
      %add3A_541 = vector.broadcast %add3A_540 : f32 to vector<16xf32>
      %add3A_542 = arith.addf %get3A_539, %add3A_541 : vector<16xf32>
      %div3A_543 = arith.divf %get3A_537, %add3A_542 : vector<16xf32>
      %swap3A_544 = arith.constant 560 : index
      %swap3A_545 = tpu.vector_load %arg15[%swap3A_544] {strides = array<i32>} : memref<640xf32, #tpu.memory_space<vmem>>, vector<16xf32>,
      tpu.vector_store %arg15[%swap3A_544], %div3A_543 {strides = array<i32>} : memref<640xf32, #tpu.memory_space<vmem>>, vector<16xf32>,
      %get3A_546 = arith.constant 576 : index
      %get3A_547 = tpu.vector_load %arg13[%get3A_546] {strides = array<i32>} : memref<640xf32, #tpu.memory_space<vmem>>, vector<16xf32>,
      %get3A_548 = arith.constant 576 : index
      %get3A_549 = tpu.vector_load %arg14[%get3A_548] {strides = array<i32>} : memref<640xf32, #tpu.memory_space<vmem>>, vector<16xf32>,
      %add3A_550 = arith.constant 1.000000e-16 : f32
      %add3A_551 = vector.broadcast %add3A_550 : f32 to vector<16xf32>
      %add3A_552 = arith.addf %get3A_549, %add3A_551 : vector<16xf32>
      %div3A_553 = arith.divf %get3A_547, %add3A_552 : vector<16xf32>
      %swap3A_554 = arith.constant 576 : index
      %swap3A_555 = tpu.vector_load %arg15[%swap3A_554] {strides = array<i32>} : memref<640xf32, #tpu.memory_space<vmem>>, vector<16xf32>,
      tpu.vector_store %arg15[%swap3A_554], %div3A_553 {strides = array<i32>} : memref<640xf32, #tpu.memory_space<vmem>>, vector<16xf32>,
      %get3A_556 = arith.constant 592 : index
      %get3A_557 = tpu.vector_load %arg13[%get3A_556] {strides = array<i32>} : memref<640xf32, #tpu.memory_space<vmem>>, vector<16xf32>,
      %get3A_558 = arith.constant 592 : index
      %get3A_559 = tpu.vector_load %arg14[%get3A_558] {strides = array<i32>} : memref<640xf32, #tpu.memory_space<vmem>>, vector<16xf32>,
      %add3A_560 = arith.constant 1.000000e-16 : f32
      %add3A_561 = vector.broadcast %add3A_560 : f32 to vector<16xf32>
      %add3A_562 = arith.addf %get3A_559, %add3A_561 : vector<16xf32>
      %div3A_563 = arith.divf %get3A_557, %add3A_562 : vector<16xf32>
      %swap3A_564 = arith.constant 592 : index
      %swap3A_565 = tpu.vector_load %arg15[%swap3A_564] {strides = array<i32>} : memref<640xf32, #tpu.memory_space<vmem>>, vector<16xf32>,
      tpu.vector_store %arg15[%swap3A_564], %div3A_563 {strides = array<i32>} : memref<640xf32, #tpu.memory_space<vmem>>, vector<16xf32>,
      %get3A_566 = arith.constant 608 : index
      %get3A_567 = tpu.vector_load %arg13[%get3A_566] {strides = array<i32>} : memref<640xf32, #tpu.memory_space<vmem>>, vector<16xf32>,
      %get3A_568 = arith.constant 608 : index
      %get3A_569 = tpu.vector_load %arg14[%get3A_568] {strides = array<i32>} : memref<640xf32, #tpu.memory_space<vmem>>, vector<16xf32>,
      %add3A_570 = arith.constant 1.000000e-16 : f32
      %add3A_571 = vector.broadcast %add3A_570 : f32 to vector<16xf32>
      %add3A_572 = arith.addf %get3A_569, %add3A_571 : vector<16xf32>
      %div3A_573 = arith.divf %get3A_567, %add3A_572 : vector<16xf32>
      %swap3A_574 = arith.constant 608 : index
      %swap3A_575 = tpu.vector_load %arg15[%swap3A_574] {strides = array<i32>} : memref<640xf32, #tpu.memory_space<vmem>>, vector<16xf32>,
      tpu.vector_store %arg15[%swap3A_574], %div3A_573 {strides = array<i32>} : memref<640xf32, #tpu.memory_space<vmem>>, vector<16xf32>,
      %get3A_576 = arith.constant 624 : index
      %get3A_577 = tpu.vector_load %arg13[%get3A_576] {strides = array<i32>} : memref<640xf32, #tpu.memory_space<vmem>>, vector<16xf32>,
      %get3A_578 = arith.constant 624 : index
      %get3A_579 = tpu.vector_load %arg14[%get3A_578] {strides = array<i32>} : memref<640xf32, #tpu.memory_space<vmem>>, vector<16xf32>,
      %add3A_580 = arith.constant 1.000000e-16 : f32
      %add3A_581 = vector.broadcast %add3A_580 : f32 to vector<16xf32>
      %add3A_582 = arith.addf %get3A_579, %add3A_581 : vector<16xf32>
      %div3A_583 = arith.divf %get3A_577, %add3A_582 : vector<16xf32>
      %swap3A_584 = arith.constant 624 : index
      %swap3A_585 = tpu.vector_load %arg15[%swap3A_584] {strides = array<i32>} : memref<640xf32, #tpu.memory_space<vmem>>, vector<16xf32>,
      tpu.vector_store %arg15[%swap3A_584], %div3A_583 {strides = array<i32>} : memref<640xf32, #tpu.memory_space<vmem>>, vector<16xf32>,
      %lt3A_586 = arith.constant 15 : i32
      %lt3A_587 = arith.cmpi slt, %arg1, %lt3A_586 : i32
      %convert_element_type3A_588 = arith.extui %lt3A_587 : i1 to i32
      %cond3A_589 = arith.constant 0 : i32
      %cond3A_590 = arith.cmpi ne, %convert_element_type3A_588, %cond3A_589 : i32
      scf.if %cond3A_590 {
        "tpu.region"() ({
          %run_scoped3A = tpu.sem_alloc : memref<!tpu.dma_semaphore, #tpu.memory_space<semaphore_mem>>
          %dma_start3A = arith.constant 0 : i32
          %dma_start3A_596 = tpu.memref_slice %arg15[%dma_start3A] : memref<640xf32, #tpu.memory_space<vmem>> -> memref<624xf32, #tpu.memory_space<vmem>>
          %dma_start3A_597 = tpu.memref_slice %arg5[%mul3A_82] : memref<10000xf32, #tpu.memory_space<hbm>> -> memref<624xf32, #tpu.memory_space<hbm>>
          %dma_start3A_598 = tpu.memref_slice %arg5[%mul3A_82] : memref<10000xf32, #tpu.memory_space<hbm>> -> memref<624xf32, #tpu.memory_space<hbm>>
          %dma_start3A_599 = arith.constant 0 : i32
          %dma_start3A_600 = tpu.memref_slice %arg15[%dma_start3A_599] : memref<640xf32, #tpu.memory_space<vmem>> -> memref<624xf32, #tpu.memory_space<vmem>>
          tpu.enqueue_dma source(%dma_start3A_600 : memref<624xf32, #tpu.memory_space<vmem>>) target(%dma_start3A_598 : memref<624xf32, #tpu.memory_space<hbm>>) target_semaphore(%run_scoped3A : memref<!tpu.dma_semaphore, #tpu.memory_space<semaphore_mem>>)
          %dma_wait3A_601 = arith.constant 0 : i32
          %dma_wait3A_602 = tpu.memref_slice %arg15[%dma_wait3A_601] : memref<640xf32, #tpu.memory_space<vmem>> -> memref<624xf32, #tpu.memory_space<vmem>>
          %dma_wait3A_603 = tpu.memref_slice %arg5[%mul3A_82] : memref<10000xf32, #tpu.memory_space<hbm>> -> memref<624xf32, #tpu.memory_space<hbm>>
          %dma_wait3A_604 = tpu.memref_slice %arg5[%mul3A_82] : memref<10000xf32, #tpu.memory_space<hbm>> -> memref<624xf32, #tpu.memory_space<hbm>>
          %dma_wait3A_605 = arith.constant 0 : i32
          %dma_wait3A_606 = tpu.memref_slice %arg15[%dma_wait3A_605] : memref<640xf32, #tpu.memory_space<vmem>> -> memref<624xf32, #tpu.memory_space<vmem>>
          tpu.wait_dma2 semaphore(%run_scoped3A : memref<!tpu.dma_semaphore, #tpu.memory_space<semaphore_mem>>) src(%dma_wait3A_606 : memref<624xf32, #tpu.memory_space<vmem>>) dst(%dma_wait3A_604 : memref<624xf32, #tpu.memory_space<hbm>>)
          tpu.yield
        }) : () -> ()
      } else {
      }
      %eq3A_591 = arith.constant 15 : i32
      %eq3A_592 = arith.cmpi eq, %arg1, %eq3A_591 : i32
      %convert_element_type3A_593 = arith.extui %eq3A_592 : i1 to i32
      %cond3A_594 = arith.constant 0 : i32
      %cond3A_595 = arith.cmpi ne, %convert_element_type3A_593, %cond3A_594 : i32
      scf.if %cond3A_595 {
        "tpu.region"() ({
          %run_scoped3A = tpu.sem_alloc : memref<!tpu.dma_semaphore, #tpu.memory_space<semaphore_mem>>
          %dma_start3A = arith.constant 9360 : i32
          %dma_start3A_596 = tpu.memref_slice %arg5[%dma_start3A] : memref<10000xf32, #tpu.memory_space<hbm>> -> memref<640xf32, #tpu.memory_space<hbm>>
          %dma_start3A_597 = arith.constant 9360 : i32
          %dma_start3A_598 = tpu.memref_slice %arg5[%dma_start3A_597] : memref<10000xf32, #tpu.memory_space<hbm>> -> memref<640xf32, #tpu.memory_space<hbm>>
          tpu.enqueue_dma source(%arg15 : memref<640xf32, #tpu.memory_space<vmem>>) target(%dma_start3A_598 : memref<640xf32, #tpu.memory_space<hbm>>) target_semaphore(%run_scoped3A : memref<!tpu.dma_semaphore, #tpu.memory_space<semaphore_mem>>)
          %dma_wait3A_599 = arith.constant 9360 : i32
          %dma_wait3A_600 = tpu.memref_slice %arg5[%dma_wait3A_599] : memref<10000xf32, #tpu.memory_space<hbm>> -> memref<640xf32, #tpu.memory_space<hbm>>
          %dma_wait3A_601 = arith.constant 9360 : i32
          %dma_wait3A_602 = tpu.memref_slice %arg5[%dma_wait3A_601] : memref<10000xf32, #tpu.memory_space<hbm>> -> memref<640xf32, #tpu.memory_space<hbm>>
          tpu.wait_dma2 semaphore(%run_scoped3A : memref<!tpu.dma_semaphore, #tpu.memory_space<semaphore_mem>>) src(%arg15 : memref<640xf32, #tpu.memory_space<vmem>>) dst(%dma_wait3A_602 : memref<640xf32, #tpu.memory_space<hbm>>)
          tpu.yield
        }) : () -> ()
      } else {
      }
    } else {
    }
    return
  }
}

#map = affine_map<(d0, d1) -> (0, 0)>
#map1 = affine_map<(d0, d1) -> (0)>
module attributes {stable_mosaic.version = 14 : i64} {
  func.func @_sc1(%arg0: i32, %arg1: i32, %arg2: memref<10000x128xf32, #tpu.memory_space<hbm>>, %arg3: memref<20000xf32, #tpu.memory_space<hbm>>, %arg4: memref<10240x32xi32, #tpu.memory_space<hbm>>, %arg5: memref<10240x32xi32, #tpu.memory_space<hbm>>, %arg6: memref<20000x128xf32, #tpu.memory_space<hbm>>, %arg7: memref<20000xf32, #tpu.memory_space<hbm>>, %arg8: memref<10000xf32, #tpu.memory_space<vmem>>, %arg9: memref<10000xf32, #tpu.memory_space<vmem>>, %arg10: memref<64x32xi32, #tpu.memory_space<vmem>>, %arg11: memref<64x32xi32, #tpu.memory_space<vmem>>, %arg12: memref<4x32xf32, #tpu.memory_space<vmem>>, %arg13: memref<3x32x128xf32, #tpu.memory_space<vmem>>, %arg14: memref<640xf32, #tpu.memory_space<vmem>>, %arg15: memref<10000x128xf32, #tpu.memory_space<vmem_shared>>, %arg16: memref<10000xf32, #tpu.memory_space<vmem_shared>>, %arg17: memref<!tpu.dma_semaphore, #tpu.memory_space<semaphore_mem>>, %arg18: memref<!tpu.dma_semaphore, #tpu.memory_space<semaphore_mem>>, %arg19: memref<!tpu.dma_semaphore, #tpu.memory_space<semaphore_mem>>) attributes {dimension_semantics = [#tpu.dimension_semantics<core_parallel>, #tpu.dimension_semantics<subcore_parallel>], iteration_bounds = array<i64: 2, 16>, scalar_prefetch = 0 : i64, scratch_operands = 12 : i64, tpu.core_type = #tpu.core_type<sc_vector_subcore>, window_params = [{transform_indices = #map}, {transform_indices = #map1}, {transform_indices = #map}, {transform_indices = #map}, {transform_indices = #map}, {transform_indices = #map1}]} {
    %mul3A = arith.constant 2 : i32
    %mul3A_0 = arith.muli %arg1, %mul3A : i32
    %add3A = arith.addi %mul3A_0, %arg0 : i32
    %broadcast_in_dim3A = arith.constant 0.000000e+00 : f32
    %broadcast_in_dim3A_1 = vector.broadcast %broadcast_in_dim3A : f32 to vector<16xf32>
    %swap3A = arith.constant 0 : index
    %swap3A_2 = tpu.vector_load %arg14[%swap3A] {strides = array<i32>} : memref<640xf32, #tpu.memory_space<vmem>>, vector<16xf32>,
    tpu.vector_store %arg14[%swap3A], %broadcast_in_dim3A_1 {strides = array<i32>} : memref<640xf32, #tpu.memory_space<vmem>>, vector<16xf32>,
    %swap3A_3 = arith.constant 16 : index
    %swap3A_4 = tpu.vector_load %arg14[%swap3A_3] {strides = array<i32>} : memref<640xf32, #tpu.memory_space<vmem>>, vector<16xf32>,
    tpu.vector_store %arg14[%swap3A_3], %broadcast_in_dim3A_1 {strides = array<i32>} : memref<640xf32, #tpu.memory_space<vmem>>, vector<16xf32>,
    %swap3A_5 = arith.constant 32 : index
    %swap3A_6 = tpu.vector_load %arg14[%swap3A_5] {strides = array<i32>} : memref<640xf32, #tpu.memory_space<vmem>>, vector<16xf32>,
    tpu.vector_store %arg14[%swap3A_5], %broadcast_in_dim3A_1 {strides = array<i32>} : memref<640xf32, #tpu.memory_space<vmem>>, vector<16xf32>,
    %swap3A_7 = arith.constant 48 : index
    %swap3A_8 = tpu.vector_load %arg14[%swap3A_7] {strides = array<i32>} : memref<640xf32, #tpu.memory_space<vmem>>, vector<16xf32>,
    tpu.vector_store %arg14[%swap3A_7], %broadcast_in_dim3A_1 {strides = array<i32>} : memref<640xf32, #tpu.memory_space<vmem>>, vector<16xf32>,
    %swap3A_9 = arith.constant 64 : index
    %swap3A_10 = tpu.vector_load %arg14[%swap3A_9] {strides = array<i32>} : memref<640xf32, #tpu.memory_space<vmem>>, vector<16xf32>,
    tpu.vector_store %arg14[%swap3A_9], %broadcast_in_dim3A_1 {strides = array<i32>} : memref<640xf32, #tpu.memory_space<vmem>>, vector<16xf32>,
    %swap3A_11 = arith.constant 80 : index
    %swap3A_12 = tpu.vector_load %arg14[%swap3A_11] {strides = array<i32>} : memref<640xf32, #tpu.memory_space<vmem>>, vector<16xf32>,
    tpu.vector_store %arg14[%swap3A_11], %broadcast_in_dim3A_1 {strides = array<i32>} : memref<640xf32, #tpu.memory_space<vmem>>, vector<16xf32>,
    %swap3A_13 = arith.constant 96 : index
    %swap3A_14 = tpu.vector_load %arg14[%swap3A_13] {strides = array<i32>} : memref<640xf32, #tpu.memory_space<vmem>>, vector<16xf32>,
    tpu.vector_store %arg14[%swap3A_13], %broadcast_in_dim3A_1 {strides = array<i32>} : memref<640xf32, #tpu.memory_space<vmem>>, vector<16xf32>,
    %swap3A_15 = arith.constant 112 : index
    %swap3A_16 = tpu.vector_load %arg14[%swap3A_15] {strides = array<i32>} : memref<640xf32, #tpu.memory_space<vmem>>, vector<16xf32>,
    tpu.vector_store %arg14[%swap3A_15], %broadcast_in_dim3A_1 {strides = array<i32>} : memref<640xf32, #tpu.memory_space<vmem>>, vector<16xf32>,
    %swap3A_17 = arith.constant 128 : index
    %swap3A_18 = tpu.vector_load %arg14[%swap3A_17] {strides = array<i32>} : memref<640xf32, #tpu.memory_space<vmem>>, vector<16xf32>,
    tpu.vector_store %arg14[%swap3A_17], %broadcast_in_dim3A_1 {strides = array<i32>} : memref<640xf32, #tpu.memory_space<vmem>>, vector<16xf32>,
    %swap3A_19 = arith.constant 144 : index
    %swap3A_20 = tpu.vector_load %arg14[%swap3A_19] {strides = array<i32>} : memref<640xf32, #tpu.memory_space<vmem>>, vector<16xf32>,
    tpu.vector_store %arg14[%swap3A_19], %broadcast_in_dim3A_1 {strides = array<i32>} : memref<640xf32, #tpu.memory_space<vmem>>, vector<16xf32>,
    %swap3A_21 = arith.constant 160 : index
    %swap3A_22 = tpu.vector_load %arg14[%swap3A_21] {strides = array<i32>} : memref<640xf32, #tpu.memory_space<vmem>>, vector<16xf32>,
    tpu.vector_store %arg14[%swap3A_21], %broadcast_in_dim3A_1 {strides = array<i32>} : memref<640xf32, #tpu.memory_space<vmem>>, vector<16xf32>,
    %swap3A_23 = arith.constant 176 : index
    %swap3A_24 = tpu.vector_load %arg14[%swap3A_23] {strides = array<i32>} : memref<640xf32, #tpu.memory_space<vmem>>, vector<16xf32>,
    tpu.vector_store %arg14[%swap3A_23], %broadcast_in_dim3A_1 {strides = array<i32>} : memref<640xf32, #tpu.memory_space<vmem>>, vector<16xf32>,
    %swap3A_25 = arith.constant 192 : index
    %swap3A_26 = tpu.vector_load %arg14[%swap3A_25] {strides = array<i32>} : memref<640xf32, #tpu.memory_space<vmem>>, vector<16xf32>,
    tpu.vector_store %arg14[%swap3A_25], %broadcast_in_dim3A_1 {strides = array<i32>} : memref<640xf32, #tpu.memory_space<vmem>>, vector<16xf32>,
    %swap3A_27 = arith.constant 208 : index
    %swap3A_28 = tpu.vector_load %arg14[%swap3A_27] {strides = array<i32>} : memref<640xf32, #tpu.memory_space<vmem>>, vector<16xf32>,
    tpu.vector_store %arg14[%swap3A_27], %broadcast_in_dim3A_1 {strides = array<i32>} : memref<640xf32, #tpu.memory_space<vmem>>, vector<16xf32>,
    %swap3A_29 = arith.constant 224 : index
    %swap3A_30 = tpu.vector_load %arg14[%swap3A_29] {strides = array<i32>} : memref<640xf32, #tpu.memory_space<vmem>>, vector<16xf32>,
    tpu.vector_store %arg14[%swap3A_29], %broadcast_in_dim3A_1 {strides = array<i32>} : memref<640xf32, #tpu.memory_space<vmem>>, vector<16xf32>,
    %swap3A_31 = arith.constant 240 : index
    %swap3A_32 = tpu.vector_load %arg14[%swap3A_31] {strides = array<i32>} : memref<640xf32, #tpu.memory_space<vmem>>, vector<16xf32>,
    tpu.vector_store %arg14[%swap3A_31], %broadcast_in_dim3A_1 {strides = array<i32>} : memref<640xf32, #tpu.memory_space<vmem>>, vector<16xf32>,
    %swap3A_33 = arith.constant 256 : index
    %swap3A_34 = tpu.vector_load %arg14[%swap3A_33] {strides = array<i32>} : memref<640xf32, #tpu.memory_space<vmem>>, vector<16xf32>,
    tpu.vector_store %arg14[%swap3A_33], %broadcast_in_dim3A_1 {strides = array<i32>} : memref<640xf32, #tpu.memory_space<vmem>>, vector<16xf32>,
    %swap3A_35 = arith.constant 272 : index
    %swap3A_36 = tpu.vector_load %arg14[%swap3A_35] {strides = array<i32>} : memref<640xf32, #tpu.memory_space<vmem>>, vector<16xf32>,
    tpu.vector_store %arg14[%swap3A_35], %broadcast_in_dim3A_1 {strides = array<i32>} : memref<640xf32, #tpu.memory_space<vmem>>, vector<16xf32>,
    %swap3A_37 = arith.constant 288 : index
    %swap3A_38 = tpu.vector_load %arg14[%swap3A_37] {strides = array<i32>} : memref<640xf32, #tpu.memory_space<vmem>>, vector<16xf32>,
    tpu.vector_store %arg14[%swap3A_37], %broadcast_in_dim3A_1 {strides = array<i32>} : memref<640xf32, #tpu.memory_space<vmem>>, vector<16xf32>,
    %swap3A_39 = arith.constant 304 : index
    %swap3A_40 = tpu.vector_load %arg14[%swap3A_39] {strides = array<i32>} : memref<640xf32, #tpu.memory_space<vmem>>, vector<16xf32>,
    tpu.vector_store %arg14[%swap3A_39], %broadcast_in_dim3A_1 {strides = array<i32>} : memref<640xf32, #tpu.memory_space<vmem>>, vector<16xf32>,
    %swap3A_41 = arith.constant 320 : index
    %swap3A_42 = tpu.vector_load %arg14[%swap3A_41] {strides = array<i32>} : memref<640xf32, #tpu.memory_space<vmem>>, vector<16xf32>,
    tpu.vector_store %arg14[%swap3A_41], %broadcast_in_dim3A_1 {strides = array<i32>} : memref<640xf32, #tpu.memory_space<vmem>>, vector<16xf32>,
    %swap3A_43 = arith.constant 336 : index
    %swap3A_44 = tpu.vector_load %arg14[%swap3A_43] {strides = array<i32>} : memref<640xf32, #tpu.memory_space<vmem>>, vector<16xf32>,
    tpu.vector_store %arg14[%swap3A_43], %broadcast_in_dim3A_1 {strides = array<i32>} : memref<640xf32, #tpu.memory_space<vmem>>, vector<16xf32>,
    %swap3A_45 = arith.constant 352 : index
    %swap3A_46 = tpu.vector_load %arg14[%swap3A_45] {strides = array<i32>} : memref<640xf32, #tpu.memory_space<vmem>>, vector<16xf32>,
    tpu.vector_store %arg14[%swap3A_45], %broadcast_in_dim3A_1 {strides = array<i32>} : memref<640xf32, #tpu.memory_space<vmem>>, vector<16xf32>,
    %swap3A_47 = arith.constant 368 : index
    %swap3A_48 = tpu.vector_load %arg14[%swap3A_47] {strides = array<i32>} : memref<640xf32, #tpu.memory_space<vmem>>, vector<16xf32>,
    tpu.vector_store %arg14[%swap3A_47], %broadcast_in_dim3A_1 {strides = array<i32>} : memref<640xf32, #tpu.memory_space<vmem>>, vector<16xf32>,
    %swap3A_49 = arith.constant 384 : index
    %swap3A_50 = tpu.vector_load %arg14[%swap3A_49] {strides = array<i32>} : memref<640xf32, #tpu.memory_space<vmem>>, vector<16xf32>,
    tpu.vector_store %arg14[%swap3A_49], %broadcast_in_dim3A_1 {strides = array<i32>} : memref<640xf32, #tpu.memory_space<vmem>>, vector<16xf32>,
    %swap3A_51 = arith.constant 400 : index
    %swap3A_52 = tpu.vector_load %arg14[%swap3A_51] {strides = array<i32>} : memref<640xf32, #tpu.memory_space<vmem>>, vector<16xf32>,
    tpu.vector_store %arg14[%swap3A_51], %broadcast_in_dim3A_1 {strides = array<i32>} : memref<640xf32, #tpu.memory_space<vmem>>, vector<16xf32>,
    %swap3A_53 = arith.constant 416 : index
    %swap3A_54 = tpu.vector_load %arg14[%swap3A_53] {strides = array<i32>} : memref<640xf32, #tpu.memory_space<vmem>>, vector<16xf32>,
    tpu.vector_store %arg14[%swap3A_53], %broadcast_in_dim3A_1 {strides = array<i32>} : memref<640xf32, #tpu.memory_space<vmem>>, vector<16xf32>,
    %swap3A_55 = arith.constant 432 : index
    %swap3A_56 = tpu.vector_load %arg14[%swap3A_55] {strides = array<i32>} : memref<640xf32, #tpu.memory_space<vmem>>, vector<16xf32>,
    tpu.vector_store %arg14[%swap3A_55], %broadcast_in_dim3A_1 {strides = array<i32>} : memref<640xf32, #tpu.memory_space<vmem>>, vector<16xf32>,
    %swap3A_57 = arith.constant 448 : index
    %swap3A_58 = tpu.vector_load %arg14[%swap3A_57] {strides = array<i32>} : memref<640xf32, #tpu.memory_space<vmem>>, vector<16xf32>,
    tpu.vector_store %arg14[%swap3A_57], %broadcast_in_dim3A_1 {strides = array<i32>} : memref<640xf32, #tpu.memory_space<vmem>>, vector<16xf32>,
    %swap3A_59 = arith.constant 464 : index
    %swap3A_60 = tpu.vector_load %arg14[%swap3A_59] {strides = array<i32>} : memref<640xf32, #tpu.memory_space<vmem>>, vector<16xf32>,
    tpu.vector_store %arg14[%swap3A_59], %broadcast_in_dim3A_1 {strides = array<i32>} : memref<640xf32, #tpu.memory_space<vmem>>, vector<16xf32>,
    %swap3A_61 = arith.constant 480 : index
    %swap3A_62 = tpu.vector_load %arg14[%swap3A_61] {strides = array<i32>} : memref<640xf32, #tpu.memory_space<vmem>>, vector<16xf32>,
    tpu.vector_store %arg14[%swap3A_61], %broadcast_in_dim3A_1 {strides = array<i32>} : memref<640xf32, #tpu.memory_space<vmem>>, vector<16xf32>,
    %swap3A_63 = arith.constant 496 : index
    %swap3A_64 = tpu.vector_load %arg14[%swap3A_63] {strides = array<i32>} : memref<640xf32, #tpu.memory_space<vmem>>, vector<16xf32>,
    tpu.vector_store %arg14[%swap3A_63], %broadcast_in_dim3A_1 {strides = array<i32>} : memref<640xf32, #tpu.memory_space<vmem>>, vector<16xf32>,
    %swap3A_65 = arith.constant 512 : index
    %swap3A_66 = tpu.vector_load %arg14[%swap3A_65] {strides = array<i32>} : memref<640xf32, #tpu.memory_space<vmem>>, vector<16xf32>,
    tpu.vector_store %arg14[%swap3A_65], %broadcast_in_dim3A_1 {strides = array<i32>} : memref<640xf32, #tpu.memory_space<vmem>>, vector<16xf32>,
    %swap3A_67 = arith.constant 528 : index
    %swap3A_68 = tpu.vector_load %arg14[%swap3A_67] {strides = array<i32>} : memref<640xf32, #tpu.memory_space<vmem>>, vector<16xf32>,
    tpu.vector_store %arg14[%swap3A_67], %broadcast_in_dim3A_1 {strides = array<i32>} : memref<640xf32, #tpu.memory_space<vmem>>, vector<16xf32>,
    %swap3A_69 = arith.constant 544 : index
    %swap3A_70 = tpu.vector_load %arg14[%swap3A_69] {strides = array<i32>} : memref<640xf32, #tpu.memory_space<vmem>>, vector<16xf32>,
    tpu.vector_store %arg14[%swap3A_69], %broadcast_in_dim3A_1 {strides = array<i32>} : memref<640xf32, #tpu.memory_space<vmem>>, vector<16xf32>,
    %swap3A_71 = arith.constant 560 : index
    %swap3A_72 = tpu.vector_load %arg14[%swap3A_71] {strides = array<i32>} : memref<640xf32, #tpu.memory_space<vmem>>, vector<16xf32>,
    tpu.vector_store %arg14[%swap3A_71], %broadcast_in_dim3A_1 {strides = array<i32>} : memref<640xf32, #tpu.memory_space<vmem>>, vector<16xf32>,
    %swap3A_73 = arith.constant 576 : index
    %swap3A_74 = tpu.vector_load %arg14[%swap3A_73] {strides = array<i32>} : memref<640xf32, #tpu.memory_space<vmem>>, vector<16xf32>,
    tpu.vector_store %arg14[%swap3A_73], %broadcast_in_dim3A_1 {strides = array<i32>} : memref<640xf32, #tpu.memory_space<vmem>>, vector<16xf32>,
    %swap3A_75 = arith.constant 592 : index
    %swap3A_76 = tpu.vector_load %arg14[%swap3A_75] {strides = array<i32>} : memref<640xf32, #tpu.memory_space<vmem>>, vector<16xf32>,
    tpu.vector_store %arg14[%swap3A_75], %broadcast_in_dim3A_1 {strides = array<i32>} : memref<640xf32, #tpu.memory_space<vmem>>, vector<16xf32>,
    %swap3A_77 = arith.constant 608 : index
    %swap3A_78 = tpu.vector_load %arg14[%swap3A_77] {strides = array<i32>} : memref<640xf32, #tpu.memory_space<vmem>>, vector<16xf32>,
    tpu.vector_store %arg14[%swap3A_77], %broadcast_in_dim3A_1 {strides = array<i32>} : memref<640xf32, #tpu.memory_space<vmem>>, vector<16xf32>,
    %swap3A_79 = arith.constant 624 : index
    %swap3A_80 = tpu.vector_load %arg14[%swap3A_79] {strides = array<i32>} : memref<640xf32, #tpu.memory_space<vmem>>, vector<16xf32>,
    tpu.vector_store %arg14[%swap3A_79], %broadcast_in_dim3A_1 {strides = array<i32>} : memref<640xf32, #tpu.memory_space<vmem>>, vector<16xf32>,
    %scan3A = arith.constant 0 : i32
    %scan3A_81 = arith.constant 0 : i32
    %scan3A_82 = arith.constant 32 : i32
    %scan3A_83 = arith.addi %scan3A_81, %scan3A_82 : i32
    %scan3A_84 = arith.constant 1 : i32
    scf.for %scan3A_193 = %scan3A_81 to %scan3A_83 step %scan3A_84  : i32 {
      %swap3A_194 = arith.constant 0 : i32
      %swap3A_195 = arith.index_cast %swap3A_194 : i32 to index
      %swap3A_196 = arith.index_cast %scan3A_193 : i32 to index
      %swap3A_197 = arith.constant 0 : index
      %swap3A_198 = tpu.vector_load %arg13[%swap3A_195, %swap3A_196, %swap3A_197] {strides = array<i32>} : memref<3x32x128xf32, #tpu.memory_space<vmem>>, vector<16xf32>,
      tpu.vector_store %arg13[%swap3A_195, %swap3A_196, %swap3A_197], %broadcast_in_dim3A_1 {strides = array<i32>} : memref<3x32x128xf32, #tpu.memory_space<vmem>>, vector<16xf32>,
      %swap3A_199 = arith.constant 0 : i32
      %swap3A_200 = arith.index_cast %swap3A_199 : i32 to index
      %swap3A_201 = arith.index_cast %scan3A_193 : i32 to index
      %swap3A_202 = arith.constant 16 : index
      %swap3A_203 = tpu.vector_load %arg13[%swap3A_200, %swap3A_201, %swap3A_202] {strides = array<i32>} : memref<3x32x128xf32, #tpu.memory_space<vmem>>, vector<16xf32>,
      tpu.vector_store %arg13[%swap3A_200, %swap3A_201, %swap3A_202], %broadcast_in_dim3A_1 {strides = array<i32>} : memref<3x32x128xf32, #tpu.memory_space<vmem>>, vector<16xf32>,
      %swap3A_204 = arith.constant 0 : i32
      %swap3A_205 = arith.index_cast %swap3A_204 : i32 to index
      %swap3A_206 = arith.index_cast %scan3A_193 : i32 to index
      %swap3A_207 = arith.constant 32 : index
      %swap3A_208 = tpu.vector_load %arg13[%swap3A_205, %swap3A_206, %swap3A_207] {strides = array<i32>} : memref<3x32x128xf32, #tpu.memory_space<vmem>>, vector<16xf32>,
      tpu.vector_store %arg13[%swap3A_205, %swap3A_206, %swap3A_207], %broadcast_in_dim3A_1 {strides = array<i32>} : memref<3x32x128xf32, #tpu.memory_space<vmem>>, vector<16xf32>,
      %swap3A_209 = arith.constant 0 : i32
      %swap3A_210 = arith.index_cast %swap3A_209 : i32 to index
      %swap3A_211 = arith.index_cast %scan3A_193 : i32 to index
      %swap3A_212 = arith.constant 48 : index
      %swap3A_213 = tpu.vector_load %arg13[%swap3A_210, %swap3A_211, %swap3A_212] {strides = array<i32>} : memref<3x32x128xf32, #tpu.memory_space<vmem>>, vector<16xf32>,
      tpu.vector_store %arg13[%swap3A_210, %swap3A_211, %swap3A_212], %broadcast_in_dim3A_1 {strides = array<i32>} : memref<3x32x128xf32, #tpu.memory_space<vmem>>, vector<16xf32>,
      %swap3A_214 = arith.constant 0 : i32
      %swap3A_215 = arith.index_cast %swap3A_214 : i32 to index
      %swap3A_216 = arith.index_cast %scan3A_193 : i32 to index
      %swap3A_217 = arith.constant 64 : index
      %swap3A_218 = tpu.vector_load %arg13[%swap3A_215, %swap3A_216, %swap3A_217] {strides = array<i32>} : memref<3x32x128xf32, #tpu.memory_space<vmem>>, vector<16xf32>,
      tpu.vector_store %arg13[%swap3A_215, %swap3A_216, %swap3A_217], %broadcast_in_dim3A_1 {strides = array<i32>} : memref<3x32x128xf32, #tpu.memory_space<vmem>>, vector<16xf32>,
      %swap3A_219 = arith.constant 0 : i32
      %swap3A_220 = arith.index_cast %swap3A_219 : i32 to index
      %swap3A_221 = arith.index_cast %scan3A_193 : i32 to index
      %swap3A_222 = arith.constant 80 : index
      %swap3A_223 = tpu.vector_load %arg13[%swap3A_220, %swap3A_221, %swap3A_222] {strides = array<i32>} : memref<3x32x128xf32, #tpu.memory_space<vmem>>, vector<16xf32>,
      tpu.vector_store %arg13[%swap3A_220, %swap3A_221, %swap3A_222], %broadcast_in_dim3A_1 {strides = array<i32>} : memref<3x32x128xf32, #tpu.memory_space<vmem>>, vector<16xf32>,
      %swap3A_224 = arith.constant 0 : i32
      %swap3A_225 = arith.index_cast %swap3A_224 : i32 to index
      %swap3A_226 = arith.index_cast %scan3A_193 : i32 to index
      %swap3A_227 = arith.constant 96 : index
      %swap3A_228 = tpu.vector_load %arg13[%swap3A_225, %swap3A_226, %swap3A_227] {strides = array<i32>} : memref<3x32x128xf32, #tpu.memory_space<vmem>>, vector<16xf32>,
      tpu.vector_store %arg13[%swap3A_225, %swap3A_226, %swap3A_227], %broadcast_in_dim3A_1 {strides = array<i32>} : memref<3x32x128xf32, #tpu.memory_space<vmem>>, vector<16xf32>,
      %swap3A_229 = arith.constant 0 : i32
      %swap3A_230 = arith.index_cast %swap3A_229 : i32 to index
      %swap3A_231 = arith.index_cast %scan3A_193 : i32 to index
      %swap3A_232 = arith.constant 112 : index
      %swap3A_233 = tpu.vector_load %arg13[%swap3A_230, %swap3A_231, %swap3A_232] {strides = array<i32>} : memref<3x32x128xf32, #tpu.memory_space<vmem>>, vector<16xf32>,
      tpu.vector_store %arg13[%swap3A_230, %swap3A_231, %swap3A_232], %broadcast_in_dim3A_1 {strides = array<i32>} : memref<3x32x128xf32, #tpu.memory_space<vmem>>, vector<16xf32>,
    }
    %scan3A_85 = arith.constant 32 : i32
    %mul3A_86 = arith.constant 624 : i32
    %mul3A_87 = arith.muli %arg1, %mul3A_86 : i32
    %scan3A_88 = arith.constant 0 : i32
    %scan3A_89 = arith.constant 0 : i32
    %scan3A_90 = arith.constant 20 : i32
    %scan3A_91 = arith.addi %scan3A_89, %scan3A_90 : i32
    %scan3A_92 = arith.constant 1 : i32
    scf.for %scan3A_193 = %scan3A_89 to %scan3A_91 step %scan3A_92  : i32 {
      %mul3A_194 = arith.constant 32 : i32
      %mul3A_195 = arith.muli %scan3A_193, %mul3A_194 : i32
      %add3A_196 = arith.addi %mul3A_87, %mul3A_195 : i32
      %multiple_of3A_197 = tpu.assume_multiple %add3A_196, 16 : i32
      %run_scoped3A = arith.constant 0 : i32
      "tpu.region"() ({
        %run_scoped3A_198 = tpu.sem_alloc : memref<!tpu.dma_semaphore, #tpu.memory_space<semaphore_mem>>
        %dma_start3A_199 = arith.constant 0 : i32
        %dma_start3A_200 = arith.constant 0 : i32
        %dma_start3A_201 = tpu.memref_slice %arg13[%run_scoped3A, %dma_start3A_199, %dma_start3A_200] : memref<3x32x128xf32, #tpu.memory_space<vmem>> -> memref<1x32x128xf32, #tpu.memory_space<vmem>>
        %dma_start3A_202 = tpu.memref_squeeze %dma_start3A_201 : memref<1x32x128xf32, #tpu.memory_space<vmem>> -> memref<32x128xf32, #tpu.memory_space<vmem>>
        %dma_start3A_203 = arith.constant 0 : i32
        %dma_start3A_204 = tpu.memref_slice %arg15[%multiple_of3A_197, %dma_start3A_203] : memref<10000x128xf32, #tpu.memory_space<vmem_shared>> -> memref<32x128xf32, #tpu.memory_space<vmem_shared>>
        %dma_start3A_205 = arith.constant 0 : i32
        %dma_start3A_206 = tpu.memref_slice %arg15[%multiple_of3A_197, %dma_start3A_205] : memref<10000x128xf32, #tpu.memory_space<vmem_shared>> -> memref<32x128xf32, #tpu.memory_space<vmem_shared>>
        %dma_start3A_207 = arith.constant 0 : i32
        %dma_start3A_208 = arith.constant 0 : i32
        %dma_start3A_209 = tpu.memref_slice %arg13[%run_scoped3A, %dma_start3A_207, %dma_start3A_208] : memref<3x32x128xf32, #tpu.memory_space<vmem>> -> memref<1x32x128xf32, #tpu.memory_space<vmem>>
        %dma_start3A_210 = tpu.memref_squeeze %dma_start3A_209 : memref<1x32x128xf32, #tpu.memory_space<vmem>> -> memref<32x128xf32, #tpu.memory_space<vmem>>
        tpu.enqueue_dma source(%dma_start3A_210 : memref<32x128xf32, #tpu.memory_space<vmem>>) target(%dma_start3A_206 : memref<32x128xf32, #tpu.memory_space<vmem_shared>>) target_semaphore(%run_scoped3A_198 : memref<!tpu.dma_semaphore, #tpu.memory_space<semaphore_mem>>)
        %dma_wait3A_211 = arith.constant 0 : i32
        %dma_wait3A_212 = arith.constant 0 : i32
        %dma_wait3A_213 = tpu.memref_slice %arg13[%run_scoped3A, %dma_wait3A_211, %dma_wait3A_212] : memref<3x32x128xf32, #tpu.memory_space<vmem>> -> memref<1x32x128xf32, #tpu.memory_space<vmem>>
        %dma_wait3A_214 = tpu.memref_squeeze %dma_wait3A_213 : memref<1x32x128xf32, #tpu.memory_space<vmem>> -> memref<32x128xf32, #tpu.memory_space<vmem>>
        %dma_wait3A_215 = arith.constant 0 : i32
        %dma_wait3A_216 = tpu.memref_slice %arg15[%multiple_of3A_197, %dma_wait3A_215] : memref<10000x128xf32, #tpu.memory_space<vmem_shared>> -> memref<32x128xf32, #tpu.memory_space<vmem_shared>>
        %dma_wait3A_217 = arith.constant 0 : i32
        %dma_wait3A_218 = tpu.memref_slice %arg15[%multiple_of3A_197, %dma_wait3A_217] : memref<10000x128xf32, #tpu.memory_space<vmem_shared>> -> memref<32x128xf32, #tpu.memory_space<vmem_shared>>
        %dma_wait3A_219 = arith.constant 0 : i32
        %dma_wait3A_220 = arith.constant 0 : i32
        %dma_wait3A_221 = tpu.memref_slice %arg13[%run_scoped3A, %dma_wait3A_219, %dma_wait3A_220] : memref<3x32x128xf32, #tpu.memory_space<vmem>> -> memref<1x32x128xf32, #tpu.memory_space<vmem>>
        %dma_wait3A_222 = tpu.memref_squeeze %dma_wait3A_221 : memref<1x32x128xf32, #tpu.memory_space<vmem>> -> memref<32x128xf32, #tpu.memory_space<vmem>>
        tpu.wait_dma2 semaphore(%run_scoped3A_198 : memref<!tpu.dma_semaphore, #tpu.memory_space<semaphore_mem>>) src(%dma_wait3A_222 : memref<32x128xf32, #tpu.memory_space<vmem>>) dst(%dma_wait3A_218 : memref<32x128xf32, #tpu.memory_space<vmem_shared>>)
        tpu.yield
      }) : () -> ()
    }
    %scan3A_93 = arith.constant 20 : i32
    %lt3A = arith.constant 15 : i32
    %lt3A_94 = arith.cmpi slt, %arg1, %lt3A : i32
    %convert_element_type3A = arith.extui %lt3A_94 : i1 to i32
    %cond3A = arith.constant 0 : i32
    %cond3A_95 = arith.cmpi ne, %convert_element_type3A, %cond3A : i32
    scf.if %cond3A_95 {
      "tpu.region"() ({
        %run_scoped3A = tpu.sem_alloc : memref<!tpu.dma_semaphore, #tpu.memory_space<semaphore_mem>>
        %dma_start3A_193 = arith.constant 0 : i32
        %dma_start3A_194 = tpu.memref_slice %arg14[%dma_start3A_193] : memref<640xf32, #tpu.memory_space<vmem>> -> memref<624xf32, #tpu.memory_space<vmem>>
        %dma_start3A_195 = tpu.memref_slice %arg16[%mul3A_87] : memref<10000xf32, #tpu.memory_space<vmem_shared>> -> memref<624xf32, #tpu.memory_space<vmem_shared>>
        %dma_start3A_196 = tpu.memref_slice %arg16[%mul3A_87] : memref<10000xf32, #tpu.memory_space<vmem_shared>> -> memref<624xf32, #tpu.memory_space<vmem_shared>>
        %dma_start3A_197 = arith.constant 0 : i32
        %dma_start3A_198 = tpu.memref_slice %arg14[%dma_start3A_197] : memref<640xf32, #tpu.memory_space<vmem>> -> memref<624xf32, #tpu.memory_space<vmem>>
        tpu.enqueue_dma source(%dma_start3A_198 : memref<624xf32, #tpu.memory_space<vmem>>) target(%dma_start3A_196 : memref<624xf32, #tpu.memory_space<vmem_shared>>) target_semaphore(%run_scoped3A : memref<!tpu.dma_semaphore, #tpu.memory_space<semaphore_mem>>)
        %dma_wait3A_199 = arith.constant 0 : i32
        %dma_wait3A_200 = tpu.memref_slice %arg14[%dma_wait3A_199] : memref<640xf32, #tpu.memory_space<vmem>> -> memref<624xf32, #tpu.memory_space<vmem>>
        %dma_wait3A_201 = tpu.memref_slice %arg16[%mul3A_87] : memref<10000xf32, #tpu.memory_space<vmem_shared>> -> memref<624xf32, #tpu.memory_space<vmem_shared>>
        %dma_wait3A_202 = tpu.memref_slice %arg16[%mul3A_87] : memref<10000xf32, #tpu.memory_space<vmem_shared>> -> memref<624xf32, #tpu.memory_space<vmem_shared>>
        %dma_wait3A_203 = arith.constant 0 : i32
        %dma_wait3A_204 = tpu.memref_slice %arg14[%dma_wait3A_203] : memref<640xf32, #tpu.memory_space<vmem>> -> memref<624xf32, #tpu.memory_space<vmem>>
        tpu.wait_dma2 semaphore(%run_scoped3A : memref<!tpu.dma_semaphore, #tpu.memory_space<semaphore_mem>>) src(%dma_wait3A_204 : memref<624xf32, #tpu.memory_space<vmem>>) dst(%dma_wait3A_202 : memref<624xf32, #tpu.memory_space<vmem_shared>>)
        tpu.yield
      }) : () -> ()
    } else {
    }
    %eq3A = arith.constant 15 : i32
    %eq3A_96 = arith.cmpi eq, %arg1, %eq3A : i32
    %convert_element_type3A_97 = arith.extui %eq3A_96 : i1 to i32
    %cond3A_98 = arith.constant 0 : i32
    %cond3A_99 = arith.cmpi ne, %convert_element_type3A_97, %cond3A_98 : i32
    scf.if %cond3A_99 {
      "tpu.region"() ({
        %run_scoped3A = tpu.sem_alloc : memref<!tpu.dma_semaphore, #tpu.memory_space<semaphore_mem>>
        %dma_start3A_193 = arith.constant 9360 : i32
        %dma_start3A_194 = tpu.memref_slice %arg16[%dma_start3A_193] : memref<10000xf32, #tpu.memory_space<vmem_shared>> -> memref<640xf32, #tpu.memory_space<vmem_shared>>
        %dma_start3A_195 = arith.constant 9360 : i32
        %dma_start3A_196 = tpu.memref_slice %arg16[%dma_start3A_195] : memref<10000xf32, #tpu.memory_space<vmem_shared>> -> memref<640xf32, #tpu.memory_space<vmem_shared>>
        tpu.enqueue_dma source(%arg14 : memref<640xf32, #tpu.memory_space<vmem>>) target(%dma_start3A_196 : memref<640xf32, #tpu.memory_space<vmem_shared>>) target_semaphore(%run_scoped3A : memref<!tpu.dma_semaphore, #tpu.memory_space<semaphore_mem>>)
        %dma_wait3A_197 = arith.constant 9360 : i32
        %dma_wait3A_198 = tpu.memref_slice %arg16[%dma_wait3A_197] : memref<10000xf32, #tpu.memory_space<vmem_shared>> -> memref<640xf32, #tpu.memory_space<vmem_shared>>
        %dma_wait3A_199 = arith.constant 9360 : i32
        %dma_wait3A_200 = tpu.memref_slice %arg16[%dma_wait3A_199] : memref<10000xf32, #tpu.memory_space<vmem_shared>> -> memref<640xf32, #tpu.memory_space<vmem_shared>>
        tpu.wait_dma2 semaphore(%run_scoped3A : memref<!tpu.dma_semaphore, #tpu.memory_space<semaphore_mem>>) src(%arg14 : memref<640xf32, #tpu.memory_space<vmem>>) dst(%dma_wait3A_200 : memref<640xf32, #tpu.memory_space<vmem_shared>>)
        tpu.yield
      }) : () -> ()
    } else {
    }
    "tpu.region"() ({
      %run_scoped3A = tpu.sem_alloc : memref<!tpu.dma_semaphore, #tpu.memory_space<semaphore_mem>>
      %dma_start3A_193 = arith.constant 0 : i32
      %dma_start3A_194 = tpu.memref_slice %arg3[%dma_start3A_193] : memref<20000xf32, #tpu.memory_space<hbm>> -> memref<10000xf32, #tpu.memory_space<hbm>>
      %dma_start3A_195 = arith.constant 0 : i32
      %dma_start3A_196 = tpu.memref_slice %arg3[%dma_start3A_195] : memref<20000xf32, #tpu.memory_space<hbm>> -> memref<10000xf32, #tpu.memory_space<hbm>>
      tpu.enqueue_dma source(%dma_start3A_196 : memref<10000xf32, #tpu.memory_space<hbm>>) target(%arg8 : memref<10000xf32, #tpu.memory_space<vmem>>) target_semaphore(%run_scoped3A : memref<!tpu.dma_semaphore, #tpu.memory_space<semaphore_mem>>)
      %dma_wait3A_197 = arith.constant 0 : i32
      %dma_wait3A_198 = tpu.memref_slice %arg3[%dma_wait3A_197] : memref<20000xf32, #tpu.memory_space<hbm>> -> memref<10000xf32, #tpu.memory_space<hbm>>
      %dma_wait3A_199 = arith.constant 0 : i32
      %dma_wait3A_200 = tpu.memref_slice %arg3[%dma_wait3A_199] : memref<20000xf32, #tpu.memory_space<hbm>> -> memref<10000xf32, #tpu.memory_space<hbm>>
      tpu.wait_dma2 semaphore(%run_scoped3A : memref<!tpu.dma_semaphore, #tpu.memory_space<semaphore_mem>>) src(%dma_wait3A_200 : memref<10000xf32, #tpu.memory_space<hbm>>) dst(%arg8 : memref<10000xf32, #tpu.memory_space<vmem>>)
      tpu.yield
    }) : () -> ()
    "tpu.region"() ({
      %run_scoped3A = tpu.sem_alloc : memref<!tpu.dma_semaphore, #tpu.memory_space<semaphore_mem>>
      %dma_start3A_193 = arith.constant 10000 : i32
      %dma_start3A_194 = tpu.memref_slice %arg3[%dma_start3A_193] : memref<20000xf32, #tpu.memory_space<hbm>> -> memref<10000xf32, #tpu.memory_space<hbm>>
      %dma_start3A_195 = arith.constant 10000 : i32
      %dma_start3A_196 = tpu.memref_slice %arg3[%dma_start3A_195] : memref<20000xf32, #tpu.memory_space<hbm>> -> memref<10000xf32, #tpu.memory_space<hbm>>
      tpu.enqueue_dma source(%dma_start3A_196 : memref<10000xf32, #tpu.memory_space<hbm>>) target(%arg9 : memref<10000xf32, #tpu.memory_space<vmem>>) target_semaphore(%run_scoped3A : memref<!tpu.dma_semaphore, #tpu.memory_space<semaphore_mem>>)
      %dma_wait3A_197 = arith.constant 10000 : i32
      %dma_wait3A_198 = tpu.memref_slice %arg3[%dma_wait3A_197] : memref<20000xf32, #tpu.memory_space<hbm>> -> memref<10000xf32, #tpu.memory_space<hbm>>
      %dma_wait3A_199 = arith.constant 10000 : i32
      %dma_wait3A_200 = tpu.memref_slice %arg3[%dma_wait3A_199] : memref<20000xf32, #tpu.memory_space<hbm>> -> memref<10000xf32, #tpu.memory_space<hbm>>
      tpu.wait_dma2 semaphore(%run_scoped3A : memref<!tpu.dma_semaphore, #tpu.memory_space<semaphore_mem>>) src(%dma_wait3A_200 : memref<10000xf32, #tpu.memory_space<hbm>>) dst(%arg9 : memref<10000xf32, #tpu.memory_space<vmem>>)
      tpu.yield
    }) : () -> ()
    %mul3A_100 = arith.constant 320 : i32
    %mul3A_101 = arith.muli %add3A, %mul3A_100 : i32
    %multiple_of3A = tpu.assume_multiple %mul3A_101, 32 : i32
    "tpu.region"() ({
      %run_scoped3A = tpu.sem_alloc : memref<!tpu.dma_semaphore, #tpu.memory_space<semaphore_mem>>
      %dma_start3A_193 = arith.constant 0 : i32
      %dma_start3A_194 = arith.constant 0 : i32
      %dma_start3A_195 = tpu.memref_slice %arg10[%dma_start3A_193, %dma_start3A_194] : memref<64x32xi32, #tpu.memory_space<vmem>> -> memref<32x32xi32, #tpu.memory_space<vmem>>
      %dma_start3A_196 = arith.constant 0 : i32
      %dma_start3A_197 = tpu.memref_slice %arg4[%multiple_of3A, %dma_start3A_196] : memref<10240x32xi32, #tpu.memory_space<hbm>> -> memref<32x32xi32, #tpu.memory_space<hbm>>
      %dma_start3A_198 = arith.constant 0 : i32
      %dma_start3A_199 = arith.constant 0 : i32
      %dma_start3A_200 = tpu.memref_slice %arg10[%dma_start3A_198, %dma_start3A_199] : memref<64x32xi32, #tpu.memory_space<vmem>> -> memref<32x32xi32, #tpu.memory_space<vmem>>
      %dma_start3A_201 = arith.constant 0 : i32
      %dma_start3A_202 = tpu.memref_slice %arg4[%multiple_of3A, %dma_start3A_201] : memref<10240x32xi32, #tpu.memory_space<hbm>> -> memref<32x32xi32, #tpu.memory_space<hbm>>
      tpu.enqueue_dma source(%dma_start3A_202 : memref<32x32xi32, #tpu.memory_space<hbm>>) target(%dma_start3A_200 : memref<32x32xi32, #tpu.memory_space<vmem>>) target_semaphore(%run_scoped3A : memref<!tpu.dma_semaphore, #tpu.memory_space<semaphore_mem>>)
      %dma_wait3A_203 = arith.constant 0 : i32
      %dma_wait3A_204 = arith.constant 0 : i32
      %dma_wait3A_205 = tpu.memref_slice %arg10[%dma_wait3A_203, %dma_wait3A_204] : memref<64x32xi32, #tpu.memory_space<vmem>> -> memref<32x32xi32, #tpu.memory_space<vmem>>
      %dma_wait3A_206 = arith.constant 0 : i32
      %dma_wait3A_207 = tpu.memref_slice %arg4[%multiple_of3A, %dma_wait3A_206] : memref<10240x32xi32, #tpu.memory_space<hbm>> -> memref<32x32xi32, #tpu.memory_space<hbm>>
      %dma_wait3A_208 = arith.constant 0 : i32
      %dma_wait3A_209 = arith.constant 0 : i32
      %dma_wait3A_210 = tpu.memref_slice %arg10[%dma_wait3A_208, %dma_wait3A_209] : memref<64x32xi32, #tpu.memory_space<vmem>> -> memref<32x32xi32, #tpu.memory_space<vmem>>
      %dma_wait3A_211 = arith.constant 0 : i32
      %dma_wait3A_212 = tpu.memref_slice %arg4[%multiple_of3A, %dma_wait3A_211] : memref<10240x32xi32, #tpu.memory_space<hbm>> -> memref<32x32xi32, #tpu.memory_space<hbm>>
      tpu.wait_dma2 semaphore(%run_scoped3A : memref<!tpu.dma_semaphore, #tpu.memory_space<semaphore_mem>>) src(%dma_wait3A_212 : memref<32x32xi32, #tpu.memory_space<hbm>>) dst(%dma_wait3A_210 : memref<32x32xi32, #tpu.memory_space<vmem>>)
      tpu.yield
    }) : () -> ()
    "tpu.region"() ({
      %run_scoped3A = tpu.sem_alloc : memref<!tpu.dma_semaphore, #tpu.memory_space<semaphore_mem>>
      %dma_start3A_193 = arith.constant 0 : i32
      %dma_start3A_194 = arith.constant 0 : i32
      %dma_start3A_195 = tpu.memref_slice %arg11[%dma_start3A_193, %dma_start3A_194] : memref<64x32xi32, #tpu.memory_space<vmem>> -> memref<32x32xi32, #tpu.memory_space<vmem>>
      %dma_start3A_196 = arith.constant 0 : i32
      %dma_start3A_197 = tpu.memref_slice %arg5[%multiple_of3A, %dma_start3A_196] : memref<10240x32xi32, #tpu.memory_space<hbm>> -> memref<32x32xi32, #tpu.memory_space<hbm>>
      %dma_start3A_198 = arith.constant 0 : i32
      %dma_start3A_199 = arith.constant 0 : i32
      %dma_start3A_200 = tpu.memref_slice %arg11[%dma_start3A_198, %dma_start3A_199] : memref<64x32xi32, #tpu.memory_space<vmem>> -> memref<32x32xi32, #tpu.memory_space<vmem>>
      %dma_start3A_201 = arith.constant 0 : i32
      %dma_start3A_202 = tpu.memref_slice %arg5[%multiple_of3A, %dma_start3A_201] : memref<10240x32xi32, #tpu.memory_space<hbm>> -> memref<32x32xi32, #tpu.memory_space<hbm>>
      tpu.enqueue_dma source(%dma_start3A_202 : memref<32x32xi32, #tpu.memory_space<hbm>>) target(%dma_start3A_200 : memref<32x32xi32, #tpu.memory_space<vmem>>) target_semaphore(%run_scoped3A : memref<!tpu.dma_semaphore, #tpu.memory_space<semaphore_mem>>)
      %dma_wait3A_203 = arith.constant 0 : i32
      %dma_wait3A_204 = arith.constant 0 : i32
      %dma_wait3A_205 = tpu.memref_slice %arg11[%dma_wait3A_203, %dma_wait3A_204] : memref<64x32xi32, #tpu.memory_space<vmem>> -> memref<32x32xi32, #tpu.memory_space<vmem>>
      %dma_wait3A_206 = arith.constant 0 : i32
      %dma_wait3A_207 = tpu.memref_slice %arg5[%multiple_of3A, %dma_wait3A_206] : memref<10240x32xi32, #tpu.memory_space<hbm>> -> memref<32x32xi32, #tpu.memory_space<hbm>>
      %dma_wait3A_208 = arith.constant 0 : i32
      %dma_wait3A_209 = arith.constant 0 : i32
      %dma_wait3A_210 = tpu.memref_slice %arg11[%dma_wait3A_208, %dma_wait3A_209] : memref<64x32xi32, #tpu.memory_space<vmem>> -> memref<32x32xi32, #tpu.memory_space<vmem>>
      %dma_wait3A_211 = arith.constant 0 : i32
      %dma_wait3A_212 = tpu.memref_slice %arg5[%multiple_of3A, %dma_wait3A_211] : memref<10240x32xi32, #tpu.memory_space<hbm>> -> memref<32x32xi32, #tpu.memory_space<hbm>>
      tpu.wait_dma2 semaphore(%run_scoped3A : memref<!tpu.dma_semaphore, #tpu.memory_space<semaphore_mem>>) src(%dma_wait3A_212 : memref<32x32xi32, #tpu.memory_space<hbm>>) dst(%dma_wait3A_210 : memref<32x32xi32, #tpu.memory_space<vmem>>)
      tpu.yield
    }) : () -> ()
    %barrier3A = arith.constant 0 : index
    tpu.barrier barrier_id(%barrier3A)
    %dma_start3A = arith.constant 0 : i32
    %dma_start3A_102 = arith.constant 0 : i32
    %dma_start3A_103 = arith.constant 0 : i32
    %dma_start3A_104 = arith.constant 0 : i32
    %dma_start3A_105 = tpu.memref_slice %arg13[%dma_start3A_102, %dma_start3A_103, %dma_start3A_104] : memref<3x32x128xf32, #tpu.memory_space<vmem>> -> memref<1x32x128xf32, #tpu.memory_space<vmem>>
    %dma_start3A_106 = tpu.memref_squeeze %dma_start3A_105 : memref<1x32x128xf32, #tpu.memory_space<vmem>> -> memref<32x128xf32, #tpu.memory_space<vmem>>
    %dma_start3A_107 = arith.constant 0 : i32
    %dma_start3A_108 = tpu.memref_slice %arg10[%dma_start3A, %dma_start3A_107] : memref<64x32xi32, #tpu.memory_space<vmem>> -> memref<1x32xi32, #tpu.memory_space<vmem>>
    %dma_start3A_109 = tpu.memref_squeeze %dma_start3A_108 : memref<1x32xi32, #tpu.memory_space<vmem>> -> memref<32xi32, #tpu.memory_space<vmem>>
    %dma_start3A_110 = arith.constant 0 : i32
    %dma_start3A_111 = arith.constant 0 : i32
    %dma_start3A_112 = tpu.memref_slice %arg2[%dma_start3A_110, %dma_start3A_111] : memref<10000x128xf32, #tpu.memory_space<hbm>> -> memref<10000x128xf32, #tpu.memory_space<hbm>>
    tpu.enqueue_indirect_dma source(%dma_start3A_112 : memref<10000x128xf32, #tpu.memory_space<hbm>>) target(%dma_start3A_106 : memref<32x128xf32, #tpu.memory_space<vmem>>) offsets(%dma_start3A_109 : memref<32xi32, #tpu.memory_space<vmem>>) semaphore(%arg17 : memref<!tpu.dma_semaphore, #tpu.memory_space<semaphore_mem>>)
    %dma_start3A_113 = arith.constant 1 : i32
    %dma_start3A_114 = arith.constant 1 : i32
    %dma_start3A_115 = arith.constant 0 : i32
    %dma_start3A_116 = arith.constant 0 : i32
    %dma_start3A_117 = tpu.memref_slice %arg13[%dma_start3A_114, %dma_start3A_115, %dma_start3A_116] : memref<3x32x128xf32, #tpu.memory_space<vmem>> -> memref<1x32x128xf32, #tpu.memory_space<vmem>>
    %dma_start3A_118 = tpu.memref_squeeze %dma_start3A_117 : memref<1x32x128xf32, #tpu.memory_space<vmem>> -> memref<32x128xf32, #tpu.memory_space<vmem>>
    %dma_start3A_119 = arith.constant 0 : i32
    %dma_start3A_120 = tpu.memref_slice %arg10[%dma_start3A_113, %dma_start3A_119] : memref<64x32xi32, #tpu.memory_space<vmem>> -> memref<1x32xi32, #tpu.memory_space<vmem>>
    %dma_start3A_121 = tpu.memref_squeeze %dma_start3A_120 : memref<1x32xi32, #tpu.memory_space<vmem>> -> memref<32xi32, #tpu.memory_space<vmem>>
    %dma_start3A_122 = arith.constant 0 : i32
    %dma_start3A_123 = arith.constant 0 : i32
    %dma_start3A_124 = tpu.memref_slice %arg2[%dma_start3A_122, %dma_start3A_123] : memref<10000x128xf32, #tpu.memory_space<hbm>> -> memref<10000x128xf32, #tpu.memory_space<hbm>>
    tpu.enqueue_indirect_dma source(%dma_start3A_124 : memref<10000x128xf32, #tpu.memory_space<hbm>>) target(%dma_start3A_118 : memref<32x128xf32, #tpu.memory_space<vmem>>) offsets(%dma_start3A_121 : memref<32xi32, #tpu.memory_space<vmem>>) semaphore(%arg17 : memref<!tpu.dma_semaphore, #tpu.memory_space<semaphore_mem>>)
    %scan3A_125 = arith.constant 0 : i32
    %scan3A_126 = arith.constant 0 : i32
    %scan3A_127 = arith.constant 320 : i32
    %scan3A_128 = arith.addi %scan3A_126, %scan3A_127 : i32
    %scan3A_129 = arith.constant 1 : i32
    scf.for %scan3A_193 = %scan3A_126 to %scan3A_128 step %scan3A_129  : i32 {
      %rem3A = arith.constant 3 : i32
      %rem3A_194 = arith.remsi %scan3A_193, %rem3A : i32
      %div3A = arith.constant 32 : i32
      %div3A_195 = arith.divsi %scan3A_193, %div3A : i32
      %rem3A_196 = arith.constant 2 : i32
      %rem3A_197 = arith.remsi %div3A_195, %rem3A_196 : i32
      %mul3A_198 = arith.constant 32 : i32
      %mul3A_199 = arith.muli %rem3A_197, %mul3A_198 : i32
      %rem3A_200 = arith.constant 32 : i32
      %rem3A_201 = arith.remsi %scan3A_193, %rem3A_200 : i32
      %add3A_202 = arith.addi %mul3A_199, %rem3A_201 : i32
      %rem3A_203 = arith.constant 4 : i32
      %rem3A_204 = arith.remsi %scan3A_193, %rem3A_203 : i32
      %ge3A = arith.constant 4 : i32
      %ge3A_205 = arith.cmpi sge, %scan3A_193, %ge3A : i32
      %convert_element_type3A_206 = arith.extui %ge3A_205 : i1 to i32
      %cond3A_207 = arith.constant 0 : i32
      %cond3A_208 = arith.cmpi ne, %convert_element_type3A_206, %cond3A_207 : i32
      scf.if %cond3A_208 {
        %dma_wait3A_325 = arith.constant 0 : i32
        %dma_wait3A_326 = tpu.memref_slice %arg12[%rem3A_204, %dma_wait3A_325] : memref<4x32xf32, #tpu.memory_space<vmem>> -> memref<1x32xf32, #tpu.memory_space<vmem>>
        %dma_wait3A_327 = tpu.memref_squeeze %dma_wait3A_326 : memref<1x32xf32, #tpu.memory_space<vmem>> -> memref<32xf32, #tpu.memory_space<vmem>>
        %dma_wait3A_328 = arith.constant 0 : i32
        %dma_wait3A_329 = tpu.memref_slice %arg11[%add3A_202, %dma_wait3A_328] : memref<64x32xi32, #tpu.memory_space<vmem>> -> memref<1x32xi32, #tpu.memory_space<vmem>>
        %dma_wait3A_330 = tpu.memref_squeeze %dma_wait3A_329 : memref<1x32xi32, #tpu.memory_space<vmem>> -> memref<32xi32, #tpu.memory_space<vmem>>
        %dma_wait3A_331 = arith.constant 0 : i32
        %dma_wait3A_332 = tpu.memref_slice %arg16[%dma_wait3A_331] : memref<10000xf32, #tpu.memory_space<vmem_shared>> -> memref<10000xf32, #tpu.memory_space<vmem_shared>>
        tpu.wait_indirect_dma semaphore(%arg19 : memref<!tpu.dma_semaphore, #tpu.memory_space<semaphore_mem>>) src(%dma_wait3A_327 : memref<32xf32, #tpu.memory_space<vmem>>) dst(%dma_wait3A_332 : memref<10000xf32, #tpu.memory_space<vmem_shared>>)
      } else {
      }
      %get3A = arith.index_cast %add3A_202 : i32 to index
      %get3A_209 = arith.constant 0 : index
      %get3A_210 = tpu.vector_load %arg10[%get3A, %get3A_209] {strides = array<i32>} : memref<64x32xi32, #tpu.memory_space<vmem>>, vector<16xi32>,
      %get3A_211 = arith.index_cast %add3A_202 : i32 to index
      %get3A_212 = arith.constant 0 : index
      %get3A_213 = tpu.vector_load %arg11[%get3A_211, %get3A_212] {strides = array<i32>} : memref<64x32xi32, #tpu.memory_space<vmem>>, vector<16xi32>,
      %gather3A = tpu.vector_load_idx %arg8[%get3A_210] : memref<10000xf32, #tpu.memory_space<vmem>>[vector<16xi32>], vector<16xf32>,
      %gather3A_214 = tpu.vector_load_idx %arg9[%get3A_213] : memref<10000xf32, #tpu.memory_space<vmem>>[vector<16xi32>], vector<16xf32>,
      %add3A_215 = arith.addf %gather3A, %gather3A_214 : vector<16xf32>
      %lt3A_216 = arith.constant 0.000000e+00 : f32
      %lt3A_217 = vector.broadcast %lt3A_216 : f32 to vector<16xf32>
      %lt3A_218 = arith.cmpf olt, %add3A_215, %lt3A_217 : vector<16xf32>
      %mul3A_219 = arith.constant 2.000000e-01 : f32
      %mul3A_220 = vector.broadcast %mul3A_219 : f32 to vector<16xf32>
      %mul3A_221 = arith.mulf %add3A_215, %mul3A_220 : vector<16xf32>
      %select_n3A = arith.select %lt3A_218, %mul3A_221, %add3A_215 : vector<16xi1>, vector<16xf32>
      %exp3A = math.exp %select_n3A : vector<16xf32>
      %mul3A_222 = arith.constant 32 : i32
      %mul3A_223 = arith.muli %scan3A_193, %mul3A_222 : i32
      %add3A_224 = arith.constant 0 : i32
      %add3A_225 = arith.addi %mul3A_223, %add3A_224 : i32
      %iota3A = tpu.iota {dimensions = array<i32: 0>} : vector<16xi32>
      %add3A_226 = vector.broadcast %add3A_225 : i32 to vector<16xi32>
      %add3A_227 = arith.addi %add3A_226, %iota3A : vector<16xi32>
      %lt3A_228 = arith.constant 10000 : i32
      %lt3A_229 = vector.broadcast %lt3A_228 : i32 to vector<16xi32>
      %lt3A_230 = arith.cmpi slt, %add3A_227, %lt3A_229 : vector<16xi32>
      %jit3A = arith.constant 0.000000e+00 : f32
      %broadcast_in_dim3A_231 = vector.broadcast %jit3A : f32 to vector<16xf32>
      %select_n3A_232 = arith.select %lt3A_230, %exp3A, %broadcast_in_dim3A_231 : vector<16xi1>, vector<16xf32>
      %swap3A_233 = arith.index_cast %rem3A_204 : i32 to index
      %swap3A_234 = arith.constant 0 : index
      %swap3A_235 = tpu.vector_load %arg12[%swap3A_233, %swap3A_234] {strides = array<i32>} : memref<4x32xf32, #tpu.memory_space<vmem>>, vector<16xf32>,
      tpu.vector_store %arg12[%swap3A_233, %swap3A_234], %select_n3A_232 {strides = array<i32>} : memref<4x32xf32, #tpu.memory_space<vmem>>, vector<16xf32>,
      %get3A_236 = arith.index_cast %add3A_202 : i32 to index
      %get3A_237 = arith.constant 16 : index
      %get3A_238 = tpu.vector_load %arg10[%get3A_236, %get3A_237] {strides = array<i32>} : memref<64x32xi32, #tpu.memory_space<vmem>>, vector<16xi32>,
      %get3A_239 = arith.index_cast %add3A_202 : i32 to index
      %get3A_240 = arith.constant 16 : index
      %get3A_241 = tpu.vector_load %arg11[%get3A_239, %get3A_240] {strides = array<i32>} : memref<64x32xi32, #tpu.memory_space<vmem>>, vector<16xi32>,
      %gather3A_242 = tpu.vector_load_idx %arg8[%get3A_238] : memref<10000xf32, #tpu.memory_space<vmem>>[vector<16xi32>], vector<16xf32>,
      %gather3A_243 = tpu.vector_load_idx %arg9[%get3A_241] : memref<10000xf32, #tpu.memory_space<vmem>>[vector<16xi32>], vector<16xf32>,
      %add3A_244 = arith.addf %gather3A_242, %gather3A_243 : vector<16xf32>
      %lt3A_245 = arith.constant 0.000000e+00 : f32
      %lt3A_246 = vector.broadcast %lt3A_245 : f32 to vector<16xf32>
      %lt3A_247 = arith.cmpf olt, %add3A_244, %lt3A_246 : vector<16xf32>
      %mul3A_248 = arith.constant 2.000000e-01 : f32
      %mul3A_249 = vector.broadcast %mul3A_248 : f32 to vector<16xf32>
      %mul3A_250 = arith.mulf %add3A_244, %mul3A_249 : vector<16xf32>
      %select_n3A_251 = arith.select %lt3A_247, %mul3A_250, %add3A_244 : vector<16xi1>, vector<16xf32>
      %exp3A_252 = math.exp %select_n3A_251 : vector<16xf32>
      %mul3A_253 = arith.constant 32 : i32
      %mul3A_254 = arith.muli %scan3A_193, %mul3A_253 : i32
      %add3A_255 = arith.constant 16 : i32
      %add3A_256 = arith.addi %mul3A_254, %add3A_255 : i32
      %iota3A_257 = tpu.iota {dimensions = array<i32: 0>} : vector<16xi32>
      %add3A_258 = vector.broadcast %add3A_256 : i32 to vector<16xi32>
      %add3A_259 = arith.addi %add3A_258, %iota3A_257 : vector<16xi32>
      %lt3A_260 = arith.constant 10000 : i32
      %lt3A_261 = vector.broadcast %lt3A_260 : i32 to vector<16xi32>
      %lt3A_262 = arith.cmpi slt, %add3A_259, %lt3A_261 : vector<16xi32>
      %jit3A_263 = arith.constant 0.000000e+00 : f32
      %broadcast_in_dim3A_264 = vector.broadcast %jit3A_263 : f32 to vector<16xf32>
      %select_n3A_265 = arith.select %lt3A_262, %exp3A_252, %broadcast_in_dim3A_264 : vector<16xi1>, vector<16xf32>
      %swap3A_266 = arith.index_cast %rem3A_204 : i32 to index
      %swap3A_267 = arith.constant 16 : index
      %swap3A_268 = tpu.vector_load %arg12[%swap3A_266, %swap3A_267] {strides = array<i32>} : memref<4x32xf32, #tpu.memory_space<vmem>>, vector<16xf32>,
      tpu.vector_store %arg12[%swap3A_266, %swap3A_267], %select_n3A_265 {strides = array<i32>} : memref<4x32xf32, #tpu.memory_space<vmem>>, vector<16xf32>,
      %dma_start3A_269 = arith.constant 0 : i32
      %dma_start3A_270 = tpu.memref_slice %arg12[%rem3A_204, %dma_start3A_269] : memref<4x32xf32, #tpu.memory_space<vmem>> -> memref<1x32xf32, #tpu.memory_space<vmem>>
      %dma_start3A_271 = tpu.memref_squeeze %dma_start3A_270 : memref<1x32xf32, #tpu.memory_space<vmem>> -> memref<32xf32, #tpu.memory_space<vmem>>
      %dma_start3A_272 = arith.constant 0 : i32
      %dma_start3A_273 = tpu.memref_slice %arg11[%add3A_202, %dma_start3A_272] : memref<64x32xi32, #tpu.memory_space<vmem>> -> memref<1x32xi32, #tpu.memory_space<vmem>>
      %dma_start3A_274 = tpu.memref_squeeze %dma_start3A_273 : memref<1x32xi32, #tpu.memory_space<vmem>> -> memref<32xi32, #tpu.memory_space<vmem>>
      %dma_start3A_275 = arith.constant 0 : i32
      %dma_start3A_276 = tpu.memref_slice %arg16[%dma_start3A_275] : memref<10000xf32, #tpu.memory_space<vmem_shared>> -> memref<10000xf32, #tpu.memory_space<vmem_shared>>
      tpu.enqueue_indirect_dma source(%dma_start3A_271 : memref<32xf32, #tpu.memory_space<vmem>>) target(%dma_start3A_276 : memref<10000xf32, #tpu.memory_space<vmem_shared>>) offsets(%dma_start3A_274 : memref<32xi32, #tpu.memory_space<vmem>>) semaphore(%arg19 : memref<!tpu.dma_semaphore, #tpu.memory_space<semaphore_mem>>) {add = true}
      %dma_wait3A_277 = arith.constant 0 : i32
      %dma_wait3A_278 = arith.constant 0 : i32
      %dma_wait3A_279 = tpu.memref_slice %arg13[%rem3A_194, %dma_wait3A_277, %dma_wait3A_278] : memref<3x32x128xf32, #tpu.memory_space<vmem>> -> memref<1x32x128xf32, #tpu.memory_space<vmem>>
      %dma_wait3A_280 = tpu.memref_squeeze %dma_wait3A_279 : memref<1x32x128xf32, #tpu.memory_space<vmem>> -> memref<32x128xf32, #tpu.memory_space<vmem>>
      %dma_wait3A_281 = arith.constant 0 : i32
      %dma_wait3A_282 = tpu.memref_slice %arg10[%add3A_202, %dma_wait3A_281] : memref<64x32xi32, #tpu.memory_space<vmem>> -> memref<1x32xi32, #tpu.memory_space<vmem>>
      %dma_wait3A_283 = tpu.memref_squeeze %dma_wait3A_282 : memref<1x32xi32, #tpu.memory_space<vmem>> -> memref<32xi32, #tpu.memory_space<vmem>>
      %dma_wait3A_284 = arith.constant 0 : i32
      %dma_wait3A_285 = arith.constant 0 : i32
      %dma_wait3A_286 = tpu.memref_slice %arg2[%dma_wait3A_284, %dma_wait3A_285] : memref<10000x128xf32, #tpu.memory_space<hbm>> -> memref<10000x128xf32, #tpu.memory_space<hbm>>
      tpu.wait_indirect_dma semaphore(%arg17 : memref<!tpu.dma_semaphore, #tpu.memory_space<semaphore_mem>>) src(%dma_wait3A_286 : memref<10000x128xf32, #tpu.memory_space<hbm>>) dst(%dma_wait3A_280 : memref<32x128xf32, #tpu.memory_space<vmem>>)
      %broadcast_in_dim3A_287 = vector.broadcast %rem3A_204 : i32 to vector<16xi32>
      %parallel_loop3A = arith.constant 0 : i32
      %parallel_loop3A_288 = arith.constant 32 : i32
      %parallel_loop3A_289 = arith.constant 1 : i32
      scf.for %parallel_loop3A_325 = %parallel_loop3A to %parallel_loop3A_288 step %parallel_loop3A_289  : i32 {
        %parallel_loop3A_326 = vector.broadcast %parallel_loop3A_325 : i32 to vector<16xi32>
        %parallel_loop3A_327 = tpu.vector_load_idx %arg12[%broadcast_in_dim3A_287, %parallel_loop3A_326] : memref<4x32xf32, #tpu.memory_space<vmem>>[vector<16xi32>, vector<16xi32>], vector<16xf32>,
        %parallel_loop3A_328 = arith.index_cast %rem3A_194 : i32 to index
        %parallel_loop3A_329 = arith.index_cast %parallel_loop3A_325 : i32 to index
        %parallel_loop3A_330 = arith.constant 0 : index
        %parallel_loop3A_331 = tpu.vector_load %arg13[%parallel_loop3A_328, %parallel_loop3A_329, %parallel_loop3A_330] {strides = array<i32>} : memref<3x32x128xf32, #tpu.memory_space<vmem>>, vector<16xf32>,
        %parallel_loop3A_332 = arith.mulf %parallel_loop3A_331, %parallel_loop3A_327 : vector<16xf32>
        %parallel_loop3A_333 = arith.index_cast %rem3A_194 : i32 to index
        %parallel_loop3A_334 = arith.index_cast %parallel_loop3A_325 : i32 to index
        %parallel_loop3A_335 = arith.constant 0 : index
        %parallel_loop3A_336 = tpu.vector_load %arg13[%parallel_loop3A_333, %parallel_loop3A_334, %parallel_loop3A_335] {strides = array<i32>} : memref<3x32x128xf32, #tpu.memory_space<vmem>>, vector<16xf32>,
        tpu.vector_store %arg13[%parallel_loop3A_333, %parallel_loop3A_334, %parallel_loop3A_335], %parallel_loop3A_332 {strides = array<i32>} : memref<3x32x128xf32, #tpu.memory_space<vmem>>, vector<16xf32>,
        %parallel_loop3A_337 = arith.index_cast %rem3A_194 : i32 to index
        %parallel_loop3A_338 = arith.index_cast %parallel_loop3A_325 : i32 to index
        %parallel_loop3A_339 = arith.constant 16 : index
        %parallel_loop3A_340 = tpu.vector_load %arg13[%parallel_loop3A_337, %parallel_loop3A_338, %parallel_loop3A_339] {strides = array<i32>} : memref<3x32x128xf32, #tpu.memory_space<vmem>>, vector<16xf32>,
        %parallel_loop3A_341 = arith.mulf %parallel_loop3A_340, %parallel_loop3A_327 : vector<16xf32>
        %parallel_loop3A_342 = arith.index_cast %rem3A_194 : i32 to index
        %parallel_loop3A_343 = arith.index_cast %parallel_loop3A_325 : i32 to index
        %parallel_loop3A_344 = arith.constant 16 : index
        %parallel_loop3A_345 = tpu.vector_load %arg13[%parallel_loop3A_342, %parallel_loop3A_343, %parallel_loop3A_344] {strides = array<i32>} : memref<3x32x128xf32, #tpu.memory_space<vmem>>, vector<16xf32>,
        tpu.vector_store %arg13[%parallel_loop3A_342, %parallel_loop3A_343, %parallel_loop3A_344], %parallel_loop3A_341 {strides = array<i32>} : memref<3x32x128xf32, #tpu.memory_space<vmem>>, vector<16xf32>,
        %parallel_loop3A_346 = arith.index_cast %rem3A_194 : i32 to index
        %parallel_loop3A_347 = arith.index_cast %parallel_loop3A_325 : i32 to index
        %parallel_loop3A_348 = arith.constant 32 : index
        %parallel_loop3A_349 = tpu.vector_load %arg13[%parallel_loop3A_346, %parallel_loop3A_347, %parallel_loop3A_348] {strides = array<i32>} : memref<3x32x128xf32, #tpu.memory_space<vmem>>, vector<16xf32>,
        %parallel_loop3A_350 = arith.mulf %parallel_loop3A_349, %parallel_loop3A_327 : vector<16xf32>
        %parallel_loop3A_351 = arith.index_cast %rem3A_194 : i32 to index
        %parallel_loop3A_352 = arith.index_cast %parallel_loop3A_325 : i32 to index
        %parallel_loop3A_353 = arith.constant 32 : index
        %parallel_loop3A_354 = tpu.vector_load %arg13[%parallel_loop3A_351, %parallel_loop3A_352, %parallel_loop3A_353] {strides = array<i32>} : memref<3x32x128xf32, #tpu.memory_space<vmem>>, vector<16xf32>,
        tpu.vector_store %arg13[%parallel_loop3A_351, %parallel_loop3A_352, %parallel_loop3A_353], %parallel_loop3A_350 {strides = array<i32>} : memref<3x32x128xf32, #tpu.memory_space<vmem>>, vector<16xf32>,
        %parallel_loop3A_355 = arith.index_cast %rem3A_194 : i32 to index
        %parallel_loop3A_356 = arith.index_cast %parallel_loop3A_325 : i32 to index
        %parallel_loop3A_357 = arith.constant 48 : index
        %parallel_loop3A_358 = tpu.vector_load %arg13[%parallel_loop3A_355, %parallel_loop3A_356, %parallel_loop3A_357] {strides = array<i32>} : memref<3x32x128xf32, #tpu.memory_space<vmem>>, vector<16xf32>,
        %parallel_loop3A_359 = arith.mulf %parallel_loop3A_358, %parallel_loop3A_327 : vector<16xf32>
        %parallel_loop3A_360 = arith.index_cast %rem3A_194 : i32 to index
        %parallel_loop3A_361 = arith.index_cast %parallel_loop3A_325 : i32 to index
        %parallel_loop3A_362 = arith.constant 48 : index
        %parallel_loop3A_363 = tpu.vector_load %arg13[%parallel_loop3A_360, %parallel_loop3A_361, %parallel_loop3A_362] {strides = array<i32>} : memref<3x32x128xf32, #tpu.memory_space<vmem>>, vector<16xf32>,
        tpu.vector_store %arg13[%parallel_loop3A_360, %parallel_loop3A_361, %parallel_loop3A_362], %parallel_loop3A_359 {strides = array<i32>} : memref<3x32x128xf32, #tpu.memory_space<vmem>>, vector<16xf32>,
        %parallel_loop3A_364 = arith.index_cast %rem3A_194 : i32 to index
        %parallel_loop3A_365 = arith.index_cast %parallel_loop3A_325 : i32 to index
        %parallel_loop3A_366 = arith.constant 64 : index
        %parallel_loop3A_367 = tpu.vector_load %arg13[%parallel_loop3A_364, %parallel_loop3A_365, %parallel_loop3A_366] {strides = array<i32>} : memref<3x32x128xf32, #tpu.memory_space<vmem>>, vector<16xf32>,
        %parallel_loop3A_368 = arith.mulf %parallel_loop3A_367, %parallel_loop3A_327 : vector<16xf32>
        %parallel_loop3A_369 = arith.index_cast %rem3A_194 : i32 to index
        %parallel_loop3A_370 = arith.index_cast %parallel_loop3A_325 : i32 to index
        %parallel_loop3A_371 = arith.constant 64 : index
        %parallel_loop3A_372 = tpu.vector_load %arg13[%parallel_loop3A_369, %parallel_loop3A_370, %parallel_loop3A_371] {strides = array<i32>} : memref<3x32x128xf32, #tpu.memory_space<vmem>>, vector<16xf32>,
        tpu.vector_store %arg13[%parallel_loop3A_369, %parallel_loop3A_370, %parallel_loop3A_371], %parallel_loop3A_368 {strides = array<i32>} : memref<3x32x128xf32, #tpu.memory_space<vmem>>, vector<16xf32>,
        %parallel_loop3A_373 = arith.index_cast %rem3A_194 : i32 to index
        %parallel_loop3A_374 = arith.index_cast %parallel_loop3A_325 : i32 to index
        %parallel_loop3A_375 = arith.constant 80 : index
        %parallel_loop3A_376 = tpu.vector_load %arg13[%parallel_loop3A_373, %parallel_loop3A_374, %parallel_loop3A_375] {strides = array<i32>} : memref<3x32x128xf32, #tpu.memory_space<vmem>>, vector<16xf32>,
        %parallel_loop3A_377 = arith.mulf %parallel_loop3A_376, %parallel_loop3A_327 : vector<16xf32>
        %parallel_loop3A_378 = arith.index_cast %rem3A_194 : i32 to index
        %parallel_loop3A_379 = arith.index_cast %parallel_loop3A_325 : i32 to index
        %parallel_loop3A_380 = arith.constant 80 : index
        %parallel_loop3A_381 = tpu.vector_load %arg13[%parallel_loop3A_378, %parallel_loop3A_379, %parallel_loop3A_380] {strides = array<i32>} : memref<3x32x128xf32, #tpu.memory_space<vmem>>, vector<16xf32>,
        tpu.vector_store %arg13[%parallel_loop3A_378, %parallel_loop3A_379, %parallel_loop3A_380], %parallel_loop3A_377 {strides = array<i32>} : memref<3x32x128xf32, #tpu.memory_space<vmem>>, vector<16xf32>,
        %parallel_loop3A_382 = arith.index_cast %rem3A_194 : i32 to index
        %parallel_loop3A_383 = arith.index_cast %parallel_loop3A_325 : i32 to index
        %parallel_loop3A_384 = arith.constant 96 : index
        %parallel_loop3A_385 = tpu.vector_load %arg13[%parallel_loop3A_382, %parallel_loop3A_383, %parallel_loop3A_384] {strides = array<i32>} : memref<3x32x128xf32, #tpu.memory_space<vmem>>, vector<16xf32>,
        %parallel_loop3A_386 = arith.mulf %parallel_loop3A_385, %parallel_loop3A_327 : vector<16xf32>
        %parallel_loop3A_387 = arith.index_cast %rem3A_194 : i32 to index
        %parallel_loop3A_388 = arith.index_cast %parallel_loop3A_325 : i32 to index
        %parallel_loop3A_389 = arith.constant 96 : index
        %parallel_loop3A_390 = tpu.vector_load %arg13[%parallel_loop3A_387, %parallel_loop3A_388, %parallel_loop3A_389] {strides = array<i32>} : memref<3x32x128xf32, #tpu.memory_space<vmem>>, vector<16xf32>,
        tpu.vector_store %arg13[%parallel_loop3A_387, %parallel_loop3A_388, %parallel_loop3A_389], %parallel_loop3A_386 {strides = array<i32>} : memref<3x32x128xf32, #tpu.memory_space<vmem>>, vector<16xf32>,
        %parallel_loop3A_391 = arith.index_cast %rem3A_194 : i32 to index
        %parallel_loop3A_392 = arith.index_cast %parallel_loop3A_325 : i32 to index
        %parallel_loop3A_393 = arith.constant 112 : index
        %parallel_loop3A_394 = tpu.vector_load %arg13[%parallel_loop3A_391, %parallel_loop3A_392, %parallel_loop3A_393] {strides = array<i32>} : memref<3x32x128xf32, #tpu.memory_space<vmem>>, vector<16xf32>,
        %parallel_loop3A_395 = arith.mulf %parallel_loop3A_394, %parallel_loop3A_327 : vector<16xf32>
        %parallel_loop3A_396 = arith.index_cast %rem3A_194 : i32 to index
        %parallel_loop3A_397 = arith.index_cast %parallel_loop3A_325 : i32 to index
        %parallel_loop3A_398 = arith.constant 112 : index
        %parallel_loop3A_399 = tpu.vector_load %arg13[%parallel_loop3A_396, %parallel_loop3A_397, %parallel_loop3A_398] {strides = array<i32>} : memref<3x32x128xf32, #tpu.memory_space<vmem>>, vector<16xf32>,
        tpu.vector_store %arg13[%parallel_loop3A_396, %parallel_loop3A_397, %parallel_loop3A_398], %parallel_loop3A_395 {strides = array<i32>} : memref<3x32x128xf32, #tpu.memory_space<vmem>>, vector<16xf32>,
      } {sc.loop_unroll_factor = 8 : i64, sc.parallel_access}
      %dma_start3A_290 = arith.constant 0 : i32
      %dma_start3A_291 = arith.constant 0 : i32
      %dma_start3A_292 = tpu.memref_slice %arg13[%rem3A_194, %dma_start3A_290, %dma_start3A_291] : memref<3x32x128xf32, #tpu.memory_space<vmem>> -> memref<1x32x128xf32, #tpu.memory_space<vmem>>
      %dma_start3A_293 = tpu.memref_squeeze %dma_start3A_292 : memref<1x32x128xf32, #tpu.memory_space<vmem>> -> memref<32x128xf32, #tpu.memory_space<vmem>>
      %dma_start3A_294 = arith.constant 0 : i32
      %dma_start3A_295 = tpu.memref_slice %arg11[%add3A_202, %dma_start3A_294] : memref<64x32xi32, #tpu.memory_space<vmem>> -> memref<1x32xi32, #tpu.memory_space<vmem>>
      %dma_start3A_296 = tpu.memref_squeeze %dma_start3A_295 : memref<1x32xi32, #tpu.memory_space<vmem>> -> memref<32xi32, #tpu.memory_space<vmem>>
      %dma_start3A_297 = arith.constant 0 : i32
      %dma_start3A_298 = arith.constant 0 : i32
      %dma_start3A_299 = tpu.memref_slice %arg15[%dma_start3A_297, %dma_start3A_298] : memref<10000x128xf32, #tpu.memory_space<vmem_shared>> -> memref<10000x128xf32, #tpu.memory_space<vmem_shared>>
      tpu.enqueue_indirect_dma source(%dma_start3A_293 : memref<32x128xf32, #tpu.memory_space<vmem>>) target(%dma_start3A_299 : memref<10000x128xf32, #tpu.memory_space<vmem_shared>>) offsets(%dma_start3A_296 : memref<32xi32, #tpu.memory_space<vmem>>) semaphore(%arg18 : memref<!tpu.dma_semaphore, #tpu.memory_space<semaphore_mem>>) {add = true}
      %ge3A_300 = arith.constant 1 : i32
      %ge3A_301 = arith.cmpi sge, %scan3A_193, %ge3A_300 : i32
      %convert_element_type3A_302 = arith.extui %ge3A_301 : i1 to i32
      %cond3A_303 = arith.constant 0 : i32
      %cond3A_304 = arith.cmpi ne, %convert_element_type3A_302, %cond3A_303 : i32
      scf.if %cond3A_304 {
        %add3A_325 = arith.constant 2 : i32
        %add3A_326 = arith.addi %scan3A_193, %add3A_325 : i32
        %rem3A_327 = arith.constant 3 : i32
        %rem3A_328 = arith.remsi %add3A_326, %rem3A_327 : i32
        %dma_wait3A_329 = arith.constant 0 : i32
        %dma_wait3A_330 = arith.constant 0 : i32
        %dma_wait3A_331 = tpu.memref_slice %arg13[%rem3A_328, %dma_wait3A_329, %dma_wait3A_330] : memref<3x32x128xf32, #tpu.memory_space<vmem>> -> memref<1x32x128xf32, #tpu.memory_space<vmem>>
        %dma_wait3A_332 = tpu.memref_squeeze %dma_wait3A_331 : memref<1x32x128xf32, #tpu.memory_space<vmem>> -> memref<32x128xf32, #tpu.memory_space<vmem>>
        %dma_wait3A_333 = arith.constant 0 : i32
        %dma_wait3A_334 = tpu.memref_slice %arg11[%add3A_202, %dma_wait3A_333] : memref<64x32xi32, #tpu.memory_space<vmem>> -> memref<1x32xi32, #tpu.memory_space<vmem>>
        %dma_wait3A_335 = tpu.memref_squeeze %dma_wait3A_334 : memref<1x32xi32, #tpu.memory_space<vmem>> -> memref<32xi32, #tpu.memory_space<vmem>>
        %dma_wait3A_336 = arith.constant 0 : i32
        %dma_wait3A_337 = arith.constant 0 : i32
        %dma_wait3A_338 = tpu.memref_slice %arg15[%dma_wait3A_336, %dma_wait3A_337] : memref<10000x128xf32, #tpu.memory_space<vmem_shared>> -> memref<10000x128xf32, #tpu.memory_space<vmem_shared>>
        tpu.wait_indirect_dma semaphore(%arg18 : memref<!tpu.dma_semaphore, #tpu.memory_space<semaphore_mem>>) src(%dma_wait3A_332 : memref<32x128xf32, #tpu.memory_space<vmem>>) dst(%dma_wait3A_338 : memref<10000x128xf32, #tpu.memory_space<vmem_shared>>)
      } else {
      }
      %add3A_305 = arith.constant 2 : i32
      %add3A_306 = arith.addi %scan3A_193, %add3A_305 : i32
      %rem3A_307 = arith.constant 32 : i32
      %rem3A_308 = arith.remsi %add3A_306, %rem3A_307 : i32
      %eq3A_309 = arith.constant 0 : i32
      %eq3A_310 = arith.cmpi eq, %rem3A_308, %eq3A_309 : i32
      %add3A_311 = arith.constant 2 : i32
      %add3A_312 = arith.addi %scan3A_193, %add3A_311 : i32
      %lt3A_313 = arith.constant 320 : i32
      %lt3A_314 = arith.cmpi slt, %add3A_312, %lt3A_313 : i32
      %and3A = arith.andi %eq3A_310, %lt3A_314 : i1
      %convert_element_type3A_315 = arith.extui %and3A : i1 to i32
      %cond3A_316 = arith.constant 0 : i32
      %cond3A_317 = arith.cmpi ne, %convert_element_type3A_315, %cond3A_316 : i32
      scf.if %cond3A_317 {
        %add3A_325 = arith.constant 2 : i32
        %add3A_326 = arith.addi %scan3A_193, %add3A_325 : i32
        %div3A_327 = arith.constant 32 : i32
        %div3A_328 = arith.divsi %add3A_326, %div3A_327 : i32
        %rem3A_329 = arith.constant 2 : i32
        %rem3A_330 = arith.remsi %div3A_328, %rem3A_329 : i32
        %mul3A_331 = arith.constant 32 : i32
        %mul3A_332 = arith.muli %rem3A_330, %mul3A_331 : i32
        %multiple_of3A_333 = tpu.assume_multiple %mul3A_332, 32 : i32
        %mul3A_334 = arith.constant 320 : i32
        %mul3A_335 = arith.muli %add3A, %mul3A_334 : i32
        %add3A_336 = arith.addi %mul3A_335, %add3A_326 : i32
        %multiple_of3A_337 = tpu.assume_multiple %add3A_336, 32 : i32
        "tpu.region"() ({
          %run_scoped3A = tpu.sem_alloc : memref<!tpu.dma_semaphore, #tpu.memory_space<semaphore_mem>>
          %dma_start3A_338 = arith.constant 0 : i32
          %dma_start3A_339 = tpu.memref_slice %arg10[%multiple_of3A_333, %dma_start3A_338] : memref<64x32xi32, #tpu.memory_space<vmem>> -> memref<32x32xi32, #tpu.memory_space<vmem>>
          %dma_start3A_340 = arith.constant 0 : i32
          %dma_start3A_341 = tpu.memref_slice %arg4[%multiple_of3A_337, %dma_start3A_340] : memref<10240x32xi32, #tpu.memory_space<hbm>> -> memref<32x32xi32, #tpu.memory_space<hbm>>
          %dma_start3A_342 = arith.constant 0 : i32
          %dma_start3A_343 = tpu.memref_slice %arg10[%multiple_of3A_333, %dma_start3A_342] : memref<64x32xi32, #tpu.memory_space<vmem>> -> memref<32x32xi32, #tpu.memory_space<vmem>>
          %dma_start3A_344 = arith.constant 0 : i32
          %dma_start3A_345 = tpu.memref_slice %arg4[%multiple_of3A_337, %dma_start3A_344] : memref<10240x32xi32, #tpu.memory_space<hbm>> -> memref<32x32xi32, #tpu.memory_space<hbm>>
          tpu.enqueue_dma source(%dma_start3A_345 : memref<32x32xi32, #tpu.memory_space<hbm>>) target(%dma_start3A_343 : memref<32x32xi32, #tpu.memory_space<vmem>>) target_semaphore(%run_scoped3A : memref<!tpu.dma_semaphore, #tpu.memory_space<semaphore_mem>>)
          %dma_wait3A_346 = arith.constant 0 : i32
          %dma_wait3A_347 = tpu.memref_slice %arg10[%multiple_of3A_333, %dma_wait3A_346] : memref<64x32xi32, #tpu.memory_space<vmem>> -> memref<32x32xi32, #tpu.memory_space<vmem>>
          %dma_wait3A_348 = arith.constant 0 : i32
          %dma_wait3A_349 = tpu.memref_slice %arg4[%multiple_of3A_337, %dma_wait3A_348] : memref<10240x32xi32, #tpu.memory_space<hbm>> -> memref<32x32xi32, #tpu.memory_space<hbm>>
          %dma_wait3A_350 = arith.constant 0 : i32
          %dma_wait3A_351 = tpu.memref_slice %arg10[%multiple_of3A_333, %dma_wait3A_350] : memref<64x32xi32, #tpu.memory_space<vmem>> -> memref<32x32xi32, #tpu.memory_space<vmem>>
          %dma_wait3A_352 = arith.constant 0 : i32
          %dma_wait3A_353 = tpu.memref_slice %arg4[%multiple_of3A_337, %dma_wait3A_352] : memref<10240x32xi32, #tpu.memory_space<hbm>> -> memref<32x32xi32, #tpu.memory_space<hbm>>
          tpu.wait_dma2 semaphore(%run_scoped3A : memref<!tpu.dma_semaphore, #tpu.memory_space<semaphore_mem>>) src(%dma_wait3A_353 : memref<32x32xi32, #tpu.memory_space<hbm>>) dst(%dma_wait3A_351 : memref<32x32xi32, #tpu.memory_space<vmem>>)
          tpu.yield
        }) : () -> ()
        "tpu.region"() ({
          %run_scoped3A = tpu.sem_alloc : memref<!tpu.dma_semaphore, #tpu.memory_space<semaphore_mem>>
          %dma_start3A_338 = arith.constant 0 : i32
          %dma_start3A_339 = tpu.memref_slice %arg11[%multiple_of3A_333, %dma_start3A_338] : memref<64x32xi32, #tpu.memory_space<vmem>> -> memref<32x32xi32, #tpu.memory_space<vmem>>
          %dma_start3A_340 = arith.constant 0 : i32
          %dma_start3A_341 = tpu.memref_slice %arg5[%multiple_of3A_337, %dma_start3A_340] : memref<10240x32xi32, #tpu.memory_space<hbm>> -> memref<32x32xi32, #tpu.memory_space<hbm>>
          %dma_start3A_342 = arith.constant 0 : i32
          %dma_start3A_343 = tpu.memref_slice %arg11[%multiple_of3A_333, %dma_start3A_342] : memref<64x32xi32, #tpu.memory_space<vmem>> -> memref<32x32xi32, #tpu.memory_space<vmem>>
          %dma_start3A_344 = arith.constant 0 : i32
          %dma_start3A_345 = tpu.memref_slice %arg5[%multiple_of3A_337, %dma_start3A_344] : memref<10240x32xi32, #tpu.memory_space<hbm>> -> memref<32x32xi32, #tpu.memory_space<hbm>>
          tpu.enqueue_dma source(%dma_start3A_345 : memref<32x32xi32, #tpu.memory_space<hbm>>) target(%dma_start3A_343 : memref<32x32xi32, #tpu.memory_space<vmem>>) target_semaphore(%run_scoped3A : memref<!tpu.dma_semaphore, #tpu.memory_space<semaphore_mem>>)
          %dma_wait3A_346 = arith.constant 0 : i32
          %dma_wait3A_347 = tpu.memref_slice %arg11[%multiple_of3A_333, %dma_wait3A_346] : memref<64x32xi32, #tpu.memory_space<vmem>> -> memref<32x32xi32, #tpu.memory_space<vmem>>
          %dma_wait3A_348 = arith.constant 0 : i32
          %dma_wait3A_349 = tpu.memref_slice %arg5[%multiple_of3A_337, %dma_wait3A_348] : memref<10240x32xi32, #tpu.memory_space<hbm>> -> memref<32x32xi32, #tpu.memory_space<hbm>>
          %dma_wait3A_350 = arith.constant 0 : i32
          %dma_wait3A_351 = tpu.memref_slice %arg11[%multiple_of3A_333, %dma_wait3A_350] : memref<64x32xi32, #tpu.memory_space<vmem>> -> memref<32x32xi32, #tpu.memory_space<vmem>>
          %dma_wait3A_352 = arith.constant 0 : i32
          %dma_wait3A_353 = tpu.memref_slice %arg5[%multiple_of3A_337, %dma_wait3A_352] : memref<10240x32xi32, #tpu.memory_space<hbm>> -> memref<32x32xi32, #tpu.memory_space<hbm>>
          tpu.wait_dma2 semaphore(%run_scoped3A : memref<!tpu.dma_semaphore, #tpu.memory_space<semaphore_mem>>) src(%dma_wait3A_353 : memref<32x32xi32, #tpu.memory_space<hbm>>) dst(%dma_wait3A_351 : memref<32x32xi32, #tpu.memory_space<vmem>>)
          tpu.yield
        }) : () -> ()
      } else {
      }
      %add3A_318 = arith.constant 2 : i32
      %add3A_319 = arith.addi %scan3A_193, %add3A_318 : i32
      %lt3A_320 = arith.constant 320 : i32
      %lt3A_321 = arith.cmpi slt, %add3A_319, %lt3A_320 : i32
      %convert_element_type3A_322 = arith.extui %lt3A_321 : i1 to i32
      %cond3A_323 = arith.constant 0 : i32
      %cond3A_324 = arith.cmpi ne, %convert_element_type3A_322, %cond3A_323 : i32
      scf.if %cond3A_324 {
        %add3A_325 = arith.constant 2 : i32
        %add3A_326 = arith.addi %scan3A_193, %add3A_325 : i32
        %div3A_327 = arith.constant 32 : i32
        %div3A_328 = arith.divsi %add3A_326, %div3A_327 : i32
        %rem3A_329 = arith.constant 2 : i32
        %rem3A_330 = arith.remsi %div3A_328, %rem3A_329 : i32
        %mul3A_331 = arith.constant 32 : i32
        %mul3A_332 = arith.muli %rem3A_330, %mul3A_331 : i32
        %rem3A_333 = arith.constant 32 : i32
        %rem3A_334 = arith.remsi %add3A_326, %rem3A_333 : i32
        %add3A_335 = arith.addi %mul3A_332, %rem3A_334 : i32
        %rem3A_336 = arith.constant 3 : i32
        %rem3A_337 = arith.remsi %add3A_326, %rem3A_336 : i32
        %dma_start3A_338 = arith.constant 0 : i32
        %dma_start3A_339 = arith.constant 0 : i32
        %dma_start3A_340 = tpu.memref_slice %arg13[%rem3A_337, %dma_start3A_338, %dma_start3A_339] : memref<3x32x128xf32, #tpu.memory_space<vmem>> -> memref<1x32x128xf32, #tpu.memory_space<vmem>>
        %dma_start3A_341 = tpu.memref_squeeze %dma_start3A_340 : memref<1x32x128xf32, #tpu.memory_space<vmem>> -> memref<32x128xf32, #tpu.memory_space<vmem>>
        %dma_start3A_342 = arith.constant 0 : i32
        %dma_start3A_343 = tpu.memref_slice %arg10[%add3A_335, %dma_start3A_342] : memref<64x32xi32, #tpu.memory_space<vmem>> -> memref<1x32xi32, #tpu.memory_space<vmem>>
        %dma_start3A_344 = tpu.memref_squeeze %dma_start3A_343 : memref<1x32xi32, #tpu.memory_space<vmem>> -> memref<32xi32, #tpu.memory_space<vmem>>
        %dma_start3A_345 = arith.constant 0 : i32
        %dma_start3A_346 = arith.constant 0 : i32
        %dma_start3A_347 = tpu.memref_slice %arg2[%dma_start3A_345, %dma_start3A_346] : memref<10000x128xf32, #tpu.memory_space<hbm>> -> memref<10000x128xf32, #tpu.memory_space<hbm>>
        tpu.enqueue_indirect_dma source(%dma_start3A_347 : memref<10000x128xf32, #tpu.memory_space<hbm>>) target(%dma_start3A_341 : memref<32x128xf32, #tpu.memory_space<vmem>>) offsets(%dma_start3A_344 : memref<32xi32, #tpu.memory_space<vmem>>) semaphore(%arg17 : memref<!tpu.dma_semaphore, #tpu.memory_space<semaphore_mem>>)
      } else {
      }
    }
    %scan3A_130 = arith.constant 320 : i32
    %dma_wait3A = arith.constant 0 : i32
    %dma_wait3A_131 = arith.constant 0 : i32
    %dma_wait3A_132 = arith.constant 0 : i32
    %dma_wait3A_133 = arith.constant 0 : i32
    %dma_wait3A_134 = tpu.memref_slice %arg13[%dma_wait3A, %dma_wait3A_132, %dma_wait3A_133] : memref<3x32x128xf32, #tpu.memory_space<vmem>> -> memref<1x32x128xf32, #tpu.memory_space<vmem>>
    %dma_wait3A_135 = tpu.memref_squeeze %dma_wait3A_134 : memref<1x32x128xf32, #tpu.memory_space<vmem>> -> memref<32x128xf32, #tpu.memory_space<vmem>>
    %dma_wait3A_136 = arith.constant 0 : i32
    %dma_wait3A_137 = tpu.memref_slice %arg11[%dma_wait3A_131, %dma_wait3A_136] : memref<64x32xi32, #tpu.memory_space<vmem>> -> memref<1x32xi32, #tpu.memory_space<vmem>>
    %dma_wait3A_138 = tpu.memref_squeeze %dma_wait3A_137 : memref<1x32xi32, #tpu.memory_space<vmem>> -> memref<32xi32, #tpu.memory_space<vmem>>
    %dma_wait3A_139 = arith.constant 0 : i32
    %dma_wait3A_140 = arith.constant 0 : i32
    %dma_wait3A_141 = tpu.memref_slice %arg15[%dma_wait3A_139, %dma_wait3A_140] : memref<10000x128xf32, #tpu.memory_space<vmem_shared>> -> memref<10000x128xf32, #tpu.memory_space<vmem_shared>>
    tpu.wait_indirect_dma semaphore(%arg18 : memref<!tpu.dma_semaphore, #tpu.memory_space<semaphore_mem>>) src(%dma_wait3A_135 : memref<32x128xf32, #tpu.memory_space<vmem>>) dst(%dma_wait3A_141 : memref<10000x128xf32, #tpu.memory_space<vmem_shared>>)
    %dma_wait3A_142 = arith.constant 0 : i32
    %dma_wait3A_143 = arith.constant 0 : i32
    %dma_wait3A_144 = arith.constant 0 : i32
    %dma_wait3A_145 = tpu.memref_slice %arg12[%dma_wait3A_142, %dma_wait3A_144] : memref<4x32xf32, #tpu.memory_space<vmem>> -> memref<1x32xf32, #tpu.memory_space<vmem>>
    %dma_wait3A_146 = tpu.memref_squeeze %dma_wait3A_145 : memref<1x32xf32, #tpu.memory_space<vmem>> -> memref<32xf32, #tpu.memory_space<vmem>>
    %dma_wait3A_147 = arith.constant 0 : i32
    %dma_wait3A_148 = tpu.memref_slice %arg11[%dma_wait3A_143, %dma_wait3A_147] : memref<64x32xi32, #tpu.memory_space<vmem>> -> memref<1x32xi32, #tpu.memory_space<vmem>>
    %dma_wait3A_149 = tpu.memref_squeeze %dma_wait3A_148 : memref<1x32xi32, #tpu.memory_space<vmem>> -> memref<32xi32, #tpu.memory_space<vmem>>
    %dma_wait3A_150 = arith.constant 0 : i32
    %dma_wait3A_151 = tpu.memref_slice %arg16[%dma_wait3A_150] : memref<10000xf32, #tpu.memory_space<vmem_shared>> -> memref<10000xf32, #tpu.memory_space<vmem_shared>>
    tpu.wait_indirect_dma semaphore(%arg19 : memref<!tpu.dma_semaphore, #tpu.memory_space<semaphore_mem>>) src(%dma_wait3A_146 : memref<32xf32, #tpu.memory_space<vmem>>) dst(%dma_wait3A_151 : memref<10000xf32, #tpu.memory_space<vmem_shared>>)
    %dma_wait3A_152 = arith.constant 1 : i32
    %dma_wait3A_153 = arith.constant 0 : i32
    %dma_wait3A_154 = arith.constant 0 : i32
    %dma_wait3A_155 = tpu.memref_slice %arg12[%dma_wait3A_152, %dma_wait3A_154] : memref<4x32xf32, #tpu.memory_space<vmem>> -> memref<1x32xf32, #tpu.memory_space<vmem>>
    %dma_wait3A_156 = tpu.memref_squeeze %dma_wait3A_155 : memref<1x32xf32, #tpu.memory_space<vmem>> -> memref<32xf32, #tpu.memory_space<vmem>>
    %dma_wait3A_157 = arith.constant 0 : i32
    %dma_wait3A_158 = tpu.memref_slice %arg11[%dma_wait3A_153, %dma_wait3A_157] : memref<64x32xi32, #tpu.memory_space<vmem>> -> memref<1x32xi32, #tpu.memory_space<vmem>>
    %dma_wait3A_159 = tpu.memref_squeeze %dma_wait3A_158 : memref<1x32xi32, #tpu.memory_space<vmem>> -> memref<32xi32, #tpu.memory_space<vmem>>
    %dma_wait3A_160 = arith.constant 0 : i32
    %dma_wait3A_161 = tpu.memref_slice %arg16[%dma_wait3A_160] : memref<10000xf32, #tpu.memory_space<vmem_shared>> -> memref<10000xf32, #tpu.memory_space<vmem_shared>>
    tpu.wait_indirect_dma semaphore(%arg19 : memref<!tpu.dma_semaphore, #tpu.memory_space<semaphore_mem>>) src(%dma_wait3A_156 : memref<32xf32, #tpu.memory_space<vmem>>) dst(%dma_wait3A_161 : memref<10000xf32, #tpu.memory_space<vmem_shared>>)
    %dma_wait3A_162 = arith.constant 2 : i32
    %dma_wait3A_163 = arith.constant 0 : i32
    %dma_wait3A_164 = arith.constant 0 : i32
    %dma_wait3A_165 = tpu.memref_slice %arg12[%dma_wait3A_162, %dma_wait3A_164] : memref<4x32xf32, #tpu.memory_space<vmem>> -> memref<1x32xf32, #tpu.memory_space<vmem>>
    %dma_wait3A_166 = tpu.memref_squeeze %dma_wait3A_165 : memref<1x32xf32, #tpu.memory_space<vmem>> -> memref<32xf32, #tpu.memory_space<vmem>>
    %dma_wait3A_167 = arith.constant 0 : i32
    %dma_wait3A_168 = tpu.memref_slice %arg11[%dma_wait3A_163, %dma_wait3A_167] : memref<64x32xi32, #tpu.memory_space<vmem>> -> memref<1x32xi32, #tpu.memory_space<vmem>>
    %dma_wait3A_169 = tpu.memref_squeeze %dma_wait3A_168 : memref<1x32xi32, #tpu.memory_space<vmem>> -> memref<32xi32, #tpu.memory_space<vmem>>
    %dma_wait3A_170 = arith.constant 0 : i32
    %dma_wait3A_171 = tpu.memref_slice %arg16[%dma_wait3A_170] : memref<10000xf32, #tpu.memory_space<vmem_shared>> -> memref<10000xf32, #tpu.memory_space<vmem_shared>>
    tpu.wait_indirect_dma semaphore(%arg19 : memref<!tpu.dma_semaphore, #tpu.memory_space<semaphore_mem>>) src(%dma_wait3A_166 : memref<32xf32, #tpu.memory_space<vmem>>) dst(%dma_wait3A_171 : memref<10000xf32, #tpu.memory_space<vmem_shared>>)
    %dma_wait3A_172 = arith.constant 3 : i32
    %dma_wait3A_173 = arith.constant 0 : i32
    %dma_wait3A_174 = arith.constant 0 : i32
    %dma_wait3A_175 = tpu.memref_slice %arg12[%dma_wait3A_172, %dma_wait3A_174] : memref<4x32xf32, #tpu.memory_space<vmem>> -> memref<1x32xf32, #tpu.memory_space<vmem>>
    %dma_wait3A_176 = tpu.memref_squeeze %dma_wait3A_175 : memref<1x32xf32, #tpu.memory_space<vmem>> -> memref<32xf32, #tpu.memory_space<vmem>>
    %dma_wait3A_177 = arith.constant 0 : i32
    %dma_wait3A_178 = tpu.memref_slice %arg11[%dma_wait3A_173, %dma_wait3A_177] : memref<64x32xi32, #tpu.memory_space<vmem>> -> memref<1x32xi32, #tpu.memory_space<vmem>>
    %dma_wait3A_179 = tpu.memref_squeeze %dma_wait3A_178 : memref<1x32xi32, #tpu.memory_space<vmem>> -> memref<32xi32, #tpu.memory_space<vmem>>
    %dma_wait3A_180 = arith.constant 0 : i32
    %dma_wait3A_181 = tpu.memref_slice %arg16[%dma_wait3A_180] : memref<10000xf32, #tpu.memory_space<vmem_shared>> -> memref<10000xf32, #tpu.memory_space<vmem_shared>>
    tpu.wait_indirect_dma semaphore(%arg19 : memref<!tpu.dma_semaphore, #tpu.memory_space<semaphore_mem>>) src(%dma_wait3A_176 : memref<32xf32, #tpu.memory_space<vmem>>) dst(%dma_wait3A_181 : memref<10000xf32, #tpu.memory_space<vmem_shared>>)
    %barrier3A_182 = arith.constant 0 : index
    tpu.barrier barrier_id(%barrier3A_182)
    %lt3A_183 = arith.constant 15 : i32
    %lt3A_184 = arith.cmpi slt, %arg1, %lt3A_183 : i32
    %convert_element_type3A_185 = arith.extui %lt3A_184 : i1 to i32
    %cond3A_186 = arith.constant 0 : i32
    %cond3A_187 = arith.cmpi ne, %convert_element_type3A_185, %cond3A_186 : i32
    scf.if %cond3A_187 {
      %mul3A_193 = arith.constant 10000 : i32
      %mul3A_194 = arith.muli %arg0, %mul3A_193 : i32
      %add3A_195 = arith.addi %mul3A_194, %mul3A_87 : i32
      "tpu.region"() ({
        %run_scoped3A = tpu.sem_alloc : memref<!tpu.dma_semaphore, #tpu.memory_space<semaphore_mem>>
        %dma_start3A_199 = arith.constant 0 : i32
        %dma_start3A_200 = tpu.memref_slice %arg6[%add3A_195, %dma_start3A_199] : memref<20000x128xf32, #tpu.memory_space<hbm>> -> memref<624x128xf32, #tpu.memory_space<hbm>>
        %dma_start3A_201 = arith.constant 0 : i32
        %dma_start3A_202 = tpu.memref_slice %arg15[%mul3A_87, %dma_start3A_201] : memref<10000x128xf32, #tpu.memory_space<vmem_shared>> -> memref<624x128xf32, #tpu.memory_space<vmem_shared>>
        tpu.enqueue_dma source(%dma_start3A_202 : memref<624x128xf32, #tpu.memory_space<vmem_shared>>) target(%dma_start3A_200 : memref<624x128xf32, #tpu.memory_space<hbm>>) target_semaphore(%run_scoped3A : memref<!tpu.dma_semaphore, #tpu.memory_space<semaphore_mem>>)
        %dma_wait3A_203 = arith.constant 0 : i32
        %dma_wait3A_204 = tpu.memref_slice %arg6[%add3A_195, %dma_wait3A_203] : memref<20000x128xf32, #tpu.memory_space<hbm>> -> memref<624x128xf32, #tpu.memory_space<hbm>>
        %dma_wait3A_205 = arith.constant 0 : i32
        %dma_wait3A_206 = tpu.memref_slice %arg15[%mul3A_87, %dma_wait3A_205] : memref<10000x128xf32, #tpu.memory_space<vmem_shared>> -> memref<624x128xf32, #tpu.memory_space<vmem_shared>>
        tpu.wait_dma2 semaphore(%run_scoped3A : memref<!tpu.dma_semaphore, #tpu.memory_space<semaphore_mem>>) src(%dma_wait3A_206 : memref<624x128xf32, #tpu.memory_space<vmem_shared>>) dst(%dma_wait3A_204 : memref<624x128xf32, #tpu.memory_space<hbm>>)
        tpu.yield
      }) : () -> ()
      "tpu.region"() ({
        %run_scoped3A = tpu.sem_alloc : memref<!tpu.dma_semaphore, #tpu.memory_space<semaphore_mem>>
        %dma_start3A_199 = arith.constant 0 : i32
        %dma_start3A_200 = tpu.memref_slice %arg14[%dma_start3A_199] : memref<640xf32, #tpu.memory_space<vmem>> -> memref<624xf32, #tpu.memory_space<vmem>>
        %dma_start3A_201 = tpu.memref_slice %arg16[%mul3A_87] : memref<10000xf32, #tpu.memory_space<vmem_shared>> -> memref<624xf32, #tpu.memory_space<vmem_shared>>
        %dma_start3A_202 = arith.constant 0 : i32
        %dma_start3A_203 = tpu.memref_slice %arg14[%dma_start3A_202] : memref<640xf32, #tpu.memory_space<vmem>> -> memref<624xf32, #tpu.memory_space<vmem>>
        %dma_start3A_204 = tpu.memref_slice %arg16[%mul3A_87] : memref<10000xf32, #tpu.memory_space<vmem_shared>> -> memref<624xf32, #tpu.memory_space<vmem_shared>>
        tpu.enqueue_dma source(%dma_start3A_204 : memref<624xf32, #tpu.memory_space<vmem_shared>>) target(%dma_start3A_203 : memref<624xf32, #tpu.memory_space<vmem>>) target_semaphore(%run_scoped3A : memref<!tpu.dma_semaphore, #tpu.memory_space<semaphore_mem>>)
        %dma_wait3A_205 = arith.constant 0 : i32
        %dma_wait3A_206 = tpu.memref_slice %arg14[%dma_wait3A_205] : memref<640xf32, #tpu.memory_space<vmem>> -> memref<624xf32, #tpu.memory_space<vmem>>
        %dma_wait3A_207 = tpu.memref_slice %arg16[%mul3A_87] : memref<10000xf32, #tpu.memory_space<vmem_shared>> -> memref<624xf32, #tpu.memory_space<vmem_shared>>
        %dma_wait3A_208 = arith.constant 0 : i32
        %dma_wait3A_209 = tpu.memref_slice %arg14[%dma_wait3A_208] : memref<640xf32, #tpu.memory_space<vmem>> -> memref<624xf32, #tpu.memory_space<vmem>>
        %dma_wait3A_210 = tpu.memref_slice %arg16[%mul3A_87] : memref<10000xf32, #tpu.memory_space<vmem_shared>> -> memref<624xf32, #tpu.memory_space<vmem_shared>>
        tpu.wait_dma2 semaphore(%run_scoped3A : memref<!tpu.dma_semaphore, #tpu.memory_space<semaphore_mem>>) src(%dma_wait3A_210 : memref<624xf32, #tpu.memory_space<vmem_shared>>) dst(%dma_wait3A_209 : memref<624xf32, #tpu.memory_space<vmem>>)
        tpu.yield
      }) : () -> ()
      %mul3A_196 = arith.constant 10000 : i32
      %mul3A_197 = arith.muli %arg0, %mul3A_196 : i32
      %add3A_198 = arith.addi %mul3A_197, %mul3A_87 : i32
      "tpu.region"() ({
        %run_scoped3A = tpu.sem_alloc : memref<!tpu.dma_semaphore, #tpu.memory_space<semaphore_mem>>
        %dma_start3A_199 = arith.constant 0 : i32
        %dma_start3A_200 = tpu.memref_slice %arg14[%dma_start3A_199] : memref<640xf32, #tpu.memory_space<vmem>> -> memref<624xf32, #tpu.memory_space<vmem>>
        %dma_start3A_201 = tpu.memref_slice %arg7[%add3A_198] : memref<20000xf32, #tpu.memory_space<hbm>> -> memref<624xf32, #tpu.memory_space<hbm>>
        %dma_start3A_202 = tpu.memref_slice %arg7[%add3A_198] : memref<20000xf32, #tpu.memory_space<hbm>> -> memref<624xf32, #tpu.memory_space<hbm>>
        %dma_start3A_203 = arith.constant 0 : i32
        %dma_start3A_204 = tpu.memref_slice %arg14[%dma_start3A_203] : memref<640xf32, #tpu.memory_space<vmem>> -> memref<624xf32, #tpu.memory_space<vmem>>
        tpu.enqueue_dma source(%dma_start3A_204 : memref<624xf32, #tpu.memory_space<vmem>>) target(%dma_start3A_202 : memref<624xf32, #tpu.memory_space<hbm>>) target_semaphore(%run_scoped3A : memref<!tpu.dma_semaphore, #tpu.memory_space<semaphore_mem>>)
        %dma_wait3A_205 = arith.constant 0 : i32
        %dma_wait3A_206 = tpu.memref_slice %arg14[%dma_wait3A_205] : memref<640xf32, #tpu.memory_space<vmem>> -> memref<624xf32, #tpu.memory_space<vmem>>
        %dma_wait3A_207 = tpu.memref_slice %arg7[%add3A_198] : memref<20000xf32, #tpu.memory_space<hbm>> -> memref<624xf32, #tpu.memory_space<hbm>>
        %dma_wait3A_208 = tpu.memref_slice %arg7[%add3A_198] : memref<20000xf32, #tpu.memory_space<hbm>> -> memref<624xf32, #tpu.memory_space<hbm>>
        %dma_wait3A_209 = arith.constant 0 : i32
        %dma_wait3A_210 = tpu.memref_slice %arg14[%dma_wait3A_209] : memref<640xf32, #tpu.memory_space<vmem>> -> memref<624xf32, #tpu.memory_space<vmem>>
        tpu.wait_dma2 semaphore(%run_scoped3A : memref<!tpu.dma_semaphore, #tpu.memory_space<semaphore_mem>>) src(%dma_wait3A_210 : memref<624xf32, #tpu.memory_space<vmem>>) dst(%dma_wait3A_208 : memref<624xf32, #tpu.memory_space<hbm>>)
        tpu.yield
      }) : () -> ()
    } else {
    }
    %eq3A_188 = arith.constant 15 : i32
    %eq3A_189 = arith.cmpi eq, %arg1, %eq3A_188 : i32
    %convert_element_type3A_190 = arith.extui %eq3A_189 : i1 to i32
    %cond3A_191 = arith.constant 0 : i32
    %cond3A_192 = arith.cmpi ne, %convert_element_type3A_190, %cond3A_191 : i32
    scf.if %cond3A_192 {
      %mul3A_193 = arith.constant 10000 : i32
      %mul3A_194 = arith.muli %arg0, %mul3A_193 : i32
      %add3A_195 = arith.constant 9360 : i32
      %add3A_196 = arith.addi %mul3A_194, %add3A_195 : i32
      "tpu.region"() ({
        %run_scoped3A = tpu.sem_alloc : memref<!tpu.dma_semaphore, #tpu.memory_space<semaphore_mem>>
        %dma_start3A_201 = arith.constant 0 : i32
        %dma_start3A_202 = tpu.memref_slice %arg6[%add3A_196, %dma_start3A_201] : memref<20000x128xf32, #tpu.memory_space<hbm>> -> memref<640x128xf32, #tpu.memory_space<hbm>>
        %dma_start3A_203 = arith.constant 9360 : i32
        %dma_start3A_204 = arith.constant 0 : i32
        %dma_start3A_205 = tpu.memref_slice %arg15[%dma_start3A_203, %dma_start3A_204] : memref<10000x128xf32, #tpu.memory_space<vmem_shared>> -> memref<640x128xf32, #tpu.memory_space<vmem_shared>>
        tpu.enqueue_dma source(%dma_start3A_205 : memref<640x128xf32, #tpu.memory_space<vmem_shared>>) target(%dma_start3A_202 : memref<640x128xf32, #tpu.memory_space<hbm>>) target_semaphore(%run_scoped3A : memref<!tpu.dma_semaphore, #tpu.memory_space<semaphore_mem>>)
        %dma_wait3A_206 = arith.constant 0 : i32
        %dma_wait3A_207 = tpu.memref_slice %arg6[%add3A_196, %dma_wait3A_206] : memref<20000x128xf32, #tpu.memory_space<hbm>> -> memref<640x128xf32, #tpu.memory_space<hbm>>
        %dma_wait3A_208 = arith.constant 9360 : i32
        %dma_wait3A_209 = arith.constant 0 : i32
        %dma_wait3A_210 = tpu.memref_slice %arg15[%dma_wait3A_208, %dma_wait3A_209] : memref<10000x128xf32, #tpu.memory_space<vmem_shared>> -> memref<640x128xf32, #tpu.memory_space<vmem_shared>>
        tpu.wait_dma2 semaphore(%run_scoped3A : memref<!tpu.dma_semaphore, #tpu.memory_space<semaphore_mem>>) src(%dma_wait3A_210 : memref<640x128xf32, #tpu.memory_space<vmem_shared>>) dst(%dma_wait3A_207 : memref<640x128xf32, #tpu.memory_space<hbm>>)
        tpu.yield
      }) : () -> ()
      "tpu.region"() ({
        %run_scoped3A = tpu.sem_alloc : memref<!tpu.dma_semaphore, #tpu.memory_space<semaphore_mem>>
        %dma_start3A_201 = arith.constant 9360 : i32
        %dma_start3A_202 = tpu.memref_slice %arg16[%dma_start3A_201] : memref<10000xf32, #tpu.memory_space<vmem_shared>> -> memref<640xf32, #tpu.memory_space<vmem_shared>>
        %dma_start3A_203 = arith.constant 9360 : i32
        %dma_start3A_204 = tpu.memref_slice %arg16[%dma_start3A_203] : memref<10000xf32, #tpu.memory_space<vmem_shared>> -> memref<640xf32, #tpu.memory_space<vmem_shared>>
        tpu.enqueue_dma source(%dma_start3A_204 : memref<640xf32, #tpu.memory_space<vmem_shared>>) target(%arg14 : memref<640xf32, #tpu.memory_space<vmem>>) target_semaphore(%run_scoped3A : memref<!tpu.dma_semaphore, #tpu.memory_space<semaphore_mem>>)
        %dma_wait3A_205 = arith.constant 9360 : i32
        %dma_wait3A_206 = tpu.memref_slice %arg16[%dma_wait3A_205] : memref<10000xf32, #tpu.memory_space<vmem_shared>> -> memref<640xf32, #tpu.memory_space<vmem_shared>>
        %dma_wait3A_207 = arith.constant 9360 : i32
        %dma_wait3A_208 = tpu.memref_slice %arg16[%dma_wait3A_207] : memref<10000xf32, #tpu.memory_space<vmem_shared>> -> memref<640xf32, #tpu.memory_space<vmem_shared>>
        tpu.wait_dma2 semaphore(%run_scoped3A : memref<!tpu.dma_semaphore, #tpu.memory_space<semaphore_mem>>) src(%dma_wait3A_208 : memref<640xf32, #tpu.memory_space<vmem_shared>>) dst(%arg14 : memref<640xf32, #tpu.memory_space<vmem>>)
        tpu.yield
      }) : () -> ()
      %mul3A_197 = arith.constant 10000 : i32
      %mul3A_198 = arith.muli %arg0, %mul3A_197 : i32
      %add3A_199 = arith.constant 9360 : i32
      %add3A_200 = arith.addi %mul3A_198, %add3A_199 : i32
      "tpu.region"() ({
        %run_scoped3A = tpu.sem_alloc : memref<!tpu.dma_semaphore, #tpu.memory_space<semaphore_mem>>
        %dma_start3A_201 = tpu.memref_slice %arg7[%add3A_200] : memref<20000xf32, #tpu.memory_space<hbm>> -> memref<640xf32, #tpu.memory_space<hbm>>
        %dma_start3A_202 = tpu.memref_slice %arg7[%add3A_200] : memref<20000xf32, #tpu.memory_space<hbm>> -> memref<640xf32, #tpu.memory_space<hbm>>
        tpu.enqueue_dma source(%arg14 : memref<640xf32, #tpu.memory_space<vmem>>) target(%dma_start3A_202 : memref<640xf32, #tpu.memory_space<hbm>>) target_semaphore(%run_scoped3A : memref<!tpu.dma_semaphore, #tpu.memory_space<semaphore_mem>>)
        %dma_wait3A_203 = tpu.memref_slice %arg7[%add3A_200] : memref<20000xf32, #tpu.memory_space<hbm>> -> memref<640xf32, #tpu.memory_space<hbm>>
        %dma_wait3A_204 = tpu.memref_slice %arg7[%add3A_200] : memref<20000xf32, #tpu.memory_space<hbm>> -> memref<640xf32, #tpu.memory_space<hbm>>
        tpu.wait_dma2 semaphore(%run_scoped3A : memref<!tpu.dma_semaphore, #tpu.memory_space<semaphore_mem>>) src(%arg14 : memref<640xf32, #tpu.memory_space<vmem>>) dst(%dma_wait3A_204 : memref<640xf32, #tpu.memory_space<hbm>>)
        tpu.yield
      }) : () -> ()
    } else {
    }
    return
  }
}

module attributes {stable_mosaic.version = 14 : i64} {
  func.func @_tc1_body(%arg0: memref<10000x128xf32, #tpu.memory_space<vmem>>, %arg1: memref<128x128xf32, #tpu.memory_space<vmem>>, %arg2: memref<128xf32, #tpu.memory_space<vmem>>, %arg3: memref<128xf32, #tpu.memory_space<vmem>>, %arg4: memref<10000x128xf32, #tpu.memory_space<vmem>>, %arg5: memref<2x10000xf32, #tpu.memory_space<vmem>>) attributes {dimension_semantics = [], scalar_prefetch = 0 : i64, scratch_operands = 0 : i64, tpu.core_type = #tpu.core_type<tc>} {
    %get3A = arith.constant 0 : index
    %get3A_0 = arith.constant 0 : index
    %get3A_1 = vector.load %arg0[%get3A, %get3A_0] : memref<10000x128xf32, #tpu.memory_space<vmem>>, vector<10000x128xf32>
    %get3A_2 = arith.constant 0 : index
    %get3A_3 = arith.constant 0 : index
    %get3A_4 = vector.load %arg1[%get3A_2, %get3A_3] : memref<128x128xf32, #tpu.memory_space<vmem>>, vector<128x128xf32>
    %dot_general3A = arith.constant dense<0.000000e+00> : vector<10000x128xf32>
    %dot_general3A_5 = tpu.matmul %get3A_1, %get3A_4, %dot_general3A {dimension_numbers = #tpu.dot_dimension_numbers<[1], [0], [0], [1], [0, 0, 1, 1], [], []>, transpose_lhs_hint = false} : vector<10000x128xf32>, vector<128x128xf32>, vector<10000x128xf32> -> vector<10000x128xf32>
    %swap3A = arith.constant 0 : index
    %swap3A_6 = arith.constant 0 : index
    %swap3A_7 = vector.load %arg4[%swap3A, %swap3A_6] : memref<10000x128xf32, #tpu.memory_space<vmem>>, vector<10000x128xf32>
    tpu.vector_store %arg4[%swap3A, %swap3A_6], %dot_general3A_5 {strides = array<i32>} : memref<10000x128xf32, #tpu.memory_space<vmem>>, vector<10000x128xf32>,
    %get3A_8 = arith.constant 0 : index
    %get3A_9 = vector.load %arg2[%get3A_8] : memref<128xf32, #tpu.memory_space<vmem>>, vector<128xf32>
    %dot_general3A_10 = arith.constant dense<0.000000e+00> : vector<10000xf32>
    %dot_general3A_11 = tpu.matmul %dot_general3A_5, %get3A_9, %dot_general3A_10 {dimension_numbers = #tpu.dot_dimension_numbers<[1], [0], [0], [], [0, 0], [], []>, transpose_lhs_hint = false} : vector<10000x128xf32>, vector<128xf32>, vector<10000xf32> -> vector<10000xf32>
    %swap3A_12 = arith.constant 0 : index
    %swap3A_13 = arith.constant 0 : index
    %swap3A_14 = vector.load %arg5[%swap3A_12, %swap3A_13] : memref<2x10000xf32, #tpu.memory_space<vmem>>, vector<1x10000xf32>
    %swap3A_15 = vector.shape_cast %swap3A_14 : vector<1x10000xf32> to vector<10000xf32>
    %swap3A_16 = vector.shape_cast %dot_general3A_11 : vector<10000xf32> to vector<1x10000xf32>
    tpu.vector_store %arg5[%swap3A_12, %swap3A_13], %swap3A_16 {strides = array<i32>} : memref<2x10000xf32, #tpu.memory_space<vmem>>, vector<1x10000xf32>,
    %get3A_17 = arith.constant 0 : index
    %get3A_18 = vector.load %arg3[%get3A_17] : memref<128xf32, #tpu.memory_space<vmem>>, vector<128xf32>
    %dot_general3A_19 = arith.constant dense<0.000000e+00> : vector<10000xf32>
    %dot_general3A_20 = tpu.matmul %dot_general3A_5, %get3A_18, %dot_general3A_19 {dimension_numbers = #tpu.dot_dimension_numbers<[1], [0], [0], [], [0, 0], [], []>, transpose_lhs_hint = false} : vector<10000x128xf32>, vector<128xf32>, vector<10000xf32> -> vector<10000xf32>
    %swap3A_21 = arith.constant 1 : index
    %swap3A_22 = arith.constant 0 : index
    %swap3A_23 = vector.load %arg5[%swap3A_21, %swap3A_22] : memref<2x10000xf32, #tpu.memory_space<vmem>>, vector<1x10000xf32>
    %swap3A_24 = vector.shape_cast %swap3A_23 : vector<1x10000xf32> to vector<10000xf32>
    %swap3A_25 = vector.shape_cast %dot_general3A_20 : vector<10000xf32> to vector<1x10000xf32>
    tpu.vector_store %arg5[%swap3A_21, %swap3A_22], %swap3A_25 {strides = array<i32>} : memref<2x10000xf32, #tpu.memory_space<vmem>>, vector<1x10000xf32>,
    return
  }
}

module attributes {stable_mosaic.version = 14 : i64} {
  func.func @_tc2_body(%arg0: i32, %arg1: memref<2x1000x128xf32, #tpu.memory_space<vmem>>, %arg2: memref<20x1000xf32, #tpu.memory_space<vmem>>, %arg3: memref<128x1xf32, #tpu.memory_space<vmem>>, %arg4: memref<1xf32, #tpu.memory_space<smem>>, %arg5: memref<1xf32, #tpu.memory_space<smem>>, %arg6: memref<30x1000xf32, #tpu.memory_space<vmem>>) attributes {dimension_semantics = [#tpu.dimension_semantics<arbitrary>], iteration_bounds = array<i64: 10>, scalar_prefetch = 0 : i64, scratch_operands = 0 : i64, tpu.core_type = #tpu.core_type<tc>, window_params = [{transform_indices = @transform_0, window_bounds = array<i64: 2, 1000, 128>}, {pipeline_mode = #tpu.pipeline_mode<synchronous>, transform_indices = @transform_1, window_bounds = array<i64: 20, 1000>}, {pipeline_mode = #tpu.pipeline_mode<synchronous>, transform_indices = @transform_2, window_bounds = array<i64: 128, 1>}, {transform_indices = @transform_3, window_bounds = array<i64: 1>}, {transform_indices = @transform_4, window_bounds = array<i64: 1>}, {pipeline_mode = #tpu.pipeline_mode<synchronous>, transform_indices = @transform_5, window_bounds = array<i64: 30, 1000>}]} {
    %get3A = arith.index_cast %arg0 : i32 to index
    %get3A_0 = arith.constant 0 : index
    %get3A_1 = vector.load %arg2[%get3A, %get3A_0] : memref<20x1000xf32, #tpu.memory_space<vmem>>, vector<1x1000xf32>
    %get3A_2 = vector.shape_cast %get3A_1 : vector<1x1000xf32> to vector<1000xf32>
    %add3A = arith.constant 10 : i32
    %add3A_3 = arith.addi %add3A, %arg0 : i32
    %get3A_4 = arith.index_cast %add3A_3 : i32 to index
    %get3A_5 = arith.constant 0 : index
    %get3A_6 = vector.load %arg2[%get3A_4, %get3A_5] : memref<20x1000xf32, #tpu.memory_space<vmem>>, vector<1x1000xf32>
    %get3A_7 = vector.shape_cast %get3A_6 : vector<1x1000xf32> to vector<1000xf32>
    %add3A_8 = arith.addf %get3A_2, %get3A_7 : vector<1000xf32>
    %add3A_9 = arith.constant 1.000000e-16 : f32
    %add3A_10 = vector.broadcast %add3A_9 : f32 to vector<1000xf32>
    %add3A_11 = arith.addf %add3A_8, %add3A_10 : vector<1000xf32>
    %get3A_12 = arith.constant 0 : index
    %get3A_13 = arith.constant 0 : index
    %get3A_14 = arith.constant 0 : index
    %get3A_15 = vector.load %arg1[%get3A_12, %get3A_13, %get3A_14] : memref<2x1000x128xf32, #tpu.memory_space<vmem>>, vector<1x1000x128xf32>
    %get3A_16 = vector.shape_cast %get3A_15 : vector<1x1000x128xf32> to vector<1000x128xf32>
    %get3A_17 = arith.constant 1 : index
    %get3A_18 = arith.constant 0 : index
    %get3A_19 = arith.constant 0 : index
    %get3A_20 = vector.load %arg1[%get3A_17, %get3A_18, %get3A_19] : memref<2x1000x128xf32, #tpu.memory_space<vmem>>, vector<1x1000x128xf32>
    %get3A_21 = vector.shape_cast %get3A_20 : vector<1x1000x128xf32> to vector<1000x128xf32>
    %add3A_22 = arith.addf %get3A_16, %get3A_21 : vector<1000x128xf32>
    %broadcast_in_dim3A = vector.shape_cast %add3A_11 : vector<1000xf32> to vector<1000x1xf32>
    %div3A = vector.broadcast %broadcast_in_dim3A : vector<1000x1xf32> to vector<1000x128xf32>
    %div3A_23 = arith.divf %add3A_22, %div3A : vector<1000x128xf32>
    %gt3A = arith.constant 0.000000e+00 : f32
    %gt3A_24 = vector.broadcast %gt3A : f32 to vector<1000x128xf32>
    %gt3A_25 = arith.cmpf ogt, %div3A_23, %gt3A_24 : vector<1000x128xf32>
    %exp3A = math.exp %div3A_23 : vector<1000x128xf32>
    %sub3A = arith.constant 1.000000e+00 : f32
    %sub3A_26 = vector.broadcast %sub3A : f32 to vector<1000x128xf32>
    %sub3A_27 = arith.subf %exp3A, %sub3A_26 : vector<1000x128xf32>
    %select_n3A = arith.select %gt3A_25, %div3A_23, %sub3A_27 : vector<1000x128xi1>, vector<1000x128xf32>
    %get3A_28 = arith.constant 0 : index
    %get3A_29 = arith.constant 0 : index
    %get3A_30 = vector.load %arg3[%get3A_28, %get3A_29] : memref<128x1xf32, #tpu.memory_space<vmem>>, vector<128x1xf32>
    %dot_general3A = arith.constant dense<0.000000e+00> : vector<1000x1xf32>
    %dot_general3A_31 = tpu.matmul %select_n3A, %get3A_30, %dot_general3A {dimension_numbers = #tpu.dot_dimension_numbers<[1], [0], [0], [1], [0, 0, 1, 1], [], []>, transpose_lhs_hint = false} : vector<1000x128xf32>, vector<128x1xf32>, vector<1000x1xf32> -> vector<1000x1xf32>
    %squeeze3A = vector.shape_cast %dot_general3A_31 : vector<1000x1xf32> to vector<1000xf32>
    %swap3A = arith.index_cast %arg0 : i32 to index
    %swap3A_32 = arith.constant 0 : index
    %swap3A_33 = vector.load %arg6[%swap3A, %swap3A_32] : memref<30x1000xf32, #tpu.memory_space<vmem>>, vector<1x1000xf32>
    %swap3A_34 = vector.shape_cast %swap3A_33 : vector<1x1000xf32> to vector<1000xf32>
    %swap3A_35 = vector.shape_cast %squeeze3A : vector<1000xf32> to vector<1x1000xf32>
    tpu.vector_store %arg6[%swap3A, %swap3A_32], %swap3A_35 {strides = array<i32>} : memref<30x1000xf32, #tpu.memory_space<vmem>>, vector<1x1000xf32>,
    %get3A_36 = arith.constant 0 : index
    %get3A_37 = memref.load %arg4[%get3A_36] : memref<1xf32, #tpu.memory_space<smem>>
    %mul3A = vector.broadcast %get3A_37 : f32 to vector<1000xf32>
    %mul3A_38 = arith.mulf %squeeze3A, %mul3A : vector<1000xf32>
    %add3A_39 = arith.constant 10 : i32
    %add3A_40 = arith.addi %add3A_39, %arg0 : i32
    %swap3A_41 = arith.index_cast %add3A_40 : i32 to index
    %swap3A_42 = arith.constant 0 : index
    %swap3A_43 = vector.load %arg6[%swap3A_41, %swap3A_42] : memref<30x1000xf32, #tpu.memory_space<vmem>>, vector<1x1000xf32>
    %swap3A_44 = vector.shape_cast %swap3A_43 : vector<1x1000xf32> to vector<1000xf32>
    %swap3A_45 = vector.shape_cast %mul3A_38 : vector<1000xf32> to vector<1x1000xf32>
    tpu.vector_store %arg6[%swap3A_41, %swap3A_42], %swap3A_45 {strides = array<i32>} : memref<30x1000xf32, #tpu.memory_space<vmem>>, vector<1x1000xf32>,
    %get3A_46 = arith.constant 0 : index
    %get3A_47 = memref.load %arg5[%get3A_46] : memref<1xf32, #tpu.memory_space<smem>>
    %mul3A_48 = vector.broadcast %get3A_47 : f32 to vector<1000xf32>
    %mul3A_49 = arith.mulf %squeeze3A, %mul3A_48 : vector<1000xf32>
    %add3A_50 = arith.constant 20 : i32
    %add3A_51 = arith.addi %add3A_50, %arg0 : i32
    %swap3A_52 = arith.index_cast %add3A_51 : i32 to index
    %swap3A_53 = arith.constant 0 : index
    %swap3A_54 = vector.load %arg6[%swap3A_52, %swap3A_53] : memref<30x1000xf32, #tpu.memory_space<vmem>>, vector<1x1000xf32>
    %swap3A_55 = vector.shape_cast %swap3A_54 : vector<1x1000xf32> to vector<1000xf32>
    %swap3A_56 = vector.shape_cast %mul3A_49 : vector<1000xf32> to vector<1x1000xf32>
    tpu.vector_store %arg6[%swap3A_52, %swap3A_53], %swap3A_56 {strides = array<i32>} : memref<30x1000xf32, #tpu.memory_space<vmem>>, vector<1x1000xf32>,
    return
  }
  func.func @transform_0(%arg0: i32) -> (i32, i32, i32) {
    %c0_i32 = arith.constant 0 : i32
    %c0_i32_0 = arith.constant 0 : i32
    %c0_i32_1 = arith.constant 0 : i32
    return %c0_i32, %arg0, %c0_i32_0 : i32, i32, i32
  }
  func.func @transform_1(%arg0: i32) -> (i32, i32) {
    %c0_i32 = arith.constant 0 : i32
    %c0_i32_0 = arith.constant 0 : i32
    %c0_i32_1 = arith.constant 0 : i32
    return %c0_i32, %c0_i32_0 : i32, i32
  }
  func.func @transform_2(%arg0: i32) -> (i32, i32) {
    %c0_i32 = arith.constant 0 : i32
    %c0_i32_0 = arith.constant 0 : i32
    %c0_i32_1 = arith.constant 0 : i32
    return %c0_i32, %c0_i32_0 : i32, i32
  }
  func.func @transform_3(%arg0: i32) -> i32 {
    %c0_i32 = arith.constant 0 : i32
    %c0_i32_0 = arith.constant 0 : i32
    return %c0_i32 : i32
  }
  func.func @transform_4(%arg0: i32) -> i32 {
    %c0_i32 = arith.constant 0 : i32
    %c0_i32_0 = arith.constant 0 : i32
    return %c0_i32 : i32
  }
  func.func @transform_5(%arg0: i32) -> (i32, i32) {
    %c0_i32 = arith.constant 0 : i32
    %c0_i32_0 = arith.constant 0 : i32
    %c0_i32_1 = arith.constant 0 : i32
    return %c0_i32, %c0_i32_0 : i32, i32
  }
}

</mosaic_0001>

<sc_bundles>
// kernel: kernel.6.cloned.1.call-start
scs
__scs_entry_jumppad:
0x0: {  	(pc) =	sbr.rel $0x88, $3  }
0x1: {  	(tag) =	ssettag $0x0;
	lr =	simm.s32 $0x1  }
0x2: {  	[smem:$0x3F99] =	sst lr;
	_ =	strace $0xD0000000  }
0x3: {  	_ = 	snop  }
0x4: {  	_ = 	snop  }
0x5: {  	_ = 	snop  }
0x6: {  	_ = 	snop  }
0x7: {  	_ = 	snop  }
__scs_overlays_trampoline_lowered:
0x8: {  	[smem:$0x3FA8] =	sst s0  }
0x9: {  	[smem:$0x3FA9] =	sst s1  }
0xa: {  	[smem:$0x3FAA] =	sst s2  }
0xb: {  	[smem:$0x3FAB] =	sst s3  }
0xc: {  	[smem:$0x3FAC] =	sst s4  }
0xd: {  	[smem:$0x3FAD] =	sst s5  }
0xe: {  	[smem:$0x3FAE] =	sst s6  }
0xf: {  	[smem:$0x3FAF] =	sst s7  }
0x10: {  	[smem:$0x3FB0] =	sst s8  }
0x11: {  	[smem:$0x3FB1] =	sst s9;
	s0 =	simm.s32 @!p0 $0x0  }
0x12: {  	s1 =	sld [smem:$0x3F97];
	s0 =	simm.s32 @p0 $0x1  }
0x13: {  	[smem:$0x3FB2] =	sst s0;
	s0 =	simm.s32 @!p1 $0x0  }
0x14: {  	s2 =	sld [smem:$0x3F96];
	s0 =	simm.s32 @p1 $0x1  }
0x15: {  	[smem:$0x3FB3] =	sst s0;
	s0 =	simm.s32 @!p2 $0x0  }
0x16: {  	s3 =	sld [smem:$0x3FDB];
	s0 =	simm.s32 @p2 $0x1  }
0x17: {  	s4 =	simm.s32 $0x1BF5;
	[smem:$0x3FB5] =	sst s0  }
0x18: {  	s0 =	sld [smem:$0x3F98];
	_ =	swait.ge [sflag:s4], $0x0  }
0x19: {  	s7 =	sld [smem:$0x3F99]  }
0x1a: {  	s8 =	sadd.s32 $0xFFFFE003, lr  }
0x1b: {  	s9 =	sadd.s32 $0xFFFFFEF7, lr;
	s5 =	simm.s32 $0xFFFFFFFF;
	p2 =	slt.u32 s8, $0xFFFFF086  }
0x1c: {  	p1 =	slt.u32 s9, $0xF7A;
	s5 =	simm.s32 @!p2 $0x0  }
0x1d: {  	s5 =	simm.s32 @p1 $0x1;
	p0 =	seq.s32 s7, s2  }
0x1e: {  	s7 =	smul.u32 @!p0 $0xF7A, s2;
	p2 =	seq.s32 @!p0 s5, $0x0  }
0x1f: {  	s9 =	smul.u32 $0xF7A, s1;
	s8 =	simm.s32 @!p0 $0x1BF5;
	p2 =	por !p2, p0  }
0x20: {  	[sflag:s8] =	ssyncset.s32 @!p0 $0xFFFFF086;
	s6 =	sadd.s32 @!p0 s3, s7;
	s7 =	simm.s32 @!p0 $0x108  }
0x21: {  	s3 =	sadd.s32 s3, s9;
	s6 =	sadd.s32 @!p0 $0x88, s6;
	s7 =	simm.s32 @p2 $0x1082  }
0x22: {  	[simem:s7], [sflag:s8] =	dma.local @!p0 [hbm:s6], $0xF7A  }
0x23: {  	s9 =	sor.u32 $0xD0000000, s2;
	s6 =	simm.s32 $0x108;
	_ =	swait.ge @!p0 [sflag:s8], $0x0  }
0x24: {  	s3 =	sadd.s32 $0x88, s3;
	s6 =	simm.s32 @!p1 $0x1082;
	[sflag:s4] =	ssyncset.s32 $0xFFFFF086  }
0x25: {  	[simem:s6], [sflag:s4] =	dma.local [hbm:s3], $0xF7A  }
0x26: {  	[smem:$0x3F99] =	sst s1;
	(tag) =	ssettag s2;
	_ =	strace s9  }
0x27: {  	s1 =	sld [smem:$0x3FA9]  }
0x28: {  	s2 =	sld [smem:$0x3FAA]  }
0x29: {  	s4 =	sld [smem:$0x3FAC]  }
0x2a: {  	p0 =	seq.s32 s5, $0x0;
	s5 =	sld [smem:$0x3FAD]  }
0x2b: {  	s6 =	sld [smem:$0x3FAE]  }
0x2c: {  	s7 =	sld [smem:$0x3FAF]  }
0x2d: {  	s3 =	simm.s32 $0x108;
	s8 =	sld [smem:$0x3FB0]  }
0x2e: {  	s3 =	simm.s32 @!p0 $0x1082;
	s9 =	sld [smem:$0x3FB1]  }
0x2f: {  	lr =	sadd.s32 s0, s3;
	s0 =	sld [smem:$0x3FA8]  }
0x30: {  	s3 =	sld [smem:$0x3FAB]  }
0x31: {  	[smem:$0x3FB4] =	sst s10  }
0x32: {  	s10 =	sld [smem:$0x3FB2];
	_ =	sdelay $0x3  }
0x33: {  	p0 =	seq.s32 s10, $0x1;
	s10 =	sld [smem:$0x3FB4];
	_ =	sdelay $0x3  }
0x34: {  	[smem:$0x3FB4] =	sst s10  }
0x35: {  	s10 =	sld [smem:$0x3FB3];
	_ =	sdelay $0x3  }
0x36: {  	p1 =	seq.s32 s10, $0x1;
	s10 =	sld [smem:$0x3FB4];
	_ =	sdelay $0x3  }
0x37: {  	[smem:$0x3FB4] =	sst s10  }
0x38: {  	s10 =	sld [smem:$0x3FB5]  }
0x39: {  	_ = 	snop;
	(pc) =	sbr.ind lr, $3  }
0x3a: {  	_ = 	snop  }
0x3b: {  	_ = 	snop  }
0x3c: {  	p2 =	seq.s32 s10, $0x1;
	s10 =	sld [smem:$0x3FB4]  }
0x3d: {  	_ =	shalt  }
0x3e: {  	_ =	shalt  }
0x3f: {  	_ =	shalt  }
0x40: {  	_ =	shalt  }
0x41: {  	_ =	shalt  }
0x42: {  	_ =	shalt  }
0x43: {  	_ =	shalt  }
0x44: {  	_ =	shalt  }
0x45: {  	_ =	shalt  }
0x46: {  	_ =	shalt  }
0x47: {  	_ =	shalt  }
0x48: {  	_ =	shalt  }
0x49: {  	_ =	shalt  }
0x4a: {  	_ =	shalt  }
0x4b: {  	_ =	shalt  }
0x4c: {  	_ =	shalt  }
0x4d: {  	_ =	shalt  }
0x4e: {  	_ =	shalt  }
0x4f: {  	_ =	shalt  }
0x50: {  	_ =	shalt  }
0x51: {  	_ =	shalt  }
0x52: {  	_ =	shalt  }
0x53: {  	_ =	shalt  }
0x54: {  	_ =	shalt  }
0x55: {  	_ =	shalt  }
0x56: {  	_ =	shalt  }
0x57: {  	_ =	shalt  }
0x58: {  	_ =	shalt  }
0x59: {  	_ =	shalt  }
0x5a: {  	_ =	shalt  }
0x5b: {  	_ =	shalt  }
0x5c: {  	_ =	shalt  }
0x5d: {  	_ =	shalt  }
0x5e: {  	_ =	shalt  }
0x5f: {  	_ =	shalt  }
0x60: {  	_ =	shalt  }
0x61: {  	_ =	shalt  }
0x62: {  	_ =	shalt  }
0x63: {  	_ =	shalt  }
0x64: {  	_ =	shalt  }
0x65: {  	_ =	shalt  }
0x66: {  	_ =	shalt  }
0x67: {  	_ =	shalt  }
0x68: {  	_ =	shalt  }
0x69: {  	_ =	shalt  }
0x6a: {  	_ =	shalt  }
0x6b: {  	_ =	shalt  }
0x6c: {  	_ =	shalt  }
0x6d: {  	_ =	shalt  }
0x6e: {  	_ =	shalt  }
0x6f: {  	_ =	shalt  }
0x70: {  	_ =	shalt  }
0x71: {  	_ =	shalt  }
0x72: {  	_ =	shalt  }
0x73: {  	_ =	shalt  }
0x74: {  	_ =	shalt  }
0x75: {  	_ =	shalt  }
0x76: {  	_ =	shalt  }
0x77: {  	_ =	shalt  }
0x78: {  	_ =	shalt  }
0x79: {  	_ =	shalt  }
0x7a: {  	_ =	shalt  }
0x7b: {  	_ =	shalt  }
0x7c: {  	_ =	shalt  }
0x7d: {  	_ =	shalt  }
0x7e: {  	_ =	shalt  }
0x7f: {  	_ =	shalt  }
0x80: {  	_ =	shalt  }
0x81: {  	_ =	shalt  }
0x82: {  	_ =	shalt  }
0x83: {  	_ =	shalt  }
0x84: {  	_ =	shalt  }
0x85: {  	_ =	shalt  }
0x86: {  	_ =	shalt  }
0x87: {  	_ =	shalt  }
.Lfunc_end0:
.L_simem_size_0:
called_computation_lowered:
.L_overlay_start_0:
0x88: {  	s2 =	sld [smem:$0x3FD9]  }
0x89: {  	s3 =	sld [smem:$0x3FFE];
	_ =	sdelay $0x1  }
0x8a: {  	s1 =	srdreg.scid  }
0x8b: {  	s0 =	sand.u32 $0x1, s1  }
0x8c: {  	s16 =	sshll.u32 s0, $0xA;
	s2 =	sadd.s32 s3, s2  }
0x8d: {  	s2 =	sadd.s32 s2, s16  }
0x8e: {  	[smem:$0x3FC0] =	sst s2  }
0x8f: {  	_ = 	snop  }
0x90: {  	(tm) =	ssettm $0x1  }
0x91: {  	s17 =	sld [smem:$0x3FFB];
	_ =	sdelay $0x3  }
0x92: {  	_ =	strace s17  }
0x93: {  	s2 =	sld [smem:$0x3FFC];
	_ =	sdelay $0x3  }
0x94: {  	_ =	strace s2  }
0x95: {  	s2 =	sld [smem:$0x3FFD];
	_ =	sdelay $0x3  }
0x96: {  	_ =	strace s2  }
0x97: {  	_ =	strace $0x8FFFFFFF  }
0x98: {  	s18 =	sld [smem:$0x3FDB];
	_ =	sdelay $0x1  }
0x99: {  	s19 =	simm.s32 $_scs_section_size  }
0x9a: {  	s4 =	simm.s32 $_size__tile_overlayer_lowered;
	s5 =	simm.s32 $_tile_overlayer_lowered  }
0x9b: {  	s22 =	simm.s32 $0x1BFF;
	s21 =	sshll.u32 s5, $0x1;
	s2 =	sadd.s32 s19, s18  }
0x9c: {  	s6 =	simm.s32 $0x0;
	s20 =	sshll.u32 s4, $0x1;
	s4 =	sadd.s32 s21, s2  }
0x9d: {  	[timem:s6], [sflag:s22] =	dma.local [hbm:s4], s20  }
0x9e: {  	_ =	swait.ge [sflag:s22], s20  }
0x9f: {  	s3 =	ssub.s32 $0x0, s20;
	[sflag:s22] =	ssyncset.done $0x0  }
0xa0: {  	[sflag:s22] =	ssyncadd.s32 s3;
	_ =	sdelay $0x1  }
0xa1: {  	s23 =	simm.s32 $0x1B8B  }
0xa2: {  	_ =	swait.ge [sflag:s23], $0x1  }
0xa3: {  	[sflag:s23] =	ssyncset.done $0x0  }
0xa4: {  	s25 =	simm.s32 $0x1B8E;
	s24 =	sld [smem:$0x3FFE];
	[sflag:s23] =	ssyncadd.s32 $0xFFFFFFFF  }
0xa5: {  	s26 =	simm.s32 $execute0_lowered;
	[smem:$0x3FD2] =	sst s25  }
0xa6: {  	s4 =	sshll.u32 s26, $0x1;
	_ =	strace $0x80000046;
	[dreg:$0x1] =	wrdreg $0xFFFFFFFF  }
0xa7: {  	s28 =	simm.s32 $_size_execute0_lowered;
	s2 =	sadd.s32 s2, s4;
	[dreg:$0x0] =	wrdreg $0x0  }
0xa8: {  	s4 =	sshll.u32 s28, $0x1;
	[dreg:$0x2] =	wrdreg s2  }
0xa9: {  	[dreg:$0x3] =	wrdreg s4  }
0xaa: {  	[dreg:$0x4] =	wrdreg $0xC0  }
0xab: {  	_ =	task [dreg:s6], $0x5FFFF  }
0xac: {  	[dreg:$0x1] =	wrdreg $0xFFFFFFFF  }
0xad: {  	[dreg:$0x0] =	wrdreg $0x60  }
0xae: {  	[dreg:$0x2] =	wrdreg s24  }
0xaf: {  	[dreg:$0x3] =	wrdreg $0xC3800  }
0xb0: {  	[dreg:$0x4] =	wrdreg $0x1FC000  }
0xb1: {  	[dreg:$0x5] =	wrdreg $0x9  }
0xb2: {  	_ =	task.clear_ibuf [dreg:s6], $0x6FFFF;
	_ =	strace $0x90000046  }
0xb3: {  	s29 =	simm.s32 $0x9;
	_ =	strace $0x80000048  }
0xb4: {  	_ =	swait.ge [sflag:s29], $0x1  }
0xb5: {  	[sflag:s29] =	ssyncadd.s32 $0xFFFFFFFF  }
0xb6: {  	_ =	strace $0x90000048  }
0xb7: {  	_ =	sfence  }
0xb8: {  	s30 =	sld [smem:$0x0];
	_ =	sdelay $0x2  }
0xb9: {  	s31 =	sshll.u32 s1, $0xD;
	s1 =	sshrl.u32 s1, $0x2  }
0xba: {  	s3 =	sand.u32 $0x4000, s31;
	s1 =	sadd.s32 s1, s30  }
0xbb: {  	s0 =	sor.u32 s3, s0;
	s1 =	sshll.u32 s1, $0x11  }
0xbc: {  	s0 =	sor.u32 s1, s0  }
0xbd: {  	s0 =	sadd.s32 $0x8F2B, s0  }
0xbe: {  	[sflag:s0] =	ssyncadd.remote.s32 $0x1  }
0xbf: {  	_ =	sfence.sel $0xFFFF  }
0xc0: {  	[dreg:$0x0] =	wrdreg $0xFFFFFFFF;
	(pc) =	sbr.abs _section_cstart, $3  }
0xc1: {  	[dreg:$0x1] =	wrdreg $0xFFFFFFFF  }
0xc2: {  	_ =	task.clear_ibuf [dreg:s6], $0x2FFFF;
	_ =	strace $0x9FFFFFFF  }
0xc3: {  	(tm) =	ssettm $0x7FFFFFFF  }
tec
execute0_lowered:
.L_overlay_start_1:
0x0: {  	(tag) =	ssettag $0x1  }
0x1: {  	s0 =	rddreg [dreg:$0x0]  }
0x2: {  	s1 =	rddreg [dreg:$0x1]  }
0x3: {  	s2 =	rddreg [dreg:$0x2]  }
0x4: {  	s3 =	simm.s32 $0x0;
	s7 =	srdreg.scid;
	s18 =	stileid.u32  }
0x5: {  	[smem:$0x7FF] =	sst s3;
	s4 =	sadd.s32 $0x51C00, s0;
	s5 =	sadd.s32 $0x78E00, s0  }
0x6: {  	s6 =	sadd.s32 $0x29C00, s0;
	s8 =	sadd.s32 $0x1C00, s0;
	s31 =	sadd.s32 $0x7A200, s0  }
0x7: {  	s12 =	sadd.s32 $0x79800, s0;
	s7 =	sand.u32 $0x1, s7;
	s11 =	smul.u32 $0x4E000, s18  }
0x8: {  	s10 =	sshll.u32 s18, $0x1;
	s15 =	smul.u32 $0x270, s18;
	s0 =	sadd.s32 $0x792E2, s0  }
0x9: {  	s9 =	ssub.s32 $0x2, s7;
	s14 =	sor.u32 s7, s10;
	s7 =	smul.u32 $0x2710, s7  }
0xa: {  	_ =	strace $0x80000047;
	[dreg:$0x4] =	wrdreg s5;
	s17 =	smul.u32 $0x1400, s14  }
0xb: {  	[dreg:$0x5] =	wrdreg s0;
	s13 =	sshrl.u32 s9, $0x1;
	s19 =	sshrl.u32 s11, $0x2  }
0xc: {  	s16 =	ssub.s32 s9, s13;
	s9 =	sadd.s32 s19, s1;
	s20 =	sadd.s32 s6, s17  }
0xd: {  	s22 =	sadd.s32 s15, s7;
	s21 =	sadd.s32 s8, s17;
	[dreg:$0x6] =	wrdreg s20  }
0xe: {  	s7 =	sadd.s32 $0x2490, s7;
	s26 =	smax.u32 s16, $0x1;
	[dreg:$0x7] =	wrdreg s21  }
0xf: {  	s24 =	sshll.u32 s7, $0x4;
	s5 =	sadd.s32 $0x2000, s9;
	[dreg:$0xc] =	wrdreg s26  }
0x10: {  	s25 =	sshrl.u32 s7, $0x3;
	s7 =	sadd.s32 $0x3000, s9;
	[dreg:$0xe] =	wrdreg s5  }
0x11: {  	s10 =	sadd.s32 s15, s2;
	s15 =	sadd.s32 $0x5000, s9;
	[dreg:$0xf] =	wrdreg s7  }
0x12: {  	s16 =	sadd.s32 $0x6000, s9;
	[dreg:$0x12] =	wrdreg s15  }
0x13: {  	s17 =	sadd.s32 $0x7000, s9;
	[dreg:$0x13] =	wrdreg s16  }
0x14: {  	p0 =	seq.s32 s18, $0xF;
	s18 =	sadd.s32 $0x8000, s9;
	[dreg:$0x14] =	wrdreg s17  }
0x15: {  	s23 =	sshll.u32 s22, $0x4;
	s19 =	sadd.s32 $0x9000, s9;
	[dreg:$0x15] =	wrdreg s18  }
0x16: {  	s0 =	sshrl.u32 s22, $0x3;
	s22 =	sadd.s32 $0xC000, s9;
	[dreg:$0x16] =	wrdreg s19  }
0x17: {  	s13 =	smul.u32 $0x140, s14;
	s14 =	sadd.s32 s31, s23;
	[dreg:$0x19] =	wrdreg s22  }
0x18: {  	s28 =	simm.s32 $0x3;
	s0 =	sadd.s32 s12, s0;
	[dreg:$0x8] =	wrdreg s14  }
0x19: {  	s29 =	simm.s32 $0x0;
	s20 =	sadd.s32 $0xA000, s9;
	[dreg:$0x9] =	wrdreg s0  }
0x1a: {  	s30 =	simm.s32 $0x0;
	s21 =	sadd.s32 $0xB000, s9;
	[dreg:$0x17] =	wrdreg s20  }
0x1b: {  	s11 =	sadd.s32 $0x2490, s2;
	s23 =	sadd.s32 $0xD000, s9;
	[dreg:$0x18] =	wrdreg s21  }
0x1c: {  	s26 =	sadd.s32 $0x10000, s9;
	s18 =	sadd.s32 $0x12000, s9;
	[dreg:$0x1a] =	wrdreg s23  }
0x1d: {  	s19 =	sadd.s32 $0x13000, s9;
	s0 =	sadd.s32 s31, s24;
	[dreg:$0x1d] =	wrdreg s26  }
0x1e: {  	s22 =	simm.s32 $0x2780;
	s31 =	sadd.s32 $0x1000, s9;
	[dreg:$0xa] =	wrdreg s0  }
0x1f: {  	s14 =	sadd.s32 $0x124800, s1;
	s24 =	sadd.s32 $0xE000, s9;
	[dreg:$0xd] =	wrdreg s31  }
0x20: {  	s20 =	simm.s32 $0x9100;
	s0 =	sadd.s32 s12, s25;
	[dreg:$0x1b] =	wrdreg s24  }
.Ltmp0:
0x21: {  	s12 =	sadd.s32 $0x4000, s9;
	[dreg:$0xb] =	wrdreg s0;
	(pc) =	sbr.rel .LBB2_1-.Ltmp0, $4  }
0x22: {  	s21 =	simm.s32 $0x4;
	s25 =	sadd.s32 $0xF000, s9;
	[dreg:$0x10] =	wrdreg s12  }
0x23: {  	s23 =	simm.s32 $0x8F00;
	s31 =	sadd.s32 $0x11000, s9;
	[dreg:$0x1c] =	wrdreg s25  }
0x24: {  	s26 =	simm.s32 $0x2;
	s0 =	sshrl.u32 @p0 s14, $0x3;
	[dreg:$0x1e] =	wrdreg s31  }
0x25: {  	v0 =	vimm.f32 $0.0e+00;
	s24 =	simm.s32 $0x20;
	s25 =	simm.s32 $0x1;
	[dreg:$0x11] =	wrdreg s0  }
.LBB2_13:
0x26: {  	_ =	swait.ge [sflag:s26], $0x1000  }
0x27: {  	[sflag:s26] =	ssyncset.done $0x0  }
0x28: {  	[sflag:s26] =	ssyncadd.s32 $0xFFFFF000  }
0x29: {  	_ =	swait.ge [sflag:s28], $0x20  }
0x2a: {  	[sflag:s28] =	ssyncset.done $0x0  }
0x2b: {  	[sflag:s28] =	ssyncadd.s32 $0xFFFFFFE0  }
0x2c: {  	_ =	swait.ge [sflag:s28], $0x20  }
0x2d: {  	[sflag:s28] =	ssyncset.done $0x0  }
0x2e: {  	[sflag:s28] =	ssyncadd.s32 $0xFFFFFFE0  }
0x2f: {  	_ =	swait.ge [sflag:s28], $0x20  }
0x30: {  	[sflag:s28] =	ssyncset.done $0x0  }
0x31: {  	[sflag:s28] =	ssyncadd.s32 $0xFFFFFFE0  }
0x32: {  	_ =	swait.ge [sflag:s28], $0x20  }
0x33: {  	[sflag:s28] =	ssyncset.done $0x0  }
0x34: {  	[sflag:s28] =	ssyncadd.s32 $0xFFFFFFE0  }
0x35: {  	[bflag:$0x0] =	sbarrier.arrive $0xFFFF  }
0x36: {  	s5 =	rddreg [dreg:$0xa]  }
0x37: {  	s0 =	simm.s32 @p0 $0x1FC4;
	s7 =	rddreg [dreg:$0x11]  }
0x38: {  	[hbm:s5], [sflag:s0] =	dma.local @p0 [spmem:s7], $0x2800  }
0x39: {  	s0 =	simm.s32 @p0 $0x4  }
0x3a: {  	_ =	swait.ge @p0 [sflag:s0], $0x2800  }
0x3b: {  	[sflag:s0] =	ssyncset.done @p0 $0x0  }
0x3c: {  	s5 =	simm.s32 @p0 $0xC100;
	[sflag:s0] =	ssyncadd.s32 @p0 $0xFFFFD800  }
0x3d: {  	[tilespmem:s5], [sflag:$0x4] =	stream.linear.gather @p0 [spmem:s11], $0x280, $0x38;
	[tilespmem:$0x1FE78] =	vst v63  }
0x3e: {  	_ =	swait.ge @p0 [sflag:s0], $0x280  }
0x3f: {  	[sflag:s0] =	ssyncset.done @p0 $0x0  }
0x40: {  	s7 =	simm.s32 @p0 $0x0;
	s12 =	rddreg [dreg:$0xb];
	[sflag:s0] =	ssyncadd.s32 @p0 $0xFFFFFD80  }
0x41: {  	[hbm4b:s12+s7] =	stream.linear.scatter @p0 [tilespmem:s5], [sflag:$0x4], $0x280, $0x38;
	[tilespmem:$0x1FE78] =	vst v63  }
0x42: {  	s5 =	stileid.u32;
	_ =	swait.ge @p0 [sflag:s0], $0x280  }
0x43: {  	s5 =	sshll.u32 @!p0 s5, $0x6;
	[sflag:s0] =	ssyncset.done @p0 $0x0;
	s7 =	rddreg [dreg:$0x8]  }
0x44: {  	[sflag:s0] =	ssyncadd.s32 @p0 $0xFFFFFD80;
	s0 =	sor.u32 @!p0 $0x1C04, s5;
	s5 =	sshrl.u32 @!p0 s9, $0x3  }
0x45: {  	[hbm:s7], [sflag:s0] =	dma.local @!p0 [spmem:s5], $0x2700  }
0x46: {  	s0 =	simm.s32 @!p0 $0x4  }
0x47: {  	_ =	swait.ge @!p0 [sflag:s0], $0x2700  }
0x48: {  	[sflag:s0] =	ssyncset.done @!p0 $0x0  }
0x49: {  	s5 =	simm.s32 @!p0 $0xC100;
	[sflag:s0] =	ssyncadd.s32 @!p0 $0xFFFFD900  }
0x4a: {  	[tilespmem:s5], [sflag:$0x4] =	stream.linear.gather @!p0 [spmem:s10], $0x270, $0x38;
	[tilespmem:$0x1FE78] =	vst v63  }
0x4b: {  	_ =	swait.ge @!p0 [sflag:s0], $0x270  }
0x4c: {  	[sflag:s0] =	ssyncset.done @!p0 $0x0  }
0x4d: {  	s7 =	simm.s32 @!p0 $0x0;
	s12 =	rddreg [dreg:$0x9];
	[sflag:s0] =	ssyncadd.s32 @!p0 $0xFFFFFD90  }
0x4e: {  	[hbm4b:s12+s7] =	stream.linear.scatter @!p0 [tilespmem:s5], [sflag:$0x4], $0x270, $0x38;
	[tilespmem:$0x1FE78] =	vst v63  }
0x4f: {  	_ =	swait.ge @!p0 [sflag:s0], $0x270  }
0x50: {  	s29 =	sadd.s32 $0x1, s29;
	s31 =	rddreg [dreg:$0xc]  }
0x51: {  	p1 =	sne.s32 s29, s31  }
.Ltmp1:
0x52: {  	_ = 	snop;
	(pc) =	sbr.rel @!p1 .LBB2_14-.Ltmp1, $3  }
0x53: {  	_ =	sdelay $0x1  }
0x54: {  	[sflag:s0] =	ssyncset.done @!p0 $0x0  }
0x55: {  	[sflag:s0] =	ssyncadd.s32 @!p0 $0xFFFFFD90  }
.LBB2_1:
0x56: {  	[tilespmem:$0xC100] =	vst v0  }
0x57: {  	[tilespmem:$0xC110] =	vst v0  }
0x58: {  	[tilespmem:$0xC120] =	vst v0  }
0x59: {  	[tilespmem:$0xC130] =	vst v0  }
0x5a: {  	[tilespmem:$0xC140] =	vst v0  }
0x5b: {  	[tilespmem:$0xC150] =	vst v0  }
0x5c: {  	[tilespmem:$0xC160] =	vst v0  }
0x5d: {  	[tilespmem:$0xC170] =	vst v0  }
0x5e: {  	[tilespmem:$0xC180] =	vst v0  }
0x5f: {  	[tilespmem:$0xC190] =	vst v0  }
0x60: {  	[tilespmem:$0xC1A0] =	vst v0  }
0x61: {  	[tilespmem:$0xC1B0] =	vst v0  }
0x62: {  	[tilespmem:$0xC1C0] =	vst v0  }
0x63: {  	[tilespmem:$0xC1D0] =	vst v0  }
0x64: {  	[tilespmem:$0xC1E0] =	vst v0  }
0x65: {  	[tilespmem:$0xC1F0] =	vst v0  }
0x66: {  	[tilespmem:$0xC200] =	vst v0  }
0x67: {  	[tilespmem:$0xC210] =	vst v0  }
0x68: {  	[tilespmem:$0xC220] =	vst v0  }
0x69: {  	[tilespmem:$0xC230] =	vst v0  }
0x6a: {  	[tilespmem:$0xC240] =	vst v0  }
0x6b: {  	[tilespmem:$0xC250] =	vst v0  }
0x6c: {  	[tilespmem:$0xC260] =	vst v0  }
0x6d: {  	[tilespmem:$0xC270] =	vst v0  }
0x6e: {  	[tilespmem:$0xC280] =	vst v0  }
0x6f: {  	[tilespmem:$0xC290] =	vst v0  }
0x70: {  	[tilespmem:$0xC2A0] =	vst v0  }
0x71: {  	[tilespmem:$0xC2B0] =	vst v0  }
0x72: {  	[tilespmem:$0xC2C0] =	vst v0  }
0x73: {  	[tilespmem:$0xC2D0] =	vst v0  }
0x74: {  	[tilespmem:$0xC2E0] =	vst v0  }
0x75: {  	[tilespmem:$0xC2F0] =	vst v0  }
0x76: {  	[tilespmem:$0xC300] =	vst v0  }
0x77: {  	[tilespmem:$0xC310] =	vst v0  }
0x78: {  	[tilespmem:$0xC320] =	vst v0  }
0x79: {  	[tilespmem:$0xC330] =	vst v0  }
0x7a: {  	[tilespmem:$0xC340] =	vst v0  }
0x7b: {  	[tilespmem:$0xC350] =	vst v0  }
0x7c: {  	[tilespmem:$0xC360] =	vst v0  }
0x7d: {  	[tilespmem:$0xC370] =	vst v0;
	s0 =	simm.s32 $0x0;
	s5 =	simm.s32 $0x200  }
.LBB2_2:
0x7e: {  	p1 =	sne.s32 s5, $0x3E00;
	[tilespmem:s0+$0x9170] =	vst v0  }
0x7f: {  	[tilespmem:s0+$0x9100] =	vst v0  }
0x80: {  	[tilespmem:s0+$0x9110] =	vst v0  }
.Ltmp2:
0x81: {  	[tilespmem:s0+$0x9120] =	vst v0;
	(pc) =	sbr.rel @p1 .LBB2_2-.Ltmp2, $4  }
0x82: {  	[tilespmem:s0+$0x9130] =	vst v0  }
0x83: {  	[tilespmem:s0+$0x9140] =	vst v0  }
0x84: {  	[tilespmem:s0+$0x9150] =	vst v0  }
0x85: {  	[tilespmem:s0+$0x9160] =	vst v0;
	s0 =	sshra.s32 s5, $0x2;
	s5 =	sadd.s32 $0x200, s5  }
0x86: {  	[tilespmem:s0+$0x9170] =	vst v0  }
0x87: {  	[tilespmem:s0+$0x9100] =	vst v0  }
0x88: {  	[tilespmem:s0+$0x9110] =	vst v0  }
0x89: {  	[tilespmem:s0+$0x9120] =	vst v0  }
0x8a: {  	[tilespmem:s0+$0x9130] =	vst v0  }
0x8b: {  	[tilespmem:s0+$0x9140] =	vst v0  }
0x8c: {  	[tilespmem:s0+$0x9150] =	vst v0  }
0x8d: {  	[tilespmem:s0+$0x9160] =	vst v0  }
0x8e: {  	[spmem:s9] =	stream.linear.scatter [tilespmem:s20], [sflag:$0x4], $0x1000, $0x38;
	[tilespmem:$0x1FE78] =	vst v63  }
0x8f: {  	_ =	swait.ge [sflag:s21], $0x1000  }
0x90: {  	[sflag:s21] =	ssyncset.done $0x0  }
0x91: {  	s16 =	rddreg [dreg:$0xd];
	[sflag:s21] =	ssyncadd.s32 $0xFFFFF000  }
0x92: {  	[spmem:s16] =	stream.linear.scatter [tilespmem:s20], [sflag:$0x4], $0x1000, $0x38;
	[tilespmem:$0x1FE78] =	vst v63  }
0x93: {  	_ =	swait.ge [sflag:s21], $0x1000  }
0x94: {  	[sflag:s21] =	ssyncset.done $0x0  }
0x95: {  	s17 =	rddreg [dreg:$0xe];
	[sflag:s21] =	ssyncadd.s32 $0xFFFFF000  }
0x96: {  	[spmem:s17] =	stream.linear.scatter [tilespmem:s20], [sflag:$0x4], $0x1000, $0x38;
	[tilespmem:$0x1FE78] =	vst v63  }
0x97: {  	_ =	swait.ge [sflag:s21], $0x1000  }
0x98: {  	[sflag:s21] =	ssyncset.done $0x0  }
0x99: {  	s5 =	rddreg [dreg:$0xf];
	[sflag:s21] =	ssyncadd.s32 $0xFFFFF000  }
0x9a: {  	[spmem:s5] =	stream.linear.scatter [tilespmem:s20], [sflag:$0x4], $0x1000, $0x38;
	[tilespmem:$0x1FE78] =	vst v63  }
0x9b: {  	_ =	swait.ge [sflag:s21], $0x1000  }
0x9c: {  	[sflag:s21] =	ssyncset.done $0x0  }
0x9d: {  	s7 =	rddreg [dreg:$0x10];
	[sflag:s21] =	ssyncadd.s32 $0xFFFFF000  }
0x9e: {  	[spmem:s7] =	stream.linear.scatter [tilespmem:s20], [sflag:$0x4], $0x1000, $0x38;
	[tilespmem:$0x1FE78] =	vst v63  }
0x9f: {  	_ =	swait.ge [sflag:s21], $0x1000  }
0xa0: {  	[sflag:s21] =	ssyncset.done $0x0  }
0xa1: {  	s12 =	rddreg [dreg:$0x12];
	[sflag:s21] =	ssyncadd.s32 $0xFFFFF000  }
0xa2: {  	[spmem:s12] =	stream.linear.scatter [tilespmem:s20], [sflag:$0x4], $0x1000, $0x38;
	[tilespmem:$0x1FE78] =	vst v63  }
0xa3: {  	_ =	swait.ge [sflag:s21], $0x1000  }
0xa4: {  	[sflag:s21] =	ssyncset.done $0x0  }
0xa5: {  	s14 =	rddreg [dreg:$0x13];
	[sflag:s21] =	ssyncadd.s32 $0xFFFFF000  }
0xa6: {  	[spmem:s14] =	stream.linear.scatter [tilespmem:s20], [sflag:$0x4], $0x1000, $0x38;
	[tilespmem:$0x1FE78] =	vst v63  }
0xa7: {  	_ =	swait.ge [sflag:s21], $0x1000  }
0xa8: {  	[sflag:s21] =	ssyncset.done $0x0  }
0xa9: {  	s15 =	rddreg [dreg:$0x14];
	[sflag:s21] =	ssyncadd.s32 $0xFFFFF000  }
0xaa: {  	[spmem:s15] =	stream.linear.scatter [tilespmem:s20], [sflag:$0x4], $0x1000, $0x38;
	[tilespmem:$0x1FE78] =	vst v63  }
0xab: {  	_ =	swait.ge [sflag:s21], $0x1000  }
0xac: {  	[sflag:s21] =	ssyncset.done $0x0  }
0xad: {  	s16 =	rddreg [dreg:$0x15];
	[sflag:s21] =	ssyncadd.s32 $0xFFFFF000  }
0xae: {  	[spmem:s16] =	stream.linear.scatter [tilespmem:s20], [sflag:$0x4], $0x1000, $0x38;
	[tilespmem:$0x1FE78] =	vst v63  }
0xaf: {  	_ =	swait.ge [sflag:s21], $0x1000  }
0xb0: {  	[sflag:s21] =	ssyncset.done $0x0  }
0xb1: {  	s17 =	rddreg [dreg:$0x16];
	[sflag:s21] =	ssyncadd.s32 $0xFFFFF000  }
0xb2: {  	[spmem:s17] =	stream.linear.scatter [tilespmem:s20], [sflag:$0x4], $0x1000, $0x38;
	[tilespmem:$0x1FE78] =	vst v63  }
0xb3: {  	_ =	swait.ge [sflag:s21], $0x1000  }
0xb4: {  	[sflag:s21] =	ssyncset.done $0x0  }
0xb5: {  	s5 =	rddreg [dreg:$0x17];
	[sflag:s21] =	ssyncadd.s32 $0xFFFFF000  }
0xb6: {  	[spmem:s5] =	stream.linear.scatter [tilespmem:s20], [sflag:$0x4], $0x1000, $0x38;
	[tilespmem:$0x1FE78] =	vst v63  }
0xb7: {  	_ =	swait.ge [sflag:s21], $0x1000  }
0xb8: {  	[sflag:s21] =	ssyncset.done $0x0  }
0xb9: {  	s7 =	rddreg [dreg:$0x18];
	[sflag:s21] =	ssyncadd.s32 $0xFFFFF000  }
0xba: {  	[spmem:s7] =	stream.linear.scatter [tilespmem:s20], [sflag:$0x4], $0x1000, $0x38;
	[tilespmem:$0x1FE78] =	vst v63  }
0xbb: {  	_ =	swait.ge [sflag:s21], $0x1000  }
0xbc: {  	[sflag:s21] =	ssyncset.done $0x0  }
0xbd: {  	s12 =	rddreg [dreg:$0x19];
	[sflag:s21] =	ssyncadd.s32 $0xFFFFF000  }
0xbe: {  	[spmem:s12] =	stream.linear.scatter [tilespmem:s20], [sflag:$0x4], $0x1000, $0x38;
	[tilespmem:$0x1FE78] =	vst v63  }
0xbf: {  	_ =	swait.ge [sflag:s21], $0x1000  }
0xc0: {  	[sflag:s21] =	ssyncset.done $0x0  }
0xc1: {  	s14 =	rddreg [dreg:$0x1a];
	[sflag:s21] =	ssyncadd.s32 $0xFFFFF000  }
0xc2: {  	[spmem:s14] =	stream.linear.scatter [tilespmem:s20], [sflag:$0x4], $0x1000, $0x38;
	[tilespmem:$0x1FE78] =	vst v63  }
0xc3: {  	_ =	swait.ge [sflag:s21], $0x1000  }
0xc4: {  	[sflag:s21] =	ssyncset.done $0x0  }
0xc5: {  	s15 =	rddreg [dreg:$0x1b];
	[sflag:s21] =	ssyncadd.s32 $0xFFFFF000  }
0xc6: {  	[spmem:s15] =	stream.linear.scatter [tilespmem:s20], [sflag:$0x4], $0x1000, $0x38;
	[tilespmem:$0x1FE78] =	vst v63  }
0xc7: {  	_ =	swait.ge [sflag:s21], $0x1000  }
0xc8: {  	[sflag:s21] =	ssyncset.done $0x0  }
0xc9: {  	s16 =	rddreg [dreg:$0x1c];
	[sflag:s21] =	ssyncadd.s32 $0xFFFFF000  }
0xca: {  	[spmem:s16] =	stream.linear.scatter [tilespmem:s20], [sflag:$0x4], $0x1000, $0x38;
	[tilespmem:$0x1FE78] =	vst v63  }
0xcb: {  	_ =	swait.ge [sflag:s21], $0x1000  }
0xcc: {  	[sflag:s21] =	ssyncset.done $0x0  }
0xcd: {  	s17 =	rddreg [dreg:$0x1d];
	[sflag:s21] =	ssyncadd.s32 $0xFFFFF000  }
0xce: {  	[spmem:s17] =	stream.linear.scatter [tilespmem:s20], [sflag:$0x4], $0x1000, $0x38;
	[tilespmem:$0x1FE78] =	vst v63  }
0xcf: {  	_ =	swait.ge [sflag:s21], $0x1000  }
0xd0: {  	[sflag:s21] =	ssyncset.done $0x0  }
0xd1: {  	s5 =	rddreg [dreg:$0x1e];
	[sflag:s21] =	ssyncadd.s32 $0xFFFFF000  }
0xd2: {  	[spmem:s5] =	stream.linear.scatter [tilespmem:s20], [sflag:$0x4], $0x1000, $0x38;
	[tilespmem:$0x1FE78] =	vst v63  }
0xd3: {  	_ =	swait.ge [sflag:s21], $0x1000  }
0xd4: {  	[sflag:s21] =	ssyncset.done $0x0  }
0xd5: {  	[sflag:s21] =	ssyncadd.s32 $0xFFFFF000  }
0xd6: {  	[spmem:s18] =	stream.linear.scatter [tilespmem:s20], [sflag:$0x4], $0x1000, $0x38;
	[tilespmem:$0x1FE78] =	vst v63  }
0xd7: {  	_ =	swait.ge [sflag:s21], $0x1000  }
0xd8: {  	[sflag:s21] =	ssyncset.done $0x0  }
0xd9: {  	[sflag:s21] =	ssyncadd.s32 $0xFFFFF000  }
0xda: {  	[spmem:s19] =	stream.linear.scatter [tilespmem:s20], [sflag:$0x4], $0x1000, $0x38;
	[tilespmem:$0x1FE78] =	vst v63  }
0xdb: {  	_ =	swait.ge [sflag:s21], $0x1000  }
0xdc: {  	[sflag:s21] =	ssyncset.done $0x0  }
0xdd: {  	s0 =	simm.s32 @p0 $0xC100;
	[sflag:s21] =	ssyncadd.s32 $0xFFFFF000  }
0xde: {  	[spmem:s11] =	stream.linear.scatter @p0 [tilespmem:s0], [sflag:$0x4], $0x280, $0x38;
	[tilespmem:$0x1FE78] =	vst v63  }
0xdf: {  	s0 =	simm.s32 @p0 $0x4  }
0xe0: {  	_ =	swait.ge @p0 [sflag:s0], $0x280  }
0xe1: {  	[sflag:s0] =	ssyncset.done @p0 $0x0  }
0xe2: {  	[sflag:s0] =	ssyncadd.s32 @p0 $0xFFFFFD80;
	s0 =	simm.s32 @!p0 $0xC100  }
0xe3: {  	[spmem:s10] =	stream.linear.scatter @!p0 [tilespmem:s0], [sflag:$0x4], $0x270, $0x38;
	[tilespmem:$0x1FE78] =	vst v63  }
0xe4: {  	s0 =	simm.s32 @!p0 $0x4  }
0xe5: {  	_ =	swait.ge @!p0 [sflag:s0], $0x270  }
0xe6: {  	[sflag:s0] =	ssyncset.done @!p0 $0x0  }
0xe7: {  	s7 =	rddreg [dreg:$0x4];
	[sflag:s0] =	ssyncadd.s32 @!p0 $0xFFFFFD90  }
0xe8: {  	[tilespmem:s30], [sflag:$0x4] =	stream.linear.gather [hbm4b:s7+s30], $0x2710, $0x38;
	[tilespmem:$0x1FE78] =	vst v63  }
0xe9: {  	_ =	swait.ge [sflag:s21], $0x2710  }
0xea: {  	[sflag:s21] =	ssyncset.done $0x0  }
0xeb: {  	s12 =	rddreg [dreg:$0x5];
	[sflag:s21] =	ssyncadd.s32 $0xFFFFD8F0  }
0xec: {  	[tilespmem:s22], [sflag:$0x4] =	stream.linear.gather [hbm4b:s12+s30], $0x2710, $0x38;
	[tilespmem:$0x1FE78] =	vst v63  }
0xed: {  	_ =	swait.ge [sflag:s21], $0x2710  }
0xee: {  	[sflag:s21] =	ssyncset.done $0x0  }
0xef: {  	s5 =	simm.s32 $0x4F00;
	s14 =	rddreg [dreg:$0x6];
	[sflag:s21] =	ssyncadd.s32 $0xFFFFD8F0  }
0xf0: {  	[tilespmem:s5], [sflag:$0x4] =	stream.linear.gather [hbm4b:s14+s30], $0x1000, $0x38;
	[tilespmem:$0x1FE78] =	vst v63  }
0xf1: {  	_ =	swait.ge [sflag:s21], $0x1000  }
0xf2: {  	[sflag:s21] =	ssyncset.done $0x0  }
0xf3: {  	s7 =	simm.s32 $0x6F00;
	s15 =	rddreg [dreg:$0x7];
	[sflag:s21] =	ssyncadd.s32 $0xFFFFF000  }
0xf4: {  	[tilespmem:s7], [sflag:$0x4] =	stream.linear.gather [hbm4b:s15+s30], $0x1000, $0x38;
	[tilespmem:$0x1FE78] =	vst v63  }
0xf5: {  	_ =	swait.ge [sflag:s21], $0x1000  }
0xf6: {  	[sflag:s21] =	ssyncset.done $0x0  }
.Ltmp3:
0xf7: {  	[sflag:s21] =	ssyncadd.s32 $0xFFFFF000;
	(pc) =	sbr.rel .LBB2_4-.Ltmp3, $4  }
0xf8: {  	s31 =	simm.s32 $0x0;
	s16 =	simm.s32 $0x4F80;
	[bflag:$0x0] =	sbarrier.arrive $0xFFFF  }
0xf9: {  	[tilespmem:s20], [sflag:$0x1] =	stream.indirect.gather [hbm4b:s4+s24], $0x80, s5, s24, $0xb8;
	[tilespmem:$0x1FE78] =	vst v63  }
0xfa: {  	s17 =	simm.s32 $0xA100;
	s0 =	simm.s32 $0x0;
	s7 =	simm.s32 $0x0  }
0xfb: {  	[tilespmem:s17], [sflag:$0x1] =	stream.indirect.gather [hbm4b:s4+s24], $0x80, s16, s24, $0xb8;
	[tilespmem:$0x1FE78] =	vst v63  }
.LBB2_7:
0xfc: {  	s5 =	simm.s32 $0x2  }
.LBB2_11:
0xfd: {  	s12 =	sand.u32 $0xFFFF, s5  }
0xfe: {  	s12 =	smul.u32 $0xAAAB, s12;
	_ =	sdelay $0x1  }
0xff: {  	s12 =	sshrl.u32 s12, $0x11  }
0x100: {  	s12 =	sadd.s32 s12, s5  }
0x101: {  	s17 =	sshll.u32 s5, $0x7;
	s12 =	sshll.u32 s12, $0xC  }
0x102: {  	s5 =	sand.u32 $0x1F80, s17;
	s12 =	sand.u32 $0x3000, s12  }
0x103: {  	s5 =	sadd.s32 $0x4F00, s5;
	s12 =	sadd.s32 $0x9100, s12  }
0x104: {  	[tilespmem:s12], [sflag:$0x1] =	stream.indirect.gather [hbm4b:s4+s24], $0x80, s5, s24, $0xb8;
	[tilespmem:$0x1FE78] =	vst v63  }
.LBB2_12:
0x105: {  	s7 =	sadd.s32 $0x1, s7  }
0x106: {  	p1 =	sne.s32 s7, $0x140  }
.Ltmp4:
0x107: {  	_ = 	snop;
	(pc) =	sbr.rel @!p1 .LBB2_13-.Ltmp4, $2  }
0x108: {  	_ =	sdelay $0x2  }
0x109: {  	s0 =	sadd.s32 $0x4000, s0;
	s31 =	sadd.s32 $0x1, s31  }
.LBB2_4:
0x10a: {  	p1 =	slt.u32 s7, $0x4  }
0x10b: {  	s5 =	simm.s32 @!p1 $0x3  }
0x10c: {  	_ =	swait.ge @!p1 [sflag:s5], $0x20  }
0x10d: {  	s12 =	sshll.u32 s7, $0x7;
	[sflag:s5] =	ssyncset.done @!p1 $0x0  }
0x10e: {  	[sflag:s5] =	ssyncadd.s32 @!p1 $0xFFFFFFE0;
	s5 =	sand.u32 $0x1F80, s12  }
0x10f: {  	v1 =	vld [tilespmem:s5+$0x4F00]  }
0x110: {  	v2 =	vld [tilespmem:s5+$0x6F00];
	_ =	sdelay $0x6  }
0x111: {  	v1 =	vld.idx.msk [tilespmem:v1+s30+$0x0], $0xffff  }
0x112: {  	v2 =	vld.idx.msk [tilespmem:v2+s22+$0x0], $0xffff;
	_ =	sdelay $0x4  }
0x113: {  	v1 =	vadd.f32 v2, v1;
	_ =	sdelay $0x1  }
0x114: {  	v2 =	vmul.f32 $2.000000030e-01, v1  }
0x115: {  	vm0 =	vlt.f32 v1, $0.0e+00  }
0x116: {  	v1 =	vsel vm0, v2, v1  }
0x117: {  	v1 =	vmul.f32 $1.442695020e+00, v1;
	_ =	sdelay $0x1  }
0x118: {  	(erf) = vpow2.f32 v1;
	_ =	sdelay $0x7  }
0x119: {  	s17 =	sshll.u32 s7, $0x5  }
0x11a: {  	s14 =	sand.u32 $0x3, s7;
	p5 =	slt.u32 s17, $0x2710;
	v1 =	vpop (erf)  }
0x11b: {  	s14 =	sshll.u32 s14, $0x7;
	v1 =	vpsel !p5, $0x0, v1  }
0x11c: {  	[tilespmem:s14+$0x8F00] =	vst v1  }
0x11d: {  	v1 =	vld [tilespmem:s5+$0x4F10]  }
0x11e: {  	v2 =	vld [tilespmem:s5+$0x6F10];
	_ =	sdelay $0x6  }
0x11f: {  	v1 =	vld.idx.msk [tilespmem:v1+s30+$0x0], $0xffff  }
0x120: {  	v2 =	vld.idx.msk [tilespmem:v2+s22+$0x0], $0xffff;
	_ =	sdelay $0x4  }
0x121: {  	v1 =	vadd.f32 v2, v1;
	_ =	sdelay $0x1  }
0x122: {  	v2 =	vmul.f32 $2.000000030e-01, v1  }
0x123: {  	vm15 =	vlt.f32 v1, $0.0e+00  }
0x124: {  	v1 =	vsel vm15, v2, v1  }
0x125: {  	v1 =	vmul.f32 $1.442695020e+00, v1;
	_ =	sdelay $0x1  }
0x126: {  	(erf) = vpow2.f32 v1;
	_ =	sdelay $0x5  }
0x127: {  	s12 =	sor.u32 $0x10, s17;
	s17 =	sand.u32 $0xFFFF, s31  }
0x128: {  	p6 =	slt.u32 s12, $0x2710;
	s12 =	smul.u32 $0xAAAB, s17;
	_ =	sdelay $0x1  }
0x129: {  	s12 =	sshrl.u32 s12, $0x3;
	v1 =	vpop (erf)  }
0x12a: {  	s15 =	simm.s32 $0x1;
	s12 =	sand.u32 $0xC000, s12;
	v2 =	vpsel !p6, $0x0, v1  }
0x12b: {  	v4 =	vmov s15;
	s15 =	sadd.s32 $0x8F00, s14;
	s12 =	sadd.s32 s12, s0;
	s5 =	sadd.s32 $0x6F00, s5;
	[tilespmem:s14+$0x8F10] =	vst v2  }
0x12c: {  	[spmem:s2] =	stream.indirect.scatter.add.f32 [tilespmem:s15], [sflag:$0x3], $0x1, s5, s24, $0xb8;
	[tilespmem:$0x1FE78] =	vst v63  }
0x12d: {  	s12 =	sand.u32 $0xFFFC, s12;
	_ =	swait.ge [sflag:s25], $0x1000  }
0x12e: {  	v3 =	vmov s30;
	s12 =	sshrl.u32 s12, $0x2;
	[sflag:s25] =	ssyncset.done $0x0  }
0x12f: {  	s16 =	simm.s32 $0x7;
	v3 =	vand.u32 $0x78, v3;
	s12 =	sadd.s32 $0x9300, s12;
	v1 =	vmov s14;
	[sflag:s25] =	ssyncadd.s32 $0xFFFFF000  }
0x130: {  	v5 =	vmov s16;
	v4 =	vand.u32 $0x79, v4;
	v3 =	vor.u32 v1, v3;
	v6 =	vld [tilespmem:s12+$0xFFFFFE10]  }
0x131: {  	v5 =	vand.u32 $0x7F, v5;
	v4 =	vor.u32 v1, v4;
	v3 =	vbroadcast v3, $0x0;
	v7 =	vld [tilespmem:s12+$0xFFFFFE20]  }
0x132: {  	v2 =	vbroadcast v4, $0x0;
	v4 =	vor.u32 v1, v5;
	v8 =	vld [tilespmem:s12+$0xFFFFFE30]  }
0x133: {  	v4 =	vbroadcast v4, $0x0;
	v9 =	vld [tilespmem:s12+$0xFFFFFE40]  }
0x134: {  	v10 =	vld [tilespmem:s12+$0xFFFFFE50]  }
0x135: {  	v11 =	vld [tilespmem:s12+$0xFFFFFE60]  }
0x136: {  	v13 =	vld [tilespmem:s12+$0x1F0]  }
0x137: {  	v3 =	vld.idx.msk [tilespmem:v3+s23+$0x0], $0xffff  }
0x138: {  	v5 =	vld.idx.msk [tilespmem:v2+s23+$0x0], $0xffff  }
0x139: {  	v2 =	vld.idx.msk [tilespmem:v4+s23+$0x0], $0xffff  }
0x13a: {  	v4 =	vld [tilespmem:s12+$0xFFFFFE00]  }
0x13b: {  	v14 =	vld [tilespmem:s12+$0xFFFFFE80]  }
0x13c: {  	v15 =	vld [tilespmem:s12+$0xFFFFFE90]  }
0x13d: {  	v16 =	vld [tilespmem:s12+$0xFFFFFEA0];
	v6 =	vmul.f32 v6, v3  }
0x13e: {  	v17 =	vld [tilespmem:s12+$0xFFFFFEB0];
	v7 =	vmul.f32 v7, v3  }
0x13f: {  	s15 =	simm.s32 $0x2;
	v18 =	vld [tilespmem:s12+$0xFFFFFEC0];
	v4 =	vmul.f32 v4, v3;
	[tilespmem:s12+$0xFFFFFE10] =	vst v6  }
0x140: {  	v12 =	vmov s15;
	v8 =	vmul.f32 v8, v3;
	v6 =	vld [tilespmem:s12+$0xFFFFFEE0];
	[tilespmem:s12+$0xFFFFFE20] =	vst v7  }
0x141: {  	v13 =	vmul.f32 v13, v2;
	v7 =	vmul.f32 v9, v3;
	v9 =	vld [tilespmem:s12+$0xFFFFFEF0];
	[tilespmem:s12+$0xFFFFFE00] =	vst v4;
	v4 =	vand.u32 $0x7A, v12  }
0x142: {  	[tilespmem:s12+$0xFFFFFE30] =	vst v8;
	v8 =	vmul.f32 v10, v3;
	v12 =	vld [tilespmem:s12+$0xFFFFFE70];
	v4 =	vor.u32 v1, v4  }
0x143: {  	v10 =	vld [tilespmem:s12+$0xFFFFFF00];
	[tilespmem:s12+$0x1F0] =	vst v13;
	v13 =	vmul.f32 v14, v5;
	v4 =	vbroadcast v4, $0x0  }
0x144: {  	s16 =	simm.s32 $0x3;
	v14 =	vld [tilespmem:s12+$0xFFFFFED0];
	[tilespmem:s12+$0xFFFFFE40] =	vst v7  }
0x145: {  	v7 =	vmul.f32 v11, v3;
	v11 =	vld [tilespmem:s12+$0xFFFFFF10];
	[tilespmem:s12+$0xFFFFFE80] =	vst v13;
	v13 =	vmov s16  }
0x146: {  	v18 =	vmul.f32 v18, v5;
	[tilespmem:s12+$0xFFFFFE50] =	vst v8;
	v8 =	vld [tilespmem:s12+$0xFFFFFF20];
	v13 =	vand.u32 $0x7B, v13  }
0x147: {  	[tilespmem:s12+$0xFFFFFE60] =	vst v7;
	v7 =	vmul.f32 v15, v5;
	v15 =	vld [tilespmem:s12+$0xFFFFFF40];
	v13 =	vor.u32 v1, v13;
	v3 =	vmul.f32 v12, v3  }
0x148: {  	[tilespmem:s12+$0xFFFFFEC0] =	vst v18;
	v6 =	vmul.f32 v6, v5;
	v13 =	vbroadcast v13, $0x0;
	v12 =	vld [tilespmem:s12+$0xFFFFFF30]  }
0x149: {  	v14 =	vmul.f32 v14, v5;
	[tilespmem:s12+$0xFFFFFE70] =	vst v3;
	v3 =	vmul.f32 v16, v5;
	v4 =	vld.idx.msk [tilespmem:v4+s23+$0x0], $0xffff  }
0x14a: {  	[tilespmem:s12+$0xFFFFFE90] =	vst v7;
	v16 =	vmul.f32 v17, v5;
	v5 =	vmul.f32 v9, v5;
	v9 =	vld [tilespmem:s12+$0xFFFFFF90]  }
0x14b: {  	[tilespmem:s12+$0xFFFFFED0] =	vst v14;
	v14 =	vld [tilespmem:s12+$0xFFFFFFD0]  }
0x14c: {  	[tilespmem:s12+$0xFFFFFEA0] =	vst v3;
	v3 =	vld [tilespmem:s12+$0xFFFFFF60]  }
0x14d: {  	[tilespmem:s12+$0xFFFFFEB0] =	vst v16;
	v16 =	vld [tilespmem:s12+$0xFFFFFF70]  }
0x14e: {  	[tilespmem:s12+$0xFFFFFEE0] =	vst v6;
	v13 =	vld.idx.msk [tilespmem:v13+s23+$0x0], $0xffff;
	v7 =	vmul.f32 v10, v4  }
0x14f: {  	s17 =	simm.s32 $0x4;
	[tilespmem:s12+$0xFFFFFEF0] =	vst v5;
	v10 =	vld [tilespmem:s12+$0xFFFFFF50];
	v6 =	vmul.f32 v11, v4  }
0x150: {  	v17 =	vmov s17;
	v11 =	vld [tilespmem:s12+$0xFFFFFFA0];
	v5 =	vmul.f32 v8, v4;
	[tilespmem:s12+$0xFFFFFF00] =	vst v7  }
0x151: {  	v8 =	vld [tilespmem:s12+$0xFFFFFFB0];
	v15 =	vmul.f32 v15, v4;
	v7 =	vand.u32 $0x7C, v17;
	[tilespmem:s12+$0xFFFFFF10] =	vst v6  }
0x152: {  	v3 =	vmul.f32 v3, v4;
	v17 =	vld [tilespmem:s12+$0xFFFFFF80];
	[tilespmem:s12+$0xFFFFFF20] =	vst v5;
	v7 =	vor.u32 v1, v7  }
0x153: {  	v6 =	vmul.f32 v12, v4;
	v12 =	vld [tilespmem:s12+$0xFFFFFFC0];
	[tilespmem:s12+$0xFFFFFF40] =	vst v15;
	v7 =	vbroadcast v7, $0x0  }
0x154: {  	v15 =	vld [tilespmem:s12+$0xFFFFFFF0];
	[tilespmem:s12+$0xFFFFFF60] =	vst v3;
	v3 =	vmul.f32 v9, v13  }
0x155: {  	v9 =	vld [tilespmem:s12+$0x10];
	[tilespmem:s12+$0xFFFFFF30] =	vst v6;
	v10 =	vmul.f32 v10, v4  }
0x156: {  	v6 =	vld [tilespmem:s12+$0xFFFFFFE0];
	v4 =	vmul.f32 v16, v4;
	[tilespmem:s12+$0xFFFFFF90] =	vst v3  }
0x157: {  	s15 =	simm.s32 $0x5;
	v3 =	vmul.f32 v8, v13;
	v8 =	vld [tilespmem:s12+$0x30];
	v5 =	vmul.f32 v17, v13;
	[tilespmem:s12+$0xFFFFFF50] =	vst v10  }
0x158: {  	v14 =	vmul.f32 v14, v13;
	v17 =	vmov s15;
	v10 =	vld [tilespmem:s12+$0x0];
	[tilespmem:s12+$0xFFFFFF70] =	vst v4  }
0x159: {  	v4 =	vmul.f32 v11, v13;
	[tilespmem:s12+$0xFFFFFF80] =	vst v5;
	v5 =	vand.u32 $0x7D, v17;
	v7 =	vld.idx.msk [tilespmem:v7+s23+$0x0], $0xffff  }
0x15a: {  	[tilespmem:s12+$0xFFFFFFD0] =	vst v14;
	v14 =	vld [tilespmem:s12+$0x70];
	v5 =	vor.u32 v1, v5  }
0x15b: {  	v11 =	vld [tilespmem:s12+$0x20];
	[tilespmem:s12+$0xFFFFFFA0] =	vst v4;
	v4 =	vmul.f32 v12, v13;
	v5 =	vbroadcast v5, $0x0  }
0x15c: {  	[tilespmem:s12+$0xFFFFFFB0] =	vst v3;
	v12 =	vld [tilespmem:s12+$0x40];
	v6 =	vmul.f32 v6, v13;
	v13 =	vmul.f32 v15, v13  }
0x15d: {  	[tilespmem:s12+$0xFFFFFFC0] =	vst v4;
	v4 =	vld [tilespmem:s12+$0x60]  }
0x15e: {  	[tilespmem:s12+$0xFFFFFFF0] =	vst v13;
	v13 =	vld [tilespmem:s12+$0x90];
	v3 =	vmul.f32 v10, v7  }
0x15f: {  	s16 =	simm.s32 $0x6;
	[tilespmem:s12+$0xFFFFFFE0] =	vst v6;
	v10 =	vld [tilespmem:s12+$0x50];
	v6 =	vmul.f32 v9, v7  }
0x160: {  	v16 =	vmov s16;
	v9 =	vld [tilespmem:s12+$0x80];
	v11 =	vmul.f32 v11, v7;
	[tilespmem:s12+$0x0] =	vst v3  }
0x161: {  	v5 =	vld.idx.msk [tilespmem:v5+s23+$0x0], $0xffff;
	v3 =	vand.u32 $0x7E, v16;
	[tilespmem:s12+$0x10] =	vst v6;
	v6 =	vmul.f32 v8, v7  }
0x162: {  	v8 =	vld [tilespmem:s12+$0xA0];
	[tilespmem:s12+$0x20] =	vst v11;
	v11 =	vmul.f32 v12, v7;
	v3 =	vor.u32 v1, v3  }
0x163: {  	v4 =	vmul.f32 v4, v7;
	v12 =	vld [tilespmem:s12+$0xB0];
	v3 =	vbroadcast v3, $0x0;
	[tilespmem:s12+$0x30] =	vst v6  }
0x164: {  	[tilespmem:s12+$0x40] =	vst v11;
	v11 =	vld [tilespmem:s12+$0xD0];
	v6 =	vmul.f32 v10, v7  }
0x165: {  	[tilespmem:s12+$0x60] =	vst v4;
	v10 =	vld [tilespmem:s12+$0xC0];
	v7 =	vmul.f32 v14, v7  }
0x166: {  	v9 =	vmul.f32 v9, v5;
	[tilespmem:s12+$0x50] =	vst v6;
	v6 =	vld [tilespmem:s12+$0xE0]  }
0x167: {  	v4 =	vmul.f32 v13, v5;
	[tilespmem:s12+$0x70] =	vst v7;
	v7 =	vmul.f32 v8, v5;
	v8 =	vld [tilespmem:s12+$0x100]  }
0x168: {  	s16 =	simm.s32 $0xA;
	[tilespmem:s12+$0x80] =	vst v9;
	v9 =	vld [tilespmem:s12+$0xF0]  }
0x169: {  	v15 =	vmov s16;
	s16 =	simm.s32 $0xC;
	[tilespmem:s12+$0x90] =	vst v4;
	v4 =	vmul.f32 v12, v5;
	v3 =	vld.idx.msk [tilespmem:v3+s23+$0x0], $0xffff  }
0x16a: {  	s15 =	simm.s32 $0x9;
	v17 =	vmov s16;
	v15 =	vand.u32 $0x7A, v15;
	v12 =	vld [tilespmem:s12+$0x110];
	[tilespmem:s12+$0xA0] =	vst v7;
	v7 =	vmul.f32 v10, v5  }
0x16b: {  	s17 =	simm.s32 $0x8;
	v17 =	vand.u32 $0x7C, v17;
	v14 =	vmov s15;
	v10 =	vld [tilespmem:s12+$0x120];
	[tilespmem:s12+$0xB0] =	vst v4;
	v4 =	vmul.f32 v11, v5  }
0x16c: {  	v14 =	vand.u32 $0x79, v14;
	v13 =	vmov s17;
	s17 =	simm.s32 $0xB;
	v11 =	vld [tilespmem:s12+$0x130];
	[tilespmem:s12+$0xC0] =	vst v7;
	v6 =	vmul.f32 v6, v5  }
0x16d: {  	s16 =	smul.u32 $0xAAAB, s7;
	v13 =	vand.u32 $0x78, v13;
	v16 =	vmov s17;
	s17 =	simm.s32 $0xD;
	v7 =	vld [tilespmem:s12+$0x140];
	[tilespmem:s12+$0xD0] =	vst v4;
	v4 =	vmul.f32 v9, v5  }
0x16e: {  	v18 =	vmov s17;
	v16 =	vand.u32 $0x7B, v16;
	[tilespmem:s12+$0xE0] =	vst v6;
	v5 =	vmul.f32 v8, v3;
	v8 =	vld [tilespmem:s12+$0x150]  }
0x16f: {  	v19 =	vld [tilespmem:s12+$0x160];
	s14 =	sshrl.u32 s16, $0x11;
	s17 =	simm.s32 $0xE;
	v13 =	vor.u32 v1, v13;
	v16 =	vor.u32 v1, v16;
	v6 =	vmul.f32 v12, v3;
	[tilespmem:s12+$0xF0] =	vst v4  }
0x170: {  	v20 =	vld [tilespmem:s12+$0x170];
	s14 =	smul.u32 $0x3, s14;
	v9 =	vmov s17;
	v12 =	vand.u32 $0x7D, v18;
	[tilespmem:s12+$0x100] =	vst v5;
	v5 =	vmul.f32 v10, v3  }
0x171: {  	v18 =	vand.u32 $0x7E, v9;
	v9 =	vor.u32 v1, v14;
	[tilespmem:s12+$0x110] =	vst v6;
	v10 =	vmul.f32 v11, v3;
	v6 =	vld [tilespmem:s12+$0x180]  }
0x172: {  	s14 =	ssub.s32 s7, s14;
	v14 =	vor.u32 v1, v17;
	v4 =	vbroadcast v13, $0x0;
	v13 =	vmul.f32 v7, v3;
	v7 =	vld [tilespmem:s12+$0x190];
	[tilespmem:s12+$0x120] =	vst v5  }
0x173: {  	s14 =	sshll.u32 s14, $0xC;
	v11 =	vor.u32 v1, v15;
	v5 =	vbroadcast v9, $0x0;
	[tilespmem:s12+$0x130] =	vst v10;
	v17 =	vmul.f32 v8, v3;
	v8 =	vld [tilespmem:s12+$0x1A0]  }
0x174: {  	s14 =	sand.u32 $0x3000, s14;
	v15 =	vor.u32 v1, v12;
	v10 =	vbroadcast v11, $0x0;
	[tilespmem:s12+$0x140] =	vst v13;
	v13 =	vmul.f32 v19, v3;
	v9 =	vld [tilespmem:s12+$0x1B0]  }
0x175: {  	s16 =	simm.s32 $0xF;
	s14 =	sadd.s32 $0x9100, s14;
	s15 =	simm.s32 $0x10;
	v12 =	vbroadcast v16, $0x0;
	v16 =	vor.u32 v1, v18;
	v11 =	vld [tilespmem:s12+$0x1C0];
	[tilespmem:s12+$0x150] =	vst v17;
	v17 =	vmul.f32 v20, v3  }
.LBB2_5:
0x176: {  	p1 =	slt.u32 s15, $0x18;
	v3 =	vbroadcast v14, $0x0;
	v14 =	vmov s16;
	[tilespmem:s12+$0x160] =	vst v13;
	v6 =	vmul.f32 v6, v2;
	v13 =	vld [tilespmem:s12+$0x1D0]  }
0x177: {  	v15 =	vbroadcast v15, $0x0;
	v14 =	vand.u32 $0x7F, v14;
	[tilespmem:s12+$0x170] =	vst v17;
	v7 =	vmul.f32 v7, v2;
	v17 =	vld [tilespmem:s12+$0x1E0]  }
0x178: {  	v16 =	vbroadcast v16, $0x0;
	v18 =	vld.idx.msk [tilespmem:v4+s23+$0x0], $0xffff;
	v4 =	vor.u32 v1, v14;
	[tilespmem:s12+$0x180] =	vst v6;
	v6 =	vmul.f32 v8, v2  }
0x179: {  	v8 =	vld.idx.msk [tilespmem:v5+s23+$0x0], $0xffff;
	v14 =	vbroadcast v4, $0x0;
	[tilespmem:s12+$0x190] =	vst v7;
	v4 =	vmul.f32 v9, v2  }
0x17a: {  	v7 =	vld.idx.msk [tilespmem:v10+s23+$0x0], $0xffff;
	[tilespmem:s12+$0x1A0] =	vst v6;
	v9 =	vmul.f32 v11, v2  }
0x17b: {  	v6 =	vld.idx.msk [tilespmem:v12+s23+$0x0], $0xffff;
	[tilespmem:s12+$0x1B0] =	vst v4;
	v10 =	vmul.f32 v13, v2  }
0x17c: {  	v5 =	vld.idx.msk [tilespmem:v3+s23+$0x0], $0xffff;
	[tilespmem:s12+$0x1C0] =	vst v9;
	v2 =	vmul.f32 v17, v2  }
0x17d: {  	v4 =	vld.idx.msk [tilespmem:v15+s23+$0x0], $0xffff;
	[tilespmem:s12+$0x1D0] =	vst v10  }
0x17e: {  	v3 =	vld.idx.msk [tilespmem:v16+s23+$0x0], $0xffff;
	[tilespmem:s12+$0x1E0] =	vst v2  }
0x17f: {  	s12 =	sadd.s32 $0x400, s12;
	v2 =	vld.idx.msk [tilespmem:v14+s23+$0x0], $0xffff  }
0x180: {  	v9 =	vld [tilespmem:s12+$0x1F0]  }
0x181: {  	v10 =	vld [tilespmem:s12+$0xFFFFFE00]  }
0x182: {  	v11 =	vld [tilespmem:s12+$0xFFFFFE10]  }
0x183: {  	v12 =	vld [tilespmem:s12+$0xFFFFFE20]  }
0x184: {  	v13 =	vld [tilespmem:s12+$0xFFFFFE30]  }
0x185: {  	v14 =	vld [tilespmem:s12+$0xFFFFFE40];
	v9 =	vmul.f32 v9, v2  }
0x186: {  	v10 =	vmul.f32 v10, v18;
	v15 =	vld [tilespmem:s12+$0xFFFFFE50]  }
0x187: {  	v11 =	vmul.f32 v11, v18;
	v16 =	vld [tilespmem:s12+$0xFFFFFE60];
	[tilespmem:s12+$0x1F0] =	vst v9  }
0x188: {  	[tilespmem:s12+$0xFFFFFE00] =	vst v10;
	v9 =	vmul.f32 v12, v18;
	v10 =	vld [tilespmem:s12+$0xFFFFFE70]  }
0x189: {  	[tilespmem:s12+$0xFFFFFE10] =	vst v11;
	v11 =	vmul.f32 v13, v18;
	v12 =	vld [tilespmem:s12+$0xFFFFFE80]  }
0x18a: {  	[tilespmem:s12+$0xFFFFFE20] =	vst v9;
	v9 =	vmul.f32 v14, v18;
	v13 =	vld [tilespmem:s12+$0xFFFFFE90]  }
0x18b: {  	[tilespmem:s12+$0xFFFFFE30] =	vst v11;
	v11 =	vmul.f32 v15, v18;
	v14 =	vld [tilespmem:s12+$0xFFFFFEA0]  }
0x18c: {  	[tilespmem:s12+$0xFFFFFE40] =	vst v9;
	v9 =	vmul.f32 v16, v18;
	v15 =	vld [tilespmem:s12+$0xFFFFFEB0]  }
0x18d: {  	[tilespmem:s12+$0xFFFFFE50] =	vst v11;
	v10 =	vmul.f32 v10, v18;
	v11 =	vld [tilespmem:s12+$0xFFFFFEC0]  }
0x18e: {  	[tilespmem:s12+$0xFFFFFE60] =	vst v9;
	v9 =	vmul.f32 v12, v8;
	v12 =	vld [tilespmem:s12+$0xFFFFFED0]  }
0x18f: {  	[tilespmem:s12+$0xFFFFFE70] =	vst v10;
	v10 =	vmul.f32 v13, v8;
	v13 =	vld [tilespmem:s12+$0xFFFFFEE0]  }
0x190: {  	[tilespmem:s12+$0xFFFFFE80] =	vst v9;
	v9 =	vmul.f32 v14, v8;
	v14 =	vld [tilespmem:s12+$0xFFFFFEF0]  }
0x191: {  	[tilespmem:s12+$0xFFFFFE90] =	vst v10;
	v10 =	vmul.f32 v15, v8;
	v15 =	vld [tilespmem:s12+$0xFFFFFF00]  }
0x192: {  	[tilespmem:s12+$0xFFFFFEA0] =	vst v9;
	v9 =	vmul.f32 v11, v8;
	v11 =	vld [tilespmem:s12+$0xFFFFFF10]  }
0x193: {  	[tilespmem:s12+$0xFFFFFEB0] =	vst v10;
	v10 =	vmul.f32 v12, v8;
	v12 =	vld [tilespmem:s12+$0xFFFFFF20]  }
0x194: {  	[tilespmem:s12+$0xFFFFFEC0] =	vst v9;
	v9 =	vmul.f32 v13, v8;
	v13 =	vld [tilespmem:s12+$0xFFFFFF30]  }
0x195: {  	[tilespmem:s12+$0xFFFFFED0] =	vst v10;
	v8 =	vmul.f32 v14, v8;
	v10 =	vld [tilespmem:s12+$0xFFFFFF40]  }
0x196: {  	[tilespmem:s12+$0xFFFFFEE0] =	vst v9;
	v9 =	vmul.f32 v15, v7;
	v14 =	vld [tilespmem:s12+$0xFFFFFF50]  }
0x197: {  	[tilespmem:s12+$0xFFFFFEF0] =	vst v8;
	v8 =	vmul.f32 v11, v7;
	v11 =	vld [tilespmem:s12+$0xFFFFFF60]  }
0x198: {  	[tilespmem:s12+$0xFFFFFF00] =	vst v9;
	v9 =	vmul.f32 v12, v7;
	v12 =	vld [tilespmem:s12+$0xFFFFFF70]  }
0x199: {  	[tilespmem:s12+$0xFFFFFF10] =	vst v8;
	v8 =	vmul.f32 v13, v7;
	v13 =	vld [tilespmem:s12+$0xFFFFFF80]  }
0x19a: {  	[tilespmem:s12+$0xFFFFFF20] =	vst v9;
	v9 =	vmul.f32 v10, v7;
	v10 =	vld [tilespmem:s12+$0xFFFFFF90]  }
0x19b: {  	[tilespmem:s12+$0xFFFFFF30] =	vst v8;
	v8 =	vmul.f32 v14, v7;
	v14 =	vld [tilespmem:s12+$0xFFFFFFA0]  }
0x19c: {  	[tilespmem:s12+$0xFFFFFF40] =	vst v9;
	v9 =	vmul.f32 v11, v7;
	v11 =	vld [tilespmem:s12+$0xFFFFFFB0]  }
0x19d: {  	[tilespmem:s12+$0xFFFFFF50] =	vst v8;
	v7 =	vmul.f32 v12, v7;
	v8 =	vld [tilespmem:s12+$0xFFFFFFC0]  }
0x19e: {  	[tilespmem:s12+$0xFFFFFF60] =	vst v9;
	v9 =	vmul.f32 v13, v6;
	v12 =	vld [tilespmem:s12+$0xFFFFFFD0]  }
0x19f: {  	[tilespmem:s12+$0xFFFFFF70] =	vst v7;
	v7 =	vmul.f32 v10, v6;
	v10 =	vld [tilespmem:s12+$0xFFFFFFE0]  }
0x1a0: {  	[tilespmem:s12+$0xFFFFFF80] =	vst v9;
	v9 =	vmul.f32 v14, v6;
	v13 =	vld [tilespmem:s12+$0xFFFFFFF0]  }
0x1a1: {  	[tilespmem:s12+$0xFFFFFF90] =	vst v7;
	v7 =	vmul.f32 v11, v6;
	v11 =	vld [tilespmem:s12+$0x0]  }
0x1a2: {  	[tilespmem:s12+$0xFFFFFFA0] =	vst v9;
	v8 =	vmul.f32 v8, v6;
	v9 =	vld [tilespmem:s12+$0x10]  }
0x1a3: {  	[tilespmem:s12+$0xFFFFFFB0] =	vst v7;
	v7 =	vmul.f32 v12, v6;
	v12 =	vld [tilespmem:s12+$0x20]  }
0x1a4: {  	[tilespmem:s12+$0xFFFFFFC0] =	vst v8;
	v8 =	vmul.f32 v10, v6;
	v10 =	vld [tilespmem:s12+$0x30]  }
0x1a5: {  	[tilespmem:s12+$0xFFFFFFD0] =	vst v7;
	v6 =	vmul.f32 v13, v6;
	v7 =	vld [tilespmem:s12+$0x40]  }
0x1a6: {  	[tilespmem:s12+$0xFFFFFFE0] =	vst v8;
	v8 =	vmul.f32 v11, v5;
	v11 =	vld [tilespmem:s12+$0x50]  }
0x1a7: {  	[tilespmem:s12+$0xFFFFFFF0] =	vst v6;
	v6 =	vmul.f32 v9, v5;
	v9 =	vld [tilespmem:s12+$0x60]  }
0x1a8: {  	[tilespmem:s12+$0x0] =	vst v8;
	v8 =	vmul.f32 v12, v5;
	v12 =	vld [tilespmem:s12+$0x70]  }
0x1a9: {  	[tilespmem:s12+$0x10] =	vst v6;
	v6 =	vmul.f32 v10, v5;
	v10 =	vld [tilespmem:s12+$0x80]  }
0x1aa: {  	[tilespmem:s12+$0x20] =	vst v8;
	v7 =	vmul.f32 v7, v5;
	v8 =	vld [tilespmem:s12+$0x90]  }
0x1ab: {  	[tilespmem:s12+$0x30] =	vst v6;
	v6 =	vmul.f32 v11, v5;
	v11 =	vld [tilespmem:s12+$0xA0]  }
0x1ac: {  	[tilespmem:s12+$0x40] =	vst v7;
	v7 =	vmul.f32 v9, v5;
	v9 =	vld [tilespmem:s12+$0xB0]  }
0x1ad: {  	[tilespmem:s12+$0x50] =	vst v6;
	v5 =	vmul.f32 v12, v5;
	v6 =	vld [tilespmem:s12+$0xC0]  }
0x1ae: {  	[tilespmem:s12+$0x60] =	vst v7;
	v7 =	vmul.f32 v10, v4;
	v10 =	vld [tilespmem:s12+$0xD0]  }
0x1af: {  	[tilespmem:s12+$0x70] =	vst v5;
	v5 =	vmul.f32 v8, v4;
	v8 =	vld [tilespmem:s12+$0xE0]  }
0x1b0: {  	[tilespmem:s12+$0x80] =	vst v7;
	v7 =	vmul.f32 v11, v4;
	v11 =	vld [tilespmem:s12+$0xF0]  }
0x1b1: {  	s16 =	sadd.s32 $0x1, s15;
	v12 =	vmov s15;
	[tilespmem:s12+$0x90] =	vst v5;
	v5 =	vmul.f32 v9, v4;
	v9 =	vld [tilespmem:s12+$0x100]  }
0x1b2: {  	s17 =	sadd.s32 $0x3, s15;
	v13 =	vmov s16;
	s16 =	sadd.s32 $0x2, s15;
	v12 =	vand.u32 $0x78, v12;
	[tilespmem:s12+$0xA0] =	vst v7;
	v6 =	vmul.f32 v6, v4;
	v7 =	vld [tilespmem:s12+$0x110]  }
0x1b3: {  	v15 =	vmov s17;
	s17 =	sadd.s32 $0x5, s15;
	v14 =	vmov s16;
	s16 =	sadd.s32 $0x4, s15;
	[tilespmem:s12+$0xB0] =	vst v5;
	v5 =	vmul.f32 v10, v4;
	v10 =	vld [tilespmem:s12+$0x120]  }
0x1b4: {  	v17 =	vmov s17;
	v16 =	vmov s16;
	s16 =	sadd.s32 $0x6, s15;
	[tilespmem:s12+$0xC0] =	vst v6;
	v6 =	vmul.f32 v8, v4;
	v8 =	vld [tilespmem:s12+$0x130]  }
0x1b5: {  	v18 =	vmov s16;
	v12 =	vor.u32 v1, v12;
	[tilespmem:s12+$0xD0] =	vst v5;
	v4 =	vmul.f32 v11, v4;
	v5 =	vld [tilespmem:s12+$0x140]  }
0x1b6: {  	v11 =	vand.u32 $0x79, v13;
	v13 =	vand.u32 $0x7A, v14;
	[tilespmem:s12+$0xE0] =	vst v6;
	v6 =	vmul.f32 v9, v3;
	v9 =	vld [tilespmem:s12+$0x150]  }
0x1b7: {  	v14 =	vand.u32 $0x7B, v15;
	v15 =	vand.u32 $0x7C, v16;
	[tilespmem:s12+$0xF0] =	vst v4;
	v7 =	vmul.f32 v7, v3;
	v16 =	vld [tilespmem:s12+$0x160]  }
0x1b8: {  	v17 =	vand.u32 $0x7D, v17;
	v18 =	vand.u32 $0x7E, v18;
	[tilespmem:s12+$0x100] =	vst v6;
	v10 =	vmul.f32 v10, v3;
	v19 =	vld [tilespmem:s12+$0x170]  }
.Ltmp5:
0x1b9: {  	v11 =	vor.u32 v1, v11;
	v4 =	vbroadcast v12, $0x0;
	[tilespmem:s12+$0x110] =	vst v7;
	v8 =	vmul.f32 v8, v3;
	v6 =	vld [tilespmem:s12+$0x180];
	(pc) =	sbr.rel @p1 .LBB2_5-.Ltmp5, $4  }
0x1ba: {  	v20 =	vor.u32 v1, v14;
	v12 =	vor.u32 v1, v13;
	[tilespmem:s12+$0x120] =	vst v10;
	v13 =	vmul.f32 v5, v3;
	v7 =	vld [tilespmem:s12+$0x190]  }
0x1bb: {  	v14 =	vor.u32 v1, v15;
	v5 =	vbroadcast v11, $0x0;
	[tilespmem:s12+$0x130] =	vst v8;
	v11 =	vmul.f32 v9, v3;
	v8 =	vld [tilespmem:s12+$0x1A0]  }
0x1bc: {  	v15 =	vor.u32 v1, v17;
	v10 =	vbroadcast v12, $0x0;
	[tilespmem:s12+$0x140] =	vst v13;
	v13 =	vmul.f32 v16, v3;
	v9 =	vld [tilespmem:s12+$0x1B0]  }
0x1bd: {  	s16 =	sadd.s32 $0x7, s15;
	s15 =	sadd.s32 $0x8, s15;
	v12 =	vbroadcast v20, $0x0;
	v16 =	vor.u32 v1, v18;
	[tilespmem:s12+$0x150] =	vst v11;
	v17 =	vmul.f32 v19, v3;
	v11 =	vld [tilespmem:s12+$0x1C0]  }
0x1be: {  	_ =	sdelay $0x1  }
0x1bf: {  	v18 =	vld [tilespmem:s12+$0x1D0]  }
0x1c0: {  	v19 =	vld [tilespmem:s12+$0x1E0]  }
0x1c1: {  	v63 =	vld.idx.msk [tilespmem:v4+s23+$0x0], $0xffff  }
0x1c2: {  	v20 =	vld.idx.msk [tilespmem:v5+s23+$0x0], $0xffff  }
0x1c3: {  	v10 =	vld.idx.msk [tilespmem:v10+s23+$0x0], $0xffff  }
0x1c4: {  	s15 =	sadd.s32 $0x400, s12;
	v12 =	vld.idx.msk [tilespmem:v12+s23+$0x0], $0xffff  }
0x1c5: {  	v24 =	vld [tilespmem:s15+$0x1F0]  }
0x1c6: {  	v26 =	vld [tilespmem:s15+$0xFFFFFE00]  }
0x1c7: {  	[tilespmem:s12+$0x160] =	vst v13;
	v6 =	vmul.f32 v6, v2;
	v28 =	vld [tilespmem:s15+$0xFFFFFE10]  }
0x1c8: {  	[tilespmem:s12+$0x170] =	vst v17;
	v7 =	vmul.f32 v7, v2;
	v30 =	vld [tilespmem:s15+$0xFFFFFE20]  }
0x1c9: {  	v31 =	vld [tilespmem:s15+$0xFFFFFE30];
	[tilespmem:s12+$0x180] =	vst v6;
	v23 =	vmul.f32 v8, v2  }
0x1ca: {  	v32 =	vld [tilespmem:s15+$0xFFFFFE40];
	[tilespmem:s12+$0x190] =	vst v7;
	v25 =	vmul.f32 v9, v2  }
0x1cb: {  	v33 =	vld [tilespmem:s15+$0xFFFFFE50];
	[tilespmem:s12+$0x1A0] =	vst v23;
	v27 =	vmul.f32 v11, v2  }
0x1cc: {  	v34 =	vld [tilespmem:s15+$0xFFFFFE60];
	[tilespmem:s12+$0x1B0] =	vst v25;
	v29 =	vmul.f32 v18, v2  }
0x1cd: {  	v35 =	vld [tilespmem:s15+$0xFFFFFE70];
	v2 =	vmul.f32 v19, v2;
	[tilespmem:s12+$0x1C0] =	vst v27  }
0x1ce: {  	v36 =	vld [tilespmem:s15+$0xFFFFFE80];
	v11 =	vmul.f32 v28, v63;
	[tilespmem:s12+$0x1D0] =	vst v29  }
0x1cf: {  	v37 =	vld [tilespmem:s15+$0xFFFFFE90];
	[tilespmem:s12+$0x1E0] =	vst v2;
	v2 =	vmul.f32 v26, v63  }
0x1d0: {  	v39 =	vld [tilespmem:s15+$0xFFFFFEA0];
	v6 =	vmul.f32 v31, v63;
	[tilespmem:s15+$0xFFFFFE10] =	vst v11  }
0x1d1: {  	v40 =	vld [tilespmem:s15+$0xFFFFFEB0];
	[tilespmem:s15+$0xFFFFFE00] =	vst v2;
	v2 =	vmul.f32 v30, v63  }
0x1d2: {  	v42 =	vld [tilespmem:s15+$0xFFFFFEC0];
	v38 =	vmul.f32 v33, v63;
	[tilespmem:s15+$0xFFFFFE30] =	vst v6  }
0x1d3: {  	v43 =	vld [tilespmem:s15+$0xFFFFFED0];
	[tilespmem:s15+$0xFFFFFE20] =	vst v2;
	v2 =	vmul.f32 v32, v63  }
0x1d4: {  	v45 =	vld [tilespmem:s15+$0xFFFFFEE0];
	v41 =	vmul.f32 v35, v63;
	[tilespmem:s15+$0xFFFFFE50] =	vst v38  }
0x1d5: {  	v46 =	vld [tilespmem:s15+$0xFFFFFEF0];
	[tilespmem:s15+$0xFFFFFE40] =	vst v2;
	v2 =	vmul.f32 v34, v63  }
0x1d6: {  	v48 =	vld [tilespmem:s15+$0xFFFFFF00];
	v44 =	vmul.f32 v37, v20;
	[tilespmem:s15+$0xFFFFFE70] =	vst v41  }
0x1d7: {  	v49 =	vld [tilespmem:s15+$0xFFFFFF10];
	[tilespmem:s15+$0xFFFFFE60] =	vst v2;
	v2 =	vmul.f32 v36, v20  }
0x1d8: {  	v51 =	vld [tilespmem:s15+$0xFFFFFF20];
	v47 =	vmul.f32 v40, v20;
	[tilespmem:s15+$0xFFFFFE90] =	vst v44  }
0x1d9: {  	v52 =	vld [tilespmem:s15+$0xFFFFFF30];
	[tilespmem:s15+$0xFFFFFE80] =	vst v2;
	v2 =	vmul.f32 v39, v20  }
0x1da: {  	v54 =	vld [tilespmem:s15+$0xFFFFFF40];
	v50 =	vmul.f32 v43, v20;
	[tilespmem:s15+$0xFFFFFEB0] =	vst v47  }
0x1db: {  	v55 =	vld [tilespmem:s15+$0xFFFFFF50];
	[tilespmem:s15+$0xFFFFFEA0] =	vst v2;
	v2 =	vmul.f32 v42, v20  }
0x1dc: {  	v3 =	vbroadcast v14, $0x0;
	v57 =	vld [tilespmem:s15+$0xFFFFFF60];
	v53 =	vmul.f32 v46, v20;
	[tilespmem:s15+$0xFFFFFED0] =	vst v50  }
0x1dd: {  	v15 =	vbroadcast v15, $0x0;
	v58 =	vld [tilespmem:s15+$0xFFFFFF70];
	[tilespmem:s15+$0xFFFFFEC0] =	vst v2;
	v2 =	vmul.f32 v45, v20  }
0x1de: {  	v62 =	vmov s16;
	v60 =	vld [tilespmem:s15+$0xFFFFFF80];
	v56 =	vmul.f32 v49, v10;
	[tilespmem:s15+$0xFFFFFEF0] =	vst v53  }
0x1df: {  	v16 =	vbroadcast v16, $0x0;
	v14 =	vand.u32 $0x7F, v62;
	v61 =	vld [tilespmem:s15+$0xFFFFFF90];
	[tilespmem:s15+$0xFFFFFEE0] =	vst v2;
	v2 =	vmul.f32 v48, v10  }
0x1e0: {  	v1 =	vor.u32 v1, v14;
	v14 =	vld [tilespmem:s15+$0xFFFFFFB0];
	v59 =	vmul.f32 v52, v10;
	[tilespmem:s15+$0xFFFFFF10] =	vst v56  }
0x1e1: {  	v23 =	vld [tilespmem:s15+$0x10];
	[tilespmem:s15+$0xFFFFFF00] =	vst v2;
	v2 =	vmul.f32 v51, v10  }
0x1e2: {  	v5 =	vld.idx.msk [tilespmem:v3+s23+$0x0], $0xffff;
	v62 =	vmul.f32 v55, v10;
	[tilespmem:s15+$0xFFFFFF30] =	vst v59  }
0x1e3: {  	v4 =	vld.idx.msk [tilespmem:v15+s23+$0x0], $0xffff;
	[tilespmem:s15+$0xFFFFFF20] =	vst v2;
	v2 =	vmul.f32 v54, v10  }
0x1e4: {  	v15 =	vmul.f32 v58, v10;
	[tilespmem:s15+$0xFFFFFF50] =	vst v62;
	v63 =	vld [tilespmem:s15+$0xFFFFFFA0]  }
0x1e5: {  	v3 =	vld.idx.msk [tilespmem:v16+s23+$0x0], $0xffff;
	[tilespmem:s15+$0xFFFFFF40] =	vst v2;
	v2 =	vmul.f32 v57, v10  }
0x1e6: {  	v16 =	vld [tilespmem:s15+$0xFFFFFFC0];
	v18 =	vmul.f32 v61, v12;
	[tilespmem:s15+$0xFFFFFF70] =	vst v15  }
0x1e7: {  	v35 =	vld [tilespmem:s15+$0x90];
	[tilespmem:s15+$0xFFFFFF60] =	vst v2;
	v2 =	vmul.f32 v60, v12  }
0x1e8: {  	v19 =	vld [tilespmem:s15+$0xFFFFFFE0];
	v21 =	vmul.f32 v14, v12;
	[tilespmem:s15+$0xFFFFFF90] =	vst v18  }
0x1e9: {  	v40 =	vld [tilespmem:s15+$0xD0];
	[tilespmem:s15+$0xFFFFFF80] =	vst v2;
	v2 =	vmul.f32 v63, v12  }
0x1ea: {  	v22 =	vld [tilespmem:s15+$0x0];
	[tilespmem:s15+$0xFFFFFFB0] =	vst v21;
	v30 =	vmul.f32 v23, v5  }
0x1eb: {  	v46 =	vld [tilespmem:s15+$0x110];
	[tilespmem:s15+$0xFFFFFFA0] =	vst v2;
	v2 =	vmul.f32 v16, v12  }
0x1ec: {  	v25 =	vld [tilespmem:s15+$0x20];
	v41 =	vmul.f32 v35, v4;
	[tilespmem:s15+$0x10] =	vst v30  }
0x1ed: {  	v1 =	vbroadcast v1, $0x0;
	v49 =	vld [tilespmem:s15+$0x130];
	[tilespmem:s15+$0xFFFFFFC0] =	vst v2;
	v2 =	vmul.f32 v19, v12  }
0x1ee: {  	v28 =	vld [tilespmem:s15+$0x40];
	v47 =	vmul.f32 v40, v4;
	[tilespmem:s15+$0x90] =	vst v41  }
0x1ef: {  	v26 =	vld [tilespmem:s15+$0x30];
	[tilespmem:s15+$0xFFFFFFE0] =	vst v2;
	v2 =	vmul.f32 v22, v5  }
0x1f0: {  	v31 =	vld [tilespmem:s15+$0x60];
	v52 =	vmul.f32 v46, v3;
	[tilespmem:s15+$0xD0] =	vst v47  }
0x1f1: {  	v38 =	vld [tilespmem:s15+$0xB0];
	[tilespmem:s15+$0x0] =	vst v2;
	v2 =	vmul.f32 v25, v5  }
0x1f2: {  	v55 =	vmul.f32 v49, v3;
	v34 =	vld [tilespmem:s15+$0x80];
	[tilespmem:s15+$0x110] =	vst v52  }
0x1f3: {  	v1 =	vld.idx.msk [tilespmem:v1+s23+$0x0], $0xffff;
	[tilespmem:s15+$0x20] =	vst v2;
	v2 =	vmul.f32 v28, v5  }
0x1f4: {  	v37 =	vld [tilespmem:s15+$0xA0];
	v33 =	vmul.f32 v26, v5;
	[tilespmem:s15+$0x130] =	vst v55  }
0x1f5: {  	v17 =	vld [tilespmem:s15+$0xFFFFFFD0];
	[tilespmem:s15+$0x40] =	vst v2;
	v2 =	vmul.f32 v31, v5  }
0x1f6: {  	v44 =	vmul.f32 v38, v4;
	[tilespmem:s15+$0x30] =	vst v33;
	v39 =	vld [tilespmem:s15+$0xC0]  }
0x1f7: {  	v29 =	vld [tilespmem:s15+$0x50];
	[tilespmem:s15+$0x60] =	vst v2;
	v2 =	vmul.f32 v34, v4  }
0x1f8: {  	v8 =	vmul.f32 v24, v1;
	[tilespmem:s15+$0xB0] =	vst v44;
	v42 =	vld [tilespmem:s15+$0xE0]  }
0x1f9: {  	v20 =	vld [tilespmem:s15+$0xFFFFFFF0];
	[tilespmem:s15+$0x80] =	vst v2;
	v2 =	vmul.f32 v37, v4  }
0x1fa: {  	v24 =	vmul.f32 v17, v12;
	[tilespmem:s15+$0x1F0] =	vst v8;
	v45 =	vld [tilespmem:s15+$0x100]  }
0x1fb: {  	v51 =	vld [tilespmem:s15+$0x150];
	[tilespmem:s15+$0xA0] =	vst v2;
	v2 =	vmul.f32 v39, v4  }
0x1fc: {  	v36 =	vmul.f32 v29, v5;
	[tilespmem:s15+$0xFFFFFFD0] =	vst v24;
	v48 =	vld [tilespmem:s15+$0x120]  }
0x1fd: {  	v32 =	vld [tilespmem:s15+$0x70];
	[tilespmem:s15+$0xC0] =	vst v2;
	v2 =	vmul.f32 v42, v4  }
0x1fe: {  	v50 =	vld [tilespmem:s15+$0x140];
	[tilespmem:s15+$0x50] =	vst v36;
	v27 =	vmul.f32 v20, v12  }
0x1ff: {  	v43 =	vld [tilespmem:s15+$0xF0];
	[tilespmem:s15+$0xE0] =	vst v2;
	v2 =	vmul.f32 v45, v3  }
0x200: {  	v53 =	vld [tilespmem:s15+$0x160];
	[tilespmem:s15+$0xFFFFFFF0] =	vst v27;
	v58 =	vmul.f32 v51, v3  }
0x201: {  	v54 =	vld [tilespmem:s15+$0x170];
	[tilespmem:s15+$0x100] =	vst v2;
	v2 =	vmul.f32 v48, v3  }
0x202: {  	v56 =	vld [tilespmem:s15+$0x180];
	[tilespmem:s15+$0x150] =	vst v58;
	v5 =	vmul.f32 v32, v5  }
0x203: {  	v57 =	vld [tilespmem:s15+$0x190];
	[tilespmem:s15+$0x120] =	vst v2;
	v2 =	vmul.f32 v50, v3  }
0x204: {  	v59 =	vld [tilespmem:s15+$0x1A0];
	[tilespmem:s15+$0x70] =	vst v5;
	v4 =	vmul.f32 v43, v4  }
0x205: {  	v60 =	vld [tilespmem:s15+$0x1B0];
	[tilespmem:s15+$0x140] =	vst v2;
	v2 =	vmul.f32 v53, v3  }
0x206: {  	v61 =	vld [tilespmem:s15+$0x1C0];
	[tilespmem:s15+$0xF0] =	vst v4;
	v3 =	vmul.f32 v54, v3  }
0x207: {  	v62 =	vld [tilespmem:s15+$0x1D0];
	[tilespmem:s15+$0x160] =	vst v2;
	v2 =	vmul.f32 v56, v1  }
0x208: {  	v63 =	vld [tilespmem:s15+$0x1E0];
	[tilespmem:s15+$0x170] =	vst v3;
	v3 =	vmul.f32 v57, v1  }
0x209: {  	[tilespmem:s15+$0x180] =	vst v2;
	v2 =	vmul.f32 v59, v1  }
0x20a: {  	[tilespmem:s15+$0x190] =	vst v3;
	v3 =	vmul.f32 v60, v1  }
0x20b: {  	p1 =	seq.s32 s7, $0x0;
	[tilespmem:s15+$0x1A0] =	vst v2;
	v2 =	vmul.f32 v61, v1  }
.Ltmp6:
0x20c: {  	[tilespmem:s15+$0x1B0] =	vst v3;
	v3 =	vmul.f32 v62, v1;
	(pc) =	sbr.rel @p1 .LBB2_7-.Ltmp6, $4  }
0x20d: {  	v1 =	vmul.f32 v63, v1;
	[tilespmem:s15+$0x1C0] =	vst v2  }
0x20e: {  	[tilespmem:s15+$0x1D0] =	vst v3  }
0x20f: {  	[tilespmem:s15+$0x1E0] =	vst v1  }
0x210: {  	[spmem:s1] =	stream.indirect.scatter.add.f32 [tilespmem:s14], [sflag:$0x2], $0x80, s5, s24, $0xb8;
	[tilespmem:$0x1FE78] =	vst v63  }
0x211: {  	s5 =	sadd.s32 $0x2, s7  }
0x212: {  	p1 =	sgt.u32 s7, $0x13D;
	s12 =	sand.u32 $0x1F, s5  }
0x213: {  	p2 =	sne.s32 @!p1 s12, $0x0  }
0x214: {  	p2 =	por p1, p2  }
.Ltmp7:
0x215: {  	_ = 	snop;
	(pc) =	sbr.rel @p2 .LBB2_10-.Ltmp7, $4  }
0x216: {  	_ = 	snop  }
0x217: {  	_ =	swait.ge [sflag:s26], $0x1000  }
0x218: {  	[sflag:s26] =	ssyncset.done $0x0  }
0x219: {  	[sflag:s26] =	ssyncadd.s32 $0xFFFFF000  }
0x21a: {  	s12 =	sshll.u32 s5, $0x7;
	s14 =	sadd.s32 s13, s5  }
0x21b: {  	s12 =	sand.u32 $0x1000, s12;
	s14 =	sshll.u32 s14, $0x4  }
0x21c: {  	s15 =	sor.u32 $0x4F00, s12;
	s16 =	sadd.s32 s6, s14  }
0x21d: {  	[tilespmem:s15], [sflag:$0x4] =	stream.linear.gather [hbm4b:s16+s3], $0x1000, $0x38;
	[tilespmem:$0x1FE78] =	vst v63  }
0x21e: {  	_ =	swait.ge [sflag:s21], $0x1000  }
0x21f: {  	s12 =	sor.u32 $0x6F00, s12;
	[sflag:s21] =	ssyncset.done $0x0  }
.Ltmp8:
0x220: {  	s14 =	sadd.s32 s8, s14;
	[sflag:s21] =	ssyncadd.s32 $0xFFFFF000;
	(pc) =	sbr.rel .LBB2_11-.Ltmp8, $4  }
0x221: {  	[tilespmem:s12], [sflag:$0x4] =	stream.linear.gather [hbm4b:s14+s3], $0x1000, $0x38;
	[tilespmem:$0x1FE78] =	vst v63  }
0x222: {  	_ =	swait.ge [sflag:s21], $0x1000  }
0x223: {  	[sflag:s21] =	ssyncset.done $0x0  }
0x224: {  	[sflag:s21] =	ssyncadd.s32 $0xFFFFF000  }
.LBB2_10:
.Ltmp9:
0x225: {  	(pc) =	sbr.rel @p1 .LBB2_12-.Ltmp9, $4  }
.Ltmp10:
0x226: {  	(pc) =	sbr.rel @!p1 .LBB2_11-.Ltmp10, $4  }
0x227: {  	_ = 	snop  }
0x228: {  	_ = 	snop  }
0x229: {  	_ = 	snop  }
0x22a: {  	_ = 	snop  }
.LBB2_14:
0x22b: {  	_ =	sfence.sel $0x180000  }
0x22c: {  	[bflag:$0x0] =	sbarrier.arrive $0xFFFF  }
0x22d: {  	_ =	strace $0x90000047  }
0x22e: {  	s0 =	stileid.u32;
	[bflag:$0x2] =	sbarrier.arrive $0xFFFF  }
0x22f: {  	p0 =	sne.s32 s0, $0x0;
	s0 =	rddreg [dreg:$0x3]  }
0x230: {  	s0 =	sadd.s32 @!p0 $0x100000, s0  }
0x231: {  	[sflag:s0] =	ssyncadd.tile.s32 @!p0 $0x1;
	_ =	shalt  }
.Lfunc_end2:
_tile_overlayer_lowered:
.L_overlay_start_2:
0x232: {  	(tag) =	ssettag $0x2  }
0x233: {  	s0 =	rddreg [dreg:$0x0];
	s2 =	stileid.u32  }
0x234: {  	s1 =	rddreg [dreg:$0x1];
	p0 =	sne.s32 s2, $0x0  }
0x235: {  	s3 =	rddreg [dreg:$0x2];
	[bflag:$0x3] =	sbarrier.arrive $0xFFFF;
	s2 =	simm.s32 @!p0 $0x1C04  }
0x236: {  	[timem:s3], [sflag:s2] =	dma.local @!p0 [hbm:s0], s1  }
0x237: {  	s0 =	simm.s32 @!p0 $0x4  }
0x238: {  	_ =	swait.ge @!p0 [sflag:s0], s1  }
0x239: {  	s1 =	ssub.s32 @!p0 $0x0, s1;
	[sflag:s0] =	ssyncset.done @!p0 $0x0  }
0x23a: {  	[sflag:s0] =	ssyncadd.s32 @!p0 s1  }
0x23b: {  	[bflag:$0x3] =	sbarrier.arrive $0xFFFF  }
0x23c: {  	_ =	shalt  }

// kernel: kernel.9.cloned.1.call-start
scs
__scs_entry_jumppad:
0x0: {  	(pc) =	sbr.rel $0x88, $3  }
0x1: {  	(tag) =	ssettag $0x0;
	lr =	simm.s32 $0x1  }
0x2: {  	[smem:$0x3F99] =	sst lr;
	_ =	strace $0xD0000000  }
0x3: {  	_ = 	snop  }
0x4: {  	_ = 	snop  }
0x5: {  	_ = 	snop  }
0x6: {  	_ = 	snop  }
0x7: {  	_ = 	snop  }
__scs_overlays_trampoline_lowered:
0x8: {  	[smem:$0x3FA8] =	sst s0  }
0x9: {  	[smem:$0x3FA9] =	sst s1  }
0xa: {  	[smem:$0x3FAA] =	sst s2  }
0xb: {  	[smem:$0x3FAB] =	sst s3  }
0xc: {  	[smem:$0x3FAC] =	sst s4  }
0xd: {  	[smem:$0x3FAD] =	sst s5  }
0xe: {  	[smem:$0x3FAE] =	sst s6  }
0xf: {  	[smem:$0x3FAF] =	sst s7  }
0x10: {  	[smem:$0x3FB0] =	sst s8  }
0x11: {  	[smem:$0x3FB1] =	sst s9;
	s0 =	simm.s32 @!p0 $0x0  }
0x12: {  	s1 =	sld [smem:$0x3F97];
	s0 =	simm.s32 @p0 $0x1  }
0x13: {  	[smem:$0x3FB2] =	sst s0;
	s0 =	simm.s32 @!p1 $0x0  }
0x14: {  	s2 =	sld [smem:$0x3F96];
	s0 =	simm.s32 @p1 $0x1  }
0x15: {  	[smem:$0x3FB3] =	sst s0;
	s0 =	simm.s32 @!p2 $0x0  }
0x16: {  	s3 =	sld [smem:$0x3FDB];
	s0 =	simm.s32 @p2 $0x1  }
0x17: {  	s4 =	simm.s32 $0x1BF5;
	[smem:$0x3FB5] =	sst s0  }
0x18: {  	s0 =	sld [smem:$0x3F98];
	_ =	swait.ge [sflag:s4], $0x0  }
0x19: {  	s7 =	sld [smem:$0x3F99]  }
0x1a: {  	s8 =	sadd.s32 $0xFFFFE003, lr  }
0x1b: {  	s9 =	sadd.s32 $0xFFFFFEF7, lr;
	s5 =	simm.s32 $0xFFFFFFFF;
	p2 =	slt.u32 s8, $0xFFFFF086  }
0x1c: {  	p1 =	slt.u32 s9, $0xF7A;
	s5 =	simm.s32 @!p2 $0x0  }
0x1d: {  	s5 =	simm.s32 @p1 $0x1;
	p0 =	seq.s32 s7, s2  }
0x1e: {  	s7 =	smul.u32 @!p0 $0xF7A, s2;
	p2 =	seq.s32 @!p0 s5, $0x0  }
0x1f: {  	s9 =	smul.u32 $0xF7A, s1;
	s8 =	simm.s32 @!p0 $0x1BF5;
	p2 =	por !p2, p0  }
0x20: {  	[sflag:s8] =	ssyncset.s32 @!p0 $0xFFFFF086;
	s6 =	sadd.s32 @!p0 s3, s7;
	s7 =	simm.s32 @!p0 $0x108  }
0x21: {  	s3 =	sadd.s32 s3, s9;
	s6 =	sadd.s32 @!p0 $0x88, s6;
	s7 =	simm.s32 @p2 $0x1082  }
0x22: {  	[simem:s7], [sflag:s8] =	dma.local @!p0 [hbm:s6], $0xF7A  }
0x23: {  	s9 =	sor.u32 $0xD0000000, s2;
	s6 =	simm.s32 $0x108;
	_ =	swait.ge @!p0 [sflag:s8], $0x0  }
0x24: {  	s3 =	sadd.s32 $0x88, s3;
	s6 =	simm.s32 @!p1 $0x1082;
	[sflag:s4] =	ssyncset.s32 $0xFFFFF086  }
0x25: {  	[simem:s6], [sflag:s4] =	dma.local [hbm:s3], $0xF7A  }
0x26: {  	[smem:$0x3F99] =	sst s1;
	(tag) =	ssettag s2;
	_ =	strace s9  }
0x27: {  	s1 =	sld [smem:$0x3FA9]  }
0x28: {  	s2 =	sld [smem:$0x3FAA]  }
0x29: {  	s4 =	sld [smem:$0x3FAC]  }
0x2a: {  	p0 =	seq.s32 s5, $0x0;
	s5 =	sld [smem:$0x3FAD]  }
0x2b: {  	s6 =	sld [smem:$0x3FAE]  }
0x2c: {  	s7 =	sld [smem:$0x3FAF]  }
0x2d: {  	s3 =	simm.s32 $0x108;
	s8 =	sld [smem:$0x3FB0]  }
0x2e: {  	s3 =	simm.s32 @!p0 $0x1082;
	s9 =	sld [smem:$0x3FB1]  }
0x2f: {  	lr =	sadd.s32 s0, s3;
	s0 =	sld [smem:$0x3FA8]  }
0x30: {  	s3 =	sld [smem:$0x3FAB]  }
0x31: {  	[smem:$0x3FB4] =	sst s10  }
0x32: {  	s10 =	sld [smem:$0x3FB2];
	_ =	sdelay $0x3  }
0x33: {  	p0 =	seq.s32 s10, $0x1;
	s10 =	sld [smem:$0x3FB4];
	_ =	sdelay $0x3  }
0x34: {  	[smem:$0x3FB4] =	sst s10  }
0x35: {  	s10 =	sld [smem:$0x3FB3];
	_ =	sdelay $0x3  }
0x36: {  	p1 =	seq.s32 s10, $0x1;
	s10 =	sld [smem:$0x3FB4];
	_ =	sdelay $0x3  }
0x37: {  	[smem:$0x3FB4] =	sst s10  }
0x38: {  	s10 =	sld [smem:$0x3FB5]  }
0x39: {  	_ = 	snop;
	(pc) =	sbr.ind lr, $3  }
0x3a: {  	_ = 	snop  }
0x3b: {  	_ = 	snop  }
0x3c: {  	p2 =	seq.s32 s10, $0x1;
	s10 =	sld [smem:$0x3FB4]  }
0x3d: {  	_ =	shalt  }
0x3e: {  	_ =	shalt  }
0x3f: {  	_ =	shalt  }
0x40: {  	_ =	shalt  }
0x41: {  	_ =	shalt  }
0x42: {  	_ =	shalt  }
0x43: {  	_ =	shalt  }
0x44: {  	_ =	shalt  }
0x45: {  	_ =	shalt  }
0x46: {  	_ =	shalt  }
0x47: {  	_ =	shalt  }
0x48: {  	_ =	shalt  }
0x49: {  	_ =	shalt  }
0x4a: {  	_ =	shalt  }
0x4b: {  	_ =	shalt  }
0x4c: {  	_ =	shalt  }
0x4d: {  	_ =	shalt  }
0x4e: {  	_ =	shalt  }
0x4f: {  	_ =	shalt  }
0x50: {  	_ =	shalt  }
0x51: {  	_ =	shalt  }
0x52: {  	_ =	shalt  }
0x53: {  	_ =	shalt  }
0x54: {  	_ =	shalt  }
0x55: {  	_ =	shalt  }
0x56: {  	_ =	shalt  }
0x57: {  	_ =	shalt  }
0x58: {  	_ =	shalt  }
0x59: {  	_ =	shalt  }
0x5a: {  	_ =	shalt  }
0x5b: {  	_ =	shalt  }
0x5c: {  	_ =	shalt  }
0x5d: {  	_ =	shalt  }
0x5e: {  	_ =	shalt  }
0x5f: {  	_ =	shalt  }
0x60: {  	_ =	shalt  }
0x61: {  	_ =	shalt  }
0x62: {  	_ =	shalt  }
0x63: {  	_ =	shalt  }
0x64: {  	_ =	shalt  }
0x65: {  	_ =	shalt  }
0x66: {  	_ =	shalt  }
0x67: {  	_ =	shalt  }
0x68: {  	_ =	shalt  }
0x69: {  	_ =	shalt  }
0x6a: {  	_ =	shalt  }
0x6b: {  	_ =	shalt  }
0x6c: {  	_ =	shalt  }
0x6d: {  	_ =	shalt  }
0x6e: {  	_ =	shalt  }
0x6f: {  	_ =	shalt  }
0x70: {  	_ =	shalt  }
0x71: {  	_ =	shalt  }
0x72: {  	_ =	shalt  }
0x73: {  	_ =	shalt  }
0x74: {  	_ =	shalt  }
0x75: {  	_ =	shalt  }
0x76: {  	_ =	shalt  }
0x77: {  	_ =	shalt  }
0x78: {  	_ =	shalt  }
0x79: {  	_ =	shalt  }
0x7a: {  	_ =	shalt  }
0x7b: {  	_ =	shalt  }
0x7c: {  	_ =	shalt  }
0x7d: {  	_ =	shalt  }
0x7e: {  	_ =	shalt  }
0x7f: {  	_ =	shalt  }
0x80: {  	_ =	shalt  }
0x81: {  	_ =	shalt  }
0x82: {  	_ =	shalt  }
0x83: {  	_ =	shalt  }
0x84: {  	_ =	shalt  }
0x85: {  	_ =	shalt  }
0x86: {  	_ =	shalt  }
0x87: {  	_ =	shalt  }
.Lfunc_end0:
.L_simem_size_0:
called_computation.1_lowered:
.L_overlay_start_0:
0x88: {  	s2 =	sld [smem:$0x3FD9]  }
0x89: {  	s3 =	sld [smem:$0x3FFE];
	_ =	sdelay $0x1  }
0x8a: {  	s1 =	srdreg.scid  }
0x8b: {  	s0 =	sand.u32 $0x1, s1  }
0x8c: {  	s16 =	sshll.u32 s0, $0xA;
	s2 =	sadd.s32 s3, s2  }
0x8d: {  	s2 =	sadd.s32 s2, s16  }
0x8e: {  	[smem:$0x3FC0] =	sst s2  }
0x8f: {  	_ = 	snop  }
0x90: {  	(tm) =	ssettm $0x1  }
0x91: {  	s17 =	sld [smem:$0x3FFB];
	_ =	sdelay $0x3  }
0x92: {  	_ =	strace s17  }
0x93: {  	s2 =	sld [smem:$0x3FFC];
	_ =	sdelay $0x3  }
0x94: {  	_ =	strace s2  }
0x95: {  	s2 =	sld [smem:$0x3FFD];
	_ =	sdelay $0x3  }
0x96: {  	_ =	strace s2  }
0x97: {  	_ =	strace $0x8FFFFFFF  }
0x98: {  	s18 =	sld [smem:$0x3FDB];
	_ =	sdelay $0x1  }
0x99: {  	s19 =	simm.s32 $_scs_section_size  }
0x9a: {  	s4 =	simm.s32 $_size__tile_overlayer_lowered;
	s5 =	simm.s32 $_tile_overlayer_lowered  }
0x9b: {  	s22 =	simm.s32 $0x1BFF;
	s21 =	sshll.u32 s5, $0x1;
	s2 =	sadd.s32 s19, s18  }
0x9c: {  	s6 =	simm.s32 $0x0;
	s20 =	sshll.u32 s4, $0x1;
	s4 =	sadd.s32 s21, s2  }
0x9d: {  	[timem:s6], [sflag:s22] =	dma.local [hbm:s4], s20  }
0x9e: {  	_ =	swait.ge [sflag:s22], s20  }
0x9f: {  	s3 =	ssub.s32 $0x0, s20;
	[sflag:s22] =	ssyncset.done $0x0  }
0xa0: {  	[sflag:s22] =	ssyncadd.s32 s3;
	_ =	sdelay $0x1  }
0xa1: {  	s23 =	simm.s32 $0x1B8B  }
0xa2: {  	_ =	swait.ge [sflag:s23], $0x1  }
0xa3: {  	[sflag:s23] =	ssyncset.done $0x0  }
0xa4: {  	s25 =	simm.s32 $0x1B8E;
	s24 =	sld [smem:$0x3FFE];
	[sflag:s23] =	ssyncadd.s32 $0xFFFFFFFF  }
0xa5: {  	s26 =	simm.s32 $execute0_lowered;
	[smem:$0x3FD2] =	sst s25  }
0xa6: {  	s4 =	sshll.u32 s26, $0x1;
	_ =	strace $0x80000049;
	[dreg:$0x1] =	wrdreg $0xFFFFFFFF  }
0xa7: {  	s28 =	simm.s32 $_size_execute0_lowered;
	s2 =	sadd.s32 s2, s4;
	[dreg:$0x0] =	wrdreg $0x0  }
0xa8: {  	s4 =	sshll.u32 s28, $0x1;
	[dreg:$0x2] =	wrdreg s2  }
0xa9: {  	[dreg:$0x3] =	wrdreg s4  }
0xaa: {  	[dreg:$0x4] =	wrdreg $0xC0  }
0xab: {  	_ =	task [dreg:s6], $0x5FFFF  }
0xac: {  	[dreg:$0x1] =	wrdreg $0xFFFFFFFF  }
0xad: {  	[dreg:$0x0] =	wrdreg $0x60  }
0xae: {  	[dreg:$0x2] =	wrdreg s24  }
0xaf: {  	[dreg:$0x3] =	wrdreg $0xA2000  }
0xb0: {  	[dreg:$0x4] =	wrdreg $0xA4780  }
0xb1: {  	[dreg:$0x5] =	wrdreg $0x9  }
0xb2: {  	_ =	task.clear_ibuf [dreg:s6], $0x6FFFF;
	_ =	strace $0x90000049  }
0xb3: {  	s29 =	simm.s32 $0x9;
	_ =	strace $0x8000004B  }
0xb4: {  	_ =	swait.ge [sflag:s29], $0x1  }
0xb5: {  	[sflag:s29] =	ssyncadd.s32 $0xFFFFFFFF  }
0xb6: {  	_ =	strace $0x9000004B  }
0xb7: {  	_ =	sfence  }
0xb8: {  	s30 =	sld [smem:$0x0];
	_ =	sdelay $0x2  }
0xb9: {  	s31 =	sshll.u32 s1, $0xD;
	s1 =	sshrl.u32 s1, $0x2  }
0xba: {  	s3 =	sand.u32 $0x4000, s31;
	s1 =	sadd.s32 s1, s30  }
0xbb: {  	s0 =	sor.u32 s3, s0;
	s1 =	sshll.u32 s1, $0x11  }
0xbc: {  	s0 =	sor.u32 s1, s0  }
0xbd: {  	s0 =	sadd.s32 $0x8F2B, s0  }
0xbe: {  	[sflag:s0] =	ssyncadd.remote.s32 $0x1  }
0xbf: {  	_ =	sfence.sel $0xFFFF  }
0xc0: {  	[dreg:$0x0] =	wrdreg $0xFFFFFFFF;
	(pc) =	sbr.abs _section_cstart, $3  }
0xc1: {  	[dreg:$0x1] =	wrdreg $0xFFFFFFFF  }
0xc2: {  	_ =	task.clear_ibuf [dreg:s6], $0x2FFFF;
	_ =	strace $0x9FFFFFFF  }
0xc3: {  	(tm) =	ssettm $0x7FFFFFFF  }
tec
execute0_lowered:
.L_overlay_start_1:
0x0: {  	(tag) =	ssettag $0x1  }
0x1: {  	s1 =	srdreg.scid  }
0x2: {  	s1 =	sand.u32 $0x1, s1  }
0x3: {  	p0 =	seq.s32 s1, $0x1  }
.Ltmp0:
0x4: {  	s3 =	rddreg [dreg:$0x0];
	(pc) =	sbr.rel @p0 .LBB2_6-.Ltmp0, $4  }
0x5: {  	s4 =	rddreg [dreg:$0x1]  }
0x6: {  	s5 =	rddreg [dreg:$0x2];
	s6 =	simm.s32 $0x0  }
0x7: {  	[smem:$0x7FF] =	sst s6  }
0x8: {  	s0 =	rddreg [dreg:$0x3];
	_ =	strace $0x8000004A;
	s1 =	stileid.u32  }
0x9: {  	v0 =	vimm.f32 $0.0e+00  }
0xa: {  	[tilespmem:$0x9F80] =	vst v0  }
0xb: {  	[tilespmem:$0x9F90] =	vst v0  }
0xc: {  	[tilespmem:$0x9FA0] =	vst v0  }
0xd: {  	[tilespmem:$0x9FB0] =	vst v0  }
0xe: {  	[tilespmem:$0x9FC0] =	vst v0  }
0xf: {  	[tilespmem:$0x9FD0] =	vst v0  }
0x10: {  	[tilespmem:$0x9FE0] =	vst v0  }
0x11: {  	[tilespmem:$0x9FF0] =	vst v0  }
0x12: {  	[tilespmem:$0xA000] =	vst v0  }
0x13: {  	[tilespmem:$0xA010] =	vst v0  }
0x14: {  	[tilespmem:$0xA020] =	vst v0  }
0x15: {  	[tilespmem:$0xA030] =	vst v0  }
0x16: {  	[tilespmem:$0xA040] =	vst v0  }
0x17: {  	[tilespmem:$0xA050] =	vst v0  }
0x18: {  	[tilespmem:$0xA060] =	vst v0  }
0x19: {  	[tilespmem:$0xA070] =	vst v0  }
0x1a: {  	[tilespmem:$0xA080] =	vst v0  }
0x1b: {  	[tilespmem:$0xA090] =	vst v0  }
0x1c: {  	[tilespmem:$0xA0A0] =	vst v0  }
0x1d: {  	[tilespmem:$0xA0B0] =	vst v0  }
0x1e: {  	[tilespmem:$0xA0C0] =	vst v0  }
0x1f: {  	[tilespmem:$0xA0D0] =	vst v0  }
0x20: {  	[tilespmem:$0xA0E0] =	vst v0  }
0x21: {  	[tilespmem:$0xA0F0] =	vst v0  }
0x22: {  	[tilespmem:$0xA100] =	vst v0  }
0x23: {  	[tilespmem:$0xA110] =	vst v0  }
0x24: {  	[tilespmem:$0xA120] =	vst v0  }
0x25: {  	[tilespmem:$0xA130] =	vst v0  }
0x26: {  	[tilespmem:$0xA140] =	vst v0  }
0x27: {  	[tilespmem:$0xA150] =	vst v0  }
0x28: {  	[tilespmem:$0xA160] =	vst v0  }
0x29: {  	[tilespmem:$0xA170] =	vst v0  }
0x2a: {  	[tilespmem:$0xA180] =	vst v0  }
0x2b: {  	[tilespmem:$0xA190] =	vst v0  }
0x2c: {  	[tilespmem:$0xA1A0] =	vst v0  }
0x2d: {  	[tilespmem:$0xA1B0] =	vst v0  }
0x2e: {  	[tilespmem:$0xA1C0] =	vst v0  }
0x2f: {  	[tilespmem:$0xA1D0] =	vst v0  }
0x30: {  	p0 =	seq.s32 s1, $0xF;
	[tilespmem:$0xA1E0] =	vst v0  }
0x31: {  	s7 =	sadd.s32 $0x2490, s4;
	[tilespmem:$0xA1F0] =	vst v0;
	s2 =	simm.s32 @p0 $0x9F80;
	s10 =	simm.s32 @p0 $0x3  }
0x32: {  	[spmem:s7] =	stream.linear.scatter @p0 [tilespmem:s2], [sflag:$0x3], $0x280, $0x38;
	[tilespmem:$0xA6F0] =	vst v63  }
0x33: {  	_ =	swait.ge @p0 [sflag:s10], $0x280  }
0x34: {  	[sflag:s10] =	ssyncset.done @p0 $0x0  }
0x35: {  	s8 =	sadd.s32 $0x2490, s5;
	[sflag:s10] =	ssyncadd.s32 @p0 $0xFFFFFD80  }
0x36: {  	[spmem:s8] =	stream.linear.scatter @p0 [tilespmem:s2], [sflag:$0x3], $0x280, $0x38;
	[tilespmem:$0xA6F0] =	vst v63  }
0x37: {  	s28 =	smul.u32 $0x270, s1;
	_ =	swait.ge @p0 [sflag:s10], $0x280  }
0x38: {  	s11 =	simm.s32 @!p0 $0x9F80;
	[sflag:s10] =	ssyncset.done @p0 $0x0  }
0x39: {  	s12 =	simm.s32 @!p0 $0x3;
	s9 =	sadd.s32 s28, s4;
	[sflag:s10] =	ssyncadd.s32 @p0 $0xFFFFFD80  }
0x3a: {  	[spmem:s9] =	stream.linear.scatter @!p0 [tilespmem:s11], [sflag:$0x3], $0x270, $0x38;
	[tilespmem:$0xA6F0] =	vst v63  }
0x3b: {  	_ =	swait.ge @!p0 [sflag:s12], $0x270  }
0x3c: {  	[sflag:s12] =	ssyncset.done @!p0 $0x0  }
0x3d: {  	s10 =	sadd.s32 s28, s5;
	[sflag:s12] =	ssyncadd.s32 @!p0 $0xFFFFFD90  }
0x3e: {  	[spmem:s10] =	stream.linear.scatter @!p0 [tilespmem:s11], [sflag:$0x3], $0x270, $0x38;
	[tilespmem:$0xA6F0] =	vst v63  }
0x3f: {  	_ =	swait.ge @!p0 [sflag:s12], $0x270  }
0x40: {  	[sflag:s12] =	ssyncset.done @!p0 $0x0  }
0x41: {  	s29 =	sadd.s32 $0x1C00, s3;
	s16 =	simm.s32 $0x3;
	[sflag:s12] =	ssyncadd.s32 @!p0 $0xFFFFFD90  }
0x42: {  	[tilespmem:s6], [sflag:$0x3] =	stream.linear.gather [hbm4b:s29+s6], $0x2710, $0x38;
	[tilespmem:$0xA6F0] =	vst v63  }
0x43: {  	_ =	swait.ge [sflag:s16], $0x2710  }
0x44: {  	[sflag:s16] =	ssyncset.done $0x0  }
0x45: {  	s30 =	sadd.s32 $0x20E2, s3;
	s11 =	simm.s32 $0x2780;
	[sflag:s16] =	ssyncadd.s32 $0xFFFFD8F0  }
0x46: {  	[tilespmem:s11], [sflag:$0x3] =	stream.linear.gather [hbm4b:s30+s6], $0x2710, $0x38;
	[tilespmem:$0xA6F0] =	vst v63  }
0x47: {  	_ =	swait.ge [sflag:s16], $0x2710  }
0x48: {  	[sflag:s16] =	ssyncset.done $0x0  }
0x49: {  	s13 =	sadd.s32 $0x25C4, s3;
	s12 =	simm.s32 $0x4F00;
	[sflag:s16] =	ssyncadd.s32 $0xFFFFD8F0  }
0x4a: {  	[tilespmem:s12], [sflag:$0x3] =	stream.linear.gather [hbm4b:s13+s6], $0x2710, $0x38;
	[tilespmem:$0xA6F0] =	vst v63  }
0x4b: {  	s15 =	smul.u32 $0xA00, s1;
	_ =	swait.ge [sflag:s16], $0x2710  }
0x4c: {  	s13 =	sadd.s32 $0xC8400, s3;
	[sflag:s16] =	ssyncset.done $0x0  }
0x4d: {  	s17 =	simm.s32 $0x7680;
	s14 =	sadd.s32 s13, s15;
	[sflag:s16] =	ssyncadd.s32 $0xFFFFD8F0  }
0x4e: {  	[tilespmem:s17], [sflag:$0x3] =	stream.linear.gather [hbm4b:s14+s6], $0x800, $0x38;
	[tilespmem:$0xA6F0] =	vst v63  }
0x4f: {  	_ =	swait.ge [sflag:s16], $0x800  }
0x50: {  	s31 =	simm.s32 $0x8680;
	s14 =	sadd.s32 $0xD2400, s3;
	[sflag:s16] =	ssyncset.done $0x0  }
0x51: {  	s2 =	sshrl.u32 s28, $0x3;
	s15 =	sadd.s32 s14, s15;
	[sflag:s16] =	ssyncadd.s32 $0xFFFFF800  }
0x52: {  	[tilespmem:s31], [sflag:$0x3] =	stream.linear.gather [hbm4b:s15+s6], $0x800, $0x38;
	[tilespmem:$0xA6F0] =	vst v63  }
0x53: {  	s2 =	sadd.s32 s2, s3;
	_ =	swait.ge [sflag:s16], $0x800  }
0x54: {  	s2 =	sadd.s32 $0x2C00, s2;
	[sflag:s16] =	ssyncset.done $0x0  }
0x55: {  	s3 =	sadd.s32 $0x3092, s3;
	s17 =	simm.s32 $0x0;
	[sflag:s16] =	ssyncadd.s32 $0xFFFFF800  }
0x56: {  	s15 =	smul.u32 $0xA0, s1;
	s16 =	simm.s32 $0x80;
	[bflag:$0x0] =	sbarrier.arrive $0xFFFF  }
.LBB2_2:
0x57: {  	p1 =	slt.u32 s17, $0x4  }
0x58: {  	s18 =	simm.s32 @!p1 $0x1  }
0x59: {  	_ =	swait.ge @!p1 [sflag:s18], $0x80  }
0x5a: {  	[sflag:s18] =	ssyncset.done @!p1 $0x0  }
0x5b: {  	[sflag:s18] =	ssyncadd.s32 @!p1 $0xFFFFFF80;
	s18 =	simm.s32 @!p1 $0x2  }
0x5c: {  	s19 =	sand.u32 $0x1F, s17;
	s21 =	sshll.u32 s17, $0x7;
	_ =	swait.ge @!p1 [sflag:s18], $0x80  }
0x5d: {  	p2 =	slt.u32 s17, $0x50;
	s20 =	sadd.s32 $0xFFFFD800, s21;
	[sflag:s18] =	ssyncset.done @!p1 $0x0  }
0x5e: {  	s24 =	simm.s32 $0x0;
	s20 =	smov.u32 @p2 s21;
	[sflag:s18] =	ssyncadd.s32 @!p1 $0xFFFFFF80  }
0x5f: {  	s18 =	sshll.u32 s19, $0x7;
	s19 =	sand.u32 $0x180, s21;
	p1 =	por $0x1, $0x1  }
.LBB2_3:
0x60: {  	s21 =	sor.u32 s18, s24  }
0x61: {  	s23 =	sor.u32 $0x10, s24;
	v0 =	vld [tilespmem:s21+$0x7680]  }
0x62: {  	v1 =	vld [tilespmem:s21+$0x8680];
	s30 =	sor.u32 s18, s23  }
0x63: {  	s22 =	sor.u32 $0x20, s24;
	v2 =	vld [tilespmem:s30+$0x7680]  }
0x64: {  	s25 =	sor.u32 s18, s22;
	v3 =	vld [tilespmem:s30+$0x8680]  }
0x65: {  	s21 =	sor.u32 $0x30, s24;
	v4 =	vld [tilespmem:s25+$0x7680]  }
0x66: {  	v5 =	vld [tilespmem:s25+$0x8680];
	s31 =	sor.u32 s18, s21  }
0x67: {  	v6 =	vld [tilespmem:s31+$0x7680]  }
0x68: {  	v7 =	vld [tilespmem:s31+$0x8680]  }
0x69: {  	v8 =	vld.idx.msk [tilespmem:v0+s11+$0x0], $0xffff  }
0x6a: {  	v1 =	vld.idx.msk [tilespmem:v1+s12+$0x0], $0xffff  }
0x6b: {  	v9 =	vld.idx.msk [tilespmem:v2+s11+$0x0], $0xffff  }
0x6c: {  	v3 =	vld.idx.msk [tilespmem:v3+s12+$0x0], $0xffff  }
0x6d: {  	v10 =	vld.idx.msk [tilespmem:v4+s11+$0x0], $0xffff  }
0x6e: {  	v5 =	vld.idx.msk [tilespmem:v5+s12+$0x0], $0xffff  }
0x6f: {  	v43 =	vld.idx.msk [tilespmem:v6+s11+$0x0], $0xffff  }
0x70: {  	v7 =	vld.idx.msk [tilespmem:v7+s12+$0x0], $0xffff;
	v1 =	vadd.f32 v1, v8  }
0x71: {  	v3 =	vadd.f32 v3, v9  }
0x72: {  	v44 =	vmul.f32 $2.000000030e-01, v1  }
0x73: {  	vm0 =	vlt.f32 v1, $0.0e+00;
	v45 =	vmul.f32 $2.000000030e-01, v3  }
0x74: {  	v5 =	vadd.f32 v5, v10;
	vm13 =	vlt.f32 v3, $0.0e+00;
	v1 =	vsel vm0, v44, v1  }
0x75: {  	v7 =	vadd.f32 v7, v43;
	v1 =	vmul.f32 $1.442695020e+00, v1;
	v3 =	vsel vm13, v45, v3  }
0x76: {  	v46 =	vmul.f32 $2.000000030e-01, v5;
	v47 =	vmul.f32 $1.442695020e+00, v3  }
0x77: {  	vm14 =	vlt.f32 v5, $0.0e+00;
	v49 =	vmul.f32 $2.000000030e-01, v7;
	(erf) = vpow2.f32 v1  }
0x78: {  	vm15 =	vlt.f32 v7, $0.0e+00;
	v48 =	vsel vm14, v46, v5;
	(erf) = vpow2.f32 v47  }
0x79: {  	v50 =	vmul.f32 $1.442695020e+00, v48;
	v51 =	vsel vm15, v49, v7  }
0x7a: {  	v52 =	vmul.f32 $1.442695020e+00, v51  }
0x7b: {  	(erf) = vpow2.f32 v50  }
0x7c: {  	(erf) = vpow2.f32 v52  }
0x7d: {  	v0 =	vld.idx.msk [tilespmem:v0+s6+$0x0], $0xffff  }
0x7e: {  	v53 =	vld.idx.msk [tilespmem:v2+s6+$0x0], $0xffff  }
0x7f: {  	s26 =	sor.u32 s20, s24  }
0x80: {  	p2 =	slt.u32 s26, $0x2710;
	s28 =	sor.u32 s20, s23;
	v54 =	vpop (erf)  }
0x81: {  	s29 =	sor.u32 s19, s24;
	p4 =	slt.u32 s28, $0x2710;
	v55 =	vld.idx.msk [tilespmem:v4+s6+$0x0], $0xffff;
	v2 =	vpsel !p2, $0x0, v54;
	v56 =	vpop (erf)  }
0x82: {  	s23 =	sor.u32 s19, s23;
	v58 =	vld.idx.msk [tilespmem:v6+s6+$0x0], $0xffff;
	v0 =	vmul.f32 v2, v0;
	[tilespmem:s29+$0x9680] =	vst v2;
	v57 =	vpsel !p4, $0x0, v56  }
0x83: {  	s30 =	sor.u32 s20, s22;
	v1 =	vmul.f32 v57, v53;
	[tilespmem:s23+$0x9680] =	vst v57  }
0x84: {  	p5 =	slt.u32 s30, $0x2710;
	s31 =	sor.u32 s20, s21;
	p2 =	por p1, p1;
	v59 =	vpop (erf);
	[tilespmem:s29+$0x9880] =	vst v0  }
.Ltmp1:
0x85: {  	s22 =	sor.u32 s19, s22;
	p6 =	slt.u32 s31, $0x2710;
	v61 =	vpop (erf);
	v0 =	vpsel !p5, $0x0, v59;
	[tilespmem:s23+$0x9880] =	vst v1;
	(pc) =	sbr.rel @p2 .LBB2_3-.Ltmp1, $4  }
0x86: {  	s21 =	sor.u32 s19, s21;
	v62 =	vpsel !p6, $0x0, v61;
	v60 =	vmul.f32 v0, v55;
	[tilespmem:s22+$0x9680] =	vst v0  }
0x87: {  	v63 =	vmul.f32 v62, v58;
	[tilespmem:s21+$0x9680] =	vst v62  }
0x88: {  	[tilespmem:s22+$0x9880] =	vst v60  }
0x89: {  	s24 =	simm.s32 $0x40;
	p1 =	por $0x0, $0x0;
	[tilespmem:s21+$0x9880] =	vst v63  }
0x8a: {  	s20 =	sadd.s32 $0x9880, s19;
	s18 =	sadd.s32 $0x8680, s18  }
0x8b: {  	[spmem:s4] =	stream.indirect.scatter.add.f32 [tilespmem:s20], [sflag:$0x1], $0x1, s18, s16, $0xb8;
	[tilespmem:$0xA6F0] =	vst v63  }
0x8c: {  	s31 =	sadd.s32 $0x9680, s19  }
0x8d: {  	[spmem:s5] =	stream.indirect.scatter.add.f32 [tilespmem:s31], [sflag:$0x2], $0x1, s18, s16, $0xb8;
	[tilespmem:$0xA6F0] =	vst v63  }
0x8e: {  	s18 =	sadd.s32 $0x1, s17  }
0x8f: {  	p1 =	seq.s32 s17, $0x9F;
	s19 =	sand.u32 $0xF, s18  }
0x90: {  	p2 =	sne.s32 @!p1 s19, $0x0  }
0x91: {  	p1 =	por p2, p1  }
0x92: {  	s17 =	sshll.u32 @!p1 s18, $0x7;
	s19 =	sadd.s32 @!p1 s15, s18  }
0x93: {  	s17 =	sand.u32 @!p1 $0x800, s17;
	s19 =	sshll.u32 @!p1 s19, $0x4  }
0x94: {  	s22 =	simm.s32 @!p1 $0x0;
	s20 =	sor.u32 @!p1 $0x7680, s17;
	s21 =	sadd.s32 @!p1 s13, s19  }
0x95: {  	[tilespmem:s20], [sflag:$0x4] =	stream.linear.gather @!p1 [hbm4b:s21+s22], $0x800, $0x38;
	[tilespmem:$0xA6F0] =	vst v63  }
0x96: {  	s20 =	simm.s32 @!p1 $0x4  }
0x97: {  	_ =	swait.ge @!p1 [sflag:s20], $0x800  }
0x98: {  	p2 =	sne.s32 s18, $0xA0;
	[sflag:s20] =	ssyncset.done @!p1 $0x0  }
0x99: {  	s17 =	sor.u32 @!p1 $0x8680, s17;
	s19 =	sadd.s32 @!p1 s14, s19;
	[sflag:s20] =	ssyncadd.s32 @!p1 $0xFFFFF800  }
0x9a: {  	[tilespmem:s17], [sflag:$0x3] =	stream.linear.gather @!p1 [hbm4b:s19+s22], $0x800, $0x38;
	[tilespmem:$0xA6F0] =	vst v63  }
.Ltmp2:
0x9b: {  	_ = 	snop;
	(pc) =	sbr.rel @p2 .LBB2_2-.Ltmp2, $4  }
0x9c: {  	s17 =	simm.s32 @!p1 $0x3  }
0x9d: {  	_ =	swait.ge @!p1 [sflag:s17], $0x800  }
0x9e: {  	[sflag:s17] =	ssyncset.done @!p1 $0x0  }
0x9f: {  	[sflag:s17] =	ssyncadd.s32 @!p1 $0xFFFFF800;
	s17 =	smov.u32 s18  }
0xa0: {  	s4 =	simm.s32 $0x1  }
0xa1: {  	_ =	swait.ge [sflag:s4], $0x80  }
0xa2: {  	[sflag:s4] =	ssyncset.done $0x0  }
0xa3: {  	s5 =	simm.s32 $0x2;
	[sflag:s4] =	ssyncadd.s32 $0xFFFFFF80  }
0xa4: {  	_ =	swait.ge [sflag:s5], $0x80  }
0xa5: {  	[sflag:s5] =	ssyncset.done $0x0  }
0xa6: {  	[sflag:s5] =	ssyncadd.s32 $0xFFFFFF80  }
0xa7: {  	_ =	swait.ge [sflag:s4], $0x80  }
0xa8: {  	[sflag:s4] =	ssyncset.done $0x0  }
0xa9: {  	[sflag:s4] =	ssyncadd.s32 $0xFFFFFF80  }
0xaa: {  	_ =	swait.ge [sflag:s5], $0x80  }
0xab: {  	[sflag:s5] =	ssyncset.done $0x0  }
0xac: {  	[sflag:s5] =	ssyncadd.s32 $0xFFFFFF80  }
0xad: {  	_ =	swait.ge [sflag:s4], $0x80  }
0xae: {  	[sflag:s4] =	ssyncset.done $0x0  }
0xaf: {  	[sflag:s4] =	ssyncadd.s32 $0xFFFFFF80  }
0xb0: {  	_ =	swait.ge [sflag:s5], $0x80  }
0xb1: {  	[sflag:s5] =	ssyncset.done $0x0  }
0xb2: {  	[sflag:s5] =	ssyncadd.s32 $0xFFFFFF80  }
0xb3: {  	_ =	swait.ge [sflag:s4], $0x80  }
0xb4: {  	[sflag:s4] =	ssyncset.done $0x0  }
0xb5: {  	[sflag:s4] =	ssyncadd.s32 $0xFFFFFF80  }
0xb6: {  	_ =	swait.ge [sflag:s5], $0x80  }
0xb7: {  	[sflag:s5] =	ssyncset.done $0x0  }
0xb8: {  	[sflag:s5] =	ssyncadd.s32 $0xFFFFFF80  }
0xb9: {  	s4 =	simm.s32 @p0 $0x9A80;
	[bflag:$0x0] =	sbarrier.arrive $0xFFFF  }
0xba: {  	[tilespmem:s4], [sflag:$0x3] =	stream.linear.gather @p0 [spmem:s7], $0x280, $0x38;
	[tilespmem:$0xA6F0] =	vst v63  }
0xbb: {  	s4 =	simm.s32 @p0 $0x3  }
0xbc: {  	_ =	swait.ge @p0 [sflag:s4], $0x280  }
0xbd: {  	[sflag:s4] =	ssyncset.done @p0 $0x0  }
0xbe: {  	s5 =	simm.s32 @p0 $0x9D00;
	[sflag:s4] =	ssyncadd.s32 @p0 $0xFFFFFD80  }
0xbf: {  	[tilespmem:s5], [sflag:$0x3] =	stream.linear.gather @p0 [spmem:s8], $0x280, $0x38;
	[tilespmem:$0xA6F0] =	vst v63  }
0xc0: {  	_ =	swait.ge @p0 [sflag:s4], $0x280  }
0xc1: {  	[sflag:s4] =	ssyncset.done @p0 $0x0  }
0xc2: {  	s5 =	simm.s32 @!p0 $0x9A80;
	[sflag:s4] =	ssyncadd.s32 @p0 $0xFFFFFD80  }
0xc3: {  	[tilespmem:s5], [sflag:$0x3] =	stream.linear.gather @!p0 [spmem:s9], $0x270, $0x38;
	[tilespmem:$0xA6F0] =	vst v63  }
0xc4: {  	s5 =	simm.s32 @!p0 $0x3  }
0xc5: {  	_ =	swait.ge @!p0 [sflag:s5], $0x270  }
0xc6: {  	[sflag:s5] =	ssyncset.done @!p0 $0x0  }
0xc7: {  	s6 =	simm.s32 @!p0 $0x9D00;
	[sflag:s5] =	ssyncadd.s32 @!p0 $0xFFFFFD90  }
0xc8: {  	[tilespmem:s6], [sflag:$0x3] =	stream.linear.gather @!p0 [spmem:s10], $0x270, $0x38;
	[tilespmem:$0xA6F0] =	vst v63  }
0xc9: {  	_ =	swait.ge @!p0 [sflag:s5], $0x270  }
0xca: {  	[sflag:s5] =	ssyncset.done @!p0 $0x0  }
0xcb: {  	[sflag:s5] =	ssyncadd.s32 @!p0 $0xFFFFFD90  }
0xcc: {  	v7 =	vld [tilespmem:$0x9A80]  }
0xcd: {  	v0 =	vld [tilespmem:$0x9D00]  }
0xce: {  	v8 =	vld [tilespmem:$0x9A90]  }
0xcf: {  	v1 =	vld [tilespmem:$0x9D10]  }
0xd0: {  	v9 =	vld [tilespmem:$0x9AA0]  }
0xd1: {  	v2 =	vld [tilespmem:$0x9D20]  }
0xd2: {  	v10 =	vld [tilespmem:$0x9AB0]  }
0xd3: {  	v3 =	vld [tilespmem:$0x9D30]  }
0xd4: {  	v11 =	vld [tilespmem:$0x9AC0]  }
0xd5: {  	v4 =	vld [tilespmem:$0x9D40]  }
0xd6: {  	v12 =	vld [tilespmem:$0x9AD0]  }
0xd7: {  	v5 =	vld [tilespmem:$0x9D50]  }
0xd8: {  	v13 =	vld [tilespmem:$0x9AE0]  }
0xd9: {  	v14 =	vld [tilespmem:$0x9D60]  }
0xda: {  	v15 =	vld [tilespmem:$0x9AF0]  }
0xdb: {  	v16 =	vld [tilespmem:$0x9D70]  }
0xdc: {  	v17 =	vld [tilespmem:$0x9B00]  }
0xdd: {  	v18 =	vld [tilespmem:$0x9D80]  }
0xde: {  	v19 =	vld [tilespmem:$0x9B10]  }
0xdf: {  	v20 =	vld [tilespmem:$0x9D90]  }
0xe0: {  	v21 =	vld [tilespmem:$0x9B20]  }
0xe1: {  	v22 =	vld [tilespmem:$0x9DA0]  }
0xe2: {  	v23 =	vld [tilespmem:$0x9B30]  }
0xe3: {  	v24 =	vld [tilespmem:$0x9DB0]  }
0xe4: {  	v25 =	vld [tilespmem:$0x9B40]  }
0xe5: {  	v26 =	vld [tilespmem:$0x9DC0]  }
0xe6: {  	v27 =	vld [tilespmem:$0x9B50]  }
0xe7: {  	v28 =	vld [tilespmem:$0x9DD0]  }
0xe8: {  	v29 =	vld [tilespmem:$0x9B60]  }
0xe9: {  	v30 =	vld [tilespmem:$0x9DE0]  }
0xea: {  	v31 =	vld [tilespmem:$0x9B70]  }
0xeb: {  	v32 =	vld [tilespmem:$0x9DF0]  }
0xec: {  	v6 =	vld [tilespmem:$0x9B80]  }
0xed: {  	v34 =	vld [tilespmem:$0x9E00];
	v33 =	vadd.f32 $1.000000020e-16, v0  }
0xee: {  	v46 =	vld [tilespmem:$0x9E10];
	v1 =	vadd.f32 $1.000000020e-16, v1  }
0xef: {  	v35 =	vld [tilespmem:$0x9E20];
	v2 =	vadd.f32 $1.000000020e-16, v2;
	(erf) = vrcp.f32 v33  }
0xf0: {  	v49 =	vld [tilespmem:$0x9E30];
	v3 =	vadd.f32 $1.000000020e-16, v3;
	(erf) = vrcp.f32 v1  }
0xf1: {  	v52 =	vld [tilespmem:$0x9E40];
	v4 =	vadd.f32 $1.000000020e-16, v4;
	(erf) = vrcp.f32 v2  }
0xf2: {  	v39 =	vld [tilespmem:$0x9E80];
	v47 =	vadd.f32 $1.000000020e-16, v5;
	(erf) = vrcp.f32 v3  }
0xf3: {  	v0 =	vld [tilespmem:$0x9B90];
	v48 =	vadd.f32 $1.000000020e-16, v14;
	(erf) = vrcp.f32 v4  }
0xf4: {  	v50 =	vadd.f32 $1.000000020e-16, v16;
	v53 =	vadd.f32 $1.000000020e-16, v20;
	v20 =	vld [tilespmem:$0x9E50];
	(erf) = vrcp.f32 v47  }
0xf5: {  	v51 =	vadd.f32 $1.000000020e-16, v18;
	v5 =	vld [tilespmem:$0x9BE0];
	(erf) = vrcp.f32 v48  }
0xf6: {  	v57 =	vadd.f32 $1.000000020e-16, v26;
	v26 =	vld [tilespmem:$0x9E60];
	(erf) = vrcp.f32 v50  }
0xf7: {  	v54 =	vadd.f32 $1.000000020e-16, v22;
	v59 =	vadd.f32 $1.000000020e-16, v28;
	v28 =	vld [tilespmem:$0x9BF0];
	(erf) = vrcp.f32 v51  }
0xf8: {  	v24 =	vadd.f32 $1.000000020e-16, v24;
	v22 =	vld [tilespmem:$0x9E70];
	v55 =	vpop (erf);
	(erf) = vrcp.f32 v53  }
0xf9: {  	v42 =	vadd.f32 $1.000000020e-16, v46;
	v46 =	vld [tilespmem:$0x9E90];
	v7 =	vmul.f32 v55, v7;
	v56 =	vpop (erf);
	(erf) = vrcp.f32 v54  }
0xfa: {  	v62 =	vadd.f32 $1.000000020e-16, v30;
	v14 =	vld [tilespmem:$0x9C20];
	v8 =	vmul.f32 v56, v8;
	v58 =	vpop (erf);
	(erf) = vrcp.f32 v24  }
0xfb: {  	v38 =	vadd.f32 $1.000000020e-16, v34;
	v34 =	vld [tilespmem:$0x9EE0];
	[tilespmem:$0x9F80] =	vst v7;
	v60 =	vmul.f32 v58, v9;
	v61 =	vpop (erf);
	(erf) = vrcp.f32 v57  }
0xfc: {  	v32 =	vadd.f32 $1.000000020e-16, v32;
	v18 =	vld [tilespmem:$0x9F70];
	[tilespmem:$0x9F90] =	vst v8;
	v63 =	vmul.f32 v61, v10;
	v30 =	vpop (erf);
	(erf) = vrcp.f32 v59  }
0xfd: {  	v1 =	vld [tilespmem:$0x9BA0];
	[tilespmem:$0x9FA0] =	vst v60;
	v36 =	vmul.f32 v30, v11;
	v37 =	vpop (erf);
	(erf) = vrcp.f32 v62  }
0xfe: {  	v2 =	vld [tilespmem:$0x9BB0];
	[tilespmem:$0x9FB0] =	vst v63;
	v40 =	vmul.f32 v37, v12;
	v41 =	vpop (erf);
	(erf) = vrcp.f32 v32  }
0xff: {  	v45 =	vadd.f32 $1.000000020e-16, v35;
	v3 =	vld [tilespmem:$0x9BC0];
	[tilespmem:$0x9FC0] =	vst v36;
	v43 =	vmul.f32 v41, v13;
	v44 =	vpop (erf);
	(erf) = vrcp.f32 v38  }
0x100: {  	v49 =	vadd.f32 $1.000000020e-16, v49;
	v4 =	vld [tilespmem:$0x9BD0];
	[tilespmem:$0x9FD0] =	vst v40;
	v47 =	vmul.f32 v44, v15;
	v48 =	vpop (erf);
	(erf) = vrcp.f32 v42  }
0x101: {  	v52 =	vadd.f32 $1.000000020e-16, v52;
	v53 =	vld [tilespmem:$0x9EA0];
	[tilespmem:$0x9FE0] =	vst v43;
	v50 =	vmul.f32 v48, v17;
	v51 =	vpop (erf);
	(erf) = vrcp.f32 v45  }
0x102: {  	v24 =	vld [tilespmem:$0x9C00];
	v56 =	vadd.f32 $1.000000020e-16, v20;
	[tilespmem:$0x9FF0] =	vst v47;
	v54 =	vmul.f32 v51, v19;
	v55 =	vpop (erf);
	(erf) = vrcp.f32 v49  }
0x103: {  	v59 =	vadd.f32 $1.000000020e-16, v26;
	v60 =	vld [tilespmem:$0x9EB0];
	[tilespmem:$0xA000] =	vst v50;
	v57 =	vmul.f32 v55, v21;
	v58 =	vpop (erf);
	(erf) = vrcp.f32 v52  }
0x104: {  	v63 =	vadd.f32 $1.000000020e-16, v22;
	v21 =	vld [tilespmem:$0x9EC0];
	[tilespmem:$0xA010] =	vst v54;
	v61 =	vmul.f32 v58, v23;
	v62 =	vpop (erf);
	(erf) = vrcp.f32 v56  }
0x105: {  	v26 =	vld [tilespmem:$0x9ED0];
	[tilespmem:$0xA020] =	vst v57;
	v22 =	vmul.f32 v62, v25;
	v23 =	vpop (erf);
	(erf) = vrcp.f32 v59;
	v25 =	vadd.f32 $1.000000020e-16, v39  }
0x106: {  	v33 =	vadd.f32 $1.000000020e-16, v46;
	v12 =	vld [tilespmem:$0x9C10];
	[tilespmem:$0xA030] =	vst v61;
	v30 =	vmul.f32 v23, v27;
	v32 =	vpop (erf);
	(erf) = vrcp.f32 v63  }
0x107: {  	v37 =	vadd.f32 $1.000000020e-16, v53;
	v38 =	vld [tilespmem:$0x9EF0];
	[tilespmem:$0xA040] =	vst v22;
	v35 =	vmul.f32 v32, v29;
	v36 =	vpop (erf);
	(erf) = vrcp.f32 v25  }
0x108: {  	v42 =	vld [tilespmem:$0x9F00];
	v41 =	vadd.f32 $1.000000020e-16, v60;
	[tilespmem:$0xA050] =	vst v30;
	v39 =	vmul.f32 v36, v31;
	v40 =	vpop (erf);
	(erf) = vrcp.f32 v33  }
0x109: {  	v45 =	vld [tilespmem:$0x9F10];
	v44 =	vadd.f32 $1.000000020e-16, v21;
	[tilespmem:$0xA060] =	vst v35;
	v6 =	vmul.f32 v40, v6;
	v43 =	vpop (erf);
	(erf) = vrcp.f32 v37  }
0x10a: {  	v48 =	vld [tilespmem:$0x9F20];
	v47 =	vadd.f32 $1.000000020e-16, v26;
	[tilespmem:$0xA070] =	vst v39;
	v0 =	vmul.f32 v43, v0;
	v46 =	vpop (erf);
	(erf) = vrcp.f32 v41  }
0x10b: {  	v51 =	vld [tilespmem:$0x9F30];
	v50 =	vadd.f32 $1.000000020e-16, v34;
	[tilespmem:$0xA080] =	vst v6;
	v1 =	vmul.f32 v46, v1;
	v49 =	vpop (erf);
	(erf) = vrcp.f32 v44  }
0x10c: {  	v55 =	vld [tilespmem:$0x9F40];
	v54 =	vadd.f32 $1.000000020e-16, v38;
	[tilespmem:$0xA090] =	vst v0;
	v52 =	vmul.f32 v49, v2;
	v53 =	vpop (erf);
	(erf) = vrcp.f32 v47  }
0x10d: {  	v58 =	vadd.f32 $1.000000020e-16, v42;
	v59 =	vld [tilespmem:$0x9F50];
	[tilespmem:$0xA0A0] =	vst v1;
	v56 =	vmul.f32 v53, v3;
	v57 =	vpop (erf);
	(erf) = vrcp.f32 v50  }
0x10e: {  	v62 =	vadd.f32 $1.000000020e-16, v45;
	v63 =	vld [tilespmem:$0x9F60];
	[tilespmem:$0xA0B0] =	vst v52;
	v60 =	vmul.f32 v57, v4;
	v61 =	vpop (erf);
	(erf) = vrcp.f32 v54  }
0x10f: {  	v17 =	vld [tilespmem:$0x9C30];
	v16 =	vadd.f32 $1.000000020e-16, v48;
	[tilespmem:$0xA0C0] =	vst v56;
	v13 =	vmul.f32 v61, v5;
	v15 =	vpop (erf);
	(erf) = vrcp.f32 v58  }
0x110: {  	v9 =	vadd.f32 $1.000000020e-16, v51;
	v21 =	vld [tilespmem:$0x9C40];
	[tilespmem:$0xA0D0] =	vst v60;
	v19 =	vmul.f32 v15, v28;
	v20 =	vpop (erf);
	(erf) = vrcp.f32 v62  }
0x111: {  	v8 =	vadd.f32 $1.000000020e-16, v55;
	[tilespmem:$0xA0E0] =	vst v13;
	v22 =	vmul.f32 v20, v24;
	v23 =	vpop (erf);
	(erf) = vrcp.f32 v16;
	v24 =	vld [tilespmem:$0x9C50]  }
0x112: {  	v27 =	vld [tilespmem:$0x9C60];
	v7 =	vadd.f32 $1.000000020e-16, v59;
	[tilespmem:$0xA0F0] =	vst v19;
	v25 =	vmul.f32 v23, v12;
	v26 =	vpop (erf);
	(erf) = vrcp.f32 v9  }
0x113: {  	v30 =	vld [tilespmem:$0x9C70];
	v6 =	vadd.f32 $1.000000020e-16, v63;
	[tilespmem:$0xA100] =	vst v22;
	v28 =	vmul.f32 v26, v14;
	v29 =	vpop (erf);
	(erf) = vrcp.f32 v8  }
0x114: {  	v33 =	vld [tilespmem:$0x9C80];
	v5 =	vadd.f32 $1.000000020e-16, v18;
	[tilespmem:$0xA110] =	vst v25;
	v31 =	vmul.f32 v29, v17;
	v32 =	vpop (erf);
	(erf) = vrcp.f32 v7  }
0x115: {  	v36 =	vld [tilespmem:$0x9C90];
	[tilespmem:$0xA120] =	vst v28;
	v34 =	vmul.f32 v32, v21;
	v35 =	vpop (erf);
	(erf) = vrcp.f32 v6  }
0x116: {  	v39 =	vld [tilespmem:$0x9CA0];
	[tilespmem:$0xA130] =	vst v31;
	v37 =	vmul.f32 v35, v24;
	v38 =	vpop (erf);
	(erf) = vrcp.f32 v5  }
0x117: {  	v42 =	vld [tilespmem:$0x9CB0];
	v40 =	vpop (erf);
	[tilespmem:$0xA140] =	vst v34;
	v41 =	vmul.f32 v38, v27  }
0x118: {  	v45 =	vld [tilespmem:$0x9CC0];
	v43 =	vpop (erf);
	[tilespmem:$0xA150] =	vst v37;
	v44 =	vmul.f32 v40, v30  }
0x119: {  	v48 =	vld [tilespmem:$0x9CD0];
	v46 =	vpop (erf);
	[tilespmem:$0xA160] =	vst v41;
	v47 =	vmul.f32 v43, v33  }
0x11a: {  	v51 =	vld [tilespmem:$0x9CE0];
	v49 =	vpop (erf);
	[tilespmem:$0xA170] =	vst v44;
	v50 =	vmul.f32 v46, v36  }
0x11b: {  	v54 =	vld [tilespmem:$0x9CF0];
	v52 =	vpop (erf);
	[tilespmem:$0xA180] =	vst v47;
	v53 =	vmul.f32 v49, v39  }
0x11c: {  	v55 =	vpop (erf);
	[tilespmem:$0xA190] =	vst v50;
	v56 =	vmul.f32 v52, v42  }
0x11d: {  	v57 =	vpop (erf);
	[tilespmem:$0xA1A0] =	vst v53;
	v58 =	vmul.f32 v55, v45  }
0x11e: {  	v59 =	vpop (erf);
	[tilespmem:$0xA1B0] =	vst v56;
	v60 =	vmul.f32 v57, v48  }
0x11f: {  	[tilespmem:$0xA1C0] =	vst v58;
	v61 =	vmul.f32 v59, v51;
	v62 =	vpop (erf)  }
0x120: {  	[tilespmem:$0xA1D0] =	vst v60;
	v63 =	vmul.f32 v62, v54  }
0x121: {  	[tilespmem:$0xA1E0] =	vst v61  }
0x122: {  	s7 =	simm.s32 @p0 $0x9F80;
	s6 =	simm.s32 @p0 $0x0;
	[tilespmem:$0xA1F0] =	vst v63  }
0x123: {  	[hbm4b:s3+s6] =	stream.linear.scatter @p0 [tilespmem:s7], [sflag:$0x3], $0x280, $0x38;
	[tilespmem:$0xA6F0] =	vst v63  }
0x124: {  	_ =	swait.ge @p0 [sflag:s4], $0x280  }
0x125: {  	[sflag:s4] =	ssyncset.done @p0 $0x0  }
0x126: {  	s3 =	simm.s32 @!p0 $0x0;
	[sflag:s4] =	ssyncadd.s32 @p0 $0xFFFFFD80;
	s4 =	simm.s32 @!p0 $0x9F80  }
0x127: {  	[hbm4b:s2+s3] =	stream.linear.scatter @!p0 [tilespmem:s4], [sflag:$0x3], $0x270, $0x38;
	[tilespmem:$0xA6F0] =	vst v63  }
0x128: {  	_ =	swait.ge @!p0 [sflag:s5], $0x270  }
0x129: {  	[sflag:s5] =	ssyncset.done @!p0 $0x0  }
0x12a: {  	[sflag:s5] =	ssyncadd.s32 @!p0 $0xFFFFFD90  }
.LBB2_6:
0x12b: {  	_ =	sfence.sel $0x180000  }
0x12c: {  	[bflag:$0x0] =	sbarrier.arrive $0xFFFF  }
0x12d: {  	p0 =	sne.s32 s1, $0x0;
	_ =	strace $0x9000004A  }
0x12e: {  	s0 =	sadd.s32 @!p0 $0x100000, s0;
	[bflag:$0x2] =	sbarrier.arrive $0xFFFF  }
0x12f: {  	[sflag:s0] =	ssyncadd.tile.s32 @!p0 $0x1;
	_ =	shalt  }
.Lfunc_end2:
_tile_overlayer_lowered:
.L_overlay_start_2:
0x130: {  	(tag) =	ssettag $0x2  }
0x131: {  	s0 =	rddreg [dreg:$0x0];
	s2 =	stileid.u32  }
0x132: {  	s1 =	rddreg [dreg:$0x1];
	p0 =	sne.s32 s2, $0x0  }
0x133: {  	s3 =	rddreg [dreg:$0x2];
	[bflag:$0x3] =	sbarrier.arrive $0xFFFF;
	s2 =	simm.s32 @!p0 $0x1C03  }
0x134: {  	[timem:s3], [sflag:s2] =	dma.local @!p0 [hbm:s0], s1  }
0x135: {  	s0 =	simm.s32 @!p0 $0x3  }
0x136: {  	_ =	swait.ge @!p0 [sflag:s0], s1  }
0x137: {  	s1 =	ssub.s32 @!p0 $0x0, s1;
	[sflag:s0] =	ssyncset.done @!p0 $0x0  }
0x138: {  	[sflag:s0] =	ssyncadd.s32 @!p0 s1  }
0x139: {  	[bflag:$0x3] =	sbarrier.arrive $0xFFFF  }
0x13a: {  	_ =	shalt  }

</sc_bundles>
